<compile_context>
chip_gen: v7x
topology: tpu7x:2x2x1
jax: 0.10.2.dev20260603
libtpu: 0.0.44.dev20260713+nightly
codegen_flags: <defaults>
</compile_context>

<pallas_src>
import functools
import jax
import jax.numpy as jnp
from jax import lax
from jax.experimental import pallas as pl
from jax.experimental.pallas import tpu as pltpu
from jax.experimental.pallas import tpu_sc as plsc

NUM_CLASSES = 60
NUM_INSTANCE = 1024
MEM_DIM = 256
FC_DIM = 1024
N = 16384
NW = 32


def _wid():
    return lax.axis_index("s") * 2 + lax.axis_index("c")


def _iota16():
    return lax.iota(jnp.int32, 16)


def _extract(vec, lane):
    return jnp.max(jnp.where(_iota16() == lane, vec, 0))


def _lower_bound(cls_v, q):
    lo = jnp.zeros((16,), jnp.int32)
    hi = jnp.full((16,), N, jnp.int32)

    def step(_, carry):
        lo, hi = carry
        mid = lax.div(lo + hi, 2)
        v = plsc.load_gather(cls_v, [jnp.minimum(mid, N - 1)])
        upd = lo < hi
        lt = v < q
        lo = jnp.where(upd & lt, mid + 1, lo)
        hi = jnp.where(upd & (~lt), mid, hi)
        return lo, hi

    lo, _ = lax.fori_loop(0, 15, step, (lo, hi))
    return lo


def _copy_rows(length, src_ref, dst_ref, buf2, idx2, gsem, ssem,
               idx_of, ch):
    n = pl.cdiv(length, ch)

    def gather_of(b):
        return pltpu.make_async_copy(src_ref.at[idx2.at[b, 0]], buf2.at[b],
                                     gsem.at[b])

    def scatter_of(b):
        return pltpu.make_async_copy(buf2.at[b], dst_ref.at[idx2.at[b, 1]],
                                     ssem.at[b])

    def issue_gather(k, b):
        for j in range(ch // 16):
            s = jnp.minimum(k * ch + j * 16 + _iota16(), length - 1)
            src, dst = idx_of(s)
            idx2[b, 0, pl.ds(j * 16, 16)] = src
            idx2[b, 1, pl.ds(j * 16, 16)] = dst
        gather_of(b).start()

    def body(k, _):
        b = lax.rem(k, 2)
        nb = 1 - b

        @pl.when(k + 1 < n)
        def _():
            @pl.when(k >= 1)
            def _():
                scatter_of(nb).wait()

            issue_gather(k + 1, nb)

        gather_of(b).wait()
        scatter_of(b).start()
        return 0

    @pl.when(length > 0)
    def _():
        issue_gather(0, 0)
        lax.fori_loop(0, n, body, 0)

        @pl.when(n >= 2)
        def _():
            scatter_of(lax.rem(n, 2)).wait()

        scatter_of(lax.rem(n - 1, 2)).wait()


def _build_tbl(cls_v, tbl_v):
    for q in range(4):
        tbl_v[pl.ds(q * 16, 16)] = _lower_bound(cls_v, q * 16 + _iota16())


_EPW = N // NW


def _fresh_elems(w, cls_v, tbl_v, feat, out, buf2, idx2, gsem, ssem, ch):
    e0 = w * _EPW

    def idx_of(s):
        i = e0 + s
        c = plsc.load_gather(cls_v, [i])
        f = plsc.load_gather(tbl_v, [c])
        nx = plsc.load_gather(tbl_v, [c + 1])
        slot = lax.rem(i - f, NUM_INSTANCE)
        src = f + slot + NUM_INSTANCE * lax.div(nx - f - 1 - slot,
                                                NUM_INSTANCE)
        return src, c * NUM_INSTANCE + slot

    _copy_rows(_EPW, feat, out, buf2, idx2, gsem, ssem, idx_of, ch)


def _roi_body(rf, rc, out, cls_v, tbl_v, buf2, idx2, gsem, ssem):
    w = _wid()
    pltpu.sync_copy(rc, cls_v)
    _build_tbl(cls_v, tbl_v)
    _fresh_elems(w, cls_v, tbl_v, rf, out, buf2, idx2, gsem, ssem, 48)



_PORT = 8 * NUM_INSTANCE
_ECH = 512


def _small_common(cls_v, c0, e0, e1, tbl_v, src_stage, scatter_cols):
    nch = pl.cdiv(jnp.maximum(e1 - e0, 0), _ECH)

    def chunk(k, _):
        start = e0 + k * _ECH
        astart = jnp.minimum(lax.div(start, 8) * 8, N - (_ECH + 8))
        astart = pl.multiple_of(astart, 8)
        src_stage(astart)
        rem = jnp.minimum(e1 - start, _ECH)

        def grp(g, _):
            ii = start + g * 16 + _iota16()
            valid = (g * 16 + _iota16()) < rem
            i_c = jnp.minimum(ii, e1 - 1)
            cv = plsc.load_gather(cls_v, [i_c])
            f = plsc.load_gather(tbl_v, [cv - c0])
            nx = plsc.load_gather(tbl_v, [cv - c0 + 1])
            slot = lax.rem(i_c - f, NUM_INSTANCE)
            lastw = (i_c + NUM_INSTANCE) >= nx
            dstrow = (cv - c0) * NUM_INSTANCE + slot
            scatter_cols(i_c - astart, dstrow, valid & lastw)
            return 0

        lax.fori_loop(0, pl.cdiv(rem, 16), grp, 0)
        return 0

    lax.fori_loop(0, nch, chunk, 0)


def _small_work(w, clsp_v, clsr_v, tbl_v, dout, dchunk, sout, schunk,
                pd, ps, rd, rs, pdm, psm, rdm, rsm, odm, osm, ordm, orsm):
    role = lax.div(w, 8)
    sub = lax.rem(w, 8)
    c0 = jnp.minimum(sub * 8, NUM_CLASSES - 8)
    rb = c0 * NUM_INSTANCE

    def setup(cls_v):
        lo = _lower_bound(cls_v, c0 + _iota16())
        tbl_v[pl.ds(0, 16)] = lo
        return _extract(lo, 0), _extract(lo, 8)

    def delta_role(cls_v, feat, mem, out):
        e0, e1 = setup(cls_v)
        pltpu.sync_copy(mem.at[pl.ds(pl.multiple_of(rb * 4, 8), _PORT * 4)],
                        dout)

        def stage(astart):
            pltpu.sync_copy(
                feat.at[pl.ds(pl.multiple_of(astart * 4, 8), (_ECH + 8) * 4)],
                dchunk)

        def scat(srow, drow, m):
            for j in range(4):
                val = plsc.load_gather(dchunk, [srow * 4 + j])
                plsc.store_scatter(dout, [drow * 4 + j], val, mask=m)

        _small_common(cls_v, c0, e0, e1, tbl_v, stage, scat)
        pltpu.sync_copy(dout,
                        out.at[pl.ds(pl.multiple_of(rb * 4, 8), _PORT * 4)])

    def scale_role(cls_v, feat, mem, out):
        e0, e1 = setup(cls_v)
        pltpu.sync_copy(mem.at[pl.ds(pl.multiple_of(rb, 8), _PORT)], sout)

        def stage(astart):
            pltpu.sync_copy(feat.at[pl.ds(astart, _ECH + 8)], schunk)

        def scat(srow, drow, m):
            val = plsc.load_gather(schunk, [srow])
            plsc.store_scatter(sout, [drow], val, mask=m)

        _small_common(cls_v, c0, e0, e1, tbl_v, stage, scat)
        pltpu.sync_copy(sout, out.at[pl.ds(pl.multiple_of(rb, 8), _PORT)])

    @pl.when(role == 0)
    def _():
        delta_role(clsp_v, pd, pdm, odm)

    @pl.when(role == 1)
    def _():
        delta_role(clsr_v, rd, rdm, ordm)

    @pl.when(role == 2)
    def _():
        scale_role(clsp_v, ps, psm, osm)

    @pl.when(role == 3)
    def _():
        scale_role(clsr_v, rs, rsm, orsm)


def _rest_body(pc, rc, pf, pd, ps, rd, rs, pdm, psm, rdm, rsm, om,
               odm, osm, ordm, orsm,
               clsp_v, clsr_v, buf2, idx2, tblp_v, tbl_v, dout, dchunk,
               sout, schunk, gsem, ssem):
    w = _wid()
    pltpu.sync_copy(pc, clsp_v)
    pltpu.sync_copy(rc, clsr_v)
    _build_tbl(clsp_v, tblp_v)
    _fresh_elems(w, clsp_v, tblp_v, pf, om, buf2, idx2, gsem, ssem, 64)
    _small_work(w, clsp_v, clsr_v, tbl_v, dout, dchunk, sout, schunk,
                pd, ps, rd, rs, pdm, psm, rdm, rsm, odm, osm, ordm, orsm)


def _tc_copy(x, br):

    def body(s_ref, d_ref):
        d_ref[...] = s_ref[...]

    rows, cols = x.shape
    return pl.pallas_call(
        body,
        grid=(rows // br,),
        in_specs=[pl.BlockSpec((br, cols), lambda i: (i, 0))],
        out_specs=pl.BlockSpec((br, cols), lambda i: (i, 0)),
        out_shape=jax.ShapeDtypeStruct(x.shape, x.dtype),
        cost_estimate=pl.CostEstimate(
            flops=0, transcendentals=0, bytes_accessed=8 * rows * cols),
    )(x)


def kernel(prop_feature, prop_deltas, prop_scale, prop_class,
           roi_feature, roi_deltas, roi_scale, roi_class,
           prop_mem, prop_delta_mem, prop_scale_mem,
           roi_mem, roi_delta_mem, roi_scale_mem):
    R = NUM_CLASSES * NUM_INSTANCE
    mesh = plsc.VectorSubcoreMesh(core_axis_name="c", subcore_axis_name="s")
    params = pltpu.CompilerParams(needs_layout_passes=False)

    po = jax.new_ref(_tc_copy(prop_mem.reshape(R, MEM_DIM), 2048))

    roi_k = functools.partial(
        pl.kernel, mesh=mesh,
        out_type=(),
        cost_estimate=pl.CostEstimate(
            flops=0, transcendentals=0, bytes_accessed=8 * R * FC_DIM // 4),
        scratch_types=[
            pltpu.VMEM((N,), jnp.int32),
            pltpu.VMEM((64,), jnp.int32),
            pltpu.VMEM((2, 48, FC_DIM), jnp.float32),
            pltpu.VMEM((2, 2, 48), jnp.int32),
            pltpu.SemaphoreType.DMA((2,)),
            pltpu.SemaphoreType.DMA((2,)),
        ],
        compiler_params=params,
    )(_roi_body)

    rest_k = functools.partial(
        pl.kernel, mesh=mesh,
        cost_estimate=pl.CostEstimate(
            flops=0, transcendentals=0, bytes_accessed=64 * 1024 * 1024),
        out_type=(
            jax.ShapeDtypeStruct((R * 4,), jnp.float32),
            jax.ShapeDtypeStruct((R,), jnp.float32),
            jax.ShapeDtypeStruct((R * 4,), jnp.float32),
            jax.ShapeDtypeStruct((R,), jnp.float32),
        ),
        scratch_types=[
            pltpu.VMEM((N,), jnp.int32),
            pltpu.VMEM((N,), jnp.int32),
            pltpu.VMEM((2, 64, MEM_DIM), jnp.float32),
            pltpu.VMEM((2, 2, 64), jnp.int32),
            pltpu.VMEM((64,), jnp.int32),
            pltpu.VMEM((16,), jnp.int32),
            pltpu.VMEM((_PORT * 4,), jnp.float32),
            pltpu.VMEM(((_ECH + 8) * 4,), jnp.float32),
            pltpu.VMEM((_PORT,), jnp.float32),
            pltpu.VMEM((_ECH + 8,), jnp.float32),
            pltpu.SemaphoreType.DMA((2,)),
            pltpu.SemaphoreType.DMA((2,)),
        ],
        compiler_params=params,
    )(_rest_body)
    odm, osm, ordm, orsm = rest_k(
        prop_class, roi_class, prop_feature,
        prop_deltas.reshape(N * 4), prop_scale,
        roi_deltas.reshape(N * 4), roi_scale,
        prop_delta_mem.reshape(R * 4), prop_scale_mem.reshape(R),
        roi_delta_mem.reshape(R * 4), roi_scale_mem.reshape(R),
        po)
    ro = jax.new_ref(_tc_copy(roi_mem.reshape(R, FC_DIM), 1024))
    roi_k(roi_feature, roi_class, ro)
    om = po[...]
    roi_out = ro[...]

    shape3 = (NUM_CLASSES, NUM_INSTANCE)
    return (om.reshape(*shape3, MEM_DIM), odm.reshape(*shape3, 4),
            osm.reshape(*shape3),
            roi_out.reshape(*shape3, FC_DIM), ordm.reshape(*shape3, 4),
            orsm.reshape(*shape3))

# --- scband reference (transcript-rebuilt; emitter-appended) ---
"""Pipeline reference for scband-memory-81338090651861 (READ-ONLY COPY).

The authoritative reference and input builder live on the scoring server;
editing this copy changes nothing except your own understanding.
"""

import jax, jax.numpy as jnp
import numpy as np

NUM_CLASSES = 60
NUM_INSTANCE = 1024
MEM_DIM = 256
FC_DIM = 1024
N = 16384


def setup_inputs(seed: int = 0) -> dict:
    key = jax.random.key(seed)
    ks = jax.random.split(key, 8)
    prop_feature = jax.random.normal(ks[0], (N, MEM_DIM), dtype=jnp.float32)
    prop_deltas = jax.random.normal(ks[1], (N, 4), dtype=jnp.float32)
    prop_scale = jax.random.uniform(ks[2], (N,), dtype=jnp.float32)
    prop_class = jnp.sort(jax.random.randint(ks[3], (N,), 0, NUM_CLASSES))
    roi_feature = jax.random.normal(ks[4], (N, FC_DIM), dtype=jnp.float32)
    roi_deltas = jax.random.normal(ks[5], (N, 4), dtype=jnp.float32)
    roi_scale = jax.random.uniform(ks[6], (N,), dtype=jnp.float32)
    roi_class = jnp.sort(jax.random.randint(ks[7], (N,), 0, NUM_CLASSES))
    prop_mem = jnp.zeros((NUM_CLASSES, NUM_INSTANCE, MEM_DIM), jnp.float32)
    prop_delta_mem = jnp.zeros((NUM_CLASSES, NUM_INSTANCE, 4), jnp.float32)
    prop_scale_mem = jnp.zeros((NUM_CLASSES, NUM_INSTANCE), jnp.float32)
    roi_mem = jnp.zeros((NUM_CLASSES, NUM_INSTANCE, FC_DIM), jnp.float32)
    roi_delta_mem = jnp.zeros((NUM_CLASSES, NUM_INSTANCE, 4), jnp.float32)
    roi_scale_mem = jnp.zeros((NUM_CLASSES, NUM_INSTANCE), jnp.float32)
    return {
        'prop_feature': prop_feature, 'prop_deltas': prop_deltas,
        'prop_scale': prop_scale, 'prop_class': prop_class,
        'roi_feature': roi_feature, 'roi_deltas': roi_deltas,
        'roi_scale': roi_scale, 'roi_class': roi_class,
        'prop_mem': prop_mem, 'prop_delta_mem': prop_delta_mem,
        'prop_scale_mem': prop_scale_mem, 'roi_mem': roi_mem,
        'roi_delta_mem': roi_delta_mem, 'roi_scale_mem': roi_scale_mem,
    }


def _insert(cls_sorted, vals, mems, num_instance):
    # rank of each element within its class (cls_sorted is sorted), which is the
    # jax-friendly equivalent of the sequential per-class insert_queue pointer
    # starting from a reset pointer (ptr=0), with circular wraparound via mod.
    first = jnp.searchsorted(cls_sorted, cls_sorted, side='left')
    occ = jnp.arange(cls_sorted.shape[0], dtype=first.dtype) - first
    slot = jnp.mod(occ, num_instance)
    return [mem.at[cls_sorted, slot].set(val) for val, mem in zip(vals, mems)]


def reference(prop_feature, prop_deltas, prop_scale, prop_class,
              roi_feature, roi_deltas, roi_scale, roi_class,
              prop_mem, prop_delta_mem, prop_scale_mem,
              roi_mem, roi_delta_mem, roi_scale_mem):
    p = _insert(prop_class, [prop_feature, prop_deltas, prop_scale],
                [prop_mem, prop_delta_mem, prop_scale_mem], prop_mem.shape[1])
    r = _insert(roi_class, [roi_feature, roi_deltas, roi_scale],
                [roi_mem, roi_delta_mem, roi_scale_mem], roi_mem.shape[1])
    return tuple(p + r)

if __name__ == "__main__":
    import jax
    _d = setup_inputs()
    print(jax.jit(kernel)(*tuple(_d.values())))

</pallas_src>

<mosaic_0001>
#map = affine_map<(d0, d1) -> (0, 0)>
#map1 = affine_map<(d0, d1) -> (0)>
module attributes {stable_mosaic.version = 14 : i64} {
  func.func @new_body(%arg0: i32, %arg1: i32, %arg2: memref<16384x1024xf32, #tpu.memory_space<hbm>>, %arg3: memref<16384xi32, #tpu.memory_space<hbm>>, %arg4: memref<61440x1024xf32, #tpu.memory_space<hbm>>, %arg5: memref<61440x1024xf32, #tpu.memory_space<hbm>>, %arg6: memref<16384xi32, #tpu.memory_space<vmem>>, %arg7: memref<64xi32, #tpu.memory_space<vmem>>, %arg8: memref<2x48x1024xf32, #tpu.memory_space<vmem>>, %arg9: memref<2x2x48xi32, #tpu.memory_space<vmem>>, %arg10: memref<2x!tpu.dma_semaphore, #tpu.memory_space<semaphore_mem>>, %arg11: memref<2x!tpu.dma_semaphore, #tpu.memory_space<semaphore_mem>>) attributes {dimension_semantics = [#tpu.dimension_semantics<core_parallel>, #tpu.dimension_semantics<subcore_parallel>], iteration_bounds = array<i64: 2, 16>, scalar_prefetch = 0 : i64, scratch_operands = 6 : i64, tpu.core_type = #tpu.core_type<sc_vector_subcore>, window_params = [{transform_indices = #map}, {transform_indices = #map1}, {transform_indices = #map}, {transform_indices = #map}]} {
    %mul3A = arith.constant 2 : i32
    %mul3A_0 = arith.muli %arg1, %mul3A : i32
    %add3A = arith.addi %mul3A_0, %arg0 : i32
    "tpu.region"() ({
      %run_scoped3A = tpu.sem_alloc : memref<!tpu.dma_semaphore, #tpu.memory_space<semaphore_mem>>
      tpu.enqueue_dma source(%arg3 : memref<16384xi32, #tpu.memory_space<hbm>>) target(%arg6 : memref<16384xi32, #tpu.memory_space<vmem>>) target_semaphore(%run_scoped3A : memref<!tpu.dma_semaphore, #tpu.memory_space<semaphore_mem>>)
      tpu.wait_dma2 semaphore(%run_scoped3A : memref<!tpu.dma_semaphore, #tpu.memory_space<semaphore_mem>>) src(%arg3 : memref<16384xi32, #tpu.memory_space<hbm>>) dst(%arg6 : memref<16384xi32, #tpu.memory_space<vmem>>)
      tpu.yield
    }) : () -> ()
    %iota3A = tpu.iota {dimensions = array<i32: 0>} : vector<16xi32>
    %add3A_1 = arith.constant 0 : i32
    %add3A_2 = vector.broadcast %add3A_1 : i32 to vector<16xi32>
    %add3A_3 = arith.addi %add3A_2, %iota3A : vector<16xi32>
    %broadcast_in_dim3A = arith.constant 0 : i32
    %broadcast_in_dim3A_4 = vector.broadcast %broadcast_in_dim3A : i32 to vector<16xi32>
    %broadcast_in_dim3A_5 = arith.constant 16384 : i32
    %broadcast_in_dim3A_6 = vector.broadcast %broadcast_in_dim3A_5 : i32 to vector<16xi32>
    %scan3A = arith.constant 0 : i32
    %scan3A_7 = arith.constant 15 : i32
    %scan3A_8 = arith.addi %scan3A, %scan3A_7 : i32
    %scan3A_9 = arith.constant 1 : i32
    %scan3A_10:2 = scf.for %scan3A_255 = %scan3A to %scan3A_8 step %scan3A_9 iter_args(%scan3A_256 = %broadcast_in_dim3A_4, %scan3A_257 = %broadcast_in_dim3A_6) -> (vector<16xi32>, vector<16xi32>)  : i32 {
      %add3A_258 = arith.addi %scan3A_256, %scan3A_257 : vector<16xi32>
      %div3A_259 = arith.constant 2 : i32
      %div3A_260 = vector.broadcast %div3A_259 : i32 to vector<16xi32>
      %div3A_261 = arith.divsi %add3A_258, %div3A_260 : vector<16xi32>
      %min3A_262 = arith.constant 16383 : i32
      %min3A_263 = vector.broadcast %min3A_262 : i32 to vector<16xi32>
      %min3A_264 = arith.minsi %div3A_261, %min3A_263 : vector<16xi32>
      %gather3A_265 = tpu.vector_load_idx %arg6[%min3A_264] : memref<16384xi32, #tpu.memory_space<vmem>>[vector<16xi32>], vector<16xi32>,
      %lt3A = arith.cmpi slt, %scan3A_256, %scan3A_257 : vector<16xi32>
      %lt3A_266 = arith.cmpi slt, %gather3A_265, %add3A_3 : vector<16xi32>
      %and3A = arith.andi %lt3A, %lt3A_266 : vector<16xi1>
      %add3A_267 = arith.constant 1 : i32
      %add3A_268 = vector.broadcast %add3A_267 : i32 to vector<16xi32>
      %add3A_269 = arith.addi %div3A_261, %add3A_268 : vector<16xi32>
      %select_n3A = arith.select %and3A, %add3A_269, %scan3A_256 : vector<16xi1>, vector<16xi32>
      %not3A = arith.constant dense<true> : vector<16xi1>
      %not3A_270 = arith.xori %lt3A_266, %not3A : vector<16xi1>
      %and3A_271 = arith.andi %lt3A, %not3A_270 : vector<16xi1>
      %select_n3A_272 = arith.select %and3A_271, %div3A_261, %scan3A_257 : vector<16xi1>, vector<16xi32>
      scf.yield %select_n3A, %select_n3A_272 : vector<16xi32>, vector<16xi32>
    }
    %scan3A_11 = arith.constant 15 : i32
    %swap3A = arith.constant 0 : index
    %swap3A_12 = tpu.vector_load %arg7[%swap3A] {strides = array<i32>} : memref<64xi32, #tpu.memory_space<vmem>>, vector<16xi32>,
    tpu.vector_store %arg7[%swap3A], %scan3A_10#0 {strides = array<i32>} : memref<64xi32, #tpu.memory_space<vmem>>, vector<16xi32>,
    %iota3A_13 = tpu.iota {dimensions = array<i32: 0>} : vector<16xi32>
    %add3A_14 = arith.constant 16 : i32
    %add3A_15 = vector.broadcast %add3A_14 : i32 to vector<16xi32>
    %add3A_16 = arith.addi %add3A_15, %iota3A_13 : vector<16xi32>
    %broadcast_in_dim3A_17 = arith.constant 0 : i32
    %broadcast_in_dim3A_18 = vector.broadcast %broadcast_in_dim3A_17 : i32 to vector<16xi32>
    %broadcast_in_dim3A_19 = arith.constant 16384 : i32
    %broadcast_in_dim3A_20 = vector.broadcast %broadcast_in_dim3A_19 : i32 to vector<16xi32>
    %scan3A_21 = arith.constant 0 : i32
    %scan3A_22 = arith.constant 15 : i32
    %scan3A_23 = arith.addi %scan3A_21, %scan3A_22 : i32
    %scan3A_24 = arith.constant 1 : i32
    %scan3A_25:2 = scf.for %scan3A_255 = %scan3A_21 to %scan3A_23 step %scan3A_24 iter_args(%scan3A_256 = %broadcast_in_dim3A_18, %scan3A_257 = %broadcast_in_dim3A_20) -> (vector<16xi32>, vector<16xi32>)  : i32 {
      %add3A_258 = arith.addi %scan3A_256, %scan3A_257 : vector<16xi32>
      %div3A_259 = arith.constant 2 : i32
      %div3A_260 = vector.broadcast %div3A_259 : i32 to vector<16xi32>
      %div3A_261 = arith.divsi %add3A_258, %div3A_260 : vector<16xi32>
      %min3A_262 = arith.constant 16383 : i32
      %min3A_263 = vector.broadcast %min3A_262 : i32 to vector<16xi32>
      %min3A_264 = arith.minsi %div3A_261, %min3A_263 : vector<16xi32>
      %gather3A_265 = tpu.vector_load_idx %arg6[%min3A_264] : memref<16384xi32, #tpu.memory_space<vmem>>[vector<16xi32>], vector<16xi32>,
      %lt3A = arith.cmpi slt, %scan3A_256, %scan3A_257 : vector<16xi32>
      %lt3A_266 = arith.cmpi slt, %gather3A_265, %add3A_16 : vector<16xi32>
      %and3A = arith.andi %lt3A, %lt3A_266 : vector<16xi1>
      %add3A_267 = arith.constant 1 : i32
      %add3A_268 = vector.broadcast %add3A_267 : i32 to vector<16xi32>
      %add3A_269 = arith.addi %div3A_261, %add3A_268 : vector<16xi32>
      %select_n3A = arith.select %and3A, %add3A_269, %scan3A_256 : vector<16xi1>, vector<16xi32>
      %not3A = arith.constant dense<true> : vector<16xi1>
      %not3A_270 = arith.xori %lt3A_266, %not3A : vector<16xi1>
      %and3A_271 = arith.andi %lt3A, %not3A_270 : vector<16xi1>
      %select_n3A_272 = arith.select %and3A_271, %div3A_261, %scan3A_257 : vector<16xi1>, vector<16xi32>
      scf.yield %select_n3A, %select_n3A_272 : vector<16xi32>, vector<16xi32>
    }
    %scan3A_26 = arith.constant 15 : i32
    %swap3A_27 = arith.constant 16 : index
    %swap3A_28 = tpu.vector_load %arg7[%swap3A_27] {strides = array<i32>} : memref<64xi32, #tpu.memory_space<vmem>>, vector<16xi32>,
    tpu.vector_store %arg7[%swap3A_27], %scan3A_25#0 {strides = array<i32>} : memref<64xi32, #tpu.memory_space<vmem>>, vector<16xi32>,
    %iota3A_29 = tpu.iota {dimensions = array<i32: 0>} : vector<16xi32>
    %add3A_30 = arith.constant 32 : i32
    %add3A_31 = vector.broadcast %add3A_30 : i32 to vector<16xi32>
    %add3A_32 = arith.addi %add3A_31, %iota3A_29 : vector<16xi32>
    %broadcast_in_dim3A_33 = arith.constant 0 : i32
    %broadcast_in_dim3A_34 = vector.broadcast %broadcast_in_dim3A_33 : i32 to vector<16xi32>
    %broadcast_in_dim3A_35 = arith.constant 16384 : i32
    %broadcast_in_dim3A_36 = vector.broadcast %broadcast_in_dim3A_35 : i32 to vector<16xi32>
    %scan3A_37 = arith.constant 0 : i32
    %scan3A_38 = arith.constant 15 : i32
    %scan3A_39 = arith.addi %scan3A_37, %scan3A_38 : i32
    %scan3A_40 = arith.constant 1 : i32
    %scan3A_41:2 = scf.for %scan3A_255 = %scan3A_37 to %scan3A_39 step %scan3A_40 iter_args(%scan3A_256 = %broadcast_in_dim3A_34, %scan3A_257 = %broadcast_in_dim3A_36) -> (vector<16xi32>, vector<16xi32>)  : i32 {
      %add3A_258 = arith.addi %scan3A_256, %scan3A_257 : vector<16xi32>
      %div3A_259 = arith.constant 2 : i32
      %div3A_260 = vector.broadcast %div3A_259 : i32 to vector<16xi32>
      %div3A_261 = arith.divsi %add3A_258, %div3A_260 : vector<16xi32>
      %min3A_262 = arith.constant 16383 : i32
      %min3A_263 = vector.broadcast %min3A_262 : i32 to vector<16xi32>
      %min3A_264 = arith.minsi %div3A_261, %min3A_263 : vector<16xi32>
      %gather3A_265 = tpu.vector_load_idx %arg6[%min3A_264] : memref<16384xi32, #tpu.memory_space<vmem>>[vector<16xi32>], vector<16xi32>,
      %lt3A = arith.cmpi slt, %scan3A_256, %scan3A_257 : vector<16xi32>
      %lt3A_266 = arith.cmpi slt, %gather3A_265, %add3A_32 : vector<16xi32>
      %and3A = arith.andi %lt3A, %lt3A_266 : vector<16xi1>
      %add3A_267 = arith.constant 1 : i32
      %add3A_268 = vector.broadcast %add3A_267 : i32 to vector<16xi32>
      %add3A_269 = arith.addi %div3A_261, %add3A_268 : vector<16xi32>
      %select_n3A = arith.select %and3A, %add3A_269, %scan3A_256 : vector<16xi1>, vector<16xi32>
      %not3A = arith.constant dense<true> : vector<16xi1>
      %not3A_270 = arith.xori %lt3A_266, %not3A : vector<16xi1>
      %and3A_271 = arith.andi %lt3A, %not3A_270 : vector<16xi1>
      %select_n3A_272 = arith.select %and3A_271, %div3A_261, %scan3A_257 : vector<16xi1>, vector<16xi32>
      scf.yield %select_n3A, %select_n3A_272 : vector<16xi32>, vector<16xi32>
    }
    %scan3A_42 = arith.constant 15 : i32
    %swap3A_43 = arith.constant 32 : index
    %swap3A_44 = tpu.vector_load %arg7[%swap3A_43] {strides = array<i32>} : memref<64xi32, #tpu.memory_space<vmem>>, vector<16xi32>,
    tpu.vector_store %arg7[%swap3A_43], %scan3A_41#0 {strides = array<i32>} : memref<64xi32, #tpu.memory_space<vmem>>, vector<16xi32>,
    %iota3A_45 = tpu.iota {dimensions = array<i32: 0>} : vector<16xi32>
    %add3A_46 = arith.constant 48 : i32
    %add3A_47 = vector.broadcast %add3A_46 : i32 to vector<16xi32>
    %add3A_48 = arith.addi %add3A_47, %iota3A_45 : vector<16xi32>
    %broadcast_in_dim3A_49 = arith.constant 0 : i32
    %broadcast_in_dim3A_50 = vector.broadcast %broadcast_in_dim3A_49 : i32 to vector<16xi32>
    %broadcast_in_dim3A_51 = arith.constant 16384 : i32
    %broadcast_in_dim3A_52 = vector.broadcast %broadcast_in_dim3A_51 : i32 to vector<16xi32>
    %scan3A_53 = arith.constant 0 : i32
    %scan3A_54 = arith.constant 15 : i32
    %scan3A_55 = arith.addi %scan3A_53, %scan3A_54 : i32
    %scan3A_56 = arith.constant 1 : i32
    %scan3A_57:2 = scf.for %scan3A_255 = %scan3A_53 to %scan3A_55 step %scan3A_56 iter_args(%scan3A_256 = %broadcast_in_dim3A_50, %scan3A_257 = %broadcast_in_dim3A_52) -> (vector<16xi32>, vector<16xi32>)  : i32 {
      %add3A_258 = arith.addi %scan3A_256, %scan3A_257 : vector<16xi32>
      %div3A_259 = arith.constant 2 : i32
      %div3A_260 = vector.broadcast %div3A_259 : i32 to vector<16xi32>
      %div3A_261 = arith.divsi %add3A_258, %div3A_260 : vector<16xi32>
      %min3A_262 = arith.constant 16383 : i32
      %min3A_263 = vector.broadcast %min3A_262 : i32 to vector<16xi32>
      %min3A_264 = arith.minsi %div3A_261, %min3A_263 : vector<16xi32>
      %gather3A_265 = tpu.vector_load_idx %arg6[%min3A_264] : memref<16384xi32, #tpu.memory_space<vmem>>[vector<16xi32>], vector<16xi32>,
      %lt3A = arith.cmpi slt, %scan3A_256, %scan3A_257 : vector<16xi32>
      %lt3A_266 = arith.cmpi slt, %gather3A_265, %add3A_48 : vector<16xi32>
      %and3A = arith.andi %lt3A, %lt3A_266 : vector<16xi1>
      %add3A_267 = arith.constant 1 : i32
      %add3A_268 = vector.broadcast %add3A_267 : i32 to vector<16xi32>
      %add3A_269 = arith.addi %div3A_261, %add3A_268 : vector<16xi32>
      %select_n3A = arith.select %and3A, %add3A_269, %scan3A_256 : vector<16xi1>, vector<16xi32>
      %not3A = arith.constant dense<true> : vector<16xi1>
      %not3A_270 = arith.xori %lt3A_266, %not3A : vector<16xi1>
      %and3A_271 = arith.andi %lt3A, %not3A_270 : vector<16xi1>
      %select_n3A_272 = arith.select %and3A_271, %div3A_261, %scan3A_257 : vector<16xi1>, vector<16xi32>
      scf.yield %select_n3A, %select_n3A_272 : vector<16xi32>, vector<16xi32>
    }
    %scan3A_58 = arith.constant 15 : i32
    %swap3A_59 = arith.constant 48 : index
    %swap3A_60 = tpu.vector_load %arg7[%swap3A_59] {strides = array<i32>} : memref<64xi32, #tpu.memory_space<vmem>>, vector<16xi32>,
    tpu.vector_store %arg7[%swap3A_59], %scan3A_57#0 {strides = array<i32>} : memref<64xi32, #tpu.memory_space<vmem>>, vector<16xi32>,
    %mul3A_61 = arith.constant 512 : i32
    %mul3A_62 = arith.muli %add3A, %mul3A_61 : i32
    %iota3A_63 = tpu.iota {dimensions = array<i32: 0>} : vector<16xi32>
    %add3A_64 = arith.constant 0 : i32
    %add3A_65 = vector.broadcast %add3A_64 : i32 to vector<16xi32>
    %add3A_66 = arith.addi %add3A_65, %iota3A_63 : vector<16xi32>
    %min3A = arith.constant 511 : i32
    %min3A_67 = vector.broadcast %min3A : i32 to vector<16xi32>
    %min3A_68 = arith.minsi %add3A_66, %min3A_67 : vector<16xi32>
    %add3A_69 = vector.broadcast %mul3A_62 : i32 to vector<16xi32>
    %add3A_70 = arith.addi %add3A_69, %min3A_68 : vector<16xi32>
    %gather3A = tpu.vector_load_idx %arg6[%add3A_70] : memref<16384xi32, #tpu.memory_space<vmem>>[vector<16xi32>], vector<16xi32>,
    %gather3A_71 = tpu.vector_load_idx %arg7[%gather3A] : memref<64xi32, #tpu.memory_space<vmem>>[vector<16xi32>], vector<16xi32>,
    %add3A_72 = arith.constant 1 : i32
    %add3A_73 = vector.broadcast %add3A_72 : i32 to vector<16xi32>
    %add3A_74 = arith.addi %gather3A, %add3A_73 : vector<16xi32>
    %gather3A_75 = tpu.vector_load_idx %arg7[%add3A_74] : memref<64xi32, #tpu.memory_space<vmem>>[vector<16xi32>], vector<16xi32>,
    %sub3A = arith.subi %add3A_70, %gather3A_71 : vector<16xi32>
    %rem3A = arith.constant 1024 : i32
    %rem3A_76 = vector.broadcast %rem3A : i32 to vector<16xi32>
    %rem3A_77 = arith.remsi %sub3A, %rem3A_76 : vector<16xi32>
    %add3A_78 = arith.addi %gather3A_71, %rem3A_77 : vector<16xi32>
    %sub3A_79 = arith.subi %gather3A_75, %gather3A_71 : vector<16xi32>
    %sub3A_80 = arith.constant 1 : i32
    %sub3A_81 = vector.broadcast %sub3A_80 : i32 to vector<16xi32>
    %sub3A_82 = arith.subi %sub3A_79, %sub3A_81 : vector<16xi32>
    %sub3A_83 = arith.subi %sub3A_82, %rem3A_77 : vector<16xi32>
    %div3A = arith.constant 1024 : i32
    %div3A_84 = vector.broadcast %div3A : i32 to vector<16xi32>
    %div3A_85 = arith.divsi %sub3A_83, %div3A_84 : vector<16xi32>
    %mul3A_86 = arith.constant 1024 : i32
    %mul3A_87 = vector.broadcast %mul3A_86 : i32 to vector<16xi32>
    %mul3A_88 = arith.muli %mul3A_87, %div3A_85 : vector<16xi32>
    %add3A_89 = arith.addi %add3A_78, %mul3A_88 : vector<16xi32>
    %mul3A_90 = arith.constant 1024 : i32
    %mul3A_91 = vector.broadcast %mul3A_90 : i32 to vector<16xi32>
    %mul3A_92 = arith.muli %gather3A, %mul3A_91 : vector<16xi32>
    %add3A_93 = arith.addi %mul3A_92, %rem3A_77 : vector<16xi32>
    %swap3A_94 = arith.constant 0 : i32
    %swap3A_95 = arith.constant 0 : i32
    %swap3A_96 = arith.index_cast %swap3A_94 : i32 to index
    %swap3A_97 = arith.index_cast %swap3A_95 : i32 to index
    %swap3A_98 = arith.constant 0 : index
    %swap3A_99 = tpu.vector_load %arg9[%swap3A_96, %swap3A_97, %swap3A_98] {strides = array<i32>} : memref<2x2x48xi32, #tpu.memory_space<vmem>>, vector<16xi32>,
    tpu.vector_store %arg9[%swap3A_96, %swap3A_97, %swap3A_98], %add3A_89 {strides = array<i32>} : memref<2x2x48xi32, #tpu.memory_space<vmem>>, vector<16xi32>,
    %swap3A_100 = arith.constant 0 : i32
    %swap3A_101 = arith.constant 1 : i32
    %swap3A_102 = arith.index_cast %swap3A_100 : i32 to index
    %swap3A_103 = arith.index_cast %swap3A_101 : i32 to index
    %swap3A_104 = arith.constant 0 : index
    %swap3A_105 = tpu.vector_load %arg9[%swap3A_102, %swap3A_103, %swap3A_104] {strides = array<i32>} : memref<2x2x48xi32, #tpu.memory_space<vmem>>, vector<16xi32>,
    tpu.vector_store %arg9[%swap3A_102, %swap3A_103, %swap3A_104], %add3A_93 {strides = array<i32>} : memref<2x2x48xi32, #tpu.memory_space<vmem>>, vector<16xi32>,
    %iota3A_106 = tpu.iota {dimensions = array<i32: 0>} : vector<16xi32>
    %add3A_107 = arith.constant 16 : i32
    %add3A_108 = vector.broadcast %add3A_107 : i32 to vector<16xi32>
    %add3A_109 = arith.addi %add3A_108, %iota3A_106 : vector<16xi32>
    %min3A_110 = arith.constant 511 : i32
    %min3A_111 = vector.broadcast %min3A_110 : i32 to vector<16xi32>
    %min3A_112 = arith.minsi %add3A_109, %min3A_111 : vector<16xi32>
    %add3A_113 = vector.broadcast %mul3A_62 : i32 to vector<16xi32>
    %add3A_114 = arith.addi %add3A_113, %min3A_112 : vector<16xi32>
    %gather3A_115 = tpu.vector_load_idx %arg6[%add3A_114] : memref<16384xi32, #tpu.memory_space<vmem>>[vector<16xi32>], vector<16xi32>,
    %gather3A_116 = tpu.vector_load_idx %arg7[%gather3A_115] : memref<64xi32, #tpu.memory_space<vmem>>[vector<16xi32>], vector<16xi32>,
    %add3A_117 = arith.constant 1 : i32
    %add3A_118 = vector.broadcast %add3A_117 : i32 to vector<16xi32>
    %add3A_119 = arith.addi %gather3A_115, %add3A_118 : vector<16xi32>
    %gather3A_120 = tpu.vector_load_idx %arg7[%add3A_119] : memref<64xi32, #tpu.memory_space<vmem>>[vector<16xi32>], vector<16xi32>,
    %sub3A_121 = arith.subi %add3A_114, %gather3A_116 : vector<16xi32>
    %rem3A_122 = arith.constant 1024 : i32
    %rem3A_123 = vector.broadcast %rem3A_122 : i32 to vector<16xi32>
    %rem3A_124 = arith.remsi %sub3A_121, %rem3A_123 : vector<16xi32>
    %add3A_125 = arith.addi %gather3A_116, %rem3A_124 : vector<16xi32>
    %sub3A_126 = arith.subi %gather3A_120, %gather3A_116 : vector<16xi32>
    %sub3A_127 = arith.constant 1 : i32
    %sub3A_128 = vector.broadcast %sub3A_127 : i32 to vector<16xi32>
    %sub3A_129 = arith.subi %sub3A_126, %sub3A_128 : vector<16xi32>
    %sub3A_130 = arith.subi %sub3A_129, %rem3A_124 : vector<16xi32>
    %div3A_131 = arith.constant 1024 : i32
    %div3A_132 = vector.broadcast %div3A_131 : i32 to vector<16xi32>
    %div3A_133 = arith.divsi %sub3A_130, %div3A_132 : vector<16xi32>
    %mul3A_134 = arith.constant 1024 : i32
    %mul3A_135 = vector.broadcast %mul3A_134 : i32 to vector<16xi32>
    %mul3A_136 = arith.muli %mul3A_135, %div3A_133 : vector<16xi32>
    %add3A_137 = arith.addi %add3A_125, %mul3A_136 : vector<16xi32>
    %mul3A_138 = arith.constant 1024 : i32
    %mul3A_139 = vector.broadcast %mul3A_138 : i32 to vector<16xi32>
    %mul3A_140 = arith.muli %gather3A_115, %mul3A_139 : vector<16xi32>
    %add3A_141 = arith.addi %mul3A_140, %rem3A_124 : vector<16xi32>
    %swap3A_142 = arith.constant 0 : i32
    %swap3A_143 = arith.constant 0 : i32
    %swap3A_144 = arith.index_cast %swap3A_142 : i32 to index
    %swap3A_145 = arith.index_cast %swap3A_143 : i32 to index
    %swap3A_146 = arith.constant 16 : index
    %swap3A_147 = tpu.vector_load %arg9[%swap3A_144, %swap3A_145, %swap3A_146] {strides = array<i32>} : memref<2x2x48xi32, #tpu.memory_space<vmem>>, vector<16xi32>,
    tpu.vector_store %arg9[%swap3A_144, %swap3A_145, %swap3A_146], %add3A_137 {strides = array<i32>} : memref<2x2x48xi32, #tpu.memory_space<vmem>>, vector<16xi32>,
    %swap3A_148 = arith.constant 0 : i32
    %swap3A_149 = arith.constant 1 : i32
    %swap3A_150 = arith.index_cast %swap3A_148 : i32 to index
    %swap3A_151 = arith.index_cast %swap3A_149 : i32 to index
    %swap3A_152 = arith.constant 16 : index
    %swap3A_153 = tpu.vector_load %arg9[%swap3A_150, %swap3A_151, %swap3A_152] {strides = array<i32>} : memref<2x2x48xi32, #tpu.memory_space<vmem>>, vector<16xi32>,
    tpu.vector_store %arg9[%swap3A_150, %swap3A_151, %swap3A_152], %add3A_141 {strides = array<i32>} : memref<2x2x48xi32, #tpu.memory_space<vmem>>, vector<16xi32>,
    %iota3A_154 = tpu.iota {dimensions = array<i32: 0>} : vector<16xi32>
    %add3A_155 = arith.constant 32 : i32
    %add3A_156 = vector.broadcast %add3A_155 : i32 to vector<16xi32>
    %add3A_157 = arith.addi %add3A_156, %iota3A_154 : vector<16xi32>
    %min3A_158 = arith.constant 511 : i32
    %min3A_159 = vector.broadcast %min3A_158 : i32 to vector<16xi32>
    %min3A_160 = arith.minsi %add3A_157, %min3A_159 : vector<16xi32>
    %add3A_161 = vector.broadcast %mul3A_62 : i32 to vector<16xi32>
    %add3A_162 = arith.addi %add3A_161, %min3A_160 : vector<16xi32>
    %gather3A_163 = tpu.vector_load_idx %arg6[%add3A_162] : memref<16384xi32, #tpu.memory_space<vmem>>[vector<16xi32>], vector<16xi32>,
    %gather3A_164 = tpu.vector_load_idx %arg7[%gather3A_163] : memref<64xi32, #tpu.memory_space<vmem>>[vector<16xi32>], vector<16xi32>,
    %add3A_165 = arith.constant 1 : i32
    %add3A_166 = vector.broadcast %add3A_165 : i32 to vector<16xi32>
    %add3A_167 = arith.addi %gather3A_163, %add3A_166 : vector<16xi32>
    %gather3A_168 = tpu.vector_load_idx %arg7[%add3A_167] : memref<64xi32, #tpu.memory_space<vmem>>[vector<16xi32>], vector<16xi32>,
    %sub3A_169 = arith.subi %add3A_162, %gather3A_164 : vector<16xi32>
    %rem3A_170 = arith.constant 1024 : i32
    %rem3A_171 = vector.broadcast %rem3A_170 : i32 to vector<16xi32>
    %rem3A_172 = arith.remsi %sub3A_169, %rem3A_171 : vector<16xi32>
    %add3A_173 = arith.addi %gather3A_164, %rem3A_172 : vector<16xi32>
    %sub3A_174 = arith.subi %gather3A_168, %gather3A_164 : vector<16xi32>
    %sub3A_175 = arith.constant 1 : i32
    %sub3A_176 = vector.broadcast %sub3A_175 : i32 to vector<16xi32>
    %sub3A_177 = arith.subi %sub3A_174, %sub3A_176 : vector<16xi32>
    %sub3A_178 = arith.subi %sub3A_177, %rem3A_172 : vector<16xi32>
    %div3A_179 = arith.constant 1024 : i32
    %div3A_180 = vector.broadcast %div3A_179 : i32 to vector<16xi32>
    %div3A_181 = arith.divsi %sub3A_178, %div3A_180 : vector<16xi32>
    %mul3A_182 = arith.constant 1024 : i32
    %mul3A_183 = vector.broadcast %mul3A_182 : i32 to vector<16xi32>
    %mul3A_184 = arith.muli %mul3A_183, %div3A_181 : vector<16xi32>
    %add3A_185 = arith.addi %add3A_173, %mul3A_184 : vector<16xi32>
    %mul3A_186 = arith.constant 1024 : i32
    %mul3A_187 = vector.broadcast %mul3A_186 : i32 to vector<16xi32>
    %mul3A_188 = arith.muli %gather3A_163, %mul3A_187 : vector<16xi32>
    %add3A_189 = arith.addi %mul3A_188, %rem3A_172 : vector<16xi32>
    %swap3A_190 = arith.constant 0 : i32
    %swap3A_191 = arith.constant 0 : i32
    %swap3A_192 = arith.index_cast %swap3A_190 : i32 to index
    %swap3A_193 = arith.index_cast %swap3A_191 : i32 to index
    %swap3A_194 = arith.constant 32 : index
    %swap3A_195 = tpu.vector_load %arg9[%swap3A_192, %swap3A_193, %swap3A_194] {strides = array<i32>} : memref<2x2x48xi32, #tpu.memory_space<vmem>>, vector<16xi32>,
    tpu.vector_store %arg9[%swap3A_192, %swap3A_193, %swap3A_194], %add3A_185 {strides = array<i32>} : memref<2x2x48xi32, #tpu.memory_space<vmem>>, vector<16xi32>,
    %swap3A_196 = arith.constant 0 : i32
    %swap3A_197 = arith.constant 1 : i32
    %swap3A_198 = arith.index_cast %swap3A_196 : i32 to index
    %swap3A_199 = arith.index_cast %swap3A_197 : i32 to index
    %swap3A_200 = arith.constant 32 : index
    %swap3A_201 = tpu.vector_load %arg9[%swap3A_198, %swap3A_199, %swap3A_200] {strides = array<i32>} : memref<2x2x48xi32, #tpu.memory_space<vmem>>, vector<16xi32>,
    tpu.vector_store %arg9[%swap3A_198, %swap3A_199, %swap3A_200], %add3A_189 {strides = array<i32>} : memref<2x2x48xi32, #tpu.memory_space<vmem>>, vector<16xi32>,
    %dma_start3A = arith.constant 0 : i32
    %dma_start3A_202 = arith.constant 0 : i32
    %dma_start3A_203 = arith.constant 0 : i32
    %dma_start3A_204 = arith.constant 0 : i32
    %dma_start3A_205 = arith.constant 0 : i32
    %dma_start3A_206 = arith.constant 0 : i32
    %dma_start3A_207 = tpu.memref_slice %arg8[%dma_start3A_203, %dma_start3A_205, %dma_start3A_206] : memref<2x48x1024xf32, #tpu.memory_space<vmem>> -> memref<1x48x1024xf32, #tpu.memory_space<vmem>>
    %dma_start3A_208 = tpu.memref_squeeze %dma_start3A_207 : memref<1x48x1024xf32, #tpu.memory_space<vmem>> -> memref<48x1024xf32, #tpu.memory_space<vmem>>
    %dma_start3A_209 = arith.constant 0 : i32
    %dma_start3A_210 = tpu.memref_slice %arg9[%dma_start3A, %dma_start3A_202, %dma_start3A_209] : memref<2x2x48xi32, #tpu.memory_space<vmem>> -> memref<1x1x48xi32, #tpu.memory_space<vmem>>
    %dma_start3A_211 = tpu.memref_squeeze %dma_start3A_210 : memref<1x1x48xi32, #tpu.memory_space<vmem>> -> memref<48xi32, #tpu.memory_space<vmem>>
    %dma_start3A_212 = arith.constant 0 : i32
    %dma_start3A_213 = arith.constant 0 : i32
    %dma_start3A_214 = tpu.memref_slice %arg2[%dma_start3A_212, %dma_start3A_213] : memref<16384x1024xf32, #tpu.memory_space<hbm>> -> memref<16384x1024xf32, #tpu.memory_space<hbm>>
    %dma_start3A_215 = tpu.memref_slice %arg10[%dma_start3A_204] : memref<2x!tpu.dma_semaphore, #tpu.memory_space<semaphore_mem>> -> memref<1x!tpu.dma_semaphore, #tpu.memory_space<semaphore_mem>>
    %dma_start3A_216 = tpu.memref_squeeze %dma_start3A_215 : memref<1x!tpu.dma_semaphore, #tpu.memory_space<semaphore_mem>> -> memref<!tpu.dma_semaphore, #tpu.memory_space<semaphore_mem>>
    tpu.enqueue_indirect_dma source(%dma_start3A_214 : memref<16384x1024xf32, #tpu.memory_space<hbm>>) target(%dma_start3A_208 : memref<48x1024xf32, #tpu.memory_space<vmem>>) offsets(%dma_start3A_211 : memref<48xi32, #tpu.memory_space<vmem>>) semaphore(%dma_start3A_216 : memref<!tpu.dma_semaphore, #tpu.memory_space<semaphore_mem>>)
    %scan3A_217 = arith.constant 0 : i32
    %scan3A_218 = arith.constant 0 : i32
    %scan3A_219 = arith.constant 11 : i32
    %scan3A_220 = arith.addi %scan3A_218, %scan3A_219 : i32
    %scan3A_221 = arith.constant 1 : i32
    %scan3A_222 = scf.for %scan3A_255 = %scan3A_218 to %scan3A_220 step %scan3A_221 iter_args(%scan3A_256 = %scan3A_217) -> (i32)  : i32 {
      %rem3A_257 = arith.constant 2 : i32
      %rem3A_258 = arith.remsi %scan3A_255, %rem3A_257 : i32
      %sub3A_259 = arith.constant 1 : i32
      %sub3A_260 = arith.subi %sub3A_259, %rem3A_258 : i32
      %add3A_261 = arith.constant 1 : i32
      %add3A_262 = arith.addi %scan3A_255, %add3A_261 : i32
      %lt3A = arith.constant 11 : i32
      %lt3A_263 = arith.cmpi slt, %add3A_262, %lt3A : i32
      %convert_element_type3A = arith.extui %lt3A_263 : i1 to i32
      %cond3A = arith.constant 0 : i32
      %cond3A_264 = arith.cmpi ne, %convert_element_type3A, %cond3A : i32
      scf.if %cond3A_264 {
        %ge3A = arith.constant 1 : i32
        %ge3A_292 = arith.cmpi sge, %scan3A_255, %ge3A : i32
        %convert_element_type3A_293 = arith.extui %ge3A_292 : i1 to i32
        %cond3A_294 = arith.constant 0 : i32
        %cond3A_295 = arith.cmpi ne, %convert_element_type3A_293, %cond3A_294 : i32
        scf.if %cond3A_295 {
          %dma_wait3A_458 = arith.constant 1 : i32
          %dma_wait3A_459 = arith.constant 0 : i32
          %dma_wait3A_460 = arith.constant 0 : i32
          %dma_wait3A_461 = tpu.memref_slice %arg8[%sub3A_260, %dma_wait3A_459, %dma_wait3A_460] : memref<2x48x1024xf32, #tpu.memory_space<vmem>> -> memref<1x48x1024xf32, #tpu.memory_space<vmem>>
          %dma_wait3A_462 = tpu.memref_squeeze %dma_wait3A_461 : memref<1x48x1024xf32, #tpu.memory_space<vmem>> -> memref<48x1024xf32, #tpu.memory_space<vmem>>
          %dma_wait3A_463 = arith.constant 0 : i32
          %dma_wait3A_464 = tpu.memref_slice %arg9[%sub3A_260, %dma_wait3A_458, %dma_wait3A_463] : memref<2x2x48xi32, #tpu.memory_space<vmem>> -> memref<1x1x48xi32, #tpu.memory_space<vmem>>
          %dma_wait3A_465 = tpu.memref_squeeze %dma_wait3A_464 : memref<1x1x48xi32, #tpu.memory_space<vmem>> -> memref<48xi32, #tpu.memory_space<vmem>>
          %dma_wait3A_466 = arith.constant 0 : i32
          %dma_wait3A_467 = arith.constant 0 : i32
          %dma_wait3A_468 = tpu.memref_slice %arg4[%dma_wait3A_466, %dma_wait3A_467] : memref<61440x1024xf32, #tpu.memory_space<hbm>> -> memref<61440x1024xf32, #tpu.memory_space<hbm>>
          %dma_wait3A_469 = tpu.memref_slice %arg11[%sub3A_260] : memref<2x!tpu.dma_semaphore, #tpu.memory_space<semaphore_mem>> -> memref<1x!tpu.dma_semaphore, #tpu.memory_space<semaphore_mem>>
          %dma_wait3A_470 = tpu.memref_squeeze %dma_wait3A_469 : memref<1x!tpu.dma_semaphore, #tpu.memory_space<semaphore_mem>> -> memref<!tpu.dma_semaphore, #tpu.memory_space<semaphore_mem>>
          tpu.wait_indirect_dma semaphore(%dma_wait3A_470 : memref<!tpu.dma_semaphore, #tpu.memory_space<semaphore_mem>>) src(%dma_wait3A_462 : memref<48x1024xf32, #tpu.memory_space<vmem>>) dst(%dma_wait3A_468 : memref<61440x1024xf32, #tpu.memory_space<hbm>>)
        } else {
        }
        %add3A_296 = arith.constant 1 : i32
        %add3A_297 = arith.addi %scan3A_255, %add3A_296 : i32
        %mul3A_298 = arith.constant 48 : i32
        %mul3A_299 = arith.muli %add3A_297, %mul3A_298 : i32
        %add3A_300 = arith.constant 0 : i32
        %add3A_301 = arith.addi %mul3A_299, %add3A_300 : i32
        %iota3A_302 = tpu.iota {dimensions = array<i32: 0>} : vector<16xi32>
        %add3A_303 = vector.broadcast %add3A_301 : i32 to vector<16xi32>
        %add3A_304 = arith.addi %add3A_303, %iota3A_302 : vector<16xi32>
        %min3A_305 = arith.constant 511 : i32
        %min3A_306 = vector.broadcast %min3A_305 : i32 to vector<16xi32>
        %min3A_307 = arith.minsi %add3A_304, %min3A_306 : vector<16xi32>
        %add3A_308 = vector.broadcast %mul3A_62 : i32 to vector<16xi32>
        %add3A_309 = arith.addi %add3A_308, %min3A_307 : vector<16xi32>
        %gather3A_310 = tpu.vector_load_idx %arg6[%add3A_309] : memref<16384xi32, #tpu.memory_space<vmem>>[vector<16xi32>], vector<16xi32>,
        %gather3A_311 = tpu.vector_load_idx %arg7[%gather3A_310] : memref<64xi32, #tpu.memory_space<vmem>>[vector<16xi32>], vector<16xi32>,
        %add3A_312 = arith.constant 1 : i32
        %add3A_313 = vector.broadcast %add3A_312 : i32 to vector<16xi32>
        %add3A_314 = arith.addi %gather3A_310, %add3A_313 : vector<16xi32>
        %gather3A_315 = tpu.vector_load_idx %arg7[%add3A_314] : memref<64xi32, #tpu.memory_space<vmem>>[vector<16xi32>], vector<16xi32>,
        %sub3A_316 = arith.subi %add3A_309, %gather3A_311 : vector<16xi32>
        %rem3A_317 = arith.constant 1024 : i32
        %rem3A_318 = vector.broadcast %rem3A_317 : i32 to vector<16xi32>
        %rem3A_319 = arith.remsi %sub3A_316, %rem3A_318 : vector<16xi32>
        %add3A_320 = arith.addi %gather3A_311, %rem3A_319 : vector<16xi32>
        %sub3A_321 = arith.subi %gather3A_315, %gather3A_311 : vector<16xi32>
        %sub3A_322 = arith.constant 1 : i32
        %sub3A_323 = vector.broadcast %sub3A_322 : i32 to vector<16xi32>
        %sub3A_324 = arith.subi %sub3A_321, %sub3A_323 : vector<16xi32>
        %sub3A_325 = arith.subi %sub3A_324, %rem3A_319 : vector<16xi32>
        %div3A_326 = arith.constant 1024 : i32
        %div3A_327 = vector.broadcast %div3A_326 : i32 to vector<16xi32>
        %div3A_328 = arith.divsi %sub3A_325, %div3A_327 : vector<16xi32>
        %mul3A_329 = arith.constant 1024 : i32
        %mul3A_330 = vector.broadcast %mul3A_329 : i32 to vector<16xi32>
        %mul3A_331 = arith.muli %mul3A_330, %div3A_328 : vector<16xi32>
        %add3A_332 = arith.addi %add3A_320, %mul3A_331 : vector<16xi32>
        %mul3A_333 = arith.constant 1024 : i32
        %mul3A_334 = vector.broadcast %mul3A_333 : i32 to vector<16xi32>
        %mul3A_335 = arith.muli %gather3A_310, %mul3A_334 : vector<16xi32>
        %add3A_336 = arith.addi %mul3A_335, %rem3A_319 : vector<16xi32>
        %swap3A_337 = arith.constant 0 : i32
        %swap3A_338 = arith.index_cast %sub3A_260 : i32 to index
        %swap3A_339 = arith.index_cast %swap3A_337 : i32 to index
        %swap3A_340 = arith.constant 0 : index
        %swap3A_341 = tpu.vector_load %arg9[%swap3A_338, %swap3A_339, %swap3A_340] {strides = array<i32>} : memref<2x2x48xi32, #tpu.memory_space<vmem>>, vector<16xi32>,
        tpu.vector_store %arg9[%swap3A_338, %swap3A_339, %swap3A_340], %add3A_332 {strides = array<i32>} : memref<2x2x48xi32, #tpu.memory_space<vmem>>, vector<16xi32>,
        %swap3A_342 = arith.constant 1 : i32
        %swap3A_343 = arith.index_cast %sub3A_260 : i32 to index
        %swap3A_344 = arith.index_cast %swap3A_342 : i32 to index
        %swap3A_345 = arith.constant 0 : index
        %swap3A_346 = tpu.vector_load %arg9[%swap3A_343, %swap3A_344, %swap3A_345] {strides = array<i32>} : memref<2x2x48xi32, #tpu.memory_space<vmem>>, vector<16xi32>,
        tpu.vector_store %arg9[%swap3A_343, %swap3A_344, %swap3A_345], %add3A_336 {strides = array<i32>} : memref<2x2x48xi32, #tpu.memory_space<vmem>>, vector<16xi32>,
        %mul3A_347 = arith.constant 48 : i32
        %mul3A_348 = arith.muli %add3A_297, %mul3A_347 : i32
        %add3A_349 = arith.constant 16 : i32
        %add3A_350 = arith.addi %mul3A_348, %add3A_349 : i32
        %iota3A_351 = tpu.iota {dimensions = array<i32: 0>} : vector<16xi32>
        %add3A_352 = vector.broadcast %add3A_350 : i32 to vector<16xi32>
        %add3A_353 = arith.addi %add3A_352, %iota3A_351 : vector<16xi32>
        %min3A_354 = arith.constant 511 : i32
        %min3A_355 = vector.broadcast %min3A_354 : i32 to vector<16xi32>
        %min3A_356 = arith.minsi %add3A_353, %min3A_355 : vector<16xi32>
        %add3A_357 = vector.broadcast %mul3A_62 : i32 to vector<16xi32>
        %add3A_358 = arith.addi %add3A_357, %min3A_356 : vector<16xi32>
        %gather3A_359 = tpu.vector_load_idx %arg6[%add3A_358] : memref<16384xi32, #tpu.memory_space<vmem>>[vector<16xi32>], vector<16xi32>,
        %gather3A_360 = tpu.vector_load_idx %arg7[%gather3A_359] : memref<64xi32, #tpu.memory_space<vmem>>[vector<16xi32>], vector<16xi32>,
        %add3A_361 = arith.constant 1 : i32
        %add3A_362 = vector.broadcast %add3A_361 : i32 to vector<16xi32>
        %add3A_363 = arith.addi %gather3A_359, %add3A_362 : vector<16xi32>
        %gather3A_364 = tpu.vector_load_idx %arg7[%add3A_363] : memref<64xi32, #tpu.memory_space<vmem>>[vector<16xi32>], vector<16xi32>,
        %sub3A_365 = arith.subi %add3A_358, %gather3A_360 : vector<16xi32>
        %rem3A_366 = arith.constant 1024 : i32
        %rem3A_367 = vector.broadcast %rem3A_366 : i32 to vector<16xi32>
        %rem3A_368 = arith.remsi %sub3A_365, %rem3A_367 : vector<16xi32>
        %add3A_369 = arith.addi %gather3A_360, %rem3A_368 : vector<16xi32>
        %sub3A_370 = arith.subi %gather3A_364, %gather3A_360 : vector<16xi32>
        %sub3A_371 = arith.constant 1 : i32
        %sub3A_372 = vector.broadcast %sub3A_371 : i32 to vector<16xi32>
        %sub3A_373 = arith.subi %sub3A_370, %sub3A_372 : vector<16xi32>
        %sub3A_374 = arith.subi %sub3A_373, %rem3A_368 : vector<16xi32>
        %div3A_375 = arith.constant 1024 : i32
        %div3A_376 = vector.broadcast %div3A_375 : i32 to vector<16xi32>
        %div3A_377 = arith.divsi %sub3A_374, %div3A_376 : vector<16xi32>
        %mul3A_378 = arith.constant 1024 : i32
        %mul3A_379 = vector.broadcast %mul3A_378 : i32 to vector<16xi32>
        %mul3A_380 = arith.muli %mul3A_379, %div3A_377 : vector<16xi32>
        %add3A_381 = arith.addi %add3A_369, %mul3A_380 : vector<16xi32>
        %mul3A_382 = arith.constant 1024 : i32
        %mul3A_383 = vector.broadcast %mul3A_382 : i32 to vector<16xi32>
        %mul3A_384 = arith.muli %gather3A_359, %mul3A_383 : vector<16xi32>
        %add3A_385 = arith.addi %mul3A_384, %rem3A_368 : vector<16xi32>
        %swap3A_386 = arith.constant 0 : i32
        %swap3A_387 = arith.index_cast %sub3A_260 : i32 to index
        %swap3A_388 = arith.index_cast %swap3A_386 : i32 to index
        %swap3A_389 = arith.constant 16 : index
        %swap3A_390 = tpu.vector_load %arg9[%swap3A_387, %swap3A_388, %swap3A_389] {strides = array<i32>} : memref<2x2x48xi32, #tpu.memory_space<vmem>>, vector<16xi32>,
        tpu.vector_store %arg9[%swap3A_387, %swap3A_388, %swap3A_389], %add3A_381 {strides = array<i32>} : memref<2x2x48xi32, #tpu.memory_space<vmem>>, vector<16xi32>,
        %swap3A_391 = arith.constant 1 : i32
        %swap3A_392 = arith.index_cast %sub3A_260 : i32 to index
        %swap3A_393 = arith.index_cast %swap3A_391 : i32 to index
        %swap3A_394 = arith.constant 16 : index
        %swap3A_395 = tpu.vector_load %arg9[%swap3A_392, %swap3A_393, %swap3A_394] {strides = array<i32>} : memref<2x2x48xi32, #tpu.memory_space<vmem>>, vector<16xi32>,
        tpu.vector_store %arg9[%swap3A_392, %swap3A_393, %swap3A_394], %add3A_385 {strides = array<i32>} : memref<2x2x48xi32, #tpu.memory_space<vmem>>, vector<16xi32>,
        %mul3A_396 = arith.constant 48 : i32
        %mul3A_397 = arith.muli %add3A_297, %mul3A_396 : i32
        %add3A_398 = arith.constant 32 : i32
        %add3A_399 = arith.addi %mul3A_397, %add3A_398 : i32
        %iota3A_400 = tpu.iota {dimensions = array<i32: 0>} : vector<16xi32>
        %add3A_401 = vector.broadcast %add3A_399 : i32 to vector<16xi32>
        %add3A_402 = arith.addi %add3A_401, %iota3A_400 : vector<16xi32>
        %min3A_403 = arith.constant 511 : i32
        %min3A_404 = vector.broadcast %min3A_403 : i32 to vector<16xi32>
        %min3A_405 = arith.minsi %add3A_402, %min3A_404 : vector<16xi32>
        %add3A_406 = vector.broadcast %mul3A_62 : i32 to vector<16xi32>
        %add3A_407 = arith.addi %add3A_406, %min3A_405 : vector<16xi32>
        %gather3A_408 = tpu.vector_load_idx %arg6[%add3A_407] : memref<16384xi32, #tpu.memory_space<vmem>>[vector<16xi32>], vector<16xi32>,
        %gather3A_409 = tpu.vector_load_idx %arg7[%gather3A_408] : memref<64xi32, #tpu.memory_space<vmem>>[vector<16xi32>], vector<16xi32>,
        %add3A_410 = arith.constant 1 : i32
        %add3A_411 = vector.broadcast %add3A_410 : i32 to vector<16xi32>
        %add3A_412 = arith.addi %gather3A_408, %add3A_411 : vector<16xi32>
        %gather3A_413 = tpu.vector_load_idx %arg7[%add3A_412] : memref<64xi32, #tpu.memory_space<vmem>>[vector<16xi32>], vector<16xi32>,
        %sub3A_414 = arith.subi %add3A_407, %gather3A_409 : vector<16xi32>
        %rem3A_415 = arith.constant 1024 : i32
        %rem3A_416 = vector.broadcast %rem3A_415 : i32 to vector<16xi32>
        %rem3A_417 = arith.remsi %sub3A_414, %rem3A_416 : vector<16xi32>
        %add3A_418 = arith.addi %gather3A_409, %rem3A_417 : vector<16xi32>
        %sub3A_419 = arith.subi %gather3A_413, %gather3A_409 : vector<16xi32>
        %sub3A_420 = arith.constant 1 : i32
        %sub3A_421 = vector.broadcast %sub3A_420 : i32 to vector<16xi32>
        %sub3A_422 = arith.subi %sub3A_419, %sub3A_421 : vector<16xi32>
        %sub3A_423 = arith.subi %sub3A_422, %rem3A_417 : vector<16xi32>
        %div3A_424 = arith.constant 1024 : i32
        %div3A_425 = vector.broadcast %div3A_424 : i32 to vector<16xi32>
        %div3A_426 = arith.divsi %sub3A_423, %div3A_425 : vector<16xi32>
        %mul3A_427 = arith.constant 1024 : i32
        %mul3A_428 = vector.broadcast %mul3A_427 : i32 to vector<16xi32>
        %mul3A_429 = arith.muli %mul3A_428, %div3A_426 : vector<16xi32>
        %add3A_430 = arith.addi %add3A_418, %mul3A_429 : vector<16xi32>
        %mul3A_431 = arith.constant 1024 : i32
        %mul3A_432 = vector.broadcast %mul3A_431 : i32 to vector<16xi32>
        %mul3A_433 = arith.muli %gather3A_408, %mul3A_432 : vector<16xi32>
        %add3A_434 = arith.addi %mul3A_433, %rem3A_417 : vector<16xi32>
        %swap3A_435 = arith.constant 0 : i32
        %swap3A_436 = arith.index_cast %sub3A_260 : i32 to index
        %swap3A_437 = arith.index_cast %swap3A_435 : i32 to index
        %swap3A_438 = arith.constant 32 : index
        %swap3A_439 = tpu.vector_load %arg9[%swap3A_436, %swap3A_437, %swap3A_438] {strides = array<i32>} : memref<2x2x48xi32, #tpu.memory_space<vmem>>, vector<16xi32>,
        tpu.vector_store %arg9[%swap3A_436, %swap3A_437, %swap3A_438], %add3A_430 {strides = array<i32>} : memref<2x2x48xi32, #tpu.memory_space<vmem>>, vector<16xi32>,
        %swap3A_440 = arith.constant 1 : i32
        %swap3A_441 = arith.index_cast %sub3A_260 : i32 to index
        %swap3A_442 = arith.index_cast %swap3A_440 : i32 to index
        %swap3A_443 = arith.constant 32 : index
        %swap3A_444 = tpu.vector_load %arg9[%swap3A_441, %swap3A_442, %swap3A_443] {strides = array<i32>} : memref<2x2x48xi32, #tpu.memory_space<vmem>>, vector<16xi32>,
        tpu.vector_store %arg9[%swap3A_441, %swap3A_442, %swap3A_443], %add3A_434 {strides = array<i32>} : memref<2x2x48xi32, #tpu.memory_space<vmem>>, vector<16xi32>,
        %dma_start3A_445 = arith.constant 0 : i32
        %dma_start3A_446 = arith.constant 0 : i32
        %dma_start3A_447 = arith.constant 0 : i32
        %dma_start3A_448 = tpu.memref_slice %arg8[%sub3A_260, %dma_start3A_446, %dma_start3A_447] : memref<2x48x1024xf32, #tpu.memory_space<vmem>> -> memref<1x48x1024xf32, #tpu.memory_space<vmem>>
        %dma_start3A_449 = tpu.memref_squeeze %dma_start3A_448 : memref<1x48x1024xf32, #tpu.memory_space<vmem>> -> memref<48x1024xf32, #tpu.memory_space<vmem>>
        %dma_start3A_450 = arith.constant 0 : i32
        %dma_start3A_451 = tpu.memref_slice %arg9[%sub3A_260, %dma_start3A_445, %dma_start3A_450] : memref<2x2x48xi32, #tpu.memory_space<vmem>> -> memref<1x1x48xi32, #tpu.memory_space<vmem>>
        %dma_start3A_452 = tpu.memref_squeeze %dma_start3A_451 : memref<1x1x48xi32, #tpu.memory_space<vmem>> -> memref<48xi32, #tpu.memory_space<vmem>>
        %dma_start3A_453 = arith.constant 0 : i32
        %dma_start3A_454 = arith.constant 0 : i32
        %dma_start3A_455 = tpu.memref_slice %arg2[%dma_start3A_453, %dma_start3A_454] : memref<16384x1024xf32, #tpu.memory_space<hbm>> -> memref<16384x1024xf32, #tpu.memory_space<hbm>>
        %dma_start3A_456 = tpu.memref_slice %arg10[%sub3A_260] : memref<2x!tpu.dma_semaphore, #tpu.memory_space<semaphore_mem>> -> memref<1x!tpu.dma_semaphore, #tpu.memory_space<semaphore_mem>>
        %dma_start3A_457 = tpu.memref_squeeze %dma_start3A_456 : memref<1x!tpu.dma_semaphore, #tpu.memory_space<semaphore_mem>> -> memref<!tpu.dma_semaphore, #tpu.memory_space<semaphore_mem>>
        tpu.enqueue_indirect_dma source(%dma_start3A_455 : memref<16384x1024xf32, #tpu.memory_space<hbm>>) target(%dma_start3A_449 : memref<48x1024xf32, #tpu.memory_space<vmem>>) offsets(%dma_start3A_452 : memref<48xi32, #tpu.memory_space<vmem>>) semaphore(%dma_start3A_457 : memref<!tpu.dma_semaphore, #tpu.memory_space<semaphore_mem>>)
      } else {
      }
      %dma_wait3A_265 = arith.constant 0 : i32
      %dma_wait3A_266 = arith.constant 0 : i32
      %dma_wait3A_267 = arith.constant 0 : i32
      %dma_wait3A_268 = tpu.memref_slice %arg8[%rem3A_258, %dma_wait3A_266, %dma_wait3A_267] : memref<2x48x1024xf32, #tpu.memory_space<vmem>> -> memref<1x48x1024xf32, #tpu.memory_space<vmem>>
      %dma_wait3A_269 = tpu.memref_squeeze %dma_wait3A_268 : memref<1x48x1024xf32, #tpu.memory_space<vmem>> -> memref<48x1024xf32, #tpu.memory_space<vmem>>
      %dma_wait3A_270 = arith.constant 0 : i32
      %dma_wait3A_271 = tpu.memref_slice %arg9[%rem3A_258, %dma_wait3A_265, %dma_wait3A_270] : memref<2x2x48xi32, #tpu.memory_space<vmem>> -> memref<1x1x48xi32, #tpu.memory_space<vmem>>
      %dma_wait3A_272 = tpu.memref_squeeze %dma_wait3A_271 : memref<1x1x48xi32, #tpu.memory_space<vmem>> -> memref<48xi32, #tpu.memory_space<vmem>>
      %dma_wait3A_273 = arith.constant 0 : i32
      %dma_wait3A_274 = arith.constant 0 : i32
      %dma_wait3A_275 = tpu.memref_slice %arg2[%dma_wait3A_273, %dma_wait3A_274] : memref<16384x1024xf32, #tpu.memory_space<hbm>> -> memref<16384x1024xf32, #tpu.memory_space<hbm>>
      %dma_wait3A_276 = tpu.memref_slice %arg10[%rem3A_258] : memref<2x!tpu.dma_semaphore, #tpu.memory_space<semaphore_mem>> -> memref<1x!tpu.dma_semaphore, #tpu.memory_space<semaphore_mem>>
      %dma_wait3A_277 = tpu.memref_squeeze %dma_wait3A_276 : memref<1x!tpu.dma_semaphore, #tpu.memory_space<semaphore_mem>> -> memref<!tpu.dma_semaphore, #tpu.memory_space<semaphore_mem>>
      tpu.wait_indirect_dma semaphore(%dma_wait3A_277 : memref<!tpu.dma_semaphore, #tpu.memory_space<semaphore_mem>>) src(%dma_wait3A_275 : memref<16384x1024xf32, #tpu.memory_space<hbm>>) dst(%dma_wait3A_269 : memref<48x1024xf32, #tpu.memory_space<vmem>>)
      %dma_start3A_278 = arith.constant 1 : i32
      %dma_start3A_279 = arith.constant 0 : i32
      %dma_start3A_280 = arith.constant 0 : i32
      %dma_start3A_281 = tpu.memref_slice %arg8[%rem3A_258, %dma_start3A_279, %dma_start3A_280] : memref<2x48x1024xf32, #tpu.memory_space<vmem>> -> memref<1x48x1024xf32, #tpu.memory_space<vmem>>
      %dma_start3A_282 = tpu.memref_squeeze %dma_start3A_281 : memref<1x48x1024xf32, #tpu.memory_space<vmem>> -> memref<48x1024xf32, #tpu.memory_space<vmem>>
      %dma_start3A_283 = arith.constant 0 : i32
      %dma_start3A_284 = tpu.memref_slice %arg9[%rem3A_258, %dma_start3A_278, %dma_start3A_283] : memref<2x2x48xi32, #tpu.memory_space<vmem>> -> memref<1x1x48xi32, #tpu.memory_space<vmem>>
      %dma_start3A_285 = tpu.memref_squeeze %dma_start3A_284 : memref<1x1x48xi32, #tpu.memory_space<vmem>> -> memref<48xi32, #tpu.memory_space<vmem>>
      %dma_start3A_286 = arith.constant 0 : i32
      %dma_start3A_287 = arith.constant 0 : i32
      %dma_start3A_288 = tpu.memref_slice %arg4[%dma_start3A_286, %dma_start3A_287] : memref<61440x1024xf32, #tpu.memory_space<hbm>> -> memref<61440x1024xf32, #tpu.memory_space<hbm>>
      %dma_start3A_289 = tpu.memref_slice %arg11[%rem3A_258] : memref<2x!tpu.dma_semaphore, #tpu.memory_space<semaphore_mem>> -> memref<1x!tpu.dma_semaphore, #tpu.memory_space<semaphore_mem>>
      %dma_start3A_290 = tpu.memref_squeeze %dma_start3A_289 : memref<1x!tpu.dma_semaphore, #tpu.memory_space<semaphore_mem>> -> memref<!tpu.dma_semaphore, #tpu.memory_space<semaphore_mem>>
      tpu.enqueue_indirect_dma source(%dma_start3A_282 : memref<48x1024xf32, #tpu.memory_space<vmem>>) target(%dma_start3A_288 : memref<61440x1024xf32, #tpu.memory_space<hbm>>) offsets(%dma_start3A_285 : memref<48xi32, #tpu.memory_space<vmem>>) semaphore(%dma_start3A_290 : memref<!tpu.dma_semaphore, #tpu.memory_space<semaphore_mem>>)
      %scan3A_291 = arith.constant 0 : i32
      scf.yield %scan3A_291 : i32
    }
    %scan3A_223 = arith.constant 11 : i32
    %rem3A_224 = arith.constant 11 : i32
    %rem3A_225 = arith.constant 2 : i32
    %rem3A_226 = arith.remsi %rem3A_224, %rem3A_225 : i32
    %dma_wait3A = arith.constant 1 : i32
    %dma_wait3A_227 = arith.constant 0 : i32
    %dma_wait3A_228 = arith.constant 0 : i32
    %dma_wait3A_229 = tpu.memref_slice %arg8[%rem3A_226, %dma_wait3A_227, %dma_wait3A_228] : memref<2x48x1024xf32, #tpu.memory_space<vmem>> -> memref<1x48x1024xf32, #tpu.memory_space<vmem>>
    %dma_wait3A_230 = tpu.memref_squeeze %dma_wait3A_229 : memref<1x48x1024xf32, #tpu.memory_space<vmem>> -> memref<48x1024xf32, #tpu.memory_space<vmem>>
    %dma_wait3A_231 = arith.constant 0 : i32
    %dma_wait3A_232 = tpu.memref_slice %arg9[%rem3A_226, %dma_wait3A, %dma_wait3A_231] : memref<2x2x48xi32, #tpu.memory_space<vmem>> -> memref<1x1x48xi32, #tpu.memory_space<vmem>>
    %dma_wait3A_233 = tpu.memref_squeeze %dma_wait3A_232 : memref<1x1x48xi32, #tpu.memory_space<vmem>> -> memref<48xi32, #tpu.memory_space<vmem>>
    %dma_wait3A_234 = arith.constant 0 : i32
    %dma_wait3A_235 = arith.constant 0 : i32
    %dma_wait3A_236 = tpu.memref_slice %arg4[%dma_wait3A_234, %dma_wait3A_235] : memref<61440x1024xf32, #tpu.memory_space<hbm>> -> memref<61440x1024xf32, #tpu.memory_space<hbm>>
    %dma_wait3A_237 = tpu.memref_slice %arg11[%rem3A_226] : memref<2x!tpu.dma_semaphore, #tpu.memory_space<semaphore_mem>> -> memref<1x!tpu.dma_semaphore, #tpu.memory_space<semaphore_mem>>
    %dma_wait3A_238 = tpu.memref_squeeze %dma_wait3A_237 : memref<1x!tpu.dma_semaphore, #tpu.memory_space<semaphore_mem>> -> memref<!tpu.dma_semaphore, #tpu.memory_space<semaphore_mem>>
    tpu.wait_indirect_dma semaphore(%dma_wait3A_238 : memref<!tpu.dma_semaphore, #tpu.memory_space<semaphore_mem>>) src(%dma_wait3A_230 : memref<48x1024xf32, #tpu.memory_space<vmem>>) dst(%dma_wait3A_236 : memref<61440x1024xf32, #tpu.memory_space<hbm>>)
    %rem3A_239 = arith.constant 10 : i32
    %rem3A_240 = arith.constant 2 : i32
    %rem3A_241 = arith.remsi %rem3A_239, %rem3A_240 : i32
    %dma_wait3A_242 = arith.constant 1 : i32
    %dma_wait3A_243 = arith.constant 0 : i32
    %dma_wait3A_244 = arith.constant 0 : i32
    %dma_wait3A_245 = tpu.memref_slice %arg8[%rem3A_241, %dma_wait3A_243, %dma_wait3A_244] : memref<2x48x1024xf32, #tpu.memory_space<vmem>> -> memref<1x48x1024xf32, #tpu.memory_space<vmem>>
    %dma_wait3A_246 = tpu.memref_squeeze %dma_wait3A_245 : memref<1x48x1024xf32, #tpu.memory_space<vmem>> -> memref<48x1024xf32, #tpu.memory_space<vmem>>
    %dma_wait3A_247 = arith.constant 0 : i32
    %dma_wait3A_248 = tpu.memref_slice %arg9[%rem3A_241, %dma_wait3A_242, %dma_wait3A_247] : memref<2x2x48xi32, #tpu.memory_space<vmem>> -> memref<1x1x48xi32, #tpu.memory_space<vmem>>
    %dma_wait3A_249 = tpu.memref_squeeze %dma_wait3A_248 : memref<1x1x48xi32, #tpu.memory_space<vmem>> -> memref<48xi32, #tpu.memory_space<vmem>>
    %dma_wait3A_250 = arith.constant 0 : i32
    %dma_wait3A_251 = arith.constant 0 : i32
    %dma_wait3A_252 = tpu.memref_slice %arg4[%dma_wait3A_250, %dma_wait3A_251] : memref<61440x1024xf32, #tpu.memory_space<hbm>> -> memref<61440x1024xf32, #tpu.memory_space<hbm>>
    %dma_wait3A_253 = tpu.memref_slice %arg11[%rem3A_241] : memref<2x!tpu.dma_semaphore, #tpu.memory_space<semaphore_mem>> -> memref<1x!tpu.dma_semaphore, #tpu.memory_space<semaphore_mem>>
    %dma_wait3A_254 = tpu.memref_squeeze %dma_wait3A_253 : memref<1x!tpu.dma_semaphore, #tpu.memory_space<semaphore_mem>> -> memref<!tpu.dma_semaphore, #tpu.memory_space<semaphore_mem>>
    tpu.wait_indirect_dma semaphore(%dma_wait3A_254 : memref<!tpu.dma_semaphore, #tpu.memory_space<semaphore_mem>>) src(%dma_wait3A_246 : memref<48x1024xf32, #tpu.memory_space<vmem>>) dst(%dma_wait3A_252 : memref<61440x1024xf32, #tpu.memory_space<hbm>>)
    return
  }
}

#map = affine_map<(d0, d1) -> (0)>
#map1 = affine_map<(d0, d1) -> (0, 0)>
module attributes {stable_mosaic.version = 14 : i64} {
  func.func @new_body(%arg0: i32, %arg1: i32, %arg2: memref<16384xi32, #tpu.memory_space<hbm>>, %arg3: memref<16384xi32, #tpu.memory_space<hbm>>, %arg4: memref<16384x256xf32, #tpu.memory_space<hbm>>, %arg5: memref<65536xf32, #tpu.memory_space<hbm>>, %arg6: memref<16384xf32, #tpu.memory_space<hbm>>, %arg7: memref<65536xf32, #tpu.memory_space<hbm>>, %arg8: memref<16384xf32, #tpu.memory_space<hbm>>, %arg9: memref<245760xf32, #tpu.memory_space<hbm>>, %arg10: memref<61440xf32, #tpu.memory_space<hbm>>, %arg11: memref<245760xf32, #tpu.memory_space<hbm>>, %arg12: memref<61440xf32, #tpu.memory_space<hbm>>, %arg13: memref<61440x256xf32, #tpu.memory_space<hbm>>, %arg14: memref<245760xf32, #tpu.memory_space<hbm>>, %arg15: memref<61440xf32, #tpu.memory_space<hbm>>, %arg16: memref<245760xf32, #tpu.memory_space<hbm>>, %arg17: memref<61440xf32, #tpu.memory_space<hbm>>, %arg18: memref<61440x256xf32, #tpu.memory_space<hbm>>, %arg19: memref<16384xi32, #tpu.memory_space<vmem>>, %arg20: memref<16384xi32, #tpu.memory_space<vmem>>, %arg21: memref<2x64x256xf32, #tpu.memory_space<vmem>>, %arg22: memref<2x2x64xi32, #tpu.memory_space<vmem>>, %arg23: memref<64xi32, #tpu.memory_space<vmem>>, %arg24: memref<16xi32, #tpu.memory_space<vmem>>, %arg25: memref<32768xf32, #tpu.memory_space<vmem>>, %arg26: memref<2080xf32, #tpu.memory_space<vmem>>, %arg27: memref<8192xf32, #tpu.memory_space<vmem>>, %arg28: memref<520xf32, #tpu.memory_space<vmem>>, %arg29: memref<2x!tpu.dma_semaphore, #tpu.memory_space<semaphore_mem>>, %arg30: memref<2x!tpu.dma_semaphore, #tpu.memory_space<semaphore_mem>>) attributes {dimension_semantics = [#tpu.dimension_semantics<core_parallel>, #tpu.dimension_semantics<subcore_parallel>], iteration_bounds = array<i64: 2, 16>, scalar_prefetch = 0 : i64, scratch_operands = 12 : i64, tpu.core_type = #tpu.core_type<sc_vector_subcore>, window_params = [{transform_indices = #map}, {transform_indices = #map}, {transform_indices = #map1}, {transform_indices = #map}, {transform_indices = #map}, {transform_indices = #map}, {transform_indices = #map}, {transform_indices = #map}, {transform_indices = #map}, {transform_indices = #map}, {transform_indices = #map}, {transform_indices = #map1}, {transform_indices = #map}, {transform_indices = #map}, {transform_indices = #map}, {transform_indices = #map}, {transform_indices = #map1}]} {
    %mul3A = arith.constant 2 : i32
    %mul3A_0 = arith.muli %arg1, %mul3A : i32
    %add3A = arith.addi %mul3A_0, %arg0 : i32
    "tpu.region"() ({
      %run_scoped3A = tpu.sem_alloc : memref<!tpu.dma_semaphore, #tpu.memory_space<semaphore_mem>>
      tpu.enqueue_dma source(%arg2 : memref<16384xi32, #tpu.memory_space<hbm>>) target(%arg19 : memref<16384xi32, #tpu.memory_space<vmem>>) target_semaphore(%run_scoped3A : memref<!tpu.dma_semaphore, #tpu.memory_space<semaphore_mem>>)
      tpu.wait_dma2 semaphore(%run_scoped3A : memref<!tpu.dma_semaphore, #tpu.memory_space<semaphore_mem>>) src(%arg2 : memref<16384xi32, #tpu.memory_space<hbm>>) dst(%arg19 : memref<16384xi32, #tpu.memory_space<vmem>>)
      tpu.yield
    }) : () -> ()
    "tpu.region"() ({
      %run_scoped3A = tpu.sem_alloc : memref<!tpu.dma_semaphore, #tpu.memory_space<semaphore_mem>>
      tpu.enqueue_dma source(%arg3 : memref<16384xi32, #tpu.memory_space<hbm>>) target(%arg20 : memref<16384xi32, #tpu.memory_space<vmem>>) target_semaphore(%run_scoped3A : memref<!tpu.dma_semaphore, #tpu.memory_space<semaphore_mem>>)
      tpu.wait_dma2 semaphore(%run_scoped3A : memref<!tpu.dma_semaphore, #tpu.memory_space<semaphore_mem>>) src(%arg3 : memref<16384xi32, #tpu.memory_space<hbm>>) dst(%arg20 : memref<16384xi32, #tpu.memory_space<vmem>>)
      tpu.yield
    }) : () -> ()
    %iota3A = tpu.iota {dimensions = array<i32: 0>} : vector<16xi32>
    %add3A_1 = arith.constant 0 : i32
    %add3A_2 = vector.broadcast %add3A_1 : i32 to vector<16xi32>
    %add3A_3 = arith.addi %add3A_2, %iota3A : vector<16xi32>
    %broadcast_in_dim3A = arith.constant 0 : i32
    %broadcast_in_dim3A_4 = vector.broadcast %broadcast_in_dim3A : i32 to vector<16xi32>
    %broadcast_in_dim3A_5 = arith.constant 16384 : i32
    %broadcast_in_dim3A_6 = vector.broadcast %broadcast_in_dim3A_5 : i32 to vector<16xi32>
    %scan3A = arith.constant 0 : i32
    %scan3A_7 = arith.constant 15 : i32
    %scan3A_8 = arith.addi %scan3A, %scan3A_7 : i32
    %scan3A_9 = arith.constant 1 : i32
    %scan3A_10:2 = scf.for %scan3A_330 = %scan3A to %scan3A_8 step %scan3A_9 iter_args(%scan3A_331 = %broadcast_in_dim3A_4, %scan3A_332 = %broadcast_in_dim3A_6) -> (vector<16xi32>, vector<16xi32>)  : i32 {
      %add3A_333 = arith.addi %scan3A_331, %scan3A_332 : vector<16xi32>
      %div3A_334 = arith.constant 2 : i32
      %div3A_335 = vector.broadcast %div3A_334 : i32 to vector<16xi32>
      %div3A_336 = arith.divsi %add3A_333, %div3A_335 : vector<16xi32>
      %min3A_337 = arith.constant 16383 : i32
      %min3A_338 = vector.broadcast %min3A_337 : i32 to vector<16xi32>
      %min3A_339 = arith.minsi %div3A_336, %min3A_338 : vector<16xi32>
      %gather3A_340 = tpu.vector_load_idx %arg19[%min3A_339] : memref<16384xi32, #tpu.memory_space<vmem>>[vector<16xi32>], vector<16xi32>,
      %lt3A = arith.cmpi slt, %scan3A_331, %scan3A_332 : vector<16xi32>
      %lt3A_341 = arith.cmpi slt, %gather3A_340, %add3A_3 : vector<16xi32>
      %and3A = arith.andi %lt3A, %lt3A_341 : vector<16xi1>
      %add3A_342 = arith.constant 1 : i32
      %add3A_343 = vector.broadcast %add3A_342 : i32 to vector<16xi32>
      %add3A_344 = arith.addi %div3A_336, %add3A_343 : vector<16xi32>
      %select_n3A = arith.select %and3A, %add3A_344, %scan3A_331 : vector<16xi1>, vector<16xi32>
      %not3A = arith.constant dense<true> : vector<16xi1>
      %not3A_345 = arith.xori %lt3A_341, %not3A : vector<16xi1>
      %and3A_346 = arith.andi %lt3A, %not3A_345 : vector<16xi1>
      %select_n3A_347 = arith.select %and3A_346, %div3A_336, %scan3A_332 : vector<16xi1>, vector<16xi32>
      scf.yield %select_n3A, %select_n3A_347 : vector<16xi32>, vector<16xi32>
    }
    %scan3A_11 = arith.constant 15 : i32
    %swap3A = arith.constant 0 : index
    %swap3A_12 = tpu.vector_load %arg23[%swap3A] {strides = array<i32>} : memref<64xi32, #tpu.memory_space<vmem>>, vector<16xi32>,
    tpu.vector_store %arg23[%swap3A], %scan3A_10#0 {strides = array<i32>} : memref<64xi32, #tpu.memory_space<vmem>>, vector<16xi32>,
    %iota3A_13 = tpu.iota {dimensions = array<i32: 0>} : vector<16xi32>
    %add3A_14 = arith.constant 16 : i32
    %add3A_15 = vector.broadcast %add3A_14 : i32 to vector<16xi32>
    %add3A_16 = arith.addi %add3A_15, %iota3A_13 : vector<16xi32>
    %broadcast_in_dim3A_17 = arith.constant 0 : i32
    %broadcast_in_dim3A_18 = vector.broadcast %broadcast_in_dim3A_17 : i32 to vector<16xi32>
    %broadcast_in_dim3A_19 = arith.constant 16384 : i32
    %broadcast_in_dim3A_20 = vector.broadcast %broadcast_in_dim3A_19 : i32 to vector<16xi32>
    %scan3A_21 = arith.constant 0 : i32
    %scan3A_22 = arith.constant 15 : i32
    %scan3A_23 = arith.addi %scan3A_21, %scan3A_22 : i32
    %scan3A_24 = arith.constant 1 : i32
    %scan3A_25:2 = scf.for %scan3A_330 = %scan3A_21 to %scan3A_23 step %scan3A_24 iter_args(%scan3A_331 = %broadcast_in_dim3A_18, %scan3A_332 = %broadcast_in_dim3A_20) -> (vector<16xi32>, vector<16xi32>)  : i32 {
      %add3A_333 = arith.addi %scan3A_331, %scan3A_332 : vector<16xi32>
      %div3A_334 = arith.constant 2 : i32
      %div3A_335 = vector.broadcast %div3A_334 : i32 to vector<16xi32>
      %div3A_336 = arith.divsi %add3A_333, %div3A_335 : vector<16xi32>
      %min3A_337 = arith.constant 16383 : i32
      %min3A_338 = vector.broadcast %min3A_337 : i32 to vector<16xi32>
      %min3A_339 = arith.minsi %div3A_336, %min3A_338 : vector<16xi32>
      %gather3A_340 = tpu.vector_load_idx %arg19[%min3A_339] : memref<16384xi32, #tpu.memory_space<vmem>>[vector<16xi32>], vector<16xi32>,
      %lt3A = arith.cmpi slt, %scan3A_331, %scan3A_332 : vector<16xi32>
      %lt3A_341 = arith.cmpi slt, %gather3A_340, %add3A_16 : vector<16xi32>
      %and3A = arith.andi %lt3A, %lt3A_341 : vector<16xi1>
      %add3A_342 = arith.constant 1 : i32
      %add3A_343 = vector.broadcast %add3A_342 : i32 to vector<16xi32>
      %add3A_344 = arith.addi %div3A_336, %add3A_343 : vector<16xi32>
      %select_n3A = arith.select %and3A, %add3A_344, %scan3A_331 : vector<16xi1>, vector<16xi32>
      %not3A = arith.constant dense<true> : vector<16xi1>
      %not3A_345 = arith.xori %lt3A_341, %not3A : vector<16xi1>
      %and3A_346 = arith.andi %lt3A, %not3A_345 : vector<16xi1>
      %select_n3A_347 = arith.select %and3A_346, %div3A_336, %scan3A_332 : vector<16xi1>, vector<16xi32>
      scf.yield %select_n3A, %select_n3A_347 : vector<16xi32>, vector<16xi32>
    }
    %scan3A_26 = arith.constant 15 : i32
    %swap3A_27 = arith.constant 16 : index
    %swap3A_28 = tpu.vector_load %arg23[%swap3A_27] {strides = array<i32>} : memref<64xi32, #tpu.memory_space<vmem>>, vector<16xi32>,
    tpu.vector_store %arg23[%swap3A_27], %scan3A_25#0 {strides = array<i32>} : memref<64xi32, #tpu.memory_space<vmem>>, vector<16xi32>,
    %iota3A_29 = tpu.iota {dimensions = array<i32: 0>} : vector<16xi32>
    %add3A_30 = arith.constant 32 : i32
    %add3A_31 = vector.broadcast %add3A_30 : i32 to vector<16xi32>
    %add3A_32 = arith.addi %add3A_31, %iota3A_29 : vector<16xi32>
    %broadcast_in_dim3A_33 = arith.constant 0 : i32
    %broadcast_in_dim3A_34 = vector.broadcast %broadcast_in_dim3A_33 : i32 to vector<16xi32>
    %broadcast_in_dim3A_35 = arith.constant 16384 : i32
    %broadcast_in_dim3A_36 = vector.broadcast %broadcast_in_dim3A_35 : i32 to vector<16xi32>
    %scan3A_37 = arith.constant 0 : i32
    %scan3A_38 = arith.constant 15 : i32
    %scan3A_39 = arith.addi %scan3A_37, %scan3A_38 : i32
    %scan3A_40 = arith.constant 1 : i32
    %scan3A_41:2 = scf.for %scan3A_330 = %scan3A_37 to %scan3A_39 step %scan3A_40 iter_args(%scan3A_331 = %broadcast_in_dim3A_34, %scan3A_332 = %broadcast_in_dim3A_36) -> (vector<16xi32>, vector<16xi32>)  : i32 {
      %add3A_333 = arith.addi %scan3A_331, %scan3A_332 : vector<16xi32>
      %div3A_334 = arith.constant 2 : i32
      %div3A_335 = vector.broadcast %div3A_334 : i32 to vector<16xi32>
      %div3A_336 = arith.divsi %add3A_333, %div3A_335 : vector<16xi32>
      %min3A_337 = arith.constant 16383 : i32
      %min3A_338 = vector.broadcast %min3A_337 : i32 to vector<16xi32>
      %min3A_339 = arith.minsi %div3A_336, %min3A_338 : vector<16xi32>
      %gather3A_340 = tpu.vector_load_idx %arg19[%min3A_339] : memref<16384xi32, #tpu.memory_space<vmem>>[vector<16xi32>], vector<16xi32>,
      %lt3A = arith.cmpi slt, %scan3A_331, %scan3A_332 : vector<16xi32>
      %lt3A_341 = arith.cmpi slt, %gather3A_340, %add3A_32 : vector<16xi32>
      %and3A = arith.andi %lt3A, %lt3A_341 : vector<16xi1>
      %add3A_342 = arith.constant 1 : i32
      %add3A_343 = vector.broadcast %add3A_342 : i32 to vector<16xi32>
      %add3A_344 = arith.addi %div3A_336, %add3A_343 : vector<16xi32>
      %select_n3A = arith.select %and3A, %add3A_344, %scan3A_331 : vector<16xi1>, vector<16xi32>
      %not3A = arith.constant dense<true> : vector<16xi1>
      %not3A_345 = arith.xori %lt3A_341, %not3A : vector<16xi1>
      %and3A_346 = arith.andi %lt3A, %not3A_345 : vector<16xi1>
      %select_n3A_347 = arith.select %and3A_346, %div3A_336, %scan3A_332 : vector<16xi1>, vector<16xi32>
      scf.yield %select_n3A, %select_n3A_347 : vector<16xi32>, vector<16xi32>
    }
    %scan3A_42 = arith.constant 15 : i32
    %swap3A_43 = arith.constant 32 : index
    %swap3A_44 = tpu.vector_load %arg23[%swap3A_43] {strides = array<i32>} : memref<64xi32, #tpu.memory_space<vmem>>, vector<16xi32>,
    tpu.vector_store %arg23[%swap3A_43], %scan3A_41#0 {strides = array<i32>} : memref<64xi32, #tpu.memory_space<vmem>>, vector<16xi32>,
    %iota3A_45 = tpu.iota {dimensions = array<i32: 0>} : vector<16xi32>
    %add3A_46 = arith.constant 48 : i32
    %add3A_47 = vector.broadcast %add3A_46 : i32 to vector<16xi32>
    %add3A_48 = arith.addi %add3A_47, %iota3A_45 : vector<16xi32>
    %broadcast_in_dim3A_49 = arith.constant 0 : i32
    %broadcast_in_dim3A_50 = vector.broadcast %broadcast_in_dim3A_49 : i32 to vector<16xi32>
    %broadcast_in_dim3A_51 = arith.constant 16384 : i32
    %broadcast_in_dim3A_52 = vector.broadcast %broadcast_in_dim3A_51 : i32 to vector<16xi32>
    %scan3A_53 = arith.constant 0 : i32
    %scan3A_54 = arith.constant 15 : i32
    %scan3A_55 = arith.addi %scan3A_53, %scan3A_54 : i32
    %scan3A_56 = arith.constant 1 : i32
    %scan3A_57:2 = scf.for %scan3A_330 = %scan3A_53 to %scan3A_55 step %scan3A_56 iter_args(%scan3A_331 = %broadcast_in_dim3A_50, %scan3A_332 = %broadcast_in_dim3A_52) -> (vector<16xi32>, vector<16xi32>)  : i32 {
      %add3A_333 = arith.addi %scan3A_331, %scan3A_332 : vector<16xi32>
      %div3A_334 = arith.constant 2 : i32
      %div3A_335 = vector.broadcast %div3A_334 : i32 to vector<16xi32>
      %div3A_336 = arith.divsi %add3A_333, %div3A_335 : vector<16xi32>
      %min3A_337 = arith.constant 16383 : i32
      %min3A_338 = vector.broadcast %min3A_337 : i32 to vector<16xi32>
      %min3A_339 = arith.minsi %div3A_336, %min3A_338 : vector<16xi32>
      %gather3A_340 = tpu.vector_load_idx %arg19[%min3A_339] : memref<16384xi32, #tpu.memory_space<vmem>>[vector<16xi32>], vector<16xi32>,
      %lt3A = arith.cmpi slt, %scan3A_331, %scan3A_332 : vector<16xi32>
      %lt3A_341 = arith.cmpi slt, %gather3A_340, %add3A_48 : vector<16xi32>
      %and3A = arith.andi %lt3A, %lt3A_341 : vector<16xi1>
      %add3A_342 = arith.constant 1 : i32
      %add3A_343 = vector.broadcast %add3A_342 : i32 to vector<16xi32>
      %add3A_344 = arith.addi %div3A_336, %add3A_343 : vector<16xi32>
      %select_n3A = arith.select %and3A, %add3A_344, %scan3A_331 : vector<16xi1>, vector<16xi32>
      %not3A = arith.constant dense<true> : vector<16xi1>
      %not3A_345 = arith.xori %lt3A_341, %not3A : vector<16xi1>
      %and3A_346 = arith.andi %lt3A, %not3A_345 : vector<16xi1>
      %select_n3A_347 = arith.select %and3A_346, %div3A_336, %scan3A_332 : vector<16xi1>, vector<16xi32>
      scf.yield %select_n3A, %select_n3A_347 : vector<16xi32>, vector<16xi32>
    }
    %scan3A_58 = arith.constant 15 : i32
    %swap3A_59 = arith.constant 48 : index
    %swap3A_60 = tpu.vector_load %arg23[%swap3A_59] {strides = array<i32>} : memref<64xi32, #tpu.memory_space<vmem>>, vector<16xi32>,
    tpu.vector_store %arg23[%swap3A_59], %scan3A_57#0 {strides = array<i32>} : memref<64xi32, #tpu.memory_space<vmem>>, vector<16xi32>,
    %mul3A_61 = arith.constant 512 : i32
    %mul3A_62 = arith.muli %add3A, %mul3A_61 : i32
    %iota3A_63 = tpu.iota {dimensions = array<i32: 0>} : vector<16xi32>
    %add3A_64 = arith.constant 0 : i32
    %add3A_65 = vector.broadcast %add3A_64 : i32 to vector<16xi32>
    %add3A_66 = arith.addi %add3A_65, %iota3A_63 : vector<16xi32>
    %min3A = arith.constant 511 : i32
    %min3A_67 = vector.broadcast %min3A : i32 to vector<16xi32>
    %min3A_68 = arith.minsi %add3A_66, %min3A_67 : vector<16xi32>
    %add3A_69 = vector.broadcast %mul3A_62 : i32 to vector<16xi32>
    %add3A_70 = arith.addi %add3A_69, %min3A_68 : vector<16xi32>
    %gather3A = tpu.vector_load_idx %arg19[%add3A_70] : memref<16384xi32, #tpu.memory_space<vmem>>[vector<16xi32>], vector<16xi32>,
    %gather3A_71 = tpu.vector_load_idx %arg23[%gather3A] : memref<64xi32, #tpu.memory_space<vmem>>[vector<16xi32>], vector<16xi32>,
    %add3A_72 = arith.constant 1 : i32
    %add3A_73 = vector.broadcast %add3A_72 : i32 to vector<16xi32>
    %add3A_74 = arith.addi %gather3A, %add3A_73 : vector<16xi32>
    %gather3A_75 = tpu.vector_load_idx %arg23[%add3A_74] : memref<64xi32, #tpu.memory_space<vmem>>[vector<16xi32>], vector<16xi32>,
    %sub3A = arith.subi %add3A_70, %gather3A_71 : vector<16xi32>
    %rem3A = arith.constant 1024 : i32
    %rem3A_76 = vector.broadcast %rem3A : i32 to vector<16xi32>
    %rem3A_77 = arith.remsi %sub3A, %rem3A_76 : vector<16xi32>
    %add3A_78 = arith.addi %gather3A_71, %rem3A_77 : vector<16xi32>
    %sub3A_79 = arith.subi %gather3A_75, %gather3A_71 : vector<16xi32>
    %sub3A_80 = arith.constant 1 : i32
    %sub3A_81 = vector.broadcast %sub3A_80 : i32 to vector<16xi32>
    %sub3A_82 = arith.subi %sub3A_79, %sub3A_81 : vector<16xi32>
    %sub3A_83 = arith.subi %sub3A_82, %rem3A_77 : vector<16xi32>
    %div3A = arith.constant 1024 : i32
    %div3A_84 = vector.broadcast %div3A : i32 to vector<16xi32>
    %div3A_85 = arith.divsi %sub3A_83, %div3A_84 : vector<16xi32>
    %mul3A_86 = arith.constant 1024 : i32
    %mul3A_87 = vector.broadcast %mul3A_86 : i32 to vector<16xi32>
    %mul3A_88 = arith.muli %mul3A_87, %div3A_85 : vector<16xi32>
    %add3A_89 = arith.addi %add3A_78, %mul3A_88 : vector<16xi32>
    %mul3A_90 = arith.constant 1024 : i32
    %mul3A_91 = vector.broadcast %mul3A_90 : i32 to vector<16xi32>
    %mul3A_92 = arith.muli %gather3A, %mul3A_91 : vector<16xi32>
    %add3A_93 = arith.addi %mul3A_92, %rem3A_77 : vector<16xi32>
    %swap3A_94 = arith.constant 0 : i32
    %swap3A_95 = arith.constant 0 : i32
    %swap3A_96 = arith.index_cast %swap3A_94 : i32 to index
    %swap3A_97 = arith.index_cast %swap3A_95 : i32 to index
    %swap3A_98 = arith.constant 0 : index
    %swap3A_99 = tpu.vector_load %arg22[%swap3A_96, %swap3A_97, %swap3A_98] {strides = array<i32>} : memref<2x2x64xi32, #tpu.memory_space<vmem>>, vector<16xi32>,
    tpu.vector_store %arg22[%swap3A_96, %swap3A_97, %swap3A_98], %add3A_89 {strides = array<i32>} : memref<2x2x64xi32, #tpu.memory_space<vmem>>, vector<16xi32>,
    %swap3A_100 = arith.constant 0 : i32
    %swap3A_101 = arith.constant 1 : i32
    %swap3A_102 = arith.index_cast %swap3A_100 : i32 to index
    %swap3A_103 = arith.index_cast %swap3A_101 : i32 to index
    %swap3A_104 = arith.constant 0 : index
    %swap3A_105 = tpu.vector_load %arg22[%swap3A_102, %swap3A_103, %swap3A_104] {strides = array<i32>} : memref<2x2x64xi32, #tpu.memory_space<vmem>>, vector<16xi32>,
    tpu.vector_store %arg22[%swap3A_102, %swap3A_103, %swap3A_104], %add3A_93 {strides = array<i32>} : memref<2x2x64xi32, #tpu.memory_space<vmem>>, vector<16xi32>,
    %iota3A_106 = tpu.iota {dimensions = array<i32: 0>} : vector<16xi32>
    %add3A_107 = arith.constant 16 : i32
    %add3A_108 = vector.broadcast %add3A_107 : i32 to vector<16xi32>
    %add3A_109 = arith.addi %add3A_108, %iota3A_106 : vector<16xi32>
    %min3A_110 = arith.constant 511 : i32
    %min3A_111 = vector.broadcast %min3A_110 : i32 to vector<16xi32>
    %min3A_112 = arith.minsi %add3A_109, %min3A_111 : vector<16xi32>
    %add3A_113 = vector.broadcast %mul3A_62 : i32 to vector<16xi32>
    %add3A_114 = arith.addi %add3A_113, %min3A_112 : vector<16xi32>
    %gather3A_115 = tpu.vector_load_idx %arg19[%add3A_114] : memref<16384xi32, #tpu.memory_space<vmem>>[vector<16xi32>], vector<16xi32>,
    %gather3A_116 = tpu.vector_load_idx %arg23[%gather3A_115] : memref<64xi32, #tpu.memory_space<vmem>>[vector<16xi32>], vector<16xi32>,
    %add3A_117 = arith.constant 1 : i32
    %add3A_118 = vector.broadcast %add3A_117 : i32 to vector<16xi32>
    %add3A_119 = arith.addi %gather3A_115, %add3A_118 : vector<16xi32>
    %gather3A_120 = tpu.vector_load_idx %arg23[%add3A_119] : memref<64xi32, #tpu.memory_space<vmem>>[vector<16xi32>], vector<16xi32>,
    %sub3A_121 = arith.subi %add3A_114, %gather3A_116 : vector<16xi32>
    %rem3A_122 = arith.constant 1024 : i32
    %rem3A_123 = vector.broadcast %rem3A_122 : i32 to vector<16xi32>
    %rem3A_124 = arith.remsi %sub3A_121, %rem3A_123 : vector<16xi32>
    %add3A_125 = arith.addi %gather3A_116, %rem3A_124 : vector<16xi32>
    %sub3A_126 = arith.subi %gather3A_120, %gather3A_116 : vector<16xi32>
    %sub3A_127 = arith.constant 1 : i32
    %sub3A_128 = vector.broadcast %sub3A_127 : i32 to vector<16xi32>
    %sub3A_129 = arith.subi %sub3A_126, %sub3A_128 : vector<16xi32>
    %sub3A_130 = arith.subi %sub3A_129, %rem3A_124 : vector<16xi32>
    %div3A_131 = arith.constant 1024 : i32
    %div3A_132 = vector.broadcast %div3A_131 : i32 to vector<16xi32>
    %div3A_133 = arith.divsi %sub3A_130, %div3A_132 : vector<16xi32>
    %mul3A_134 = arith.constant 1024 : i32
    %mul3A_135 = vector.broadcast %mul3A_134 : i32 to vector<16xi32>
    %mul3A_136 = arith.muli %mul3A_135, %div3A_133 : vector<16xi32>
    %add3A_137 = arith.addi %add3A_125, %mul3A_136 : vector<16xi32>
    %mul3A_138 = arith.constant 1024 : i32
    %mul3A_139 = vector.broadcast %mul3A_138 : i32 to vector<16xi32>
    %mul3A_140 = arith.muli %gather3A_115, %mul3A_139 : vector<16xi32>
    %add3A_141 = arith.addi %mul3A_140, %rem3A_124 : vector<16xi32>
    %swap3A_142 = arith.constant 0 : i32
    %swap3A_143 = arith.constant 0 : i32
    %swap3A_144 = arith.index_cast %swap3A_142 : i32 to index
    %swap3A_145 = arith.index_cast %swap3A_143 : i32 to index
    %swap3A_146 = arith.constant 16 : index
    %swap3A_147 = tpu.vector_load %arg22[%swap3A_144, %swap3A_145, %swap3A_146] {strides = array<i32>} : memref<2x2x64xi32, #tpu.memory_space<vmem>>, vector<16xi32>,
    tpu.vector_store %arg22[%swap3A_144, %swap3A_145, %swap3A_146], %add3A_137 {strides = array<i32>} : memref<2x2x64xi32, #tpu.memory_space<vmem>>, vector<16xi32>,
    %swap3A_148 = arith.constant 0 : i32
    %swap3A_149 = arith.constant 1 : i32
    %swap3A_150 = arith.index_cast %swap3A_148 : i32 to index
    %swap3A_151 = arith.index_cast %swap3A_149 : i32 to index
    %swap3A_152 = arith.constant 16 : index
    %swap3A_153 = tpu.vector_load %arg22[%swap3A_150, %swap3A_151, %swap3A_152] {strides = array<i32>} : memref<2x2x64xi32, #tpu.memory_space<vmem>>, vector<16xi32>,
    tpu.vector_store %arg22[%swap3A_150, %swap3A_151, %swap3A_152], %add3A_141 {strides = array<i32>} : memref<2x2x64xi32, #tpu.memory_space<vmem>>, vector<16xi32>,
    %iota3A_154 = tpu.iota {dimensions = array<i32: 0>} : vector<16xi32>
    %add3A_155 = arith.constant 32 : i32
    %add3A_156 = vector.broadcast %add3A_155 : i32 to vector<16xi32>
    %add3A_157 = arith.addi %add3A_156, %iota3A_154 : vector<16xi32>
    %min3A_158 = arith.constant 511 : i32
    %min3A_159 = vector.broadcast %min3A_158 : i32 to vector<16xi32>
    %min3A_160 = arith.minsi %add3A_157, %min3A_159 : vector<16xi32>
    %add3A_161 = vector.broadcast %mul3A_62 : i32 to vector<16xi32>
    %add3A_162 = arith.addi %add3A_161, %min3A_160 : vector<16xi32>
    %gather3A_163 = tpu.vector_load_idx %arg19[%add3A_162] : memref<16384xi32, #tpu.memory_space<vmem>>[vector<16xi32>], vector<16xi32>,
    %gather3A_164 = tpu.vector_load_idx %arg23[%gather3A_163] : memref<64xi32, #tpu.memory_space<vmem>>[vector<16xi32>], vector<16xi32>,
    %add3A_165 = arith.constant 1 : i32
    %add3A_166 = vector.broadcast %add3A_165 : i32 to vector<16xi32>
    %add3A_167 = arith.addi %gather3A_163, %add3A_166 : vector<16xi32>
    %gather3A_168 = tpu.vector_load_idx %arg23[%add3A_167] : memref<64xi32, #tpu.memory_space<vmem>>[vector<16xi32>], vector<16xi32>,
    %sub3A_169 = arith.subi %add3A_162, %gather3A_164 : vector<16xi32>
    %rem3A_170 = arith.constant 1024 : i32
    %rem3A_171 = vector.broadcast %rem3A_170 : i32 to vector<16xi32>
    %rem3A_172 = arith.remsi %sub3A_169, %rem3A_171 : vector<16xi32>
    %add3A_173 = arith.addi %gather3A_164, %rem3A_172 : vector<16xi32>
    %sub3A_174 = arith.subi %gather3A_168, %gather3A_164 : vector<16xi32>
    %sub3A_175 = arith.constant 1 : i32
    %sub3A_176 = vector.broadcast %sub3A_175 : i32 to vector<16xi32>
    %sub3A_177 = arith.subi %sub3A_174, %sub3A_176 : vector<16xi32>
    %sub3A_178 = arith.subi %sub3A_177, %rem3A_172 : vector<16xi32>
    %div3A_179 = arith.constant 1024 : i32
    %div3A_180 = vector.broadcast %div3A_179 : i32 to vector<16xi32>
    %div3A_181 = arith.divsi %sub3A_178, %div3A_180 : vector<16xi32>
    %mul3A_182 = arith.constant 1024 : i32
    %mul3A_183 = vector.broadcast %mul3A_182 : i32 to vector<16xi32>
    %mul3A_184 = arith.muli %mul3A_183, %div3A_181 : vector<16xi32>
    %add3A_185 = arith.addi %add3A_173, %mul3A_184 : vector<16xi32>
    %mul3A_186 = arith.constant 1024 : i32
    %mul3A_187 = vector.broadcast %mul3A_186 : i32 to vector<16xi32>
    %mul3A_188 = arith.muli %gather3A_163, %mul3A_187 : vector<16xi32>
    %add3A_189 = arith.addi %mul3A_188, %rem3A_172 : vector<16xi32>
    %swap3A_190 = arith.constant 0 : i32
    %swap3A_191 = arith.constant 0 : i32
    %swap3A_192 = arith.index_cast %swap3A_190 : i32 to index
    %swap3A_193 = arith.index_cast %swap3A_191 : i32 to index
    %swap3A_194 = arith.constant 32 : index
    %swap3A_195 = tpu.vector_load %arg22[%swap3A_192, %swap3A_193, %swap3A_194] {strides = array<i32>} : memref<2x2x64xi32, #tpu.memory_space<vmem>>, vector<16xi32>,
    tpu.vector_store %arg22[%swap3A_192, %swap3A_193, %swap3A_194], %add3A_185 {strides = array<i32>} : memref<2x2x64xi32, #tpu.memory_space<vmem>>, vector<16xi32>,
    %swap3A_196 = arith.constant 0 : i32
    %swap3A_197 = arith.constant 1 : i32
    %swap3A_198 = arith.index_cast %swap3A_196 : i32 to index
    %swap3A_199 = arith.index_cast %swap3A_197 : i32 to index
    %swap3A_200 = arith.constant 32 : index
    %swap3A_201 = tpu.vector_load %arg22[%swap3A_198, %swap3A_199, %swap3A_200] {strides = array<i32>} : memref<2x2x64xi32, #tpu.memory_space<vmem>>, vector<16xi32>,
    tpu.vector_store %arg22[%swap3A_198, %swap3A_199, %swap3A_200], %add3A_189 {strides = array<i32>} : memref<2x2x64xi32, #tpu.memory_space<vmem>>, vector<16xi32>,
    %iota3A_202 = tpu.iota {dimensions = array<i32: 0>} : vector<16xi32>
    %add3A_203 = arith.constant 48 : i32
    %add3A_204 = vector.broadcast %add3A_203 : i32 to vector<16xi32>
    %add3A_205 = arith.addi %add3A_204, %iota3A_202 : vector<16xi32>
    %min3A_206 = arith.constant 511 : i32
    %min3A_207 = vector.broadcast %min3A_206 : i32 to vector<16xi32>
    %min3A_208 = arith.minsi %add3A_205, %min3A_207 : vector<16xi32>
    %add3A_209 = vector.broadcast %mul3A_62 : i32 to vector<16xi32>
    %add3A_210 = arith.addi %add3A_209, %min3A_208 : vector<16xi32>
    %gather3A_211 = tpu.vector_load_idx %arg19[%add3A_210] : memref<16384xi32, #tpu.memory_space<vmem>>[vector<16xi32>], vector<16xi32>,
    %gather3A_212 = tpu.vector_load_idx %arg23[%gather3A_211] : memref<64xi32, #tpu.memory_space<vmem>>[vector<16xi32>], vector<16xi32>,
    %add3A_213 = arith.constant 1 : i32
    %add3A_214 = vector.broadcast %add3A_213 : i32 to vector<16xi32>
    %add3A_215 = arith.addi %gather3A_211, %add3A_214 : vector<16xi32>
    %gather3A_216 = tpu.vector_load_idx %arg23[%add3A_215] : memref<64xi32, #tpu.memory_space<vmem>>[vector<16xi32>], vector<16xi32>,
    %sub3A_217 = arith.subi %add3A_210, %gather3A_212 : vector<16xi32>
    %rem3A_218 = arith.constant 1024 : i32
    %rem3A_219 = vector.broadcast %rem3A_218 : i32 to vector<16xi32>
    %rem3A_220 = arith.remsi %sub3A_217, %rem3A_219 : vector<16xi32>
    %add3A_221 = arith.addi %gather3A_212, %rem3A_220 : vector<16xi32>
    %sub3A_222 = arith.subi %gather3A_216, %gather3A_212 : vector<16xi32>
    %sub3A_223 = arith.constant 1 : i32
    %sub3A_224 = vector.broadcast %sub3A_223 : i32 to vector<16xi32>
    %sub3A_225 = arith.subi %sub3A_222, %sub3A_224 : vector<16xi32>
    %sub3A_226 = arith.subi %sub3A_225, %rem3A_220 : vector<16xi32>
    %div3A_227 = arith.constant 1024 : i32
    %div3A_228 = vector.broadcast %div3A_227 : i32 to vector<16xi32>
    %div3A_229 = arith.divsi %sub3A_226, %div3A_228 : vector<16xi32>
    %mul3A_230 = arith.constant 1024 : i32
    %mul3A_231 = vector.broadcast %mul3A_230 : i32 to vector<16xi32>
    %mul3A_232 = arith.muli %mul3A_231, %div3A_229 : vector<16xi32>
    %add3A_233 = arith.addi %add3A_221, %mul3A_232 : vector<16xi32>
    %mul3A_234 = arith.constant 1024 : i32
    %mul3A_235 = vector.broadcast %mul3A_234 : i32 to vector<16xi32>
    %mul3A_236 = arith.muli %gather3A_211, %mul3A_235 : vector<16xi32>
    %add3A_237 = arith.addi %mul3A_236, %rem3A_220 : vector<16xi32>
    %swap3A_238 = arith.constant 0 : i32
    %swap3A_239 = arith.constant 0 : i32
    %swap3A_240 = arith.index_cast %swap3A_238 : i32 to index
    %swap3A_241 = arith.index_cast %swap3A_239 : i32 to index
    %swap3A_242 = arith.constant 48 : index
    %swap3A_243 = tpu.vector_load %arg22[%swap3A_240, %swap3A_241, %swap3A_242] {strides = array<i32>} : memref<2x2x64xi32, #tpu.memory_space<vmem>>, vector<16xi32>,
    tpu.vector_store %arg22[%swap3A_240, %swap3A_241, %swap3A_242], %add3A_233 {strides = array<i32>} : memref<2x2x64xi32, #tpu.memory_space<vmem>>, vector<16xi32>,
    %swap3A_244 = arith.constant 0 : i32
    %swap3A_245 = arith.constant 1 : i32
    %swap3A_246 = arith.index_cast %swap3A_244 : i32 to index
    %swap3A_247 = arith.index_cast %swap3A_245 : i32 to index
    %swap3A_248 = arith.constant 48 : index
    %swap3A_249 = tpu.vector_load %arg22[%swap3A_246, %swap3A_247, %swap3A_248] {strides = array<i32>} : memref<2x2x64xi32, #tpu.memory_space<vmem>>, vector<16xi32>,
    tpu.vector_store %arg22[%swap3A_246, %swap3A_247, %swap3A_248], %add3A_237 {strides = array<i32>} : memref<2x2x64xi32, #tpu.memory_space<vmem>>, vector<16xi32>,
    %dma_start3A = arith.constant 0 : i32
    %dma_start3A_250 = arith.constant 0 : i32
    %dma_start3A_251 = arith.constant 0 : i32
    %dma_start3A_252 = arith.constant 0 : i32
    %dma_start3A_253 = arith.constant 0 : i32
    %dma_start3A_254 = arith.constant 0 : i32
    %dma_start3A_255 = tpu.memref_slice %arg21[%dma_start3A_251, %dma_start3A_253, %dma_start3A_254] : memref<2x64x256xf32, #tpu.memory_space<vmem>> -> memref<1x64x256xf32, #tpu.memory_space<vmem>>
    %dma_start3A_256 = tpu.memref_squeeze %dma_start3A_255 : memref<1x64x256xf32, #tpu.memory_space<vmem>> -> memref<64x256xf32, #tpu.memory_space<vmem>>
    %dma_start3A_257 = arith.constant 0 : i32
    %dma_start3A_258 = tpu.memref_slice %arg22[%dma_start3A, %dma_start3A_250, %dma_start3A_257] : memref<2x2x64xi32, #tpu.memory_space<vmem>> -> memref<1x1x64xi32, #tpu.memory_space<vmem>>
    %dma_start3A_259 = tpu.memref_squeeze %dma_start3A_258 : memref<1x1x64xi32, #tpu.memory_space<vmem>> -> memref<64xi32, #tpu.memory_space<vmem>>
    %dma_start3A_260 = arith.constant 0 : i32
    %dma_start3A_261 = arith.constant 0 : i32
    %dma_start3A_262 = tpu.memref_slice %arg4[%dma_start3A_260, %dma_start3A_261] : memref<16384x256xf32, #tpu.memory_space<hbm>> -> memref<16384x256xf32, #tpu.memory_space<hbm>>
    %dma_start3A_263 = tpu.memref_slice %arg29[%dma_start3A_252] : memref<2x!tpu.dma_semaphore, #tpu.memory_space<semaphore_mem>> -> memref<1x!tpu.dma_semaphore, #tpu.memory_space<semaphore_mem>>
    %dma_start3A_264 = tpu.memref_squeeze %dma_start3A_263 : memref<1x!tpu.dma_semaphore, #tpu.memory_space<semaphore_mem>> -> memref<!tpu.dma_semaphore, #tpu.memory_space<semaphore_mem>>
    tpu.enqueue_indirect_dma source(%dma_start3A_262 : memref<16384x256xf32, #tpu.memory_space<hbm>>) target(%dma_start3A_256 : memref<64x256xf32, #tpu.memory_space<vmem>>) offsets(%dma_start3A_259 : memref<64xi32, #tpu.memory_space<vmem>>) semaphore(%dma_start3A_264 : memref<!tpu.dma_semaphore, #tpu.memory_space<semaphore_mem>>)
    %scan3A_265 = arith.constant 0 : i32
    %scan3A_266 = arith.constant 0 : i32
    %scan3A_267 = arith.constant 8 : i32
    %scan3A_268 = arith.addi %scan3A_266, %scan3A_267 : i32
    %scan3A_269 = arith.constant 1 : i32
    %scan3A_270 = scf.for %scan3A_330 = %scan3A_266 to %scan3A_268 step %scan3A_269 iter_args(%scan3A_331 = %scan3A_265) -> (i32)  : i32 {
      %rem3A_332 = arith.constant 2 : i32
      %rem3A_333 = arith.remsi %scan3A_330, %rem3A_332 : i32
      %sub3A_334 = arith.constant 1 : i32
      %sub3A_335 = arith.subi %sub3A_334, %rem3A_333 : i32
      %add3A_336 = arith.constant 1 : i32
      %add3A_337 = arith.addi %scan3A_330, %add3A_336 : i32
      %lt3A = arith.constant 8 : i32
      %lt3A_338 = arith.cmpi slt, %add3A_337, %lt3A : i32
      %convert_element_type3A_339 = arith.extui %lt3A_338 : i1 to i32
      %cond3A_340 = arith.constant 0 : i32
      %cond3A_341 = arith.cmpi ne, %convert_element_type3A_339, %cond3A_340 : i32
      scf.if %cond3A_341 {
        %ge3A = arith.constant 1 : i32
        %ge3A_369 = arith.cmpi sge, %scan3A_330, %ge3A : i32
        %convert_element_type3A_370 = arith.extui %ge3A_369 : i1 to i32
        %cond3A_371 = arith.constant 0 : i32
        %cond3A_372 = arith.cmpi ne, %convert_element_type3A_370, %cond3A_371 : i32
        scf.if %cond3A_372 {
          %dma_wait3A_584 = arith.constant 1 : i32
          %dma_wait3A_585 = arith.constant 0 : i32
          %dma_wait3A_586 = arith.constant 0 : i32
          %dma_wait3A_587 = tpu.memref_slice %arg21[%sub3A_335, %dma_wait3A_585, %dma_wait3A_586] : memref<2x64x256xf32, #tpu.memory_space<vmem>> -> memref<1x64x256xf32, #tpu.memory_space<vmem>>
          %dma_wait3A_588 = tpu.memref_squeeze %dma_wait3A_587 : memref<1x64x256xf32, #tpu.memory_space<vmem>> -> memref<64x256xf32, #tpu.memory_space<vmem>>
          %dma_wait3A_589 = arith.constant 0 : i32
          %dma_wait3A_590 = tpu.memref_slice %arg22[%sub3A_335, %dma_wait3A_584, %dma_wait3A_589] : memref<2x2x64xi32, #tpu.memory_space<vmem>> -> memref<1x1x64xi32, #tpu.memory_space<vmem>>
          %dma_wait3A_591 = tpu.memref_squeeze %dma_wait3A_590 : memref<1x1x64xi32, #tpu.memory_space<vmem>> -> memref<64xi32, #tpu.memory_space<vmem>>
          %dma_wait3A_592 = arith.constant 0 : i32
          %dma_wait3A_593 = arith.constant 0 : i32
          %dma_wait3A_594 = tpu.memref_slice %arg13[%dma_wait3A_592, %dma_wait3A_593] : memref<61440x256xf32, #tpu.memory_space<hbm>> -> memref<61440x256xf32, #tpu.memory_space<hbm>>
          %dma_wait3A_595 = tpu.memref_slice %arg30[%sub3A_335] : memref<2x!tpu.dma_semaphore, #tpu.memory_space<semaphore_mem>> -> memref<1x!tpu.dma_semaphore, #tpu.memory_space<semaphore_mem>>
          %dma_wait3A_596 = tpu.memref_squeeze %dma_wait3A_595 : memref<1x!tpu.dma_semaphore, #tpu.memory_space<semaphore_mem>> -> memref<!tpu.dma_semaphore, #tpu.memory_space<semaphore_mem>>
          tpu.wait_indirect_dma semaphore(%dma_wait3A_596 : memref<!tpu.dma_semaphore, #tpu.memory_space<semaphore_mem>>) src(%dma_wait3A_588 : memref<64x256xf32, #tpu.memory_space<vmem>>) dst(%dma_wait3A_594 : memref<61440x256xf32, #tpu.memory_space<hbm>>)
        } else {
        }
        %add3A_373 = arith.constant 1 : i32
        %add3A_374 = arith.addi %scan3A_330, %add3A_373 : i32
        %mul3A_375 = arith.constant 64 : i32
        %mul3A_376 = arith.muli %add3A_374, %mul3A_375 : i32
        %add3A_377 = arith.constant 0 : i32
        %add3A_378 = arith.addi %mul3A_376, %add3A_377 : i32
        %iota3A_379 = tpu.iota {dimensions = array<i32: 0>} : vector<16xi32>
        %add3A_380 = vector.broadcast %add3A_378 : i32 to vector<16xi32>
        %add3A_381 = arith.addi %add3A_380, %iota3A_379 : vector<16xi32>
        %min3A_382 = arith.constant 511 : i32
        %min3A_383 = vector.broadcast %min3A_382 : i32 to vector<16xi32>
        %min3A_384 = arith.minsi %add3A_381, %min3A_383 : vector<16xi32>
        %add3A_385 = vector.broadcast %mul3A_62 : i32 to vector<16xi32>
        %add3A_386 = arith.addi %add3A_385, %min3A_384 : vector<16xi32>
        %gather3A_387 = tpu.vector_load_idx %arg19[%add3A_386] : memref<16384xi32, #tpu.memory_space<vmem>>[vector<16xi32>], vector<16xi32>,
        %gather3A_388 = tpu.vector_load_idx %arg23[%gather3A_387] : memref<64xi32, #tpu.memory_space<vmem>>[vector<16xi32>], vector<16xi32>,
        %add3A_389 = arith.constant 1 : i32
        %add3A_390 = vector.broadcast %add3A_389 : i32 to vector<16xi32>
        %add3A_391 = arith.addi %gather3A_387, %add3A_390 : vector<16xi32>
        %gather3A_392 = tpu.vector_load_idx %arg23[%add3A_391] : memref<64xi32, #tpu.memory_space<vmem>>[vector<16xi32>], vector<16xi32>,
        %sub3A_393 = arith.subi %add3A_386, %gather3A_388 : vector<16xi32>
        %rem3A_394 = arith.constant 1024 : i32
        %rem3A_395 = vector.broadcast %rem3A_394 : i32 to vector<16xi32>
        %rem3A_396 = arith.remsi %sub3A_393, %rem3A_395 : vector<16xi32>
        %add3A_397 = arith.addi %gather3A_388, %rem3A_396 : vector<16xi32>
        %sub3A_398 = arith.subi %gather3A_392, %gather3A_388 : vector<16xi32>
        %sub3A_399 = arith.constant 1 : i32
        %sub3A_400 = vector.broadcast %sub3A_399 : i32 to vector<16xi32>
        %sub3A_401 = arith.subi %sub3A_398, %sub3A_400 : vector<16xi32>
        %sub3A_402 = arith.subi %sub3A_401, %rem3A_396 : vector<16xi32>
        %div3A_403 = arith.constant 1024 : i32
        %div3A_404 = vector.broadcast %div3A_403 : i32 to vector<16xi32>
        %div3A_405 = arith.divsi %sub3A_402, %div3A_404 : vector<16xi32>
        %mul3A_406 = arith.constant 1024 : i32
        %mul3A_407 = vector.broadcast %mul3A_406 : i32 to vector<16xi32>
        %mul3A_408 = arith.muli %mul3A_407, %div3A_405 : vector<16xi32>
        %add3A_409 = arith.addi %add3A_397, %mul3A_408 : vector<16xi32>
        %mul3A_410 = arith.constant 1024 : i32
        %mul3A_411 = vector.broadcast %mul3A_410 : i32 to vector<16xi32>
        %mul3A_412 = arith.muli %gather3A_387, %mul3A_411 : vector<16xi32>
        %add3A_413 = arith.addi %mul3A_412, %rem3A_396 : vector<16xi32>
        %swap3A_414 = arith.constant 0 : i32
        %swap3A_415 = arith.index_cast %sub3A_335 : i32 to index
        %swap3A_416 = arith.index_cast %swap3A_414 : i32 to index
        %swap3A_417 = arith.constant 0 : index
        %swap3A_418 = tpu.vector_load %arg22[%swap3A_415, %swap3A_416, %swap3A_417] {strides = array<i32>} : memref<2x2x64xi32, #tpu.memory_space<vmem>>, vector<16xi32>,
        tpu.vector_store %arg22[%swap3A_415, %swap3A_416, %swap3A_417], %add3A_409 {strides = array<i32>} : memref<2x2x64xi32, #tpu.memory_space<vmem>>, vector<16xi32>,
        %swap3A_419 = arith.constant 1 : i32
        %swap3A_420 = arith.index_cast %sub3A_335 : i32 to index
        %swap3A_421 = arith.index_cast %swap3A_419 : i32 to index
        %swap3A_422 = arith.constant 0 : index
        %swap3A_423 = tpu.vector_load %arg22[%swap3A_420, %swap3A_421, %swap3A_422] {strides = array<i32>} : memref<2x2x64xi32, #tpu.memory_space<vmem>>, vector<16xi32>,
        tpu.vector_store %arg22[%swap3A_420, %swap3A_421, %swap3A_422], %add3A_413 {strides = array<i32>} : memref<2x2x64xi32, #tpu.memory_space<vmem>>, vector<16xi32>,
        %mul3A_424 = arith.constant 64 : i32
        %mul3A_425 = arith.muli %add3A_374, %mul3A_424 : i32
        %add3A_426 = arith.constant 16 : i32
        %add3A_427 = arith.addi %mul3A_425, %add3A_426 : i32
        %iota3A_428 = tpu.iota {dimensions = array<i32: 0>} : vector<16xi32>
        %add3A_429 = vector.broadcast %add3A_427 : i32 to vector<16xi32>
        %add3A_430 = arith.addi %add3A_429, %iota3A_428 : vector<16xi32>
        %min3A_431 = arith.constant 511 : i32
        %min3A_432 = vector.broadcast %min3A_431 : i32 to vector<16xi32>
        %min3A_433 = arith.minsi %add3A_430, %min3A_432 : vector<16xi32>
        %add3A_434 = vector.broadcast %mul3A_62 : i32 to vector<16xi32>
        %add3A_435 = arith.addi %add3A_434, %min3A_433 : vector<16xi32>
        %gather3A_436 = tpu.vector_load_idx %arg19[%add3A_435] : memref<16384xi32, #tpu.memory_space<vmem>>[vector<16xi32>], vector<16xi32>,
        %gather3A_437 = tpu.vector_load_idx %arg23[%gather3A_436] : memref<64xi32, #tpu.memory_space<vmem>>[vector<16xi32>], vector<16xi32>,
        %add3A_438 = arith.constant 1 : i32
        %add3A_439 = vector.broadcast %add3A_438 : i32 to vector<16xi32>
        %add3A_440 = arith.addi %gather3A_436, %add3A_439 : vector<16xi32>
        %gather3A_441 = tpu.vector_load_idx %arg23[%add3A_440] : memref<64xi32, #tpu.memory_space<vmem>>[vector<16xi32>], vector<16xi32>,
        %sub3A_442 = arith.subi %add3A_435, %gather3A_437 : vector<16xi32>
        %rem3A_443 = arith.constant 1024 : i32
        %rem3A_444 = vector.broadcast %rem3A_443 : i32 to vector<16xi32>
        %rem3A_445 = arith.remsi %sub3A_442, %rem3A_444 : vector<16xi32>
        %add3A_446 = arith.addi %gather3A_437, %rem3A_445 : vector<16xi32>
        %sub3A_447 = arith.subi %gather3A_441, %gather3A_437 : vector<16xi32>
        %sub3A_448 = arith.constant 1 : i32
        %sub3A_449 = vector.broadcast %sub3A_448 : i32 to vector<16xi32>
        %sub3A_450 = arith.subi %sub3A_447, %sub3A_449 : vector<16xi32>
        %sub3A_451 = arith.subi %sub3A_450, %rem3A_445 : vector<16xi32>
        %div3A_452 = arith.constant 1024 : i32
        %div3A_453 = vector.broadcast %div3A_452 : i32 to vector<16xi32>
        %div3A_454 = arith.divsi %sub3A_451, %div3A_453 : vector<16xi32>
        %mul3A_455 = arith.constant 1024 : i32
        %mul3A_456 = vector.broadcast %mul3A_455 : i32 to vector<16xi32>
        %mul3A_457 = arith.muli %mul3A_456, %div3A_454 : vector<16xi32>
        %add3A_458 = arith.addi %add3A_446, %mul3A_457 : vector<16xi32>
        %mul3A_459 = arith.constant 1024 : i32
        %mul3A_460 = vector.broadcast %mul3A_459 : i32 to vector<16xi32>
        %mul3A_461 = arith.muli %gather3A_436, %mul3A_460 : vector<16xi32>
        %add3A_462 = arith.addi %mul3A_461, %rem3A_445 : vector<16xi32>
        %swap3A_463 = arith.constant 0 : i32
        %swap3A_464 = arith.index_cast %sub3A_335 : i32 to index
        %swap3A_465 = arith.index_cast %swap3A_463 : i32 to index
        %swap3A_466 = arith.constant 16 : index
        %swap3A_467 = tpu.vector_load %arg22[%swap3A_464, %swap3A_465, %swap3A_466] {strides = array<i32>} : memref<2x2x64xi32, #tpu.memory_space<vmem>>, vector<16xi32>,
        tpu.vector_store %arg22[%swap3A_464, %swap3A_465, %swap3A_466], %add3A_458 {strides = array<i32>} : memref<2x2x64xi32, #tpu.memory_space<vmem>>, vector<16xi32>,
        %swap3A_468 = arith.constant 1 : i32
        %swap3A_469 = arith.index_cast %sub3A_335 : i32 to index
        %swap3A_470 = arith.index_cast %swap3A_468 : i32 to index
        %swap3A_471 = arith.constant 16 : index
        %swap3A_472 = tpu.vector_load %arg22[%swap3A_469, %swap3A_470, %swap3A_471] {strides = array<i32>} : memref<2x2x64xi32, #tpu.memory_space<vmem>>, vector<16xi32>,
        tpu.vector_store %arg22[%swap3A_469, %swap3A_470, %swap3A_471], %add3A_462 {strides = array<i32>} : memref<2x2x64xi32, #tpu.memory_space<vmem>>, vector<16xi32>,
        %mul3A_473 = arith.constant 64 : i32
        %mul3A_474 = arith.muli %add3A_374, %mul3A_473 : i32
        %add3A_475 = arith.constant 32 : i32
        %add3A_476 = arith.addi %mul3A_474, %add3A_475 : i32
        %iota3A_477 = tpu.iota {dimensions = array<i32: 0>} : vector<16xi32>
        %add3A_478 = vector.broadcast %add3A_476 : i32 to vector<16xi32>
        %add3A_479 = arith.addi %add3A_478, %iota3A_477 : vector<16xi32>
        %min3A_480 = arith.constant 511 : i32
        %min3A_481 = vector.broadcast %min3A_480 : i32 to vector<16xi32>
        %min3A_482 = arith.minsi %add3A_479, %min3A_481 : vector<16xi32>
        %add3A_483 = vector.broadcast %mul3A_62 : i32 to vector<16xi32>
        %add3A_484 = arith.addi %add3A_483, %min3A_482 : vector<16xi32>
        %gather3A_485 = tpu.vector_load_idx %arg19[%add3A_484] : memref<16384xi32, #tpu.memory_space<vmem>>[vector<16xi32>], vector<16xi32>,
        %gather3A_486 = tpu.vector_load_idx %arg23[%gather3A_485] : memref<64xi32, #tpu.memory_space<vmem>>[vector<16xi32>], vector<16xi32>,
        %add3A_487 = arith.constant 1 : i32
        %add3A_488 = vector.broadcast %add3A_487 : i32 to vector<16xi32>
        %add3A_489 = arith.addi %gather3A_485, %add3A_488 : vector<16xi32>
        %gather3A_490 = tpu.vector_load_idx %arg23[%add3A_489] : memref<64xi32, #tpu.memory_space<vmem>>[vector<16xi32>], vector<16xi32>,
        %sub3A_491 = arith.subi %add3A_484, %gather3A_486 : vector<16xi32>
        %rem3A_492 = arith.constant 1024 : i32
        %rem3A_493 = vector.broadcast %rem3A_492 : i32 to vector<16xi32>
        %rem3A_494 = arith.remsi %sub3A_491, %rem3A_493 : vector<16xi32>
        %add3A_495 = arith.addi %gather3A_486, %rem3A_494 : vector<16xi32>
        %sub3A_496 = arith.subi %gather3A_490, %gather3A_486 : vector<16xi32>
        %sub3A_497 = arith.constant 1 : i32
        %sub3A_498 = vector.broadcast %sub3A_497 : i32 to vector<16xi32>
        %sub3A_499 = arith.subi %sub3A_496, %sub3A_498 : vector<16xi32>
        %sub3A_500 = arith.subi %sub3A_499, %rem3A_494 : vector<16xi32>
        %div3A_501 = arith.constant 1024 : i32
        %div3A_502 = vector.broadcast %div3A_501 : i32 to vector<16xi32>
        %div3A_503 = arith.divsi %sub3A_500, %div3A_502 : vector<16xi32>
        %mul3A_504 = arith.constant 1024 : i32
        %mul3A_505 = vector.broadcast %mul3A_504 : i32 to vector<16xi32>
        %mul3A_506 = arith.muli %mul3A_505, %div3A_503 : vector<16xi32>
        %add3A_507 = arith.addi %add3A_495, %mul3A_506 : vector<16xi32>
        %mul3A_508 = arith.constant 1024 : i32
        %mul3A_509 = vector.broadcast %mul3A_508 : i32 to vector<16xi32>
        %mul3A_510 = arith.muli %gather3A_485, %mul3A_509 : vector<16xi32>
        %add3A_511 = arith.addi %mul3A_510, %rem3A_494 : vector<16xi32>
        %swap3A_512 = arith.constant 0 : i32
        %swap3A_513 = arith.index_cast %sub3A_335 : i32 to index
        %swap3A_514 = arith.index_cast %swap3A_512 : i32 to index
        %swap3A_515 = arith.constant 32 : index
        %swap3A_516 = tpu.vector_load %arg22[%swap3A_513, %swap3A_514, %swap3A_515] {strides = array<i32>} : memref<2x2x64xi32, #tpu.memory_space<vmem>>, vector<16xi32>,
        tpu.vector_store %arg22[%swap3A_513, %swap3A_514, %swap3A_515], %add3A_507 {strides = array<i32>} : memref<2x2x64xi32, #tpu.memory_space<vmem>>, vector<16xi32>,
        %swap3A_517 = arith.constant 1 : i32
        %swap3A_518 = arith.index_cast %sub3A_335 : i32 to index
        %swap3A_519 = arith.index_cast %swap3A_517 : i32 to index
        %swap3A_520 = arith.constant 32 : index
        %swap3A_521 = tpu.vector_load %arg22[%swap3A_518, %swap3A_519, %swap3A_520] {strides = array<i32>} : memref<2x2x64xi32, #tpu.memory_space<vmem>>, vector<16xi32>,
        tpu.vector_store %arg22[%swap3A_518, %swap3A_519, %swap3A_520], %add3A_511 {strides = array<i32>} : memref<2x2x64xi32, #tpu.memory_space<vmem>>, vector<16xi32>,
        %mul3A_522 = arith.constant 64 : i32
        %mul3A_523 = arith.muli %add3A_374, %mul3A_522 : i32
        %add3A_524 = arith.constant 48 : i32
        %add3A_525 = arith.addi %mul3A_523, %add3A_524 : i32
        %iota3A_526 = tpu.iota {dimensions = array<i32: 0>} : vector<16xi32>
        %add3A_527 = vector.broadcast %add3A_525 : i32 to vector<16xi32>
        %add3A_528 = arith.addi %add3A_527, %iota3A_526 : vector<16xi32>
        %min3A_529 = arith.constant 511 : i32
        %min3A_530 = vector.broadcast %min3A_529 : i32 to vector<16xi32>
        %min3A_531 = arith.minsi %add3A_528, %min3A_530 : vector<16xi32>
        %add3A_532 = vector.broadcast %mul3A_62 : i32 to vector<16xi32>
        %add3A_533 = arith.addi %add3A_532, %min3A_531 : vector<16xi32>
        %gather3A_534 = tpu.vector_load_idx %arg19[%add3A_533] : memref<16384xi32, #tpu.memory_space<vmem>>[vector<16xi32>], vector<16xi32>,
        %gather3A_535 = tpu.vector_load_idx %arg23[%gather3A_534] : memref<64xi32, #tpu.memory_space<vmem>>[vector<16xi32>], vector<16xi32>,
        %add3A_536 = arith.constant 1 : i32
        %add3A_537 = vector.broadcast %add3A_536 : i32 to vector<16xi32>
        %add3A_538 = arith.addi %gather3A_534, %add3A_537 : vector<16xi32>
        %gather3A_539 = tpu.vector_load_idx %arg23[%add3A_538] : memref<64xi32, #tpu.memory_space<vmem>>[vector<16xi32>], vector<16xi32>,
        %sub3A_540 = arith.subi %add3A_533, %gather3A_535 : vector<16xi32>
        %rem3A_541 = arith.constant 1024 : i32
        %rem3A_542 = vector.broadcast %rem3A_541 : i32 to vector<16xi32>
        %rem3A_543 = arith.remsi %sub3A_540, %rem3A_542 : vector<16xi32>
        %add3A_544 = arith.addi %gather3A_535, %rem3A_543 : vector<16xi32>
        %sub3A_545 = arith.subi %gather3A_539, %gather3A_535 : vector<16xi32>
        %sub3A_546 = arith.constant 1 : i32
        %sub3A_547 = vector.broadcast %sub3A_546 : i32 to vector<16xi32>
        %sub3A_548 = arith.subi %sub3A_545, %sub3A_547 : vector<16xi32>
        %sub3A_549 = arith.subi %sub3A_548, %rem3A_543 : vector<16xi32>
        %div3A_550 = arith.constant 1024 : i32
        %div3A_551 = vector.broadcast %div3A_550 : i32 to vector<16xi32>
        %div3A_552 = arith.divsi %sub3A_549, %div3A_551 : vector<16xi32>
        %mul3A_553 = arith.constant 1024 : i32
        %mul3A_554 = vector.broadcast %mul3A_553 : i32 to vector<16xi32>
        %mul3A_555 = arith.muli %mul3A_554, %div3A_552 : vector<16xi32>
        %add3A_556 = arith.addi %add3A_544, %mul3A_555 : vector<16xi32>
        %mul3A_557 = arith.constant 1024 : i32
        %mul3A_558 = vector.broadcast %mul3A_557 : i32 to vector<16xi32>
        %mul3A_559 = arith.muli %gather3A_534, %mul3A_558 : vector<16xi32>
        %add3A_560 = arith.addi %mul3A_559, %rem3A_543 : vector<16xi32>
        %swap3A_561 = arith.constant 0 : i32
        %swap3A_562 = arith.index_cast %sub3A_335 : i32 to index
        %swap3A_563 = arith.index_cast %swap3A_561 : i32 to index
        %swap3A_564 = arith.constant 48 : index
        %swap3A_565 = tpu.vector_load %arg22[%swap3A_562, %swap3A_563, %swap3A_564] {strides = array<i32>} : memref<2x2x64xi32, #tpu.memory_space<vmem>>, vector<16xi32>,
        tpu.vector_store %arg22[%swap3A_562, %swap3A_563, %swap3A_564], %add3A_556 {strides = array<i32>} : memref<2x2x64xi32, #tpu.memory_space<vmem>>, vector<16xi32>,
        %swap3A_566 = arith.constant 1 : i32
        %swap3A_567 = arith.index_cast %sub3A_335 : i32 to index
        %swap3A_568 = arith.index_cast %swap3A_566 : i32 to index
        %swap3A_569 = arith.constant 48 : index
        %swap3A_570 = tpu.vector_load %arg22[%swap3A_567, %swap3A_568, %swap3A_569] {strides = array<i32>} : memref<2x2x64xi32, #tpu.memory_space<vmem>>, vector<16xi32>,
        tpu.vector_store %arg22[%swap3A_567, %swap3A_568, %swap3A_569], %add3A_560 {strides = array<i32>} : memref<2x2x64xi32, #tpu.memory_space<vmem>>, vector<16xi32>,
        %dma_start3A_571 = arith.constant 0 : i32
        %dma_start3A_572 = arith.constant 0 : i32
        %dma_start3A_573 = arith.constant 0 : i32
        %dma_start3A_574 = tpu.memref_slice %arg21[%sub3A_335, %dma_start3A_572, %dma_start3A_573] : memref<2x64x256xf32, #tpu.memory_space<vmem>> -> memref<1x64x256xf32, #tpu.memory_space<vmem>>
        %dma_start3A_575 = tpu.memref_squeeze %dma_start3A_574 : memref<1x64x256xf32, #tpu.memory_space<vmem>> -> memref<64x256xf32, #tpu.memory_space<vmem>>
        %dma_start3A_576 = arith.constant 0 : i32
        %dma_start3A_577 = tpu.memref_slice %arg22[%sub3A_335, %dma_start3A_571, %dma_start3A_576] : memref<2x2x64xi32, #tpu.memory_space<vmem>> -> memref<1x1x64xi32, #tpu.memory_space<vmem>>
        %dma_start3A_578 = tpu.memref_squeeze %dma_start3A_577 : memref<1x1x64xi32, #tpu.memory_space<vmem>> -> memref<64xi32, #tpu.memory_space<vmem>>
        %dma_start3A_579 = arith.constant 0 : i32
        %dma_start3A_580 = arith.constant 0 : i32
        %dma_start3A_581 = tpu.memref_slice %arg4[%dma_start3A_579, %dma_start3A_580] : memref<16384x256xf32, #tpu.memory_space<hbm>> -> memref<16384x256xf32, #tpu.memory_space<hbm>>
        %dma_start3A_582 = tpu.memref_slice %arg29[%sub3A_335] : memref<2x!tpu.dma_semaphore, #tpu.memory_space<semaphore_mem>> -> memref<1x!tpu.dma_semaphore, #tpu.memory_space<semaphore_mem>>
        %dma_start3A_583 = tpu.memref_squeeze %dma_start3A_582 : memref<1x!tpu.dma_semaphore, #tpu.memory_space<semaphore_mem>> -> memref<!tpu.dma_semaphore, #tpu.memory_space<semaphore_mem>>
        tpu.enqueue_indirect_dma source(%dma_start3A_581 : memref<16384x256xf32, #tpu.memory_space<hbm>>) target(%dma_start3A_575 : memref<64x256xf32, #tpu.memory_space<vmem>>) offsets(%dma_start3A_578 : memref<64xi32, #tpu.memory_space<vmem>>) semaphore(%dma_start3A_583 : memref<!tpu.dma_semaphore, #tpu.memory_space<semaphore_mem>>)
      } else {
      }
      %dma_wait3A_342 = arith.constant 0 : i32
      %dma_wait3A_343 = arith.constant 0 : i32
      %dma_wait3A_344 = arith.constant 0 : i32
      %dma_wait3A_345 = tpu.memref_slice %arg21[%rem3A_333, %dma_wait3A_343, %dma_wait3A_344] : memref<2x64x256xf32, #tpu.memory_space<vmem>> -> memref<1x64x256xf32, #tpu.memory_space<vmem>>
      %dma_wait3A_346 = tpu.memref_squeeze %dma_wait3A_345 : memref<1x64x256xf32, #tpu.memory_space<vmem>> -> memref<64x256xf32, #tpu.memory_space<vmem>>
      %dma_wait3A_347 = arith.constant 0 : i32
      %dma_wait3A_348 = tpu.memref_slice %arg22[%rem3A_333, %dma_wait3A_342, %dma_wait3A_347] : memref<2x2x64xi32, #tpu.memory_space<vmem>> -> memref<1x1x64xi32, #tpu.memory_space<vmem>>
      %dma_wait3A_349 = tpu.memref_squeeze %dma_wait3A_348 : memref<1x1x64xi32, #tpu.memory_space<vmem>> -> memref<64xi32, #tpu.memory_space<vmem>>
      %dma_wait3A_350 = arith.constant 0 : i32
      %dma_wait3A_351 = arith.constant 0 : i32
      %dma_wait3A_352 = tpu.memref_slice %arg4[%dma_wait3A_350, %dma_wait3A_351] : memref<16384x256xf32, #tpu.memory_space<hbm>> -> memref<16384x256xf32, #tpu.memory_space<hbm>>
      %dma_wait3A_353 = tpu.memref_slice %arg29[%rem3A_333] : memref<2x!tpu.dma_semaphore, #tpu.memory_space<semaphore_mem>> -> memref<1x!tpu.dma_semaphore, #tpu.memory_space<semaphore_mem>>
      %dma_wait3A_354 = tpu.memref_squeeze %dma_wait3A_353 : memref<1x!tpu.dma_semaphore, #tpu.memory_space<semaphore_mem>> -> memref<!tpu.dma_semaphore, #tpu.memory_space<semaphore_mem>>
      tpu.wait_indirect_dma semaphore(%dma_wait3A_354 : memref<!tpu.dma_semaphore, #tpu.memory_space<semaphore_mem>>) src(%dma_wait3A_352 : memref<16384x256xf32, #tpu.memory_space<hbm>>) dst(%dma_wait3A_346 : memref<64x256xf32, #tpu.memory_space<vmem>>)
      %dma_start3A_355 = arith.constant 1 : i32
      %dma_start3A_356 = arith.constant 0 : i32
      %dma_start3A_357 = arith.constant 0 : i32
      %dma_start3A_358 = tpu.memref_slice %arg21[%rem3A_333, %dma_start3A_356, %dma_start3A_357] : memref<2x64x256xf32, #tpu.memory_space<vmem>> -> memref<1x64x256xf32, #tpu.memory_space<vmem>>
      %dma_start3A_359 = tpu.memref_squeeze %dma_start3A_358 : memref<1x64x256xf32, #tpu.memory_space<vmem>> -> memref<64x256xf32, #tpu.memory_space<vmem>>
      %dma_start3A_360 = arith.constant 0 : i32
      %dma_start3A_361 = tpu.memref_slice %arg22[%rem3A_333, %dma_start3A_355, %dma_start3A_360] : memref<2x2x64xi32, #tpu.memory_space<vmem>> -> memref<1x1x64xi32, #tpu.memory_space<vmem>>
      %dma_start3A_362 = tpu.memref_squeeze %dma_start3A_361 : memref<1x1x64xi32, #tpu.memory_space<vmem>> -> memref<64xi32, #tpu.memory_space<vmem>>
      %dma_start3A_363 = arith.constant 0 : i32
      %dma_start3A_364 = arith.constant 0 : i32
      %dma_start3A_365 = tpu.memref_slice %arg13[%dma_start3A_363, %dma_start3A_364] : memref<61440x256xf32, #tpu.memory_space<hbm>> -> memref<61440x256xf32, #tpu.memory_space<hbm>>
      %dma_start3A_366 = tpu.memref_slice %arg30[%rem3A_333] : memref<2x!tpu.dma_semaphore, #tpu.memory_space<semaphore_mem>> -> memref<1x!tpu.dma_semaphore, #tpu.memory_space<semaphore_mem>>
      %dma_start3A_367 = tpu.memref_squeeze %dma_start3A_366 : memref<1x!tpu.dma_semaphore, #tpu.memory_space<semaphore_mem>> -> memref<!tpu.dma_semaphore, #tpu.memory_space<semaphore_mem>>
      tpu.enqueue_indirect_dma source(%dma_start3A_359 : memref<64x256xf32, #tpu.memory_space<vmem>>) target(%dma_start3A_365 : memref<61440x256xf32, #tpu.memory_space<hbm>>) offsets(%dma_start3A_362 : memref<64xi32, #tpu.memory_space<vmem>>) semaphore(%dma_start3A_367 : memref<!tpu.dma_semaphore, #tpu.memory_space<semaphore_mem>>)
      %scan3A_368 = arith.constant 0 : i32
      scf.yield %scan3A_368 : i32
    }
    %scan3A_271 = arith.constant 8 : i32
    %rem3A_272 = arith.constant 8 : i32
    %rem3A_273 = arith.constant 2 : i32
    %rem3A_274 = arith.remsi %rem3A_272, %rem3A_273 : i32
    %dma_wait3A = arith.constant 1 : i32
    %dma_wait3A_275 = arith.constant 0 : i32
    %dma_wait3A_276 = arith.constant 0 : i32
    %dma_wait3A_277 = tpu.memref_slice %arg21[%rem3A_274, %dma_wait3A_275, %dma_wait3A_276] : memref<2x64x256xf32, #tpu.memory_space<vmem>> -> memref<1x64x256xf32, #tpu.memory_space<vmem>>
    %dma_wait3A_278 = tpu.memref_squeeze %dma_wait3A_277 : memref<1x64x256xf32, #tpu.memory_space<vmem>> -> memref<64x256xf32, #tpu.memory_space<vmem>>
    %dma_wait3A_279 = arith.constant 0 : i32
    %dma_wait3A_280 = tpu.memref_slice %arg22[%rem3A_274, %dma_wait3A, %dma_wait3A_279] : memref<2x2x64xi32, #tpu.memory_space<vmem>> -> memref<1x1x64xi32, #tpu.memory_space<vmem>>
    %dma_wait3A_281 = tpu.memref_squeeze %dma_wait3A_280 : memref<1x1x64xi32, #tpu.memory_space<vmem>> -> memref<64xi32, #tpu.memory_space<vmem>>
    %dma_wait3A_282 = arith.constant 0 : i32
    %dma_wait3A_283 = arith.constant 0 : i32
    %dma_wait3A_284 = tpu.memref_slice %arg13[%dma_wait3A_282, %dma_wait3A_283] : memref<61440x256xf32, #tpu.memory_space<hbm>> -> memref<61440x256xf32, #tpu.memory_space<hbm>>
    %dma_wait3A_285 = tpu.memref_slice %arg30[%rem3A_274] : memref<2x!tpu.dma_semaphore, #tpu.memory_space<semaphore_mem>> -> memref<1x!tpu.dma_semaphore, #tpu.memory_space<semaphore_mem>>
    %dma_wait3A_286 = tpu.memref_squeeze %dma_wait3A_285 : memref<1x!tpu.dma_semaphore, #tpu.memory_space<semaphore_mem>> -> memref<!tpu.dma_semaphore, #tpu.memory_space<semaphore_mem>>
    tpu.wait_indirect_dma semaphore(%dma_wait3A_286 : memref<!tpu.dma_semaphore, #tpu.memory_space<semaphore_mem>>) src(%dma_wait3A_278 : memref<64x256xf32, #tpu.memory_space<vmem>>) dst(%dma_wait3A_284 : memref<61440x256xf32, #tpu.memory_space<hbm>>)
    %rem3A_287 = arith.constant 7 : i32
    %rem3A_288 = arith.constant 2 : i32
    %rem3A_289 = arith.remsi %rem3A_287, %rem3A_288 : i32
    %dma_wait3A_290 = arith.constant 1 : i32
    %dma_wait3A_291 = arith.constant 0 : i32
    %dma_wait3A_292 = arith.constant 0 : i32
    %dma_wait3A_293 = tpu.memref_slice %arg21[%rem3A_289, %dma_wait3A_291, %dma_wait3A_292] : memref<2x64x256xf32, #tpu.memory_space<vmem>> -> memref<1x64x256xf32, #tpu.memory_space<vmem>>
    %dma_wait3A_294 = tpu.memref_squeeze %dma_wait3A_293 : memref<1x64x256xf32, #tpu.memory_space<vmem>> -> memref<64x256xf32, #tpu.memory_space<vmem>>
    %dma_wait3A_295 = arith.constant 0 : i32
    %dma_wait3A_296 = tpu.memref_slice %arg22[%rem3A_289, %dma_wait3A_290, %dma_wait3A_295] : memref<2x2x64xi32, #tpu.memory_space<vmem>> -> memref<1x1x64xi32, #tpu.memory_space<vmem>>
    %dma_wait3A_297 = tpu.memref_squeeze %dma_wait3A_296 : memref<1x1x64xi32, #tpu.memory_space<vmem>> -> memref<64xi32, #tpu.memory_space<vmem>>
    %dma_wait3A_298 = arith.constant 0 : i32
    %dma_wait3A_299 = arith.constant 0 : i32
    %dma_wait3A_300 = tpu.memref_slice %arg13[%dma_wait3A_298, %dma_wait3A_299] : memref<61440x256xf32, #tpu.memory_space<hbm>> -> memref<61440x256xf32, #tpu.memory_space<hbm>>
    %dma_wait3A_301 = tpu.memref_slice %arg30[%rem3A_289] : memref<2x!tpu.dma_semaphore, #tpu.memory_space<semaphore_mem>> -> memref<1x!tpu.dma_semaphore, #tpu.memory_space<semaphore_mem>>
    %dma_wait3A_302 = tpu.memref_squeeze %dma_wait3A_301 : memref<1x!tpu.dma_semaphore, #tpu.memory_space<semaphore_mem>> -> memref<!tpu.dma_semaphore, #tpu.memory_space<semaphore_mem>>
    tpu.wait_indirect_dma semaphore(%dma_wait3A_302 : memref<!tpu.dma_semaphore, #tpu.memory_space<semaphore_mem>>) src(%dma_wait3A_294 : memref<64x256xf32, #tpu.memory_space<vmem>>) dst(%dma_wait3A_300 : memref<61440x256xf32, #tpu.memory_space<hbm>>)
    %div3A_303 = arith.constant 8 : i32
    %div3A_304 = arith.divsi %add3A, %div3A_303 : i32
    %rem3A_305 = arith.constant 8 : i32
    %rem3A_306 = arith.remsi %add3A, %rem3A_305 : i32
    %mul3A_307 = arith.constant 8 : i32
    %mul3A_308 = arith.muli %rem3A_306, %mul3A_307 : i32
    %min3A_309 = arith.constant 52 : i32
    %min3A_310 = arith.minsi %mul3A_308, %min3A_309 : i32
    %mul3A_311 = arith.constant 1024 : i32
    %mul3A_312 = arith.muli %min3A_310, %mul3A_311 : i32
    %eq3A = arith.constant 0 : i32
    %eq3A_313 = arith.cmpi eq, %div3A_304, %eq3A : i32
    %convert_element_type3A = arith.extui %eq3A_313 : i1 to i32
    %cond3A = arith.constant 0 : i32
    %cond3A_314 = arith.cmpi ne, %convert_element_type3A, %cond3A : i32
    scf.if %cond3A_314 {
      %iota3A_330 = tpu.iota {dimensions = array<i32: 0>} : vector<16xi32>
      %add3A_331 = vector.broadcast %min3A_310 : i32 to vector<16xi32>
      %add3A_332 = arith.addi %add3A_331, %iota3A_330 : vector<16xi32>
      %broadcast_in_dim3A_333 = arith.constant 0 : i32
      %broadcast_in_dim3A_334 = vector.broadcast %broadcast_in_dim3A_333 : i32 to vector<16xi32>
      %broadcast_in_dim3A_335 = arith.constant 16384 : i32
      %broadcast_in_dim3A_336 = vector.broadcast %broadcast_in_dim3A_335 : i32 to vector<16xi32>
      %scan3A_337 = arith.constant 0 : i32
      %scan3A_338 = arith.constant 15 : i32
      %scan3A_339 = arith.addi %scan3A_337, %scan3A_338 : i32
      %scan3A_340 = arith.constant 1 : i32
      %scan3A_341:2 = scf.for %scan3A_394 = %scan3A_337 to %scan3A_339 step %scan3A_340 iter_args(%scan3A_395 = %broadcast_in_dim3A_334, %scan3A_396 = %broadcast_in_dim3A_336) -> (vector<16xi32>, vector<16xi32>)  : i32 {
        %add3A_397 = arith.addi %scan3A_395, %scan3A_396 : vector<16xi32>
        %div3A_398 = arith.constant 2 : i32
        %div3A_399 = vector.broadcast %div3A_398 : i32 to vector<16xi32>
        %div3A_400 = arith.divsi %add3A_397, %div3A_399 : vector<16xi32>
        %min3A_401 = arith.constant 16383 : i32
        %min3A_402 = vector.broadcast %min3A_401 : i32 to vector<16xi32>
        %min3A_403 = arith.minsi %div3A_400, %min3A_402 : vector<16xi32>
        %gather3A_404 = tpu.vector_load_idx %arg19[%min3A_403] : memref<16384xi32, #tpu.memory_space<vmem>>[vector<16xi32>], vector<16xi32>,
        %lt3A = arith.cmpi slt, %scan3A_395, %scan3A_396 : vector<16xi32>
        %lt3A_405 = arith.cmpi slt, %gather3A_404, %add3A_332 : vector<16xi32>
        %and3A = arith.andi %lt3A, %lt3A_405 : vector<16xi1>
        %add3A_406 = arith.constant 1 : i32
        %add3A_407 = vector.broadcast %add3A_406 : i32 to vector<16xi32>
        %add3A_408 = arith.addi %div3A_400, %add3A_407 : vector<16xi32>
        %select_n3A_409 = arith.select %and3A, %add3A_408, %scan3A_395 : vector<16xi1>, vector<16xi32>
        %not3A = arith.constant dense<true> : vector<16xi1>
        %not3A_410 = arith.xori %lt3A_405, %not3A : vector<16xi1>
        %and3A_411 = arith.andi %lt3A, %not3A_410 : vector<16xi1>
        %select_n3A_412 = arith.select %and3A_411, %div3A_400, %scan3A_396 : vector<16xi1>, vector<16xi32>
        scf.yield %select_n3A_409, %select_n3A_412 : vector<16xi32>, vector<16xi32>
      }
      %scan3A_342 = arith.constant 15 : i32
      %swap3A_343 = arith.constant 0 : index
      %swap3A_344 = tpu.vector_load %arg24[%swap3A_343] {strides = array<i32>} : memref<16xi32, #tpu.memory_space<vmem>>, vector<16xi32>,
      tpu.vector_store %arg24[%swap3A_343], %scan3A_341#0 {strides = array<i32>} : memref<16xi32, #tpu.memory_space<vmem>>, vector<16xi32>,
      %iota3A_345 = tpu.iota {dimensions = array<i32: 0>} : vector<16xi32>
      %eq3A_346 = arith.constant 0 : i32
      %eq3A_347 = vector.broadcast %eq3A_346 : i32 to vector<16xi32>
      %eq3A_348 = arith.cmpi eq, %iota3A_345, %eq3A_347 : vector<16xi32>
      %jit3A = arith.constant 0 : i32
      %broadcast_in_dim3A_349 = vector.broadcast %jit3A : i32 to vector<16xi32>
      %select_n3A = arith.select %eq3A_348, %scan3A_341#0, %broadcast_in_dim3A_349 : vector<16xi1>, vector<16xi32>
      %reduce_max3A = arith.constant true
      %reduce_max3A_350 = vector.broadcast %reduce_max3A : i1 to vector<16xi1>
      %reduce_max3A_351 = arith.constant -2147483648 : i32
      %reduce_max3A_352 = vector.broadcast %reduce_max3A_351 : i32 to vector<16xi32>
      %reduce_max3A_353 = arith.xori %select_n3A, %reduce_max3A_352 : vector<16xi32>
      %reduce_max3A_354 = tpu.scan <max>, %reduce_max3A_353 masked %reduce_max3A_350 : vector<16xi32>, vector<16xi1> -> vector<16xi32>
      %reduce_max3A_355 = arith.xori %reduce_max3A_354, %reduce_max3A_352 : vector<16xi32>
      %reduce_max3A_356 = vector.extract %reduce_max3A_355[15] : i32 from vector<16xi32>
      %iota3A_357 = tpu.iota {dimensions = array<i32: 0>} : vector<16xi32>
      %eq3A_358 = arith.constant 8 : i32
      %eq3A_359 = vector.broadcast %eq3A_358 : i32 to vector<16xi32>
      %eq3A_360 = arith.cmpi eq, %iota3A_357, %eq3A_359 : vector<16xi32>
      %jit3A_361 = arith.constant 0 : i32
      %broadcast_in_dim3A_362 = vector.broadcast %jit3A_361 : i32 to vector<16xi32>
      %select_n3A_363 = arith.select %eq3A_360, %scan3A_341#0, %broadcast_in_dim3A_362 : vector<16xi1>, vector<16xi32>
      %reduce_max3A_364 = arith.constant true
      %reduce_max3A_365 = vector.broadcast %reduce_max3A_364 : i1 to vector<16xi1>
      %reduce_max3A_366 = arith.constant -2147483648 : i32
      %reduce_max3A_367 = vector.broadcast %reduce_max3A_366 : i32 to vector<16xi32>
      %reduce_max3A_368 = arith.xori %select_n3A_363, %reduce_max3A_367 : vector<16xi32>
      %reduce_max3A_369 = tpu.scan <max>, %reduce_max3A_368 masked %reduce_max3A_365 : vector<16xi32>, vector<16xi1> -> vector<16xi32>
      %reduce_max3A_370 = arith.xori %reduce_max3A_369, %reduce_max3A_367 : vector<16xi32>
      %reduce_max3A_371 = vector.extract %reduce_max3A_370[15] : i32 from vector<16xi32>
      %mul3A_372 = arith.constant 4 : i32
      %mul3A_373 = arith.muli %mul3A_312, %mul3A_372 : i32
      %multiple_of3A = tpu.assume_multiple %mul3A_373, 8 : i32
      "tpu.region"() ({
        %run_scoped3A = tpu.sem_alloc : memref<!tpu.dma_semaphore, #tpu.memory_space<semaphore_mem>>
        %dma_start3A_394 = tpu.memref_slice %arg9[%multiple_of3A] : memref<245760xf32, #tpu.memory_space<hbm>> -> memref<32768xf32, #tpu.memory_space<hbm>>
        %dma_start3A_395 = tpu.memref_slice %arg9[%multiple_of3A] : memref<245760xf32, #tpu.memory_space<hbm>> -> memref<32768xf32, #tpu.memory_space<hbm>>
        tpu.enqueue_dma source(%dma_start3A_395 : memref<32768xf32, #tpu.memory_space<hbm>>) target(%arg25 : memref<32768xf32, #tpu.memory_space<vmem>>) target_semaphore(%run_scoped3A : memref<!tpu.dma_semaphore, #tpu.memory_space<semaphore_mem>>)
        %dma_wait3A_396 = tpu.memref_slice %arg9[%multiple_of3A] : memref<245760xf32, #tpu.memory_space<hbm>> -> memref<32768xf32, #tpu.memory_space<hbm>>
        %dma_wait3A_397 = tpu.memref_slice %arg9[%multiple_of3A] : memref<245760xf32, #tpu.memory_space<hbm>> -> memref<32768xf32, #tpu.memory_space<hbm>>
        tpu.wait_dma2 semaphore(%run_scoped3A : memref<!tpu.dma_semaphore, #tpu.memory_space<semaphore_mem>>) src(%dma_wait3A_397 : memref<32768xf32, #tpu.memory_space<hbm>>) dst(%arg25 : memref<32768xf32, #tpu.memory_space<vmem>>)
        tpu.yield
      }) : () -> ()
      %sub3A_374 = arith.subi %reduce_max3A_371, %reduce_max3A_356 : i32
      %max3A = arith.constant 0 : i32
      %max3A_375 = arith.maxsi %sub3A_374, %max3A : i32
      %add3A_376 = arith.constant 511 : i32
      %add3A_377 = arith.addi %max3A_375, %add3A_376 : i32
      %div3A_378 = arith.constant 512 : i32
      %div3A_379 = arith.divsi %add3A_377, %div3A_378 : i32
      %while3A = arith.constant 0 : i32
      %while3A_380 = arith.constant 0 : i32
      %while3A_381 = arith.subi %div3A_379, %while3A : i32
      %while3A_382 = arith.addi %while3A, %while3A_381 : i32
      %while3A_383 = arith.constant 1 : i32
      %while3A_384 = arith.divsi %while3A_381, %while3A_383 : i32
      %while3A_385 = arith.muli %while3A_384, %while3A_383 : i32
      %while3A_386 = arith.addi %while3A, %while3A_385 : i32
      %while3A_387 = arith.constant 1 : i32
      %while3A_388 = scf.for %while3A_394 = %while3A to %while3A_386 step %while3A_387 iter_args(%while3A_395 = %while3A_380) -> (i32)  : i32 {
        %mul3A_396 = arith.constant 512 : i32
        %mul3A_397 = arith.muli %while3A_394, %mul3A_396 : i32
        %add3A_398 = arith.addi %reduce_max3A_356, %mul3A_397 : i32
        %div3A_399 = arith.constant 8 : i32
        %div3A_400 = arith.divsi %add3A_398, %div3A_399 : i32
        %mul3A_401 = arith.constant 8 : i32
        %mul3A_402 = arith.muli %div3A_400, %mul3A_401 : i32
        %min3A_403 = arith.constant 15864 : i32
        %min3A_404 = arith.minsi %mul3A_402, %min3A_403 : i32
        %multiple_of3A_405 = tpu.assume_multiple %min3A_404, 8 : i32
        %mul3A_406 = arith.constant 4 : i32
        %mul3A_407 = arith.muli %multiple_of3A_405, %mul3A_406 : i32
        %multiple_of3A_408 = tpu.assume_multiple %mul3A_407, 8 : i32
        "tpu.region"() ({
          %run_scoped3A = tpu.sem_alloc : memref<!tpu.dma_semaphore, #tpu.memory_space<semaphore_mem>>
          %dma_start3A_429 = tpu.memref_slice %arg5[%multiple_of3A_408] : memref<65536xf32, #tpu.memory_space<hbm>> -> memref<2080xf32, #tpu.memory_space<hbm>>
          %dma_start3A_430 = tpu.memref_slice %arg5[%multiple_of3A_408] : memref<65536xf32, #tpu.memory_space<hbm>> -> memref<2080xf32, #tpu.memory_space<hbm>>
          tpu.enqueue_dma source(%dma_start3A_430 : memref<2080xf32, #tpu.memory_space<hbm>>) target(%arg26 : memref<2080xf32, #tpu.memory_space<vmem>>) target_semaphore(%run_scoped3A : memref<!tpu.dma_semaphore, #tpu.memory_space<semaphore_mem>>)
          %dma_wait3A_431 = tpu.memref_slice %arg5[%multiple_of3A_408] : memref<65536xf32, #tpu.memory_space<hbm>> -> memref<2080xf32, #tpu.memory_space<hbm>>
          %dma_wait3A_432 = tpu.memref_slice %arg5[%multiple_of3A_408] : memref<65536xf32, #tpu.memory_space<hbm>> -> memref<2080xf32, #tpu.memory_space<hbm>>
          tpu.wait_dma2 semaphore(%run_scoped3A : memref<!tpu.dma_semaphore, #tpu.memory_space<semaphore_mem>>) src(%dma_wait3A_432 : memref<2080xf32, #tpu.memory_space<hbm>>) dst(%arg26 : memref<2080xf32, #tpu.memory_space<vmem>>)
          tpu.yield
        }) : () -> ()
        %sub3A_409 = arith.subi %reduce_max3A_371, %add3A_398 : i32
        %min3A_410 = arith.constant 512 : i32
        %min3A_411 = arith.minsi %sub3A_409, %min3A_410 : i32
        %add3A_412 = arith.constant 15 : i32
        %add3A_413 = arith.addi %min3A_411, %add3A_412 : i32
        %div3A_414 = arith.constant 16 : i32
        %div3A_415 = arith.divsi %add3A_413, %div3A_414 : i32
        %while3A_416 = arith.constant 0 : i32
        %while3A_417 = arith.constant 0 : i32
        %while3A_418 = arith.subi %div3A_415, %while3A_416 : i32
        %while3A_419 = arith.addi %while3A_416, %while3A_418 : i32
        %while3A_420 = arith.constant 1 : i32
        %while3A_421 = arith.divsi %while3A_418, %while3A_420 : i32
        %while3A_422 = arith.muli %while3A_421, %while3A_420 : i32
        %while3A_423 = arith.addi %while3A_416, %while3A_422 : i32
        %while3A_424 = arith.constant 1 : i32
        %while3A_425 = scf.for %while3A_429 = %while3A_416 to %while3A_423 step %while3A_424 iter_args(%while3A_430 = %while3A_417) -> (i32)  : i32 {
          %mul3A_431 = arith.constant 16 : i32
          %mul3A_432 = arith.muli %while3A_429, %mul3A_431 : i32
          %add3A_433 = arith.addi %add3A_398, %mul3A_432 : i32
          %iota3A_434 = tpu.iota {dimensions = array<i32: 0>} : vector<16xi32>
          %add3A_435 = vector.broadcast %add3A_433 : i32 to vector<16xi32>
          %add3A_436 = arith.addi %add3A_435, %iota3A_434 : vector<16xi32>
          %mul3A_437 = arith.constant 16 : i32
          %mul3A_438 = arith.muli %while3A_429, %mul3A_437 : i32
          %iota3A_439 = tpu.iota {dimensions = array<i32: 0>} : vector<16xi32>
          %add3A_440 = vector.broadcast %mul3A_438 : i32 to vector<16xi32>
          %add3A_441 = arith.addi %add3A_440, %iota3A_439 : vector<16xi32>
          %lt3A = vector.broadcast %min3A_411 : i32 to vector<16xi32>
          %lt3A_442 = arith.cmpi slt, %add3A_441, %lt3A : vector<16xi32>
          %sub3A_443 = arith.constant 1 : i32
          %sub3A_444 = arith.subi %reduce_max3A_371, %sub3A_443 : i32
          %min3A_445 = vector.broadcast %sub3A_444 : i32 to vector<16xi32>
          %min3A_446 = arith.minsi %add3A_436, %min3A_445 : vector<16xi32>
          %gather3A_447 = tpu.vector_load_idx %arg19[%min3A_446] : memref<16384xi32, #tpu.memory_space<vmem>>[vector<16xi32>], vector<16xi32>,
          %sub3A_448 = vector.broadcast %min3A_310 : i32 to vector<16xi32>
          %sub3A_449 = arith.subi %gather3A_447, %sub3A_448 : vector<16xi32>
          %gather3A_450 = tpu.vector_load_idx %arg24[%sub3A_449] : memref<16xi32, #tpu.memory_space<vmem>>[vector<16xi32>], vector<16xi32>,
          %sub3A_451 = vector.broadcast %min3A_310 : i32 to vector<16xi32>
          %sub3A_452 = arith.subi %gather3A_447, %sub3A_451 : vector<16xi32>
          %add3A_453 = arith.constant 1 : i32
          %add3A_454 = vector.broadcast %add3A_453 : i32 to vector<16xi32>
          %add3A_455 = arith.addi %sub3A_452, %add3A_454 : vector<16xi32>
          %gather3A_456 = tpu.vector_load_idx %arg24[%add3A_455] : memref<16xi32, #tpu.memory_space<vmem>>[vector<16xi32>], vector<16xi32>,
          %sub3A_457 = arith.subi %min3A_446, %gather3A_450 : vector<16xi32>
          %rem3A_458 = arith.constant 1024 : i32
          %rem3A_459 = vector.broadcast %rem3A_458 : i32 to vector<16xi32>
          %rem3A_460 = arith.remsi %sub3A_457, %rem3A_459 : vector<16xi32>
          %add3A_461 = arith.constant 1024 : i32
          %add3A_462 = vector.broadcast %add3A_461 : i32 to vector<16xi32>
          %add3A_463 = arith.addi %min3A_446, %add3A_462 : vector<16xi32>
          %ge3A = arith.cmpi sge, %add3A_463, %gather3A_456 : vector<16xi32>
          %sub3A_464 = vector.broadcast %min3A_310 : i32 to vector<16xi32>
          %sub3A_465 = arith.subi %gather3A_447, %sub3A_464 : vector<16xi32>
          %mul3A_466 = arith.constant 1024 : i32
          %mul3A_467 = vector.broadcast %mul3A_466 : i32 to vector<16xi32>
          %mul3A_468 = arith.muli %sub3A_465, %mul3A_467 : vector<16xi32>
          %add3A_469 = arith.addi %mul3A_468, %rem3A_460 : vector<16xi32>
          %sub3A_470 = vector.broadcast %multiple_of3A_405 : i32 to vector<16xi32>
          %sub3A_471 = arith.subi %min3A_446, %sub3A_470 : vector<16xi32>
          %and3A = arith.andi %lt3A_442, %ge3A : vector<16xi1>
          %mul3A_472 = arith.constant 4 : i32
          %mul3A_473 = vector.broadcast %mul3A_472 : i32 to vector<16xi32>
          %mul3A_474 = arith.muli %sub3A_471, %mul3A_473 : vector<16xi32>
          %add3A_475 = arith.constant 0 : i32
          %add3A_476 = vector.broadcast %add3A_475 : i32 to vector<16xi32>
          %add3A_477 = arith.addi %mul3A_474, %add3A_476 : vector<16xi32>
          %gather3A_478 = tpu.vector_load_idx %arg26[%add3A_477] : memref<2080xf32, #tpu.memory_space<vmem>>[vector<16xi32>], vector<16xf32>,
          %mul3A_479 = arith.constant 4 : i32
          %mul3A_480 = vector.broadcast %mul3A_479 : i32 to vector<16xi32>
          %mul3A_481 = arith.muli %add3A_469, %mul3A_480 : vector<16xi32>
          %add3A_482 = arith.constant 0 : i32
          %add3A_483 = vector.broadcast %add3A_482 : i32 to vector<16xi32>
          %add3A_484 = arith.addi %mul3A_481, %add3A_483 : vector<16xi32>
          tpu.vector_store_idx %arg25[%add3A_484], %gather3A_478 masked %and3A : memref<32768xf32, #tpu.memory_space<vmem>>[vector<16xi32>], vector<16xf32>, vector<16xi1>
          %mul3A_485 = arith.constant 4 : i32
          %mul3A_486 = vector.broadcast %mul3A_485 : i32 to vector<16xi32>
          %mul3A_487 = arith.muli %sub3A_471, %mul3A_486 : vector<16xi32>
          %add3A_488 = arith.constant 1 : i32
          %add3A_489 = vector.broadcast %add3A_488 : i32 to vector<16xi32>
          %add3A_490 = arith.addi %mul3A_487, %add3A_489 : vector<16xi32>
          %gather3A_491 = tpu.vector_load_idx %arg26[%add3A_490] : memref<2080xf32, #tpu.memory_space<vmem>>[vector<16xi32>], vector<16xf32>,
          %mul3A_492 = arith.constant 4 : i32
          %mul3A_493 = vector.broadcast %mul3A_492 : i32 to vector<16xi32>
          %mul3A_494 = arith.muli %add3A_469, %mul3A_493 : vector<16xi32>
          %add3A_495 = arith.constant 1 : i32
          %add3A_496 = vector.broadcast %add3A_495 : i32 to vector<16xi32>
          %add3A_497 = arith.addi %mul3A_494, %add3A_496 : vector<16xi32>
          tpu.vector_store_idx %arg25[%add3A_497], %gather3A_491 masked %and3A : memref<32768xf32, #tpu.memory_space<vmem>>[vector<16xi32>], vector<16xf32>, vector<16xi1>
          %mul3A_498 = arith.constant 4 : i32
          %mul3A_499 = vector.broadcast %mul3A_498 : i32 to vector<16xi32>
          %mul3A_500 = arith.muli %sub3A_471, %mul3A_499 : vector<16xi32>
          %add3A_501 = arith.constant 2 : i32
          %add3A_502 = vector.broadcast %add3A_501 : i32 to vector<16xi32>
          %add3A_503 = arith.addi %mul3A_500, %add3A_502 : vector<16xi32>
          %gather3A_504 = tpu.vector_load_idx %arg26[%add3A_503] : memref<2080xf32, #tpu.memory_space<vmem>>[vector<16xi32>], vector<16xf32>,
          %mul3A_505 = arith.constant 4 : i32
          %mul3A_506 = vector.broadcast %mul3A_505 : i32 to vector<16xi32>
          %mul3A_507 = arith.muli %add3A_469, %mul3A_506 : vector<16xi32>
          %add3A_508 = arith.constant 2 : i32
          %add3A_509 = vector.broadcast %add3A_508 : i32 to vector<16xi32>
          %add3A_510 = arith.addi %mul3A_507, %add3A_509 : vector<16xi32>
          tpu.vector_store_idx %arg25[%add3A_510], %gather3A_504 masked %and3A : memref<32768xf32, #tpu.memory_space<vmem>>[vector<16xi32>], vector<16xf32>, vector<16xi1>
          %mul3A_511 = arith.constant 4 : i32
          %mul3A_512 = vector.broadcast %mul3A_511 : i32 to vector<16xi32>
          %mul3A_513 = arith.muli %sub3A_471, %mul3A_512 : vector<16xi32>
          %add3A_514 = arith.constant 3 : i32
          %add3A_515 = vector.broadcast %add3A_514 : i32 to vector<16xi32>
          %add3A_516 = arith.addi %mul3A_513, %add3A_515 : vector<16xi32>
          %gather3A_517 = tpu.vector_load_idx %arg26[%add3A_516] : memref<2080xf32, #tpu.memory_space<vmem>>[vector<16xi32>], vector<16xf32>,
          %mul3A_518 = arith.constant 4 : i32
          %mul3A_519 = vector.broadcast %mul3A_518 : i32 to vector<16xi32>
          %mul3A_520 = arith.muli %add3A_469, %mul3A_519 : vector<16xi32>
          %add3A_521 = arith.constant 3 : i32
          %add3A_522 = vector.broadcast %add3A_521 : i32 to vector<16xi32>
          %add3A_523 = arith.addi %mul3A_520, %add3A_522 : vector<16xi32>
          tpu.vector_store_idx %arg25[%add3A_523], %gather3A_517 masked %and3A : memref<32768xf32, #tpu.memory_space<vmem>>[vector<16xi32>], vector<16xf32>, vector<16xi1>
          %while3A_524 = arith.constant 0 : i32
          scf.yield %while3A_524 : i32
        }
        %while3A_426 = arith.constant 1 : i32
        %while3A_427 = scf.for %while3A_429 = %while3A_423 to %while3A_419 step %while3A_426 iter_args(%while3A_430 = %while3A_425) -> (i32)  : i32 {
          %mul3A_431 = arith.constant 16 : i32
          %mul3A_432 = arith.muli %while3A_429, %mul3A_431 : i32
          %add3A_433 = arith.addi %add3A_398, %mul3A_432 : i32
          %iota3A_434 = tpu.iota {dimensions = array<i32: 0>} : vector<16xi32>
          %add3A_435 = vector.broadcast %add3A_433 : i32 to vector<16xi32>
          %add3A_436 = arith.addi %add3A_435, %iota3A_434 : vector<16xi32>
          %mul3A_437 = arith.constant 16 : i32
          %mul3A_438 = arith.muli %while3A_429, %mul3A_437 : i32
          %iota3A_439 = tpu.iota {dimensions = array<i32: 0>} : vector<16xi32>
          %add3A_440 = vector.broadcast %mul3A_438 : i32 to vector<16xi32>
          %add3A_441 = arith.addi %add3A_440, %iota3A_439 : vector<16xi32>
          %lt3A = vector.broadcast %min3A_411 : i32 to vector<16xi32>
          %lt3A_442 = arith.cmpi slt, %add3A_441, %lt3A : vector<16xi32>
          %sub3A_443 = arith.constant 1 : i32
          %sub3A_444 = arith.subi %reduce_max3A_371, %sub3A_443 : i32
          %min3A_445 = vector.broadcast %sub3A_444 : i32 to vector<16xi32>
          %min3A_446 = arith.minsi %add3A_436, %min3A_445 : vector<16xi32>
          %gather3A_447 = tpu.vector_load_idx %arg19[%min3A_446] : memref<16384xi32, #tpu.memory_space<vmem>>[vector<16xi32>], vector<16xi32>,
          %sub3A_448 = vector.broadcast %min3A_310 : i32 to vector<16xi32>
          %sub3A_449 = arith.subi %gather3A_447, %sub3A_448 : vector<16xi32>
          %gather3A_450 = tpu.vector_load_idx %arg24[%sub3A_449] : memref<16xi32, #tpu.memory_space<vmem>>[vector<16xi32>], vector<16xi32>,
          %sub3A_451 = vector.broadcast %min3A_310 : i32 to vector<16xi32>
          %sub3A_452 = arith.subi %gather3A_447, %sub3A_451 : vector<16xi32>
          %add3A_453 = arith.constant 1 : i32
          %add3A_454 = vector.broadcast %add3A_453 : i32 to vector<16xi32>
          %add3A_455 = arith.addi %sub3A_452, %add3A_454 : vector<16xi32>
          %gather3A_456 = tpu.vector_load_idx %arg24[%add3A_455] : memref<16xi32, #tpu.memory_space<vmem>>[vector<16xi32>], vector<16xi32>,
          %sub3A_457 = arith.subi %min3A_446, %gather3A_450 : vector<16xi32>
          %rem3A_458 = arith.constant 1024 : i32
          %rem3A_459 = vector.broadcast %rem3A_458 : i32 to vector<16xi32>
          %rem3A_460 = arith.remsi %sub3A_457, %rem3A_459 : vector<16xi32>
          %add3A_461 = arith.constant 1024 : i32
          %add3A_462 = vector.broadcast %add3A_461 : i32 to vector<16xi32>
          %add3A_463 = arith.addi %min3A_446, %add3A_462 : vector<16xi32>
          %ge3A = arith.cmpi sge, %add3A_463, %gather3A_456 : vector<16xi32>
          %sub3A_464 = vector.broadcast %min3A_310 : i32 to vector<16xi32>
          %sub3A_465 = arith.subi %gather3A_447, %sub3A_464 : vector<16xi32>
          %mul3A_466 = arith.constant 1024 : i32
          %mul3A_467 = vector.broadcast %mul3A_466 : i32 to vector<16xi32>
          %mul3A_468 = arith.muli %sub3A_465, %mul3A_467 : vector<16xi32>
          %add3A_469 = arith.addi %mul3A_468, %rem3A_460 : vector<16xi32>
          %sub3A_470 = vector.broadcast %multiple_of3A_405 : i32 to vector<16xi32>
          %sub3A_471 = arith.subi %min3A_446, %sub3A_470 : vector<16xi32>
          %and3A = arith.andi %lt3A_442, %ge3A : vector<16xi1>
          %mul3A_472 = arith.constant 4 : i32
          %mul3A_473 = vector.broadcast %mul3A_472 : i32 to vector<16xi32>
          %mul3A_474 = arith.muli %sub3A_471, %mul3A_473 : vector<16xi32>
          %add3A_475 = arith.constant 0 : i32
          %add3A_476 = vector.broadcast %add3A_475 : i32 to vector<16xi32>
          %add3A_477 = arith.addi %mul3A_474, %add3A_476 : vector<16xi32>
          %gather3A_478 = tpu.vector_load_idx %arg26[%add3A_477] : memref<2080xf32, #tpu.memory_space<vmem>>[vector<16xi32>], vector<16xf32>,
          %mul3A_479 = arith.constant 4 : i32
          %mul3A_480 = vector.broadcast %mul3A_479 : i32 to vector<16xi32>
          %mul3A_481 = arith.muli %add3A_469, %mul3A_480 : vector<16xi32>
          %add3A_482 = arith.constant 0 : i32
          %add3A_483 = vector.broadcast %add3A_482 : i32 to vector<16xi32>
          %add3A_484 = arith.addi %mul3A_481, %add3A_483 : vector<16xi32>
          tpu.vector_store_idx %arg25[%add3A_484], %gather3A_478 masked %and3A : memref<32768xf32, #tpu.memory_space<vmem>>[vector<16xi32>], vector<16xf32>, vector<16xi1>
          %mul3A_485 = arith.constant 4 : i32
          %mul3A_486 = vector.broadcast %mul3A_485 : i32 to vector<16xi32>
          %mul3A_487 = arith.muli %sub3A_471, %mul3A_486 : vector<16xi32>
          %add3A_488 = arith.constant 1 : i32
          %add3A_489 = vector.broadcast %add3A_488 : i32 to vector<16xi32>
          %add3A_490 = arith.addi %mul3A_487, %add3A_489 : vector<16xi32>
          %gather3A_491 = tpu.vector_load_idx %arg26[%add3A_490] : memref<2080xf32, #tpu.memory_space<vmem>>[vector<16xi32>], vector<16xf32>,
          %mul3A_492 = arith.constant 4 : i32
          %mul3A_493 = vector.broadcast %mul3A_492 : i32 to vector<16xi32>
          %mul3A_494 = arith.muli %add3A_469, %mul3A_493 : vector<16xi32>
          %add3A_495 = arith.constant 1 : i32
          %add3A_496 = vector.broadcast %add3A_495 : i32 to vector<16xi32>
          %add3A_497 = arith.addi %mul3A_494, %add3A_496 : vector<16xi32>
          tpu.vector_store_idx %arg25[%add3A_497], %gather3A_491 masked %and3A : memref<32768xf32, #tpu.memory_space<vmem>>[vector<16xi32>], vector<16xf32>, vector<16xi1>
          %mul3A_498 = arith.constant 4 : i32
          %mul3A_499 = vector.broadcast %mul3A_498 : i32 to vector<16xi32>
          %mul3A_500 = arith.muli %sub3A_471, %mul3A_499 : vector<16xi32>
          %add3A_501 = arith.constant 2 : i32
          %add3A_502 = vector.broadcast %add3A_501 : i32 to vector<16xi32>
          %add3A_503 = arith.addi %mul3A_500, %add3A_502 : vector<16xi32>
          %gather3A_504 = tpu.vector_load_idx %arg26[%add3A_503] : memref<2080xf32, #tpu.memory_space<vmem>>[vector<16xi32>], vector<16xf32>,
          %mul3A_505 = arith.constant 4 : i32
          %mul3A_506 = vector.broadcast %mul3A_505 : i32 to vector<16xi32>
          %mul3A_507 = arith.muli %add3A_469, %mul3A_506 : vector<16xi32>
          %add3A_508 = arith.constant 2 : i32
          %add3A_509 = vector.broadcast %add3A_508 : i32 to vector<16xi32>
          %add3A_510 = arith.addi %mul3A_507, %add3A_509 : vector<16xi32>
          tpu.vector_store_idx %arg25[%add3A_510], %gather3A_504 masked %and3A : memref<32768xf32, #tpu.memory_space<vmem>>[vector<16xi32>], vector<16xf32>, vector<16xi1>
          %mul3A_511 = arith.constant 4 : i32
          %mul3A_512 = vector.broadcast %mul3A_511 : i32 to vector<16xi32>
          %mul3A_513 = arith.muli %sub3A_471, %mul3A_512 : vector<16xi32>
          %add3A_514 = arith.constant 3 : i32
          %add3A_515 = vector.broadcast %add3A_514 : i32 to vector<16xi32>
          %add3A_516 = arith.addi %mul3A_513, %add3A_515 : vector<16xi32>
          %gather3A_517 = tpu.vector_load_idx %arg26[%add3A_516] : memref<2080xf32, #tpu.memory_space<vmem>>[vector<16xi32>], vector<16xf32>,
          %mul3A_518 = arith.constant 4 : i32
          %mul3A_519 = vector.broadcast %mul3A_518 : i32 to vector<16xi32>
          %mul3A_520 = arith.muli %add3A_469, %mul3A_519 : vector<16xi32>
          %add3A_521 = arith.constant 3 : i32
          %add3A_522 = vector.broadcast %add3A_521 : i32 to vector<16xi32>
          %add3A_523 = arith.addi %mul3A_520, %add3A_522 : vector<16xi32>
          tpu.vector_store_idx %arg25[%add3A_523], %gather3A_517 masked %and3A : memref<32768xf32, #tpu.memory_space<vmem>>[vector<16xi32>], vector<16xf32>, vector<16xi1>
          %while3A_524 = arith.constant 0 : i32
          scf.yield %while3A_524 : i32
        }
        %while3A_428 = arith.constant 0 : i32
        scf.yield %while3A_428 : i32
      }
      %while3A_389 = arith.constant 1 : i32
      %while3A_390 = scf.for %while3A_394 = %while3A_386 to %while3A_382 step %while3A_389 iter_args(%while3A_395 = %while3A_388) -> (i32)  : i32 {
        %mul3A_396 = arith.constant 512 : i32
        %mul3A_397 = arith.muli %while3A_394, %mul3A_396 : i32
        %add3A_398 = arith.addi %reduce_max3A_356, %mul3A_397 : i32
        %div3A_399 = arith.constant 8 : i32
        %div3A_400 = arith.divsi %add3A_398, %div3A_399 : i32
        %mul3A_401 = arith.constant 8 : i32
        %mul3A_402 = arith.muli %div3A_400, %mul3A_401 : i32
        %min3A_403 = arith.constant 15864 : i32
        %min3A_404 = arith.minsi %mul3A_402, %min3A_403 : i32
        %multiple_of3A_405 = tpu.assume_multiple %min3A_404, 8 : i32
        %mul3A_406 = arith.constant 4 : i32
        %mul3A_407 = arith.muli %multiple_of3A_405, %mul3A_406 : i32
        %multiple_of3A_408 = tpu.assume_multiple %mul3A_407, 8 : i32
        "tpu.region"() ({
          %run_scoped3A = tpu.sem_alloc : memref<!tpu.dma_semaphore, #tpu.memory_space<semaphore_mem>>
          %dma_start3A_429 = tpu.memref_slice %arg5[%multiple_of3A_408] : memref<65536xf32, #tpu.memory_space<hbm>> -> memref<2080xf32, #tpu.memory_space<hbm>>
          %dma_start3A_430 = tpu.memref_slice %arg5[%multiple_of3A_408] : memref<65536xf32, #tpu.memory_space<hbm>> -> memref<2080xf32, #tpu.memory_space<hbm>>
          tpu.enqueue_dma source(%dma_start3A_430 : memref<2080xf32, #tpu.memory_space<hbm>>) target(%arg26 : memref<2080xf32, #tpu.memory_space<vmem>>) target_semaphore(%run_scoped3A : memref<!tpu.dma_semaphore, #tpu.memory_space<semaphore_mem>>)
          %dma_wait3A_431 = tpu.memref_slice %arg5[%multiple_of3A_408] : memref<65536xf32, #tpu.memory_space<hbm>> -> memref<2080xf32, #tpu.memory_space<hbm>>
          %dma_wait3A_432 = tpu.memref_slice %arg5[%multiple_of3A_408] : memref<65536xf32, #tpu.memory_space<hbm>> -> memref<2080xf32, #tpu.memory_space<hbm>>
          tpu.wait_dma2 semaphore(%run_scoped3A : memref<!tpu.dma_semaphore, #tpu.memory_space<semaphore_mem>>) src(%dma_wait3A_432 : memref<2080xf32, #tpu.memory_space<hbm>>) dst(%arg26 : memref<2080xf32, #tpu.memory_space<vmem>>)
          tpu.yield
        }) : () -> ()
        %sub3A_409 = arith.subi %reduce_max3A_371, %add3A_398 : i32
        %min3A_410 = arith.constant 512 : i32
        %min3A_411 = arith.minsi %sub3A_409, %min3A_410 : i32
        %add3A_412 = arith.constant 15 : i32
        %add3A_413 = arith.addi %min3A_411, %add3A_412 : i32
        %div3A_414 = arith.constant 16 : i32
        %div3A_415 = arith.divsi %add3A_413, %div3A_414 : i32
        %while3A_416 = arith.constant 0 : i32
        %while3A_417 = arith.constant 0 : i32
        %while3A_418 = arith.subi %div3A_415, %while3A_416 : i32
        %while3A_419 = arith.addi %while3A_416, %while3A_418 : i32
        %while3A_420 = arith.constant 1 : i32
        %while3A_421 = arith.divsi %while3A_418, %while3A_420 : i32
        %while3A_422 = arith.muli %while3A_421, %while3A_420 : i32
        %while3A_423 = arith.addi %while3A_416, %while3A_422 : i32
        %while3A_424 = arith.constant 1 : i32
        %while3A_425 = scf.for %while3A_429 = %while3A_416 to %while3A_423 step %while3A_424 iter_args(%while3A_430 = %while3A_417) -> (i32)  : i32 {
          %mul3A_431 = arith.constant 16 : i32
          %mul3A_432 = arith.muli %while3A_429, %mul3A_431 : i32
          %add3A_433 = arith.addi %add3A_398, %mul3A_432 : i32
          %iota3A_434 = tpu.iota {dimensions = array<i32: 0>} : vector<16xi32>
          %add3A_435 = vector.broadcast %add3A_433 : i32 to vector<16xi32>
          %add3A_436 = arith.addi %add3A_435, %iota3A_434 : vector<16xi32>
          %mul3A_437 = arith.constant 16 : i32
          %mul3A_438 = arith.muli %while3A_429, %mul3A_437 : i32
          %iota3A_439 = tpu.iota {dimensions = array<i32: 0>} : vector<16xi32>
          %add3A_440 = vector.broadcast %mul3A_438 : i32 to vector<16xi32>
          %add3A_441 = arith.addi %add3A_440, %iota3A_439 : vector<16xi32>
          %lt3A = vector.broadcast %min3A_411 : i32 to vector<16xi32>
          %lt3A_442 = arith.cmpi slt, %add3A_441, %lt3A : vector<16xi32>
          %sub3A_443 = arith.constant 1 : i32
          %sub3A_444 = arith.subi %reduce_max3A_371, %sub3A_443 : i32
          %min3A_445 = vector.broadcast %sub3A_444 : i32 to vector<16xi32>
          %min3A_446 = arith.minsi %add3A_436, %min3A_445 : vector<16xi32>
          %gather3A_447 = tpu.vector_load_idx %arg19[%min3A_446] : memref<16384xi32, #tpu.memory_space<vmem>>[vector<16xi32>], vector<16xi32>,
          %sub3A_448 = vector.broadcast %min3A_310 : i32 to vector<16xi32>
          %sub3A_449 = arith.subi %gather3A_447, %sub3A_448 : vector<16xi32>
          %gather3A_450 = tpu.vector_load_idx %arg24[%sub3A_449] : memref<16xi32, #tpu.memory_space<vmem>>[vector<16xi32>], vector<16xi32>,
          %sub3A_451 = vector.broadcast %min3A_310 : i32 to vector<16xi32>
          %sub3A_452 = arith.subi %gather3A_447, %sub3A_451 : vector<16xi32>
          %add3A_453 = arith.constant 1 : i32
          %add3A_454 = vector.broadcast %add3A_453 : i32 to vector<16xi32>
          %add3A_455 = arith.addi %sub3A_452, %add3A_454 : vector<16xi32>
          %gather3A_456 = tpu.vector_load_idx %arg24[%add3A_455] : memref<16xi32, #tpu.memory_space<vmem>>[vector<16xi32>], vector<16xi32>,
          %sub3A_457 = arith.subi %min3A_446, %gather3A_450 : vector<16xi32>
          %rem3A_458 = arith.constant 1024 : i32
          %rem3A_459 = vector.broadcast %rem3A_458 : i32 to vector<16xi32>
          %rem3A_460 = arith.remsi %sub3A_457, %rem3A_459 : vector<16xi32>
          %add3A_461 = arith.constant 1024 : i32
          %add3A_462 = vector.broadcast %add3A_461 : i32 to vector<16xi32>
          %add3A_463 = arith.addi %min3A_446, %add3A_462 : vector<16xi32>
          %ge3A = arith.cmpi sge, %add3A_463, %gather3A_456 : vector<16xi32>
          %sub3A_464 = vector.broadcast %min3A_310 : i32 to vector<16xi32>
          %sub3A_465 = arith.subi %gather3A_447, %sub3A_464 : vector<16xi32>
          %mul3A_466 = arith.constant 1024 : i32
          %mul3A_467 = vector.broadcast %mul3A_466 : i32 to vector<16xi32>
          %mul3A_468 = arith.muli %sub3A_465, %mul3A_467 : vector<16xi32>
          %add3A_469 = arith.addi %mul3A_468, %rem3A_460 : vector<16xi32>
          %sub3A_470 = vector.broadcast %multiple_of3A_405 : i32 to vector<16xi32>
          %sub3A_471 = arith.subi %min3A_446, %sub3A_470 : vector<16xi32>
          %and3A = arith.andi %lt3A_442, %ge3A : vector<16xi1>
          %mul3A_472 = arith.constant 4 : i32
          %mul3A_473 = vector.broadcast %mul3A_472 : i32 to vector<16xi32>
          %mul3A_474 = arith.muli %sub3A_471, %mul3A_473 : vector<16xi32>
          %add3A_475 = arith.constant 0 : i32
          %add3A_476 = vector.broadcast %add3A_475 : i32 to vector<16xi32>
          %add3A_477 = arith.addi %mul3A_474, %add3A_476 : vector<16xi32>
          %gather3A_478 = tpu.vector_load_idx %arg26[%add3A_477] : memref<2080xf32, #tpu.memory_space<vmem>>[vector<16xi32>], vector<16xf32>,
          %mul3A_479 = arith.constant 4 : i32
          %mul3A_480 = vector.broadcast %mul3A_479 : i32 to vector<16xi32>
          %mul3A_481 = arith.muli %add3A_469, %mul3A_480 : vector<16xi32>
          %add3A_482 = arith.constant 0 : i32
          %add3A_483 = vector.broadcast %add3A_482 : i32 to vector<16xi32>
          %add3A_484 = arith.addi %mul3A_481, %add3A_483 : vector<16xi32>
          tpu.vector_store_idx %arg25[%add3A_484], %gather3A_478 masked %and3A : memref<32768xf32, #tpu.memory_space<vmem>>[vector<16xi32>], vector<16xf32>, vector<16xi1>
          %mul3A_485 = arith.constant 4 : i32
          %mul3A_486 = vector.broadcast %mul3A_485 : i32 to vector<16xi32>
          %mul3A_487 = arith.muli %sub3A_471, %mul3A_486 : vector<16xi32>
          %add3A_488 = arith.constant 1 : i32
          %add3A_489 = vector.broadcast %add3A_488 : i32 to vector<16xi32>
          %add3A_490 = arith.addi %mul3A_487, %add3A_489 : vector<16xi32>
          %gather3A_491 = tpu.vector_load_idx %arg26[%add3A_490] : memref<2080xf32, #tpu.memory_space<vmem>>[vector<16xi32>], vector<16xf32>,
          %mul3A_492 = arith.constant 4 : i32
          %mul3A_493 = vector.broadcast %mul3A_492 : i32 to vector<16xi32>
          %mul3A_494 = arith.muli %add3A_469, %mul3A_493 : vector<16xi32>
          %add3A_495 = arith.constant 1 : i32
          %add3A_496 = vector.broadcast %add3A_495 : i32 to vector<16xi32>
          %add3A_497 = arith.addi %mul3A_494, %add3A_496 : vector<16xi32>
          tpu.vector_store_idx %arg25[%add3A_497], %gather3A_491 masked %and3A : memref<32768xf32, #tpu.memory_space<vmem>>[vector<16xi32>], vector<16xf32>, vector<16xi1>
          %mul3A_498 = arith.constant 4 : i32
          %mul3A_499 = vector.broadcast %mul3A_498 : i32 to vector<16xi32>
          %mul3A_500 = arith.muli %sub3A_471, %mul3A_499 : vector<16xi32>
          %add3A_501 = arith.constant 2 : i32
          %add3A_502 = vector.broadcast %add3A_501 : i32 to vector<16xi32>
          %add3A_503 = arith.addi %mul3A_500, %add3A_502 : vector<16xi32>
          %gather3A_504 = tpu.vector_load_idx %arg26[%add3A_503] : memref<2080xf32, #tpu.memory_space<vmem>>[vector<16xi32>], vector<16xf32>,
          %mul3A_505 = arith.constant 4 : i32
          %mul3A_506 = vector.broadcast %mul3A_505 : i32 to vector<16xi32>
          %mul3A_507 = arith.muli %add3A_469, %mul3A_506 : vector<16xi32>
          %add3A_508 = arith.constant 2 : i32
          %add3A_509 = vector.broadcast %add3A_508 : i32 to vector<16xi32>
          %add3A_510 = arith.addi %mul3A_507, %add3A_509 : vector<16xi32>
          tpu.vector_store_idx %arg25[%add3A_510], %gather3A_504 masked %and3A : memref<32768xf32, #tpu.memory_space<vmem>>[vector<16xi32>], vector<16xf32>, vector<16xi1>
          %mul3A_511 = arith.constant 4 : i32
          %mul3A_512 = vector.broadcast %mul3A_511 : i32 to vector<16xi32>
          %mul3A_513 = arith.muli %sub3A_471, %mul3A_512 : vector<16xi32>
          %add3A_514 = arith.constant 3 : i32
          %add3A_515 = vector.broadcast %add3A_514 : i32 to vector<16xi32>
          %add3A_516 = arith.addi %mul3A_513, %add3A_515 : vector<16xi32>
          %gather3A_517 = tpu.vector_load_idx %arg26[%add3A_516] : memref<2080xf32, #tpu.memory_space<vmem>>[vector<16xi32>], vector<16xf32>,
          %mul3A_518 = arith.constant 4 : i32
          %mul3A_519 = vector.broadcast %mul3A_518 : i32 to vector<16xi32>
          %mul3A_520 = arith.muli %add3A_469, %mul3A_519 : vector<16xi32>
          %add3A_521 = arith.constant 3 : i32
          %add3A_522 = vector.broadcast %add3A_521 : i32 to vector<16xi32>
          %add3A_523 = arith.addi %mul3A_520, %add3A_522 : vector<16xi32>
          tpu.vector_store_idx %arg25[%add3A_523], %gather3A_517 masked %and3A : memref<32768xf32, #tpu.memory_space<vmem>>[vector<16xi32>], vector<16xf32>, vector<16xi1>
          %while3A_524 = arith.constant 0 : i32
          scf.yield %while3A_524 : i32
        }
        %while3A_426 = arith.constant 1 : i32
        %while3A_427 = scf.for %while3A_429 = %while3A_423 to %while3A_419 step %while3A_426 iter_args(%while3A_430 = %while3A_425) -> (i32)  : i32 {
          %mul3A_431 = arith.constant 16 : i32
          %mul3A_432 = arith.muli %while3A_429, %mul3A_431 : i32
          %add3A_433 = arith.addi %add3A_398, %mul3A_432 : i32
          %iota3A_434 = tpu.iota {dimensions = array<i32: 0>} : vector<16xi32>
          %add3A_435 = vector.broadcast %add3A_433 : i32 to vector<16xi32>
          %add3A_436 = arith.addi %add3A_435, %iota3A_434 : vector<16xi32>
          %mul3A_437 = arith.constant 16 : i32
          %mul3A_438 = arith.muli %while3A_429, %mul3A_437 : i32
          %iota3A_439 = tpu.iota {dimensions = array<i32: 0>} : vector<16xi32>
          %add3A_440 = vector.broadcast %mul3A_438 : i32 to vector<16xi32>
          %add3A_441 = arith.addi %add3A_440, %iota3A_439 : vector<16xi32>
          %lt3A = vector.broadcast %min3A_411 : i32 to vector<16xi32>
          %lt3A_442 = arith.cmpi slt, %add3A_441, %lt3A : vector<16xi32>
          %sub3A_443 = arith.constant 1 : i32
          %sub3A_444 = arith.subi %reduce_max3A_371, %sub3A_443 : i32
          %min3A_445 = vector.broadcast %sub3A_444 : i32 to vector<16xi32>
          %min3A_446 = arith.minsi %add3A_436, %min3A_445 : vector<16xi32>
          %gather3A_447 = tpu.vector_load_idx %arg19[%min3A_446] : memref<16384xi32, #tpu.memory_space<vmem>>[vector<16xi32>], vector<16xi32>,
          %sub3A_448 = vector.broadcast %min3A_310 : i32 to vector<16xi32>
          %sub3A_449 = arith.subi %gather3A_447, %sub3A_448 : vector<16xi32>
          %gather3A_450 = tpu.vector_load_idx %arg24[%sub3A_449] : memref<16xi32, #tpu.memory_space<vmem>>[vector<16xi32>], vector<16xi32>,
          %sub3A_451 = vector.broadcast %min3A_310 : i32 to vector<16xi32>
          %sub3A_452 = arith.subi %gather3A_447, %sub3A_451 : vector<16xi32>
          %add3A_453 = arith.constant 1 : i32
          %add3A_454 = vector.broadcast %add3A_453 : i32 to vector<16xi32>
          %add3A_455 = arith.addi %sub3A_452, %add3A_454 : vector<16xi32>
          %gather3A_456 = tpu.vector_load_idx %arg24[%add3A_455] : memref<16xi32, #tpu.memory_space<vmem>>[vector<16xi32>], vector<16xi32>,
          %sub3A_457 = arith.subi %min3A_446, %gather3A_450 : vector<16xi32>
          %rem3A_458 = arith.constant 1024 : i32
          %rem3A_459 = vector.broadcast %rem3A_458 : i32 to vector<16xi32>
          %rem3A_460 = arith.remsi %sub3A_457, %rem3A_459 : vector<16xi32>
          %add3A_461 = arith.constant 1024 : i32
          %add3A_462 = vector.broadcast %add3A_461 : i32 to vector<16xi32>
          %add3A_463 = arith.addi %min3A_446, %add3A_462 : vector<16xi32>
          %ge3A = arith.cmpi sge, %add3A_463, %gather3A_456 : vector<16xi32>
          %sub3A_464 = vector.broadcast %min3A_310 : i32 to vector<16xi32>
          %sub3A_465 = arith.subi %gather3A_447, %sub3A_464 : vector<16xi32>
          %mul3A_466 = arith.constant 1024 : i32
          %mul3A_467 = vector.broadcast %mul3A_466 : i32 to vector<16xi32>
          %mul3A_468 = arith.muli %sub3A_465, %mul3A_467 : vector<16xi32>
          %add3A_469 = arith.addi %mul3A_468, %rem3A_460 : vector<16xi32>
          %sub3A_470 = vector.broadcast %multiple_of3A_405 : i32 to vector<16xi32>
          %sub3A_471 = arith.subi %min3A_446, %sub3A_470 : vector<16xi32>
          %and3A = arith.andi %lt3A_442, %ge3A : vector<16xi1>
          %mul3A_472 = arith.constant 4 : i32
          %mul3A_473 = vector.broadcast %mul3A_472 : i32 to vector<16xi32>
          %mul3A_474 = arith.muli %sub3A_471, %mul3A_473 : vector<16xi32>
          %add3A_475 = arith.constant 0 : i32
          %add3A_476 = vector.broadcast %add3A_475 : i32 to vector<16xi32>
          %add3A_477 = arith.addi %mul3A_474, %add3A_476 : vector<16xi32>
          %gather3A_478 = tpu.vector_load_idx %arg26[%add3A_477] : memref<2080xf32, #tpu.memory_space<vmem>>[vector<16xi32>], vector<16xf32>,
          %mul3A_479 = arith.constant 4 : i32
          %mul3A_480 = vector.broadcast %mul3A_479 : i32 to vector<16xi32>
          %mul3A_481 = arith.muli %add3A_469, %mul3A_480 : vector<16xi32>
          %add3A_482 = arith.constant 0 : i32
          %add3A_483 = vector.broadcast %add3A_482 : i32 to vector<16xi32>
          %add3A_484 = arith.addi %mul3A_481, %add3A_483 : vector<16xi32>
          tpu.vector_store_idx %arg25[%add3A_484], %gather3A_478 masked %and3A : memref<32768xf32, #tpu.memory_space<vmem>>[vector<16xi32>], vector<16xf32>, vector<16xi1>
          %mul3A_485 = arith.constant 4 : i32
          %mul3A_486 = vector.broadcast %mul3A_485 : i32 to vector<16xi32>
          %mul3A_487 = arith.muli %sub3A_471, %mul3A_486 : vector<16xi32>
          %add3A_488 = arith.constant 1 : i32
          %add3A_489 = vector.broadcast %add3A_488 : i32 to vector<16xi32>
          %add3A_490 = arith.addi %mul3A_487, %add3A_489 : vector<16xi32>
          %gather3A_491 = tpu.vector_load_idx %arg26[%add3A_490] : memref<2080xf32, #tpu.memory_space<vmem>>[vector<16xi32>], vector<16xf32>,
          %mul3A_492 = arith.constant 4 : i32
          %mul3A_493 = vector.broadcast %mul3A_492 : i32 to vector<16xi32>
          %mul3A_494 = arith.muli %add3A_469, %mul3A_493 : vector<16xi32>
          %add3A_495 = arith.constant 1 : i32
          %add3A_496 = vector.broadcast %add3A_495 : i32 to vector<16xi32>
          %add3A_497 = arith.addi %mul3A_494, %add3A_496 : vector<16xi32>
          tpu.vector_store_idx %arg25[%add3A_497], %gather3A_491 masked %and3A : memref<32768xf32, #tpu.memory_space<vmem>>[vector<16xi32>], vector<16xf32>, vector<16xi1>
          %mul3A_498 = arith.constant 4 : i32
          %mul3A_499 = vector.broadcast %mul3A_498 : i32 to vector<16xi32>
          %mul3A_500 = arith.muli %sub3A_471, %mul3A_499 : vector<16xi32>
          %add3A_501 = arith.constant 2 : i32
          %add3A_502 = vector.broadcast %add3A_501 : i32 to vector<16xi32>
          %add3A_503 = arith.addi %mul3A_500, %add3A_502 : vector<16xi32>
          %gather3A_504 = tpu.vector_load_idx %arg26[%add3A_503] : memref<2080xf32, #tpu.memory_space<vmem>>[vector<16xi32>], vector<16xf32>,
          %mul3A_505 = arith.constant 4 : i32
          %mul3A_506 = vector.broadcast %mul3A_505 : i32 to vector<16xi32>
          %mul3A_507 = arith.muli %add3A_469, %mul3A_506 : vector<16xi32>
          %add3A_508 = arith.constant 2 : i32
          %add3A_509 = vector.broadcast %add3A_508 : i32 to vector<16xi32>
          %add3A_510 = arith.addi %mul3A_507, %add3A_509 : vector<16xi32>
          tpu.vector_store_idx %arg25[%add3A_510], %gather3A_504 masked %and3A : memref<32768xf32, #tpu.memory_space<vmem>>[vector<16xi32>], vector<16xf32>, vector<16xi1>
          %mul3A_511 = arith.constant 4 : i32
          %mul3A_512 = vector.broadcast %mul3A_511 : i32 to vector<16xi32>
          %mul3A_513 = arith.muli %sub3A_471, %mul3A_512 : vector<16xi32>
          %add3A_514 = arith.constant 3 : i32
          %add3A_515 = vector.broadcast %add3A_514 : i32 to vector<16xi32>
          %add3A_516 = arith.addi %mul3A_513, %add3A_515 : vector<16xi32>
          %gather3A_517 = tpu.vector_load_idx %arg26[%add3A_516] : memref<2080xf32, #tpu.memory_space<vmem>>[vector<16xi32>], vector<16xf32>,
          %mul3A_518 = arith.constant 4 : i32
          %mul3A_519 = vector.broadcast %mul3A_518 : i32 to vector<16xi32>
          %mul3A_520 = arith.muli %add3A_469, %mul3A_519 : vector<16xi32>
          %add3A_521 = arith.constant 3 : i32
          %add3A_522 = vector.broadcast %add3A_521 : i32 to vector<16xi32>
          %add3A_523 = arith.addi %mul3A_520, %add3A_522 : vector<16xi32>
          tpu.vector_store_idx %arg25[%add3A_523], %gather3A_517 masked %and3A : memref<32768xf32, #tpu.memory_space<vmem>>[vector<16xi32>], vector<16xf32>, vector<16xi1>
          %while3A_524 = arith.constant 0 : i32
          scf.yield %while3A_524 : i32
        }
        %while3A_428 = arith.constant 0 : i32
        scf.yield %while3A_428 : i32
      }
      %mul3A_391 = arith.constant 4 : i32
      %mul3A_392 = arith.muli %mul3A_312, %mul3A_391 : i32
      %multiple_of3A_393 = tpu.assume_multiple %mul3A_392, 8 : i32
      "tpu.region"() ({
        %run_scoped3A = tpu.sem_alloc : memref<!tpu.dma_semaphore, #tpu.memory_space<semaphore_mem>>
        %dma_start3A_394 = tpu.memref_slice %arg14[%multiple_of3A_393] : memref<245760xf32, #tpu.memory_space<hbm>> -> memref<32768xf32, #tpu.memory_space<hbm>>
        %dma_start3A_395 = tpu.memref_slice %arg14[%multiple_of3A_393] : memref<245760xf32, #tpu.memory_space<hbm>> -> memref<32768xf32, #tpu.memory_space<hbm>>
        tpu.enqueue_dma source(%arg25 : memref<32768xf32, #tpu.memory_space<vmem>>) target(%dma_start3A_395 : memref<32768xf32, #tpu.memory_space<hbm>>) target_semaphore(%run_scoped3A : memref<!tpu.dma_semaphore, #tpu.memory_space<semaphore_mem>>)
        %dma_wait3A_396 = tpu.memref_slice %arg14[%multiple_of3A_393] : memref<245760xf32, #tpu.memory_space<hbm>> -> memref<32768xf32, #tpu.memory_space<hbm>>
        %dma_wait3A_397 = tpu.memref_slice %arg14[%multiple_of3A_393] : memref<245760xf32, #tpu.memory_space<hbm>> -> memref<32768xf32, #tpu.memory_space<hbm>>
        tpu.wait_dma2 semaphore(%run_scoped3A : memref<!tpu.dma_semaphore, #tpu.memory_space<semaphore_mem>>) src(%arg25 : memref<32768xf32, #tpu.memory_space<vmem>>) dst(%dma_wait3A_397 : memref<32768xf32, #tpu.memory_space<hbm>>)
        tpu.yield
      }) : () -> ()
    } else {
    }
    %eq3A_315 = arith.constant 1 : i32
    %eq3A_316 = arith.cmpi eq, %div3A_304, %eq3A_315 : i32
    %convert_element_type3A_317 = arith.extui %eq3A_316 : i1 to i32
    %cond3A_318 = arith.constant 0 : i32
    %cond3A_319 = arith.cmpi ne, %convert_element_type3A_317, %cond3A_318 : i32
    scf.if %cond3A_319 {
      %iota3A_330 = tpu.iota {dimensions = array<i32: 0>} : vector<16xi32>
      %add3A_331 = vector.broadcast %min3A_310 : i32 to vector<16xi32>
      %add3A_332 = arith.addi %add3A_331, %iota3A_330 : vector<16xi32>
      %broadcast_in_dim3A_333 = arith.constant 0 : i32
      %broadcast_in_dim3A_334 = vector.broadcast %broadcast_in_dim3A_333 : i32 to vector<16xi32>
      %broadcast_in_dim3A_335 = arith.constant 16384 : i32
      %broadcast_in_dim3A_336 = vector.broadcast %broadcast_in_dim3A_335 : i32 to vector<16xi32>
      %scan3A_337 = arith.constant 0 : i32
      %scan3A_338 = arith.constant 15 : i32
      %scan3A_339 = arith.addi %scan3A_337, %scan3A_338 : i32
      %scan3A_340 = arith.constant 1 : i32
      %scan3A_341:2 = scf.for %scan3A_394 = %scan3A_337 to %scan3A_339 step %scan3A_340 iter_args(%scan3A_395 = %broadcast_in_dim3A_334, %scan3A_396 = %broadcast_in_dim3A_336) -> (vector<16xi32>, vector<16xi32>)  : i32 {
        %add3A_397 = arith.addi %scan3A_395, %scan3A_396 : vector<16xi32>
        %div3A_398 = arith.constant 2 : i32
        %div3A_399 = vector.broadcast %div3A_398 : i32 to vector<16xi32>
        %div3A_400 = arith.divsi %add3A_397, %div3A_399 : vector<16xi32>
        %min3A_401 = arith.constant 16383 : i32
        %min3A_402 = vector.broadcast %min3A_401 : i32 to vector<16xi32>
        %min3A_403 = arith.minsi %div3A_400, %min3A_402 : vector<16xi32>
        %gather3A_404 = tpu.vector_load_idx %arg20[%min3A_403] : memref<16384xi32, #tpu.memory_space<vmem>>[vector<16xi32>], vector<16xi32>,
        %lt3A = arith.cmpi slt, %scan3A_395, %scan3A_396 : vector<16xi32>
        %lt3A_405 = arith.cmpi slt, %gather3A_404, %add3A_332 : vector<16xi32>
        %and3A = arith.andi %lt3A, %lt3A_405 : vector<16xi1>
        %add3A_406 = arith.constant 1 : i32
        %add3A_407 = vector.broadcast %add3A_406 : i32 to vector<16xi32>
        %add3A_408 = arith.addi %div3A_400, %add3A_407 : vector<16xi32>
        %select_n3A_409 = arith.select %and3A, %add3A_408, %scan3A_395 : vector<16xi1>, vector<16xi32>
        %not3A = arith.constant dense<true> : vector<16xi1>
        %not3A_410 = arith.xori %lt3A_405, %not3A : vector<16xi1>
        %and3A_411 = arith.andi %lt3A, %not3A_410 : vector<16xi1>
        %select_n3A_412 = arith.select %and3A_411, %div3A_400, %scan3A_396 : vector<16xi1>, vector<16xi32>
        scf.yield %select_n3A_409, %select_n3A_412 : vector<16xi32>, vector<16xi32>
      }
      %scan3A_342 = arith.constant 15 : i32
      %swap3A_343 = arith.constant 0 : index
      %swap3A_344 = tpu.vector_load %arg24[%swap3A_343] {strides = array<i32>} : memref<16xi32, #tpu.memory_space<vmem>>, vector<16xi32>,
      tpu.vector_store %arg24[%swap3A_343], %scan3A_341#0 {strides = array<i32>} : memref<16xi32, #tpu.memory_space<vmem>>, vector<16xi32>,
      %iota3A_345 = tpu.iota {dimensions = array<i32: 0>} : vector<16xi32>
      %eq3A_346 = arith.constant 0 : i32
      %eq3A_347 = vector.broadcast %eq3A_346 : i32 to vector<16xi32>
      %eq3A_348 = arith.cmpi eq, %iota3A_345, %eq3A_347 : vector<16xi32>
      %jit3A = arith.constant 0 : i32
      %broadcast_in_dim3A_349 = vector.broadcast %jit3A : i32 to vector<16xi32>
      %select_n3A = arith.select %eq3A_348, %scan3A_341#0, %broadcast_in_dim3A_349 : vector<16xi1>, vector<16xi32>
      %reduce_max3A = arith.constant true
      %reduce_max3A_350 = vector.broadcast %reduce_max3A : i1 to vector<16xi1>
      %reduce_max3A_351 = arith.constant -2147483648 : i32
      %reduce_max3A_352 = vector.broadcast %reduce_max3A_351 : i32 to vector<16xi32>
      %reduce_max3A_353 = arith.xori %select_n3A, %reduce_max3A_352 : vector<16xi32>
      %reduce_max3A_354 = tpu.scan <max>, %reduce_max3A_353 masked %reduce_max3A_350 : vector<16xi32>, vector<16xi1> -> vector<16xi32>
      %reduce_max3A_355 = arith.xori %reduce_max3A_354, %reduce_max3A_352 : vector<16xi32>
      %reduce_max3A_356 = vector.extract %reduce_max3A_355[15] : i32 from vector<16xi32>
      %iota3A_357 = tpu.iota {dimensions = array<i32: 0>} : vector<16xi32>
      %eq3A_358 = arith.constant 8 : i32
      %eq3A_359 = vector.broadcast %eq3A_358 : i32 to vector<16xi32>
      %eq3A_360 = arith.cmpi eq, %iota3A_357, %eq3A_359 : vector<16xi32>
      %jit3A_361 = arith.constant 0 : i32
      %broadcast_in_dim3A_362 = vector.broadcast %jit3A_361 : i32 to vector<16xi32>
      %select_n3A_363 = arith.select %eq3A_360, %scan3A_341#0, %broadcast_in_dim3A_362 : vector<16xi1>, vector<16xi32>
      %reduce_max3A_364 = arith.constant true
      %reduce_max3A_365 = vector.broadcast %reduce_max3A_364 : i1 to vector<16xi1>
      %reduce_max3A_366 = arith.constant -2147483648 : i32
      %reduce_max3A_367 = vector.broadcast %reduce_max3A_366 : i32 to vector<16xi32>
      %reduce_max3A_368 = arith.xori %select_n3A_363, %reduce_max3A_367 : vector<16xi32>
      %reduce_max3A_369 = tpu.scan <max>, %reduce_max3A_368 masked %reduce_max3A_365 : vector<16xi32>, vector<16xi1> -> vector<16xi32>
      %reduce_max3A_370 = arith.xori %reduce_max3A_369, %reduce_max3A_367 : vector<16xi32>
      %reduce_max3A_371 = vector.extract %reduce_max3A_370[15] : i32 from vector<16xi32>
      %mul3A_372 = arith.constant 4 : i32
      %mul3A_373 = arith.muli %mul3A_312, %mul3A_372 : i32
      %multiple_of3A = tpu.assume_multiple %mul3A_373, 8 : i32
      "tpu.region"() ({
        %run_scoped3A = tpu.sem_alloc : memref<!tpu.dma_semaphore, #tpu.memory_space<semaphore_mem>>
        %dma_start3A_394 = tpu.memref_slice %arg11[%multiple_of3A] : memref<245760xf32, #tpu.memory_space<hbm>> -> memref<32768xf32, #tpu.memory_space<hbm>>
        %dma_start3A_395 = tpu.memref_slice %arg11[%multiple_of3A] : memref<245760xf32, #tpu.memory_space<hbm>> -> memref<32768xf32, #tpu.memory_space<hbm>>
        tpu.enqueue_dma source(%dma_start3A_395 : memref<32768xf32, #tpu.memory_space<hbm>>) target(%arg25 : memref<32768xf32, #tpu.memory_space<vmem>>) target_semaphore(%run_scoped3A : memref<!tpu.dma_semaphore, #tpu.memory_space<semaphore_mem>>)
        %dma_wait3A_396 = tpu.memref_slice %arg11[%multiple_of3A] : memref<245760xf32, #tpu.memory_space<hbm>> -> memref<32768xf32, #tpu.memory_space<hbm>>
        %dma_wait3A_397 = tpu.memref_slice %arg11[%multiple_of3A] : memref<245760xf32, #tpu.memory_space<hbm>> -> memref<32768xf32, #tpu.memory_space<hbm>>
        tpu.wait_dma2 semaphore(%run_scoped3A : memref<!tpu.dma_semaphore, #tpu.memory_space<semaphore_mem>>) src(%dma_wait3A_397 : memref<32768xf32, #tpu.memory_space<hbm>>) dst(%arg25 : memref<32768xf32, #tpu.memory_space<vmem>>)
        tpu.yield
      }) : () -> ()
      %sub3A_374 = arith.subi %reduce_max3A_371, %reduce_max3A_356 : i32
      %max3A = arith.constant 0 : i32
      %max3A_375 = arith.maxsi %sub3A_374, %max3A : i32
      %add3A_376 = arith.constant 511 : i32
      %add3A_377 = arith.addi %max3A_375, %add3A_376 : i32
      %div3A_378 = arith.constant 512 : i32
      %div3A_379 = arith.divsi %add3A_377, %div3A_378 : i32
      %while3A = arith.constant 0 : i32
      %while3A_380 = arith.constant 0 : i32
      %while3A_381 = arith.subi %div3A_379, %while3A : i32
      %while3A_382 = arith.addi %while3A, %while3A_381 : i32
      %while3A_383 = arith.constant 1 : i32
      %while3A_384 = arith.divsi %while3A_381, %while3A_383 : i32
      %while3A_385 = arith.muli %while3A_384, %while3A_383 : i32
      %while3A_386 = arith.addi %while3A, %while3A_385 : i32
      %while3A_387 = arith.constant 1 : i32
      %while3A_388 = scf.for %while3A_394 = %while3A to %while3A_386 step %while3A_387 iter_args(%while3A_395 = %while3A_380) -> (i32)  : i32 {
        %mul3A_396 = arith.constant 512 : i32
        %mul3A_397 = arith.muli %while3A_394, %mul3A_396 : i32
        %add3A_398 = arith.addi %reduce_max3A_356, %mul3A_397 : i32
        %div3A_399 = arith.constant 8 : i32
        %div3A_400 = arith.divsi %add3A_398, %div3A_399 : i32
        %mul3A_401 = arith.constant 8 : i32
        %mul3A_402 = arith.muli %div3A_400, %mul3A_401 : i32
        %min3A_403 = arith.constant 15864 : i32
        %min3A_404 = arith.minsi %mul3A_402, %min3A_403 : i32
        %multiple_of3A_405 = tpu.assume_multiple %min3A_404, 8 : i32
        %mul3A_406 = arith.constant 4 : i32
        %mul3A_407 = arith.muli %multiple_of3A_405, %mul3A_406 : i32
        %multiple_of3A_408 = tpu.assume_multiple %mul3A_407, 8 : i32
        "tpu.region"() ({
          %run_scoped3A = tpu.sem_alloc : memref<!tpu.dma_semaphore, #tpu.memory_space<semaphore_mem>>
          %dma_start3A_429 = tpu.memref_slice %arg7[%multiple_of3A_408] : memref<65536xf32, #tpu.memory_space<hbm>> -> memref<2080xf32, #tpu.memory_space<hbm>>
          %dma_start3A_430 = tpu.memref_slice %arg7[%multiple_of3A_408] : memref<65536xf32, #tpu.memory_space<hbm>> -> memref<2080xf32, #tpu.memory_space<hbm>>
          tpu.enqueue_dma source(%dma_start3A_430 : memref<2080xf32, #tpu.memory_space<hbm>>) target(%arg26 : memref<2080xf32, #tpu.memory_space<vmem>>) target_semaphore(%run_scoped3A : memref<!tpu.dma_semaphore, #tpu.memory_space<semaphore_mem>>)
          %dma_wait3A_431 = tpu.memref_slice %arg7[%multiple_of3A_408] : memref<65536xf32, #tpu.memory_space<hbm>> -> memref<2080xf32, #tpu.memory_space<hbm>>
          %dma_wait3A_432 = tpu.memref_slice %arg7[%multiple_of3A_408] : memref<65536xf32, #tpu.memory_space<hbm>> -> memref<2080xf32, #tpu.memory_space<hbm>>
          tpu.wait_dma2 semaphore(%run_scoped3A : memref<!tpu.dma_semaphore, #tpu.memory_space<semaphore_mem>>) src(%dma_wait3A_432 : memref<2080xf32, #tpu.memory_space<hbm>>) dst(%arg26 : memref<2080xf32, #tpu.memory_space<vmem>>)
          tpu.yield
        }) : () -> ()
        %sub3A_409 = arith.subi %reduce_max3A_371, %add3A_398 : i32
        %min3A_410 = arith.constant 512 : i32
        %min3A_411 = arith.minsi %sub3A_409, %min3A_410 : i32
        %add3A_412 = arith.constant 15 : i32
        %add3A_413 = arith.addi %min3A_411, %add3A_412 : i32
        %div3A_414 = arith.constant 16 : i32
        %div3A_415 = arith.divsi %add3A_413, %div3A_414 : i32
        %while3A_416 = arith.constant 0 : i32
        %while3A_417 = arith.constant 0 : i32
        %while3A_418 = arith.subi %div3A_415, %while3A_416 : i32
        %while3A_419 = arith.addi %while3A_416, %while3A_418 : i32
        %while3A_420 = arith.constant 1 : i32
        %while3A_421 = arith.divsi %while3A_418, %while3A_420 : i32
        %while3A_422 = arith.muli %while3A_421, %while3A_420 : i32
        %while3A_423 = arith.addi %while3A_416, %while3A_422 : i32
        %while3A_424 = arith.constant 1 : i32
        %while3A_425 = scf.for %while3A_429 = %while3A_416 to %while3A_423 step %while3A_424 iter_args(%while3A_430 = %while3A_417) -> (i32)  : i32 {
          %mul3A_431 = arith.constant 16 : i32
          %mul3A_432 = arith.muli %while3A_429, %mul3A_431 : i32
          %add3A_433 = arith.addi %add3A_398, %mul3A_432 : i32
          %iota3A_434 = tpu.iota {dimensions = array<i32: 0>} : vector<16xi32>
          %add3A_435 = vector.broadcast %add3A_433 : i32 to vector<16xi32>
          %add3A_436 = arith.addi %add3A_435, %iota3A_434 : vector<16xi32>
          %mul3A_437 = arith.constant 16 : i32
          %mul3A_438 = arith.muli %while3A_429, %mul3A_437 : i32
          %iota3A_439 = tpu.iota {dimensions = array<i32: 0>} : vector<16xi32>
          %add3A_440 = vector.broadcast %mul3A_438 : i32 to vector<16xi32>
          %add3A_441 = arith.addi %add3A_440, %iota3A_439 : vector<16xi32>
          %lt3A = vector.broadcast %min3A_411 : i32 to vector<16xi32>
          %lt3A_442 = arith.cmpi slt, %add3A_441, %lt3A : vector<16xi32>
          %sub3A_443 = arith.constant 1 : i32
          %sub3A_444 = arith.subi %reduce_max3A_371, %sub3A_443 : i32
          %min3A_445 = vector.broadcast %sub3A_444 : i32 to vector<16xi32>
          %min3A_446 = arith.minsi %add3A_436, %min3A_445 : vector<16xi32>
          %gather3A_447 = tpu.vector_load_idx %arg20[%min3A_446] : memref<16384xi32, #tpu.memory_space<vmem>>[vector<16xi32>], vector<16xi32>,
          %sub3A_448 = vector.broadcast %min3A_310 : i32 to vector<16xi32>
          %sub3A_449 = arith.subi %gather3A_447, %sub3A_448 : vector<16xi32>
          %gather3A_450 = tpu.vector_load_idx %arg24[%sub3A_449] : memref<16xi32, #tpu.memory_space<vmem>>[vector<16xi32>], vector<16xi32>,
          %sub3A_451 = vector.broadcast %min3A_310 : i32 to vector<16xi32>
          %sub3A_452 = arith.subi %gather3A_447, %sub3A_451 : vector<16xi32>
          %add3A_453 = arith.constant 1 : i32
          %add3A_454 = vector.broadcast %add3A_453 : i32 to vector<16xi32>
          %add3A_455 = arith.addi %sub3A_452, %add3A_454 : vector<16xi32>
          %gather3A_456 = tpu.vector_load_idx %arg24[%add3A_455] : memref<16xi32, #tpu.memory_space<vmem>>[vector<16xi32>], vector<16xi32>,
          %sub3A_457 = arith.subi %min3A_446, %gather3A_450 : vector<16xi32>
          %rem3A_458 = arith.constant 1024 : i32
          %rem3A_459 = vector.broadcast %rem3A_458 : i32 to vector<16xi32>
          %rem3A_460 = arith.remsi %sub3A_457, %rem3A_459 : vector<16xi32>
          %add3A_461 = arith.constant 1024 : i32
          %add3A_462 = vector.broadcast %add3A_461 : i32 to vector<16xi32>
          %add3A_463 = arith.addi %min3A_446, %add3A_462 : vector<16xi32>
          %ge3A = arith.cmpi sge, %add3A_463, %gather3A_456 : vector<16xi32>
          %sub3A_464 = vector.broadcast %min3A_310 : i32 to vector<16xi32>
          %sub3A_465 = arith.subi %gather3A_447, %sub3A_464 : vector<16xi32>
          %mul3A_466 = arith.constant 1024 : i32
          %mul3A_467 = vector.broadcast %mul3A_466 : i32 to vector<16xi32>
          %mul3A_468 = arith.muli %sub3A_465, %mul3A_467 : vector<16xi32>
          %add3A_469 = arith.addi %mul3A_468, %rem3A_460 : vector<16xi32>
          %sub3A_470 = vector.broadcast %multiple_of3A_405 : i32 to vector<16xi32>
          %sub3A_471 = arith.subi %min3A_446, %sub3A_470 : vector<16xi32>
          %and3A = arith.andi %lt3A_442, %ge3A : vector<16xi1>
          %mul3A_472 = arith.constant 4 : i32
          %mul3A_473 = vector.broadcast %mul3A_472 : i32 to vector<16xi32>
          %mul3A_474 = arith.muli %sub3A_471, %mul3A_473 : vector<16xi32>
          %add3A_475 = arith.constant 0 : i32
          %add3A_476 = vector.broadcast %add3A_475 : i32 to vector<16xi32>
          %add3A_477 = arith.addi %mul3A_474, %add3A_476 : vector<16xi32>
          %gather3A_478 = tpu.vector_load_idx %arg26[%add3A_477] : memref<2080xf32, #tpu.memory_space<vmem>>[vector<16xi32>], vector<16xf32>,
          %mul3A_479 = arith.constant 4 : i32
          %mul3A_480 = vector.broadcast %mul3A_479 : i32 to vector<16xi32>
          %mul3A_481 = arith.muli %add3A_469, %mul3A_480 : vector<16xi32>
          %add3A_482 = arith.constant 0 : i32
          %add3A_483 = vector.broadcast %add3A_482 : i32 to vector<16xi32>
          %add3A_484 = arith.addi %mul3A_481, %add3A_483 : vector<16xi32>
          tpu.vector_store_idx %arg25[%add3A_484], %gather3A_478 masked %and3A : memref<32768xf32, #tpu.memory_space<vmem>>[vector<16xi32>], vector<16xf32>, vector<16xi1>
          %mul3A_485 = arith.constant 4 : i32
          %mul3A_486 = vector.broadcast %mul3A_485 : i32 to vector<16xi32>
          %mul3A_487 = arith.muli %sub3A_471, %mul3A_486 : vector<16xi32>
          %add3A_488 = arith.constant 1 : i32
          %add3A_489 = vector.broadcast %add3A_488 : i32 to vector<16xi32>
          %add3A_490 = arith.addi %mul3A_487, %add3A_489 : vector<16xi32>
          %gather3A_491 = tpu.vector_load_idx %arg26[%add3A_490] : memref<2080xf32, #tpu.memory_space<vmem>>[vector<16xi32>], vector<16xf32>,
          %mul3A_492 = arith.constant 4 : i32
          %mul3A_493 = vector.broadcast %mul3A_492 : i32 to vector<16xi32>
          %mul3A_494 = arith.muli %add3A_469, %mul3A_493 : vector<16xi32>
          %add3A_495 = arith.constant 1 : i32
          %add3A_496 = vector.broadcast %add3A_495 : i32 to vector<16xi32>
          %add3A_497 = arith.addi %mul3A_494, %add3A_496 : vector<16xi32>
          tpu.vector_store_idx %arg25[%add3A_497], %gather3A_491 masked %and3A : memref<32768xf32, #tpu.memory_space<vmem>>[vector<16xi32>], vector<16xf32>, vector<16xi1>
          %mul3A_498 = arith.constant 4 : i32
          %mul3A_499 = vector.broadcast %mul3A_498 : i32 to vector<16xi32>
          %mul3A_500 = arith.muli %sub3A_471, %mul3A_499 : vector<16xi32>
          %add3A_501 = arith.constant 2 : i32
          %add3A_502 = vector.broadcast %add3A_501 : i32 to vector<16xi32>
          %add3A_503 = arith.addi %mul3A_500, %add3A_502 : vector<16xi32>
          %gather3A_504 = tpu.vector_load_idx %arg26[%add3A_503] : memref<2080xf32, #tpu.memory_space<vmem>>[vector<16xi32>], vector<16xf32>,
          %mul3A_505 = arith.constant 4 : i32
          %mul3A_506 = vector.broadcast %mul3A_505 : i32 to vector<16xi32>
          %mul3A_507 = arith.muli %add3A_469, %mul3A_506 : vector<16xi32>
          %add3A_508 = arith.constant 2 : i32
          %add3A_509 = vector.broadcast %add3A_508 : i32 to vector<16xi32>
          %add3A_510 = arith.addi %mul3A_507, %add3A_509 : vector<16xi32>
          tpu.vector_store_idx %arg25[%add3A_510], %gather3A_504 masked %and3A : memref<32768xf32, #tpu.memory_space<vmem>>[vector<16xi32>], vector<16xf32>, vector<16xi1>
          %mul3A_511 = arith.constant 4 : i32
          %mul3A_512 = vector.broadcast %mul3A_511 : i32 to vector<16xi32>
          %mul3A_513 = arith.muli %sub3A_471, %mul3A_512 : vector<16xi32>
          %add3A_514 = arith.constant 3 : i32
          %add3A_515 = vector.broadcast %add3A_514 : i32 to vector<16xi32>
          %add3A_516 = arith.addi %mul3A_513, %add3A_515 : vector<16xi32>
          %gather3A_517 = tpu.vector_load_idx %arg26[%add3A_516] : memref<2080xf32, #tpu.memory_space<vmem>>[vector<16xi32>], vector<16xf32>,
          %mul3A_518 = arith.constant 4 : i32
          %mul3A_519 = vector.broadcast %mul3A_518 : i32 to vector<16xi32>
          %mul3A_520 = arith.muli %add3A_469, %mul3A_519 : vector<16xi32>
          %add3A_521 = arith.constant 3 : i32
          %add3A_522 = vector.broadcast %add3A_521 : i32 to vector<16xi32>
          %add3A_523 = arith.addi %mul3A_520, %add3A_522 : vector<16xi32>
          tpu.vector_store_idx %arg25[%add3A_523], %gather3A_517 masked %and3A : memref<32768xf32, #tpu.memory_space<vmem>>[vector<16xi32>], vector<16xf32>, vector<16xi1>
          %while3A_524 = arith.constant 0 : i32
          scf.yield %while3A_524 : i32
        }
        %while3A_426 = arith.constant 1 : i32
        %while3A_427 = scf.for %while3A_429 = %while3A_423 to %while3A_419 step %while3A_426 iter_args(%while3A_430 = %while3A_425) -> (i32)  : i32 {
          %mul3A_431 = arith.constant 16 : i32
          %mul3A_432 = arith.muli %while3A_429, %mul3A_431 : i32
          %add3A_433 = arith.addi %add3A_398, %mul3A_432 : i32
          %iota3A_434 = tpu.iota {dimensions = array<i32: 0>} : vector<16xi32>
          %add3A_435 = vector.broadcast %add3A_433 : i32 to vector<16xi32>
          %add3A_436 = arith.addi %add3A_435, %iota3A_434 : vector<16xi32>
          %mul3A_437 = arith.constant 16 : i32
          %mul3A_438 = arith.muli %while3A_429, %mul3A_437 : i32
          %iota3A_439 = tpu.iota {dimensions = array<i32: 0>} : vector<16xi32>
          %add3A_440 = vector.broadcast %mul3A_438 : i32 to vector<16xi32>
          %add3A_441 = arith.addi %add3A_440, %iota3A_439 : vector<16xi32>
          %lt3A = vector.broadcast %min3A_411 : i32 to vector<16xi32>
          %lt3A_442 = arith.cmpi slt, %add3A_441, %lt3A : vector<16xi32>
          %sub3A_443 = arith.constant 1 : i32
          %sub3A_444 = arith.subi %reduce_max3A_371, %sub3A_443 : i32
          %min3A_445 = vector.broadcast %sub3A_444 : i32 to vector<16xi32>
          %min3A_446 = arith.minsi %add3A_436, %min3A_445 : vector<16xi32>
          %gather3A_447 = tpu.vector_load_idx %arg20[%min3A_446] : memref<16384xi32, #tpu.memory_space<vmem>>[vector<16xi32>], vector<16xi32>,
          %sub3A_448 = vector.broadcast %min3A_310 : i32 to vector<16xi32>
          %sub3A_449 = arith.subi %gather3A_447, %sub3A_448 : vector<16xi32>
          %gather3A_450 = tpu.vector_load_idx %arg24[%sub3A_449] : memref<16xi32, #tpu.memory_space<vmem>>[vector<16xi32>], vector<16xi32>,
          %sub3A_451 = vector.broadcast %min3A_310 : i32 to vector<16xi32>
          %sub3A_452 = arith.subi %gather3A_447, %sub3A_451 : vector<16xi32>
          %add3A_453 = arith.constant 1 : i32
          %add3A_454 = vector.broadcast %add3A_453 : i32 to vector<16xi32>
          %add3A_455 = arith.addi %sub3A_452, %add3A_454 : vector<16xi32>
          %gather3A_456 = tpu.vector_load_idx %arg24[%add3A_455] : memref<16xi32, #tpu.memory_space<vmem>>[vector<16xi32>], vector<16xi32>,
          %sub3A_457 = arith.subi %min3A_446, %gather3A_450 : vector<16xi32>
          %rem3A_458 = arith.constant 1024 : i32
          %rem3A_459 = vector.broadcast %rem3A_458 : i32 to vector<16xi32>
          %rem3A_460 = arith.remsi %sub3A_457, %rem3A_459 : vector<16xi32>
          %add3A_461 = arith.constant 1024 : i32
          %add3A_462 = vector.broadcast %add3A_461 : i32 to vector<16xi32>
          %add3A_463 = arith.addi %min3A_446, %add3A_462 : vector<16xi32>
          %ge3A = arith.cmpi sge, %add3A_463, %gather3A_456 : vector<16xi32>
          %sub3A_464 = vector.broadcast %min3A_310 : i32 to vector<16xi32>
          %sub3A_465 = arith.subi %gather3A_447, %sub3A_464 : vector<16xi32>
          %mul3A_466 = arith.constant 1024 : i32
          %mul3A_467 = vector.broadcast %mul3A_466 : i32 to vector<16xi32>
          %mul3A_468 = arith.muli %sub3A_465, %mul3A_467 : vector<16xi32>
          %add3A_469 = arith.addi %mul3A_468, %rem3A_460 : vector<16xi32>
          %sub3A_470 = vector.broadcast %multiple_of3A_405 : i32 to vector<16xi32>
          %sub3A_471 = arith.subi %min3A_446, %sub3A_470 : vector<16xi32>
          %and3A = arith.andi %lt3A_442, %ge3A : vector<16xi1>
          %mul3A_472 = arith.constant 4 : i32
          %mul3A_473 = vector.broadcast %mul3A_472 : i32 to vector<16xi32>
          %mul3A_474 = arith.muli %sub3A_471, %mul3A_473 : vector<16xi32>
          %add3A_475 = arith.constant 0 : i32
          %add3A_476 = vector.broadcast %add3A_475 : i32 to vector<16xi32>
          %add3A_477 = arith.addi %mul3A_474, %add3A_476 : vector<16xi32>
          %gather3A_478 = tpu.vector_load_idx %arg26[%add3A_477] : memref<2080xf32, #tpu.memory_space<vmem>>[vector<16xi32>], vector<16xf32>,
          %mul3A_479 = arith.constant 4 : i32
          %mul3A_480 = vector.broadcast %mul3A_479 : i32 to vector<16xi32>
          %mul3A_481 = arith.muli %add3A_469, %mul3A_480 : vector<16xi32>
          %add3A_482 = arith.constant 0 : i32
          %add3A_483 = vector.broadcast %add3A_482 : i32 to vector<16xi32>
          %add3A_484 = arith.addi %mul3A_481, %add3A_483 : vector<16xi32>
          tpu.vector_store_idx %arg25[%add3A_484], %gather3A_478 masked %and3A : memref<32768xf32, #tpu.memory_space<vmem>>[vector<16xi32>], vector<16xf32>, vector<16xi1>
          %mul3A_485 = arith.constant 4 : i32
          %mul3A_486 = vector.broadcast %mul3A_485 : i32 to vector<16xi32>
          %mul3A_487 = arith.muli %sub3A_471, %mul3A_486 : vector<16xi32>
          %add3A_488 = arith.constant 1 : i32
          %add3A_489 = vector.broadcast %add3A_488 : i32 to vector<16xi32>
          %add3A_490 = arith.addi %mul3A_487, %add3A_489 : vector<16xi32>
          %gather3A_491 = tpu.vector_load_idx %arg26[%add3A_490] : memref<2080xf32, #tpu.memory_space<vmem>>[vector<16xi32>], vector<16xf32>,
          %mul3A_492 = arith.constant 4 : i32
          %mul3A_493 = vector.broadcast %mul3A_492 : i32 to vector<16xi32>
          %mul3A_494 = arith.muli %add3A_469, %mul3A_493 : vector<16xi32>
          %add3A_495 = arith.constant 1 : i32
          %add3A_496 = vector.broadcast %add3A_495 : i32 to vector<16xi32>
          %add3A_497 = arith.addi %mul3A_494, %add3A_496 : vector<16xi32>
          tpu.vector_store_idx %arg25[%add3A_497], %gather3A_491 masked %and3A : memref<32768xf32, #tpu.memory_space<vmem>>[vector<16xi32>], vector<16xf32>, vector<16xi1>
          %mul3A_498 = arith.constant 4 : i32
          %mul3A_499 = vector.broadcast %mul3A_498 : i32 to vector<16xi32>
          %mul3A_500 = arith.muli %sub3A_471, %mul3A_499 : vector<16xi32>
          %add3A_501 = arith.constant 2 : i32
          %add3A_502 = vector.broadcast %add3A_501 : i32 to vector<16xi32>
          %add3A_503 = arith.addi %mul3A_500, %add3A_502 : vector<16xi32>
          %gather3A_504 = tpu.vector_load_idx %arg26[%add3A_503] : memref<2080xf32, #tpu.memory_space<vmem>>[vector<16xi32>], vector<16xf32>,
          %mul3A_505 = arith.constant 4 : i32
          %mul3A_506 = vector.broadcast %mul3A_505 : i32 to vector<16xi32>
          %mul3A_507 = arith.muli %add3A_469, %mul3A_506 : vector<16xi32>
          %add3A_508 = arith.constant 2 : i32
          %add3A_509 = vector.broadcast %add3A_508 : i32 to vector<16xi32>
          %add3A_510 = arith.addi %mul3A_507, %add3A_509 : vector<16xi32>
          tpu.vector_store_idx %arg25[%add3A_510], %gather3A_504 masked %and3A : memref<32768xf32, #tpu.memory_space<vmem>>[vector<16xi32>], vector<16xf32>, vector<16xi1>
          %mul3A_511 = arith.constant 4 : i32
          %mul3A_512 = vector.broadcast %mul3A_511 : i32 to vector<16xi32>
          %mul3A_513 = arith.muli %sub3A_471, %mul3A_512 : vector<16xi32>
          %add3A_514 = arith.constant 3 : i32
          %add3A_515 = vector.broadcast %add3A_514 : i32 to vector<16xi32>
          %add3A_516 = arith.addi %mul3A_513, %add3A_515 : vector<16xi32>
          %gather3A_517 = tpu.vector_load_idx %arg26[%add3A_516] : memref<2080xf32, #tpu.memory_space<vmem>>[vector<16xi32>], vector<16xf32>,
          %mul3A_518 = arith.constant 4 : i32
          %mul3A_519 = vector.broadcast %mul3A_518 : i32 to vector<16xi32>
          %mul3A_520 = arith.muli %add3A_469, %mul3A_519 : vector<16xi32>
          %add3A_521 = arith.constant 3 : i32
          %add3A_522 = vector.broadcast %add3A_521 : i32 to vector<16xi32>
          %add3A_523 = arith.addi %mul3A_520, %add3A_522 : vector<16xi32>
          tpu.vector_store_idx %arg25[%add3A_523], %gather3A_517 masked %and3A : memref<32768xf32, #tpu.memory_space<vmem>>[vector<16xi32>], vector<16xf32>, vector<16xi1>
          %while3A_524 = arith.constant 0 : i32
          scf.yield %while3A_524 : i32
        }
        %while3A_428 = arith.constant 0 : i32
        scf.yield %while3A_428 : i32
      }
      %while3A_389 = arith.constant 1 : i32
      %while3A_390 = scf.for %while3A_394 = %while3A_386 to %while3A_382 step %while3A_389 iter_args(%while3A_395 = %while3A_388) -> (i32)  : i32 {
        %mul3A_396 = arith.constant 512 : i32
        %mul3A_397 = arith.muli %while3A_394, %mul3A_396 : i32
        %add3A_398 = arith.addi %reduce_max3A_356, %mul3A_397 : i32
        %div3A_399 = arith.constant 8 : i32
        %div3A_400 = arith.divsi %add3A_398, %div3A_399 : i32
        %mul3A_401 = arith.constant 8 : i32
        %mul3A_402 = arith.muli %div3A_400, %mul3A_401 : i32
        %min3A_403 = arith.constant 15864 : i32
        %min3A_404 = arith.minsi %mul3A_402, %min3A_403 : i32
        %multiple_of3A_405 = tpu.assume_multiple %min3A_404, 8 : i32
        %mul3A_406 = arith.constant 4 : i32
        %mul3A_407 = arith.muli %multiple_of3A_405, %mul3A_406 : i32
        %multiple_of3A_408 = tpu.assume_multiple %mul3A_407, 8 : i32
        "tpu.region"() ({
          %run_scoped3A = tpu.sem_alloc : memref<!tpu.dma_semaphore, #tpu.memory_space<semaphore_mem>>
          %dma_start3A_429 = tpu.memref_slice %arg7[%multiple_of3A_408] : memref<65536xf32, #tpu.memory_space<hbm>> -> memref<2080xf32, #tpu.memory_space<hbm>>
          %dma_start3A_430 = tpu.memref_slice %arg7[%multiple_of3A_408] : memref<65536xf32, #tpu.memory_space<hbm>> -> memref<2080xf32, #tpu.memory_space<hbm>>
          tpu.enqueue_dma source(%dma_start3A_430 : memref<2080xf32, #tpu.memory_space<hbm>>) target(%arg26 : memref<2080xf32, #tpu.memory_space<vmem>>) target_semaphore(%run_scoped3A : memref<!tpu.dma_semaphore, #tpu.memory_space<semaphore_mem>>)
          %dma_wait3A_431 = tpu.memref_slice %arg7[%multiple_of3A_408] : memref<65536xf32, #tpu.memory_space<hbm>> -> memref<2080xf32, #tpu.memory_space<hbm>>
          %dma_wait3A_432 = tpu.memref_slice %arg7[%multiple_of3A_408] : memref<65536xf32, #tpu.memory_space<hbm>> -> memref<2080xf32, #tpu.memory_space<hbm>>
          tpu.wait_dma2 semaphore(%run_scoped3A : memref<!tpu.dma_semaphore, #tpu.memory_space<semaphore_mem>>) src(%dma_wait3A_432 : memref<2080xf32, #tpu.memory_space<hbm>>) dst(%arg26 : memref<2080xf32, #tpu.memory_space<vmem>>)
          tpu.yield
        }) : () -> ()
        %sub3A_409 = arith.subi %reduce_max3A_371, %add3A_398 : i32
        %min3A_410 = arith.constant 512 : i32
        %min3A_411 = arith.minsi %sub3A_409, %min3A_410 : i32
        %add3A_412 = arith.constant 15 : i32
        %add3A_413 = arith.addi %min3A_411, %add3A_412 : i32
        %div3A_414 = arith.constant 16 : i32
        %div3A_415 = arith.divsi %add3A_413, %div3A_414 : i32
        %while3A_416 = arith.constant 0 : i32
        %while3A_417 = arith.constant 0 : i32
        %while3A_418 = arith.subi %div3A_415, %while3A_416 : i32
        %while3A_419 = arith.addi %while3A_416, %while3A_418 : i32
        %while3A_420 = arith.constant 1 : i32
        %while3A_421 = arith.divsi %while3A_418, %while3A_420 : i32
        %while3A_422 = arith.muli %while3A_421, %while3A_420 : i32
        %while3A_423 = arith.addi %while3A_416, %while3A_422 : i32
        %while3A_424 = arith.constant 1 : i32
        %while3A_425 = scf.for %while3A_429 = %while3A_416 to %while3A_423 step %while3A_424 iter_args(%while3A_430 = %while3A_417) -> (i32)  : i32 {
          %mul3A_431 = arith.constant 16 : i32
          %mul3A_432 = arith.muli %while3A_429, %mul3A_431 : i32
          %add3A_433 = arith.addi %add3A_398, %mul3A_432 : i32
          %iota3A_434 = tpu.iota {dimensions = array<i32: 0>} : vector<16xi32>
          %add3A_435 = vector.broadcast %add3A_433 : i32 to vector<16xi32>
          %add3A_436 = arith.addi %add3A_435, %iota3A_434 : vector<16xi32>
          %mul3A_437 = arith.constant 16 : i32
          %mul3A_438 = arith.muli %while3A_429, %mul3A_437 : i32
          %iota3A_439 = tpu.iota {dimensions = array<i32: 0>} : vector<16xi32>
          %add3A_440 = vector.broadcast %mul3A_438 : i32 to vector<16xi32>
          %add3A_441 = arith.addi %add3A_440, %iota3A_439 : vector<16xi32>
          %lt3A = vector.broadcast %min3A_411 : i32 to vector<16xi32>
          %lt3A_442 = arith.cmpi slt, %add3A_441, %lt3A : vector<16xi32>
          %sub3A_443 = arith.constant 1 : i32
          %sub3A_444 = arith.subi %reduce_max3A_371, %sub3A_443 : i32
          %min3A_445 = vector.broadcast %sub3A_444 : i32 to vector<16xi32>
          %min3A_446 = arith.minsi %add3A_436, %min3A_445 : vector<16xi32>
          %gather3A_447 = tpu.vector_load_idx %arg20[%min3A_446] : memref<16384xi32, #tpu.memory_space<vmem>>[vector<16xi32>], vector<16xi32>,
          %sub3A_448 = vector.broadcast %min3A_310 : i32 to vector<16xi32>
          %sub3A_449 = arith.subi %gather3A_447, %sub3A_448 : vector<16xi32>
          %gather3A_450 = tpu.vector_load_idx %arg24[%sub3A_449] : memref<16xi32, #tpu.memory_space<vmem>>[vector<16xi32>], vector<16xi32>,
          %sub3A_451 = vector.broadcast %min3A_310 : i32 to vector<16xi32>
          %sub3A_452 = arith.subi %gather3A_447, %sub3A_451 : vector<16xi32>
          %add3A_453 = arith.constant 1 : i32
          %add3A_454 = vector.broadcast %add3A_453 : i32 to vector<16xi32>
          %add3A_455 = arith.addi %sub3A_452, %add3A_454 : vector<16xi32>
          %gather3A_456 = tpu.vector_load_idx %arg24[%add3A_455] : memref<16xi32, #tpu.memory_space<vmem>>[vector<16xi32>], vector<16xi32>,
          %sub3A_457 = arith.subi %min3A_446, %gather3A_450 : vector<16xi32>
          %rem3A_458 = arith.constant 1024 : i32
          %rem3A_459 = vector.broadcast %rem3A_458 : i32 to vector<16xi32>
          %rem3A_460 = arith.remsi %sub3A_457, %rem3A_459 : vector<16xi32>
          %add3A_461 = arith.constant 1024 : i32
          %add3A_462 = vector.broadcast %add3A_461 : i32 to vector<16xi32>
          %add3A_463 = arith.addi %min3A_446, %add3A_462 : vector<16xi32>
          %ge3A = arith.cmpi sge, %add3A_463, %gather3A_456 : vector<16xi32>
          %sub3A_464 = vector.broadcast %min3A_310 : i32 to vector<16xi32>
          %sub3A_465 = arith.subi %gather3A_447, %sub3A_464 : vector<16xi32>
          %mul3A_466 = arith.constant 1024 : i32
          %mul3A_467 = vector.broadcast %mul3A_466 : i32 to vector<16xi32>
          %mul3A_468 = arith.muli %sub3A_465, %mul3A_467 : vector<16xi32>
          %add3A_469 = arith.addi %mul3A_468, %rem3A_460 : vector<16xi32>
          %sub3A_470 = vector.broadcast %multiple_of3A_405 : i32 to vector<16xi32>
          %sub3A_471 = arith.subi %min3A_446, %sub3A_470 : vector<16xi32>
          %and3A = arith.andi %lt3A_442, %ge3A : vector<16xi1>
          %mul3A_472 = arith.constant 4 : i32
          %mul3A_473 = vector.broadcast %mul3A_472 : i32 to vector<16xi32>
          %mul3A_474 = arith.muli %sub3A_471, %mul3A_473 : vector<16xi32>
          %add3A_475 = arith.constant 0 : i32
          %add3A_476 = vector.broadcast %add3A_475 : i32 to vector<16xi32>
          %add3A_477 = arith.addi %mul3A_474, %add3A_476 : vector<16xi32>
          %gather3A_478 = tpu.vector_load_idx %arg26[%add3A_477] : memref<2080xf32, #tpu.memory_space<vmem>>[vector<16xi32>], vector<16xf32>,
          %mul3A_479 = arith.constant 4 : i32
          %mul3A_480 = vector.broadcast %mul3A_479 : i32 to vector<16xi32>
          %mul3A_481 = arith.muli %add3A_469, %mul3A_480 : vector<16xi32>
          %add3A_482 = arith.constant 0 : i32
          %add3A_483 = vector.broadcast %add3A_482 : i32 to vector<16xi32>
          %add3A_484 = arith.addi %mul3A_481, %add3A_483 : vector<16xi32>
          tpu.vector_store_idx %arg25[%add3A_484], %gather3A_478 masked %and3A : memref<32768xf32, #tpu.memory_space<vmem>>[vector<16xi32>], vector<16xf32>, vector<16xi1>
          %mul3A_485 = arith.constant 4 : i32
          %mul3A_486 = vector.broadcast %mul3A_485 : i32 to vector<16xi32>
          %mul3A_487 = arith.muli %sub3A_471, %mul3A_486 : vector<16xi32>
          %add3A_488 = arith.constant 1 : i32
          %add3A_489 = vector.broadcast %add3A_488 : i32 to vector<16xi32>
          %add3A_490 = arith.addi %mul3A_487, %add3A_489 : vector<16xi32>
          %gather3A_491 = tpu.vector_load_idx %arg26[%add3A_490] : memref<2080xf32, #tpu.memory_space<vmem>>[vector<16xi32>], vector<16xf32>,
          %mul3A_492 = arith.constant 4 : i32
          %mul3A_493 = vector.broadcast %mul3A_492 : i32 to vector<16xi32>
          %mul3A_494 = arith.muli %add3A_469, %mul3A_493 : vector<16xi32>
          %add3A_495 = arith.constant 1 : i32
          %add3A_496 = vector.broadcast %add3A_495 : i32 to vector<16xi32>
          %add3A_497 = arith.addi %mul3A_494, %add3A_496 : vector<16xi32>
          tpu.vector_store_idx %arg25[%add3A_497], %gather3A_491 masked %and3A : memref<32768xf32, #tpu.memory_space<vmem>>[vector<16xi32>], vector<16xf32>, vector<16xi1>
          %mul3A_498 = arith.constant 4 : i32
          %mul3A_499 = vector.broadcast %mul3A_498 : i32 to vector<16xi32>
          %mul3A_500 = arith.muli %sub3A_471, %mul3A_499 : vector<16xi32>
          %add3A_501 = arith.constant 2 : i32
          %add3A_502 = vector.broadcast %add3A_501 : i32 to vector<16xi32>
          %add3A_503 = arith.addi %mul3A_500, %add3A_502 : vector<16xi32>
          %gather3A_504 = tpu.vector_load_idx %arg26[%add3A_503] : memref<2080xf32, #tpu.memory_space<vmem>>[vector<16xi32>], vector<16xf32>,
          %mul3A_505 = arith.constant 4 : i32
          %mul3A_506 = vector.broadcast %mul3A_505 : i32 to vector<16xi32>
          %mul3A_507 = arith.muli %add3A_469, %mul3A_506 : vector<16xi32>
          %add3A_508 = arith.constant 2 : i32
          %add3A_509 = vector.broadcast %add3A_508 : i32 to vector<16xi32>
          %add3A_510 = arith.addi %mul3A_507, %add3A_509 : vector<16xi32>
          tpu.vector_store_idx %arg25[%add3A_510], %gather3A_504 masked %and3A : memref<32768xf32, #tpu.memory_space<vmem>>[vector<16xi32>], vector<16xf32>, vector<16xi1>
          %mul3A_511 = arith.constant 4 : i32
          %mul3A_512 = vector.broadcast %mul3A_511 : i32 to vector<16xi32>
          %mul3A_513 = arith.muli %sub3A_471, %mul3A_512 : vector<16xi32>
          %add3A_514 = arith.constant 3 : i32
          %add3A_515 = vector.broadcast %add3A_514 : i32 to vector<16xi32>
          %add3A_516 = arith.addi %mul3A_513, %add3A_515 : vector<16xi32>
          %gather3A_517 = tpu.vector_load_idx %arg26[%add3A_516] : memref<2080xf32, #tpu.memory_space<vmem>>[vector<16xi32>], vector<16xf32>,
          %mul3A_518 = arith.constant 4 : i32
          %mul3A_519 = vector.broadcast %mul3A_518 : i32 to vector<16xi32>
          %mul3A_520 = arith.muli %add3A_469, %mul3A_519 : vector<16xi32>
          %add3A_521 = arith.constant 3 : i32
          %add3A_522 = vector.broadcast %add3A_521 : i32 to vector<16xi32>
          %add3A_523 = arith.addi %mul3A_520, %add3A_522 : vector<16xi32>
          tpu.vector_store_idx %arg25[%add3A_523], %gather3A_517 masked %and3A : memref<32768xf32, #tpu.memory_space<vmem>>[vector<16xi32>], vector<16xf32>, vector<16xi1>
          %while3A_524 = arith.constant 0 : i32
          scf.yield %while3A_524 : i32
        }
        %while3A_426 = arith.constant 1 : i32
        %while3A_427 = scf.for %while3A_429 = %while3A_423 to %while3A_419 step %while3A_426 iter_args(%while3A_430 = %while3A_425) -> (i32)  : i32 {
          %mul3A_431 = arith.constant 16 : i32
          %mul3A_432 = arith.muli %while3A_429, %mul3A_431 : i32
          %add3A_433 = arith.addi %add3A_398, %mul3A_432 : i32
          %iota3A_434 = tpu.iota {dimensions = array<i32: 0>} : vector<16xi32>
          %add3A_435 = vector.broadcast %add3A_433 : i32 to vector<16xi32>
          %add3A_436 = arith.addi %add3A_435, %iota3A_434 : vector<16xi32>
          %mul3A_437 = arith.constant 16 : i32
          %mul3A_438 = arith.muli %while3A_429, %mul3A_437 : i32
          %iota3A_439 = tpu.iota {dimensions = array<i32: 0>} : vector<16xi32>
          %add3A_440 = vector.broadcast %mul3A_438 : i32 to vector<16xi32>
          %add3A_441 = arith.addi %add3A_440, %iota3A_439 : vector<16xi32>
          %lt3A = vector.broadcast %min3A_411 : i32 to vector<16xi32>
          %lt3A_442 = arith.cmpi slt, %add3A_441, %lt3A : vector<16xi32>
          %sub3A_443 = arith.constant 1 : i32
          %sub3A_444 = arith.subi %reduce_max3A_371, %sub3A_443 : i32
          %min3A_445 = vector.broadcast %sub3A_444 : i32 to vector<16xi32>
          %min3A_446 = arith.minsi %add3A_436, %min3A_445 : vector<16xi32>
          %gather3A_447 = tpu.vector_load_idx %arg20[%min3A_446] : memref<16384xi32, #tpu.memory_space<vmem>>[vector<16xi32>], vector<16xi32>,
          %sub3A_448 = vector.broadcast %min3A_310 : i32 to vector<16xi32>
          %sub3A_449 = arith.subi %gather3A_447, %sub3A_448 : vector<16xi32>
          %gather3A_450 = tpu.vector_load_idx %arg24[%sub3A_449] : memref<16xi32, #tpu.memory_space<vmem>>[vector<16xi32>], vector<16xi32>,
          %sub3A_451 = vector.broadcast %min3A_310 : i32 to vector<16xi32>
          %sub3A_452 = arith.subi %gather3A_447, %sub3A_451 : vector<16xi32>
          %add3A_453 = arith.constant 1 : i32
          %add3A_454 = vector.broadcast %add3A_453 : i32 to vector<16xi32>
          %add3A_455 = arith.addi %sub3A_452, %add3A_454 : vector<16xi32>
          %gather3A_456 = tpu.vector_load_idx %arg24[%add3A_455] : memref<16xi32, #tpu.memory_space<vmem>>[vector<16xi32>], vector<16xi32>,
          %sub3A_457 = arith.subi %min3A_446, %gather3A_450 : vector<16xi32>
          %rem3A_458 = arith.constant 1024 : i32
          %rem3A_459 = vector.broadcast %rem3A_458 : i32 to vector<16xi32>
          %rem3A_460 = arith.remsi %sub3A_457, %rem3A_459 : vector<16xi32>
          %add3A_461 = arith.constant 1024 : i32
          %add3A_462 = vector.broadcast %add3A_461 : i32 to vector<16xi32>
          %add3A_463 = arith.addi %min3A_446, %add3A_462 : vector<16xi32>
          %ge3A = arith.cmpi sge, %add3A_463, %gather3A_456 : vector<16xi32>
          %sub3A_464 = vector.broadcast %min3A_310 : i32 to vector<16xi32>
          %sub3A_465 = arith.subi %gather3A_447, %sub3A_464 : vector<16xi32>
          %mul3A_466 = arith.constant 1024 : i32
          %mul3A_467 = vector.broadcast %mul3A_466 : i32 to vector<16xi32>
          %mul3A_468 = arith.muli %sub3A_465, %mul3A_467 : vector<16xi32>
          %add3A_469 = arith.addi %mul3A_468, %rem3A_460 : vector<16xi32>
          %sub3A_470 = vector.broadcast %multiple_of3A_405 : i32 to vector<16xi32>
          %sub3A_471 = arith.subi %min3A_446, %sub3A_470 : vector<16xi32>
          %and3A = arith.andi %lt3A_442, %ge3A : vector<16xi1>
          %mul3A_472 = arith.constant 4 : i32
          %mul3A_473 = vector.broadcast %mul3A_472 : i32 to vector<16xi32>
          %mul3A_474 = arith.muli %sub3A_471, %mul3A_473 : vector<16xi32>
          %add3A_475 = arith.constant 0 : i32
          %add3A_476 = vector.broadcast %add3A_475 : i32 to vector<16xi32>
          %add3A_477 = arith.addi %mul3A_474, %add3A_476 : vector<16xi32>
          %gather3A_478 = tpu.vector_load_idx %arg26[%add3A_477] : memref<2080xf32, #tpu.memory_space<vmem>>[vector<16xi32>], vector<16xf32>,
          %mul3A_479 = arith.constant 4 : i32
          %mul3A_480 = vector.broadcast %mul3A_479 : i32 to vector<16xi32>
          %mul3A_481 = arith.muli %add3A_469, %mul3A_480 : vector<16xi32>
          %add3A_482 = arith.constant 0 : i32
          %add3A_483 = vector.broadcast %add3A_482 : i32 to vector<16xi32>
          %add3A_484 = arith.addi %mul3A_481, %add3A_483 : vector<16xi32>
          tpu.vector_store_idx %arg25[%add3A_484], %gather3A_478 masked %and3A : memref<32768xf32, #tpu.memory_space<vmem>>[vector<16xi32>], vector<16xf32>, vector<16xi1>
          %mul3A_485 = arith.constant 4 : i32
          %mul3A_486 = vector.broadcast %mul3A_485 : i32 to vector<16xi32>
          %mul3A_487 = arith.muli %sub3A_471, %mul3A_486 : vector<16xi32>
          %add3A_488 = arith.constant 1 : i32
          %add3A_489 = vector.broadcast %add3A_488 : i32 to vector<16xi32>
          %add3A_490 = arith.addi %mul3A_487, %add3A_489 : vector<16xi32>
          %gather3A_491 = tpu.vector_load_idx %arg26[%add3A_490] : memref<2080xf32, #tpu.memory_space<vmem>>[vector<16xi32>], vector<16xf32>,
          %mul3A_492 = arith.constant 4 : i32
          %mul3A_493 = vector.broadcast %mul3A_492 : i32 to vector<16xi32>
          %mul3A_494 = arith.muli %add3A_469, %mul3A_493 : vector<16xi32>
          %add3A_495 = arith.constant 1 : i32
          %add3A_496 = vector.broadcast %add3A_495 : i32 to vector<16xi32>
          %add3A_497 = arith.addi %mul3A_494, %add3A_496 : vector<16xi32>
          tpu.vector_store_idx %arg25[%add3A_497], %gather3A_491 masked %and3A : memref<32768xf32, #tpu.memory_space<vmem>>[vector<16xi32>], vector<16xf32>, vector<16xi1>
          %mul3A_498 = arith.constant 4 : i32
          %mul3A_499 = vector.broadcast %mul3A_498 : i32 to vector<16xi32>
          %mul3A_500 = arith.muli %sub3A_471, %mul3A_499 : vector<16xi32>
          %add3A_501 = arith.constant 2 : i32
          %add3A_502 = vector.broadcast %add3A_501 : i32 to vector<16xi32>
          %add3A_503 = arith.addi %mul3A_500, %add3A_502 : vector<16xi32>
          %gather3A_504 = tpu.vector_load_idx %arg26[%add3A_503] : memref<2080xf32, #tpu.memory_space<vmem>>[vector<16xi32>], vector<16xf32>,
          %mul3A_505 = arith.constant 4 : i32
          %mul3A_506 = vector.broadcast %mul3A_505 : i32 to vector<16xi32>
          %mul3A_507 = arith.muli %add3A_469, %mul3A_506 : vector<16xi32>
          %add3A_508 = arith.constant 2 : i32
          %add3A_509 = vector.broadcast %add3A_508 : i32 to vector<16xi32>
          %add3A_510 = arith.addi %mul3A_507, %add3A_509 : vector<16xi32>
          tpu.vector_store_idx %arg25[%add3A_510], %gather3A_504 masked %and3A : memref<32768xf32, #tpu.memory_space<vmem>>[vector<16xi32>], vector<16xf32>, vector<16xi1>
          %mul3A_511 = arith.constant 4 : i32
          %mul3A_512 = vector.broadcast %mul3A_511 : i32 to vector<16xi32>
          %mul3A_513 = arith.muli %sub3A_471, %mul3A_512 : vector<16xi32>
          %add3A_514 = arith.constant 3 : i32
          %add3A_515 = vector.broadcast %add3A_514 : i32 to vector<16xi32>
          %add3A_516 = arith.addi %mul3A_513, %add3A_515 : vector<16xi32>
          %gather3A_517 = tpu.vector_load_idx %arg26[%add3A_516] : memref<2080xf32, #tpu.memory_space<vmem>>[vector<16xi32>], vector<16xf32>,
          %mul3A_518 = arith.constant 4 : i32
          %mul3A_519 = vector.broadcast %mul3A_518 : i32 to vector<16xi32>
          %mul3A_520 = arith.muli %add3A_469, %mul3A_519 : vector<16xi32>
          %add3A_521 = arith.constant 3 : i32
          %add3A_522 = vector.broadcast %add3A_521 : i32 to vector<16xi32>
          %add3A_523 = arith.addi %mul3A_520, %add3A_522 : vector<16xi32>
          tpu.vector_store_idx %arg25[%add3A_523], %gather3A_517 masked %and3A : memref<32768xf32, #tpu.memory_space<vmem>>[vector<16xi32>], vector<16xf32>, vector<16xi1>
          %while3A_524 = arith.constant 0 : i32
          scf.yield %while3A_524 : i32
        }
        %while3A_428 = arith.constant 0 : i32
        scf.yield %while3A_428 : i32
      }
      %mul3A_391 = arith.constant 4 : i32
      %mul3A_392 = arith.muli %mul3A_312, %mul3A_391 : i32
      %multiple_of3A_393 = tpu.assume_multiple %mul3A_392, 8 : i32
      "tpu.region"() ({
        %run_scoped3A = tpu.sem_alloc : memref<!tpu.dma_semaphore, #tpu.memory_space<semaphore_mem>>
        %dma_start3A_394 = tpu.memref_slice %arg16[%multiple_of3A_393] : memref<245760xf32, #tpu.memory_space<hbm>> -> memref<32768xf32, #tpu.memory_space<hbm>>
        %dma_start3A_395 = tpu.memref_slice %arg16[%multiple_of3A_393] : memref<245760xf32, #tpu.memory_space<hbm>> -> memref<32768xf32, #tpu.memory_space<hbm>>
        tpu.enqueue_dma source(%arg25 : memref<32768xf32, #tpu.memory_space<vmem>>) target(%dma_start3A_395 : memref<32768xf32, #tpu.memory_space<hbm>>) target_semaphore(%run_scoped3A : memref<!tpu.dma_semaphore, #tpu.memory_space<semaphore_mem>>)
        %dma_wait3A_396 = tpu.memref_slice %arg16[%multiple_of3A_393] : memref<245760xf32, #tpu.memory_space<hbm>> -> memref<32768xf32, #tpu.memory_space<hbm>>
        %dma_wait3A_397 = tpu.memref_slice %arg16[%multiple_of3A_393] : memref<245760xf32, #tpu.memory_space<hbm>> -> memref<32768xf32, #tpu.memory_space<hbm>>
        tpu.wait_dma2 semaphore(%run_scoped3A : memref<!tpu.dma_semaphore, #tpu.memory_space<semaphore_mem>>) src(%arg25 : memref<32768xf32, #tpu.memory_space<vmem>>) dst(%dma_wait3A_397 : memref<32768xf32, #tpu.memory_space<hbm>>)
        tpu.yield
      }) : () -> ()
    } else {
    }
    %eq3A_320 = arith.constant 2 : i32
    %eq3A_321 = arith.cmpi eq, %div3A_304, %eq3A_320 : i32
    %convert_element_type3A_322 = arith.extui %eq3A_321 : i1 to i32
    %cond3A_323 = arith.constant 0 : i32
    %cond3A_324 = arith.cmpi ne, %convert_element_type3A_322, %cond3A_323 : i32
    scf.if %cond3A_324 {
      %iota3A_330 = tpu.iota {dimensions = array<i32: 0>} : vector<16xi32>
      %add3A_331 = vector.broadcast %min3A_310 : i32 to vector<16xi32>
      %add3A_332 = arith.addi %add3A_331, %iota3A_330 : vector<16xi32>
      %broadcast_in_dim3A_333 = arith.constant 0 : i32
      %broadcast_in_dim3A_334 = vector.broadcast %broadcast_in_dim3A_333 : i32 to vector<16xi32>
      %broadcast_in_dim3A_335 = arith.constant 16384 : i32
      %broadcast_in_dim3A_336 = vector.broadcast %broadcast_in_dim3A_335 : i32 to vector<16xi32>
      %scan3A_337 = arith.constant 0 : i32
      %scan3A_338 = arith.constant 15 : i32
      %scan3A_339 = arith.addi %scan3A_337, %scan3A_338 : i32
      %scan3A_340 = arith.constant 1 : i32
      %scan3A_341:2 = scf.for %scan3A_390 = %scan3A_337 to %scan3A_339 step %scan3A_340 iter_args(%scan3A_391 = %broadcast_in_dim3A_334, %scan3A_392 = %broadcast_in_dim3A_336) -> (vector<16xi32>, vector<16xi32>)  : i32 {
        %add3A_393 = arith.addi %scan3A_391, %scan3A_392 : vector<16xi32>
        %div3A_394 = arith.constant 2 : i32
        %div3A_395 = vector.broadcast %div3A_394 : i32 to vector<16xi32>
        %div3A_396 = arith.divsi %add3A_393, %div3A_395 : vector<16xi32>
        %min3A_397 = arith.constant 16383 : i32
        %min3A_398 = vector.broadcast %min3A_397 : i32 to vector<16xi32>
        %min3A_399 = arith.minsi %div3A_396, %min3A_398 : vector<16xi32>
        %gather3A_400 = tpu.vector_load_idx %arg19[%min3A_399] : memref<16384xi32, #tpu.memory_space<vmem>>[vector<16xi32>], vector<16xi32>,
        %lt3A = arith.cmpi slt, %scan3A_391, %scan3A_392 : vector<16xi32>
        %lt3A_401 = arith.cmpi slt, %gather3A_400, %add3A_332 : vector<16xi32>
        %and3A = arith.andi %lt3A, %lt3A_401 : vector<16xi1>
        %add3A_402 = arith.constant 1 : i32
        %add3A_403 = vector.broadcast %add3A_402 : i32 to vector<16xi32>
        %add3A_404 = arith.addi %div3A_396, %add3A_403 : vector<16xi32>
        %select_n3A_405 = arith.select %and3A, %add3A_404, %scan3A_391 : vector<16xi1>, vector<16xi32>
        %not3A = arith.constant dense<true> : vector<16xi1>
        %not3A_406 = arith.xori %lt3A_401, %not3A : vector<16xi1>
        %and3A_407 = arith.andi %lt3A, %not3A_406 : vector<16xi1>
        %select_n3A_408 = arith.select %and3A_407, %div3A_396, %scan3A_392 : vector<16xi1>, vector<16xi32>
        scf.yield %select_n3A_405, %select_n3A_408 : vector<16xi32>, vector<16xi32>
      }
      %scan3A_342 = arith.constant 15 : i32
      %swap3A_343 = arith.constant 0 : index
      %swap3A_344 = tpu.vector_load %arg24[%swap3A_343] {strides = array<i32>} : memref<16xi32, #tpu.memory_space<vmem>>, vector<16xi32>,
      tpu.vector_store %arg24[%swap3A_343], %scan3A_341#0 {strides = array<i32>} : memref<16xi32, #tpu.memory_space<vmem>>, vector<16xi32>,
      %iota3A_345 = tpu.iota {dimensions = array<i32: 0>} : vector<16xi32>
      %eq3A_346 = arith.constant 0 : i32
      %eq3A_347 = vector.broadcast %eq3A_346 : i32 to vector<16xi32>
      %eq3A_348 = arith.cmpi eq, %iota3A_345, %eq3A_347 : vector<16xi32>
      %jit3A = arith.constant 0 : i32
      %broadcast_in_dim3A_349 = vector.broadcast %jit3A : i32 to vector<16xi32>
      %select_n3A = arith.select %eq3A_348, %scan3A_341#0, %broadcast_in_dim3A_349 : vector<16xi1>, vector<16xi32>
      %reduce_max3A = arith.constant true
      %reduce_max3A_350 = vector.broadcast %reduce_max3A : i1 to vector<16xi1>
      %reduce_max3A_351 = arith.constant -2147483648 : i32
      %reduce_max3A_352 = vector.broadcast %reduce_max3A_351 : i32 to vector<16xi32>
      %reduce_max3A_353 = arith.xori %select_n3A, %reduce_max3A_352 : vector<16xi32>
      %reduce_max3A_354 = tpu.scan <max>, %reduce_max3A_353 masked %reduce_max3A_350 : vector<16xi32>, vector<16xi1> -> vector<16xi32>
      %reduce_max3A_355 = arith.xori %reduce_max3A_354, %reduce_max3A_352 : vector<16xi32>
      %reduce_max3A_356 = vector.extract %reduce_max3A_355[15] : i32 from vector<16xi32>
      %iota3A_357 = tpu.iota {dimensions = array<i32: 0>} : vector<16xi32>
      %eq3A_358 = arith.constant 8 : i32
      %eq3A_359 = vector.broadcast %eq3A_358 : i32 to vector<16xi32>
      %eq3A_360 = arith.cmpi eq, %iota3A_357, %eq3A_359 : vector<16xi32>
      %jit3A_361 = arith.constant 0 : i32
      %broadcast_in_dim3A_362 = vector.broadcast %jit3A_361 : i32 to vector<16xi32>
      %select_n3A_363 = arith.select %eq3A_360, %scan3A_341#0, %broadcast_in_dim3A_362 : vector<16xi1>, vector<16xi32>
      %reduce_max3A_364 = arith.constant true
      %reduce_max3A_365 = vector.broadcast %reduce_max3A_364 : i1 to vector<16xi1>
      %reduce_max3A_366 = arith.constant -2147483648 : i32
      %reduce_max3A_367 = vector.broadcast %reduce_max3A_366 : i32 to vector<16xi32>
      %reduce_max3A_368 = arith.xori %select_n3A_363, %reduce_max3A_367 : vector<16xi32>
      %reduce_max3A_369 = tpu.scan <max>, %reduce_max3A_368 masked %reduce_max3A_365 : vector<16xi32>, vector<16xi1> -> vector<16xi32>
      %reduce_max3A_370 = arith.xori %reduce_max3A_369, %reduce_max3A_367 : vector<16xi32>
      %reduce_max3A_371 = vector.extract %reduce_max3A_370[15] : i32 from vector<16xi32>
      %multiple_of3A = tpu.assume_multiple %mul3A_312, 8 : i32
      "tpu.region"() ({
        %run_scoped3A = tpu.sem_alloc : memref<!tpu.dma_semaphore, #tpu.memory_space<semaphore_mem>>
        %dma_start3A_390 = tpu.memref_slice %arg10[%multiple_of3A] : memref<61440xf32, #tpu.memory_space<hbm>> -> memref<8192xf32, #tpu.memory_space<hbm>>
        %dma_start3A_391 = tpu.memref_slice %arg10[%multiple_of3A] : memref<61440xf32, #tpu.memory_space<hbm>> -> memref<8192xf32, #tpu.memory_space<hbm>>
        tpu.enqueue_dma source(%dma_start3A_391 : memref<8192xf32, #tpu.memory_space<hbm>>) target(%arg27 : memref<8192xf32, #tpu.memory_space<vmem>>) target_semaphore(%run_scoped3A : memref<!tpu.dma_semaphore, #tpu.memory_space<semaphore_mem>>)
        %dma_wait3A_392 = tpu.memref_slice %arg10[%multiple_of3A] : memref<61440xf32, #tpu.memory_space<hbm>> -> memref<8192xf32, #tpu.memory_space<hbm>>
        %dma_wait3A_393 = tpu.memref_slice %arg10[%multiple_of3A] : memref<61440xf32, #tpu.memory_space<hbm>> -> memref<8192xf32, #tpu.memory_space<hbm>>
        tpu.wait_dma2 semaphore(%run_scoped3A : memref<!tpu.dma_semaphore, #tpu.memory_space<semaphore_mem>>) src(%dma_wait3A_393 : memref<8192xf32, #tpu.memory_space<hbm>>) dst(%arg27 : memref<8192xf32, #tpu.memory_space<vmem>>)
        tpu.yield
      }) : () -> ()
      %sub3A_372 = arith.subi %reduce_max3A_371, %reduce_max3A_356 : i32
      %max3A = arith.constant 0 : i32
      %max3A_373 = arith.maxsi %sub3A_372, %max3A : i32
      %add3A_374 = arith.constant 511 : i32
      %add3A_375 = arith.addi %max3A_373, %add3A_374 : i32
      %div3A_376 = arith.constant 512 : i32
      %div3A_377 = arith.divsi %add3A_375, %div3A_376 : i32
      %while3A = arith.constant 0 : i32
      %while3A_378 = arith.constant 0 : i32
      %while3A_379 = arith.subi %div3A_377, %while3A : i32
      %while3A_380 = arith.addi %while3A, %while3A_379 : i32
      %while3A_381 = arith.constant 1 : i32
      %while3A_382 = arith.divsi %while3A_379, %while3A_381 : i32
      %while3A_383 = arith.muli %while3A_382, %while3A_381 : i32
      %while3A_384 = arith.addi %while3A, %while3A_383 : i32
      %while3A_385 = arith.constant 1 : i32
      %while3A_386 = scf.for %while3A_390 = %while3A to %while3A_384 step %while3A_385 iter_args(%while3A_391 = %while3A_378) -> (i32)  : i32 {
        %mul3A_392 = arith.constant 512 : i32
        %mul3A_393 = arith.muli %while3A_390, %mul3A_392 : i32
        %add3A_394 = arith.addi %reduce_max3A_356, %mul3A_393 : i32
        %div3A_395 = arith.constant 8 : i32
        %div3A_396 = arith.divsi %add3A_394, %div3A_395 : i32
        %mul3A_397 = arith.constant 8 : i32
        %mul3A_398 = arith.muli %div3A_396, %mul3A_397 : i32
        %min3A_399 = arith.constant 15864 : i32
        %min3A_400 = arith.minsi %mul3A_398, %min3A_399 : i32
        %multiple_of3A_401 = tpu.assume_multiple %min3A_400, 8 : i32
        "tpu.region"() ({
          %run_scoped3A = tpu.sem_alloc : memref<!tpu.dma_semaphore, #tpu.memory_space<semaphore_mem>>
          %dma_start3A_422 = tpu.memref_slice %arg6[%multiple_of3A_401] : memref<16384xf32, #tpu.memory_space<hbm>> -> memref<520xf32, #tpu.memory_space<hbm>>
          %dma_start3A_423 = tpu.memref_slice %arg6[%multiple_of3A_401] : memref<16384xf32, #tpu.memory_space<hbm>> -> memref<520xf32, #tpu.memory_space<hbm>>
          tpu.enqueue_dma source(%dma_start3A_423 : memref<520xf32, #tpu.memory_space<hbm>>) target(%arg28 : memref<520xf32, #tpu.memory_space<vmem>>) target_semaphore(%run_scoped3A : memref<!tpu.dma_semaphore, #tpu.memory_space<semaphore_mem>>)
          %dma_wait3A_424 = tpu.memref_slice %arg6[%multiple_of3A_401] : memref<16384xf32, #tpu.memory_space<hbm>> -> memref<520xf32, #tpu.memory_space<hbm>>
          %dma_wait3A_425 = tpu.memref_slice %arg6[%multiple_of3A_401] : memref<16384xf32, #tpu.memory_space<hbm>> -> memref<520xf32, #tpu.memory_space<hbm>>
          tpu.wait_dma2 semaphore(%run_scoped3A : memref<!tpu.dma_semaphore, #tpu.memory_space<semaphore_mem>>) src(%dma_wait3A_425 : memref<520xf32, #tpu.memory_space<hbm>>) dst(%arg28 : memref<520xf32, #tpu.memory_space<vmem>>)
          tpu.yield
        }) : () -> ()
        %sub3A_402 = arith.subi %reduce_max3A_371, %add3A_394 : i32
        %min3A_403 = arith.constant 512 : i32
        %min3A_404 = arith.minsi %sub3A_402, %min3A_403 : i32
        %add3A_405 = arith.constant 15 : i32
        %add3A_406 = arith.addi %min3A_404, %add3A_405 : i32
        %div3A_407 = arith.constant 16 : i32
        %div3A_408 = arith.divsi %add3A_406, %div3A_407 : i32
        %while3A_409 = arith.constant 0 : i32
        %while3A_410 = arith.constant 0 : i32
        %while3A_411 = arith.subi %div3A_408, %while3A_409 : i32
        %while3A_412 = arith.addi %while3A_409, %while3A_411 : i32
        %while3A_413 = arith.constant 1 : i32
        %while3A_414 = arith.divsi %while3A_411, %while3A_413 : i32
        %while3A_415 = arith.muli %while3A_414, %while3A_413 : i32
        %while3A_416 = arith.addi %while3A_409, %while3A_415 : i32
        %while3A_417 = arith.constant 1 : i32
        %while3A_418 = scf.for %while3A_422 = %while3A_409 to %while3A_416 step %while3A_417 iter_args(%while3A_423 = %while3A_410) -> (i32)  : i32 {
          %mul3A_424 = arith.constant 16 : i32
          %mul3A_425 = arith.muli %while3A_422, %mul3A_424 : i32
          %add3A_426 = arith.addi %add3A_394, %mul3A_425 : i32
          %iota3A_427 = tpu.iota {dimensions = array<i32: 0>} : vector<16xi32>
          %add3A_428 = vector.broadcast %add3A_426 : i32 to vector<16xi32>
          %add3A_429 = arith.addi %add3A_428, %iota3A_427 : vector<16xi32>
          %mul3A_430 = arith.constant 16 : i32
          %mul3A_431 = arith.muli %while3A_422, %mul3A_430 : i32
          %iota3A_432 = tpu.iota {dimensions = array<i32: 0>} : vector<16xi32>
          %add3A_433 = vector.broadcast %mul3A_431 : i32 to vector<16xi32>
          %add3A_434 = arith.addi %add3A_433, %iota3A_432 : vector<16xi32>
          %lt3A = vector.broadcast %min3A_404 : i32 to vector<16xi32>
          %lt3A_435 = arith.cmpi slt, %add3A_434, %lt3A : vector<16xi32>
          %sub3A_436 = arith.constant 1 : i32
          %sub3A_437 = arith.subi %reduce_max3A_371, %sub3A_436 : i32
          %min3A_438 = vector.broadcast %sub3A_437 : i32 to vector<16xi32>
          %min3A_439 = arith.minsi %add3A_429, %min3A_438 : vector<16xi32>
          %gather3A_440 = tpu.vector_load_idx %arg19[%min3A_439] : memref<16384xi32, #tpu.memory_space<vmem>>[vector<16xi32>], vector<16xi32>,
          %sub3A_441 = vector.broadcast %min3A_310 : i32 to vector<16xi32>
          %sub3A_442 = arith.subi %gather3A_440, %sub3A_441 : vector<16xi32>
          %gather3A_443 = tpu.vector_load_idx %arg24[%sub3A_442] : memref<16xi32, #tpu.memory_space<vmem>>[vector<16xi32>], vector<16xi32>,
          %sub3A_444 = vector.broadcast %min3A_310 : i32 to vector<16xi32>
          %sub3A_445 = arith.subi %gather3A_440, %sub3A_444 : vector<16xi32>
          %add3A_446 = arith.constant 1 : i32
          %add3A_447 = vector.broadcast %add3A_446 : i32 to vector<16xi32>
          %add3A_448 = arith.addi %sub3A_445, %add3A_447 : vector<16xi32>
          %gather3A_449 = tpu.vector_load_idx %arg24[%add3A_448] : memref<16xi32, #tpu.memory_space<vmem>>[vector<16xi32>], vector<16xi32>,
          %sub3A_450 = arith.subi %min3A_439, %gather3A_443 : vector<16xi32>
          %rem3A_451 = arith.constant 1024 : i32
          %rem3A_452 = vector.broadcast %rem3A_451 : i32 to vector<16xi32>
          %rem3A_453 = arith.remsi %sub3A_450, %rem3A_452 : vector<16xi32>
          %add3A_454 = arith.constant 1024 : i32
          %add3A_455 = vector.broadcast %add3A_454 : i32 to vector<16xi32>
          %add3A_456 = arith.addi %min3A_439, %add3A_455 : vector<16xi32>
          %ge3A = arith.cmpi sge, %add3A_456, %gather3A_449 : vector<16xi32>
          %sub3A_457 = vector.broadcast %min3A_310 : i32 to vector<16xi32>
          %sub3A_458 = arith.subi %gather3A_440, %sub3A_457 : vector<16xi32>
          %mul3A_459 = arith.constant 1024 : i32
          %mul3A_460 = vector.broadcast %mul3A_459 : i32 to vector<16xi32>
          %mul3A_461 = arith.muli %sub3A_458, %mul3A_460 : vector<16xi32>
          %add3A_462 = arith.addi %mul3A_461, %rem3A_453 : vector<16xi32>
          %sub3A_463 = vector.broadcast %multiple_of3A_401 : i32 to vector<16xi32>
          %sub3A_464 = arith.subi %min3A_439, %sub3A_463 : vector<16xi32>
          %and3A = arith.andi %lt3A_435, %ge3A : vector<16xi1>
          %gather3A_465 = tpu.vector_load_idx %arg28[%sub3A_464] : memref<520xf32, #tpu.memory_space<vmem>>[vector<16xi32>], vector<16xf32>,
          tpu.vector_store_idx %arg27[%add3A_462], %gather3A_465 masked %and3A : memref<8192xf32, #tpu.memory_space<vmem>>[vector<16xi32>], vector<16xf32>, vector<16xi1>
          %while3A_466 = arith.constant 0 : i32
          scf.yield %while3A_466 : i32
        }
        %while3A_419 = arith.constant 1 : i32
        %while3A_420 = scf.for %while3A_422 = %while3A_416 to %while3A_412 step %while3A_419 iter_args(%while3A_423 = %while3A_418) -> (i32)  : i32 {
          %mul3A_424 = arith.constant 16 : i32
          %mul3A_425 = arith.muli %while3A_422, %mul3A_424 : i32
          %add3A_426 = arith.addi %add3A_394, %mul3A_425 : i32
          %iota3A_427 = tpu.iota {dimensions = array<i32: 0>} : vector<16xi32>
          %add3A_428 = vector.broadcast %add3A_426 : i32 to vector<16xi32>
          %add3A_429 = arith.addi %add3A_428, %iota3A_427 : vector<16xi32>
          %mul3A_430 = arith.constant 16 : i32
          %mul3A_431 = arith.muli %while3A_422, %mul3A_430 : i32
          %iota3A_432 = tpu.iota {dimensions = array<i32: 0>} : vector<16xi32>
          %add3A_433 = vector.broadcast %mul3A_431 : i32 to vector<16xi32>
          %add3A_434 = arith.addi %add3A_433, %iota3A_432 : vector<16xi32>
          %lt3A = vector.broadcast %min3A_404 : i32 to vector<16xi32>
          %lt3A_435 = arith.cmpi slt, %add3A_434, %lt3A : vector<16xi32>
          %sub3A_436 = arith.constant 1 : i32
          %sub3A_437 = arith.subi %reduce_max3A_371, %sub3A_436 : i32
          %min3A_438 = vector.broadcast %sub3A_437 : i32 to vector<16xi32>
          %min3A_439 = arith.minsi %add3A_429, %min3A_438 : vector<16xi32>
          %gather3A_440 = tpu.vector_load_idx %arg19[%min3A_439] : memref<16384xi32, #tpu.memory_space<vmem>>[vector<16xi32>], vector<16xi32>,
          %sub3A_441 = vector.broadcast %min3A_310 : i32 to vector<16xi32>
          %sub3A_442 = arith.subi %gather3A_440, %sub3A_441 : vector<16xi32>
          %gather3A_443 = tpu.vector_load_idx %arg24[%sub3A_442] : memref<16xi32, #tpu.memory_space<vmem>>[vector<16xi32>], vector<16xi32>,
          %sub3A_444 = vector.broadcast %min3A_310 : i32 to vector<16xi32>
          %sub3A_445 = arith.subi %gather3A_440, %sub3A_444 : vector<16xi32>
          %add3A_446 = arith.constant 1 : i32
          %add3A_447 = vector.broadcast %add3A_446 : i32 to vector<16xi32>
          %add3A_448 = arith.addi %sub3A_445, %add3A_447 : vector<16xi32>
          %gather3A_449 = tpu.vector_load_idx %arg24[%add3A_448] : memref<16xi32, #tpu.memory_space<vmem>>[vector<16xi32>], vector<16xi32>,
          %sub3A_450 = arith.subi %min3A_439, %gather3A_443 : vector<16xi32>
          %rem3A_451 = arith.constant 1024 : i32
          %rem3A_452 = vector.broadcast %rem3A_451 : i32 to vector<16xi32>
          %rem3A_453 = arith.remsi %sub3A_450, %rem3A_452 : vector<16xi32>
          %add3A_454 = arith.constant 1024 : i32
          %add3A_455 = vector.broadcast %add3A_454 : i32 to vector<16xi32>
          %add3A_456 = arith.addi %min3A_439, %add3A_455 : vector<16xi32>
          %ge3A = arith.cmpi sge, %add3A_456, %gather3A_449 : vector<16xi32>
          %sub3A_457 = vector.broadcast %min3A_310 : i32 to vector<16xi32>
          %sub3A_458 = arith.subi %gather3A_440, %sub3A_457 : vector<16xi32>
          %mul3A_459 = arith.constant 1024 : i32
          %mul3A_460 = vector.broadcast %mul3A_459 : i32 to vector<16xi32>
          %mul3A_461 = arith.muli %sub3A_458, %mul3A_460 : vector<16xi32>
          %add3A_462 = arith.addi %mul3A_461, %rem3A_453 : vector<16xi32>
          %sub3A_463 = vector.broadcast %multiple_of3A_401 : i32 to vector<16xi32>
          %sub3A_464 = arith.subi %min3A_439, %sub3A_463 : vector<16xi32>
          %and3A = arith.andi %lt3A_435, %ge3A : vector<16xi1>
          %gather3A_465 = tpu.vector_load_idx %arg28[%sub3A_464] : memref<520xf32, #tpu.memory_space<vmem>>[vector<16xi32>], vector<16xf32>,
          tpu.vector_store_idx %arg27[%add3A_462], %gather3A_465 masked %and3A : memref<8192xf32, #tpu.memory_space<vmem>>[vector<16xi32>], vector<16xf32>, vector<16xi1>
          %while3A_466 = arith.constant 0 : i32
          scf.yield %while3A_466 : i32
        }
        %while3A_421 = arith.constant 0 : i32
        scf.yield %while3A_421 : i32
      }
      %while3A_387 = arith.constant 1 : i32
      %while3A_388 = scf.for %while3A_390 = %while3A_384 to %while3A_380 step %while3A_387 iter_args(%while3A_391 = %while3A_386) -> (i32)  : i32 {
        %mul3A_392 = arith.constant 512 : i32
        %mul3A_393 = arith.muli %while3A_390, %mul3A_392 : i32
        %add3A_394 = arith.addi %reduce_max3A_356, %mul3A_393 : i32
        %div3A_395 = arith.constant 8 : i32
        %div3A_396 = arith.divsi %add3A_394, %div3A_395 : i32
        %mul3A_397 = arith.constant 8 : i32
        %mul3A_398 = arith.muli %div3A_396, %mul3A_397 : i32
        %min3A_399 = arith.constant 15864 : i32
        %min3A_400 = arith.minsi %mul3A_398, %min3A_399 : i32
        %multiple_of3A_401 = tpu.assume_multiple %min3A_400, 8 : i32
        "tpu.region"() ({
          %run_scoped3A = tpu.sem_alloc : memref<!tpu.dma_semaphore, #tpu.memory_space<semaphore_mem>>
          %dma_start3A_422 = tpu.memref_slice %arg6[%multiple_of3A_401] : memref<16384xf32, #tpu.memory_space<hbm>> -> memref<520xf32, #tpu.memory_space<hbm>>
          %dma_start3A_423 = tpu.memref_slice %arg6[%multiple_of3A_401] : memref<16384xf32, #tpu.memory_space<hbm>> -> memref<520xf32, #tpu.memory_space<hbm>>
          tpu.enqueue_dma source(%dma_start3A_423 : memref<520xf32, #tpu.memory_space<hbm>>) target(%arg28 : memref<520xf32, #tpu.memory_space<vmem>>) target_semaphore(%run_scoped3A : memref<!tpu.dma_semaphore, #tpu.memory_space<semaphore_mem>>)
          %dma_wait3A_424 = tpu.memref_slice %arg6[%multiple_of3A_401] : memref<16384xf32, #tpu.memory_space<hbm>> -> memref<520xf32, #tpu.memory_space<hbm>>
          %dma_wait3A_425 = tpu.memref_slice %arg6[%multiple_of3A_401] : memref<16384xf32, #tpu.memory_space<hbm>> -> memref<520xf32, #tpu.memory_space<hbm>>
          tpu.wait_dma2 semaphore(%run_scoped3A : memref<!tpu.dma_semaphore, #tpu.memory_space<semaphore_mem>>) src(%dma_wait3A_425 : memref<520xf32, #tpu.memory_space<hbm>>) dst(%arg28 : memref<520xf32, #tpu.memory_space<vmem>>)
          tpu.yield
        }) : () -> ()
        %sub3A_402 = arith.subi %reduce_max3A_371, %add3A_394 : i32
        %min3A_403 = arith.constant 512 : i32
        %min3A_404 = arith.minsi %sub3A_402, %min3A_403 : i32
        %add3A_405 = arith.constant 15 : i32
        %add3A_406 = arith.addi %min3A_404, %add3A_405 : i32
        %div3A_407 = arith.constant 16 : i32
        %div3A_408 = arith.divsi %add3A_406, %div3A_407 : i32
        %while3A_409 = arith.constant 0 : i32
        %while3A_410 = arith.constant 0 : i32
        %while3A_411 = arith.subi %div3A_408, %while3A_409 : i32
        %while3A_412 = arith.addi %while3A_409, %while3A_411 : i32
        %while3A_413 = arith.constant 1 : i32
        %while3A_414 = arith.divsi %while3A_411, %while3A_413 : i32
        %while3A_415 = arith.muli %while3A_414, %while3A_413 : i32
        %while3A_416 = arith.addi %while3A_409, %while3A_415 : i32
        %while3A_417 = arith.constant 1 : i32
        %while3A_418 = scf.for %while3A_422 = %while3A_409 to %while3A_416 step %while3A_417 iter_args(%while3A_423 = %while3A_410) -> (i32)  : i32 {
          %mul3A_424 = arith.constant 16 : i32
          %mul3A_425 = arith.muli %while3A_422, %mul3A_424 : i32
          %add3A_426 = arith.addi %add3A_394, %mul3A_425 : i32
          %iota3A_427 = tpu.iota {dimensions = array<i32: 0>} : vector<16xi32>
          %add3A_428 = vector.broadcast %add3A_426 : i32 to vector<16xi32>
          %add3A_429 = arith.addi %add3A_428, %iota3A_427 : vector<16xi32>
          %mul3A_430 = arith.constant 16 : i32
          %mul3A_431 = arith.muli %while3A_422, %mul3A_430 : i32
          %iota3A_432 = tpu.iota {dimensions = array<i32: 0>} : vector<16xi32>
          %add3A_433 = vector.broadcast %mul3A_431 : i32 to vector<16xi32>
          %add3A_434 = arith.addi %add3A_433, %iota3A_432 : vector<16xi32>
          %lt3A = vector.broadcast %min3A_404 : i32 to vector<16xi32>
          %lt3A_435 = arith.cmpi slt, %add3A_434, %lt3A : vector<16xi32>
          %sub3A_436 = arith.constant 1 : i32
          %sub3A_437 = arith.subi %reduce_max3A_371, %sub3A_436 : i32
          %min3A_438 = vector.broadcast %sub3A_437 : i32 to vector<16xi32>
          %min3A_439 = arith.minsi %add3A_429, %min3A_438 : vector<16xi32>
          %gather3A_440 = tpu.vector_load_idx %arg19[%min3A_439] : memref<16384xi32, #tpu.memory_space<vmem>>[vector<16xi32>], vector<16xi32>,
          %sub3A_441 = vector.broadcast %min3A_310 : i32 to vector<16xi32>
          %sub3A_442 = arith.subi %gather3A_440, %sub3A_441 : vector<16xi32>
          %gather3A_443 = tpu.vector_load_idx %arg24[%sub3A_442] : memref<16xi32, #tpu.memory_space<vmem>>[vector<16xi32>], vector<16xi32>,
          %sub3A_444 = vector.broadcast %min3A_310 : i32 to vector<16xi32>
          %sub3A_445 = arith.subi %gather3A_440, %sub3A_444 : vector<16xi32>
          %add3A_446 = arith.constant 1 : i32
          %add3A_447 = vector.broadcast %add3A_446 : i32 to vector<16xi32>
          %add3A_448 = arith.addi %sub3A_445, %add3A_447 : vector<16xi32>
          %gather3A_449 = tpu.vector_load_idx %arg24[%add3A_448] : memref<16xi32, #tpu.memory_space<vmem>>[vector<16xi32>], vector<16xi32>,
          %sub3A_450 = arith.subi %min3A_439, %gather3A_443 : vector<16xi32>
          %rem3A_451 = arith.constant 1024 : i32
          %rem3A_452 = vector.broadcast %rem3A_451 : i32 to vector<16xi32>
          %rem3A_453 = arith.remsi %sub3A_450, %rem3A_452 : vector<16xi32>
          %add3A_454 = arith.constant 1024 : i32
          %add3A_455 = vector.broadcast %add3A_454 : i32 to vector<16xi32>
          %add3A_456 = arith.addi %min3A_439, %add3A_455 : vector<16xi32>
          %ge3A = arith.cmpi sge, %add3A_456, %gather3A_449 : vector<16xi32>
          %sub3A_457 = vector.broadcast %min3A_310 : i32 to vector<16xi32>
          %sub3A_458 = arith.subi %gather3A_440, %sub3A_457 : vector<16xi32>
          %mul3A_459 = arith.constant 1024 : i32
          %mul3A_460 = vector.broadcast %mul3A_459 : i32 to vector<16xi32>
          %mul3A_461 = arith.muli %sub3A_458, %mul3A_460 : vector<16xi32>
          %add3A_462 = arith.addi %mul3A_461, %rem3A_453 : vector<16xi32>
          %sub3A_463 = vector.broadcast %multiple_of3A_401 : i32 to vector<16xi32>
          %sub3A_464 = arith.subi %min3A_439, %sub3A_463 : vector<16xi32>
          %and3A = arith.andi %lt3A_435, %ge3A : vector<16xi1>
          %gather3A_465 = tpu.vector_load_idx %arg28[%sub3A_464] : memref<520xf32, #tpu.memory_space<vmem>>[vector<16xi32>], vector<16xf32>,
          tpu.vector_store_idx %arg27[%add3A_462], %gather3A_465 masked %and3A : memref<8192xf32, #tpu.memory_space<vmem>>[vector<16xi32>], vector<16xf32>, vector<16xi1>
          %while3A_466 = arith.constant 0 : i32
          scf.yield %while3A_466 : i32
        }
        %while3A_419 = arith.constant 1 : i32
        %while3A_420 = scf.for %while3A_422 = %while3A_416 to %while3A_412 step %while3A_419 iter_args(%while3A_423 = %while3A_418) -> (i32)  : i32 {
          %mul3A_424 = arith.constant 16 : i32
          %mul3A_425 = arith.muli %while3A_422, %mul3A_424 : i32
          %add3A_426 = arith.addi %add3A_394, %mul3A_425 : i32
          %iota3A_427 = tpu.iota {dimensions = array<i32: 0>} : vector<16xi32>
          %add3A_428 = vector.broadcast %add3A_426 : i32 to vector<16xi32>
          %add3A_429 = arith.addi %add3A_428, %iota3A_427 : vector<16xi32>
          %mul3A_430 = arith.constant 16 : i32
          %mul3A_431 = arith.muli %while3A_422, %mul3A_430 : i32
          %iota3A_432 = tpu.iota {dimensions = array<i32: 0>} : vector<16xi32>
          %add3A_433 = vector.broadcast %mul3A_431 : i32 to vector<16xi32>
          %add3A_434 = arith.addi %add3A_433, %iota3A_432 : vector<16xi32>
          %lt3A = vector.broadcast %min3A_404 : i32 to vector<16xi32>
          %lt3A_435 = arith.cmpi slt, %add3A_434, %lt3A : vector<16xi32>
          %sub3A_436 = arith.constant 1 : i32
          %sub3A_437 = arith.subi %reduce_max3A_371, %sub3A_436 : i32
          %min3A_438 = vector.broadcast %sub3A_437 : i32 to vector<16xi32>
          %min3A_439 = arith.minsi %add3A_429, %min3A_438 : vector<16xi32>
          %gather3A_440 = tpu.vector_load_idx %arg19[%min3A_439] : memref<16384xi32, #tpu.memory_space<vmem>>[vector<16xi32>], vector<16xi32>,
          %sub3A_441 = vector.broadcast %min3A_310 : i32 to vector<16xi32>
          %sub3A_442 = arith.subi %gather3A_440, %sub3A_441 : vector<16xi32>
          %gather3A_443 = tpu.vector_load_idx %arg24[%sub3A_442] : memref<16xi32, #tpu.memory_space<vmem>>[vector<16xi32>], vector<16xi32>,
          %sub3A_444 = vector.broadcast %min3A_310 : i32 to vector<16xi32>
          %sub3A_445 = arith.subi %gather3A_440, %sub3A_444 : vector<16xi32>
          %add3A_446 = arith.constant 1 : i32
          %add3A_447 = vector.broadcast %add3A_446 : i32 to vector<16xi32>
          %add3A_448 = arith.addi %sub3A_445, %add3A_447 : vector<16xi32>
          %gather3A_449 = tpu.vector_load_idx %arg24[%add3A_448] : memref<16xi32, #tpu.memory_space<vmem>>[vector<16xi32>], vector<16xi32>,
          %sub3A_450 = arith.subi %min3A_439, %gather3A_443 : vector<16xi32>
          %rem3A_451 = arith.constant 1024 : i32
          %rem3A_452 = vector.broadcast %rem3A_451 : i32 to vector<16xi32>
          %rem3A_453 = arith.remsi %sub3A_450, %rem3A_452 : vector<16xi32>
          %add3A_454 = arith.constant 1024 : i32
          %add3A_455 = vector.broadcast %add3A_454 : i32 to vector<16xi32>
          %add3A_456 = arith.addi %min3A_439, %add3A_455 : vector<16xi32>
          %ge3A = arith.cmpi sge, %add3A_456, %gather3A_449 : vector<16xi32>
          %sub3A_457 = vector.broadcast %min3A_310 : i32 to vector<16xi32>
          %sub3A_458 = arith.subi %gather3A_440, %sub3A_457 : vector<16xi32>
          %mul3A_459 = arith.constant 1024 : i32
          %mul3A_460 = vector.broadcast %mul3A_459 : i32 to vector<16xi32>
          %mul3A_461 = arith.muli %sub3A_458, %mul3A_460 : vector<16xi32>
          %add3A_462 = arith.addi %mul3A_461, %rem3A_453 : vector<16xi32>
          %sub3A_463 = vector.broadcast %multiple_of3A_401 : i32 to vector<16xi32>
          %sub3A_464 = arith.subi %min3A_439, %sub3A_463 : vector<16xi32>
          %and3A = arith.andi %lt3A_435, %ge3A : vector<16xi1>
          %gather3A_465 = tpu.vector_load_idx %arg28[%sub3A_464] : memref<520xf32, #tpu.memory_space<vmem>>[vector<16xi32>], vector<16xf32>,
          tpu.vector_store_idx %arg27[%add3A_462], %gather3A_465 masked %and3A : memref<8192xf32, #tpu.memory_space<vmem>>[vector<16xi32>], vector<16xf32>, vector<16xi1>
          %while3A_466 = arith.constant 0 : i32
          scf.yield %while3A_466 : i32
        }
        %while3A_421 = arith.constant 0 : i32
        scf.yield %while3A_421 : i32
      }
      %multiple_of3A_389 = tpu.assume_multiple %mul3A_312, 8 : i32
      "tpu.region"() ({
        %run_scoped3A = tpu.sem_alloc : memref<!tpu.dma_semaphore, #tpu.memory_space<semaphore_mem>>
        %dma_start3A_390 = tpu.memref_slice %arg15[%multiple_of3A_389] : memref<61440xf32, #tpu.memory_space<hbm>> -> memref<8192xf32, #tpu.memory_space<hbm>>
        %dma_start3A_391 = tpu.memref_slice %arg15[%multiple_of3A_389] : memref<61440xf32, #tpu.memory_space<hbm>> -> memref<8192xf32, #tpu.memory_space<hbm>>
        tpu.enqueue_dma source(%arg27 : memref<8192xf32, #tpu.memory_space<vmem>>) target(%dma_start3A_391 : memref<8192xf32, #tpu.memory_space<hbm>>) target_semaphore(%run_scoped3A : memref<!tpu.dma_semaphore, #tpu.memory_space<semaphore_mem>>)
        %dma_wait3A_392 = tpu.memref_slice %arg15[%multiple_of3A_389] : memref<61440xf32, #tpu.memory_space<hbm>> -> memref<8192xf32, #tpu.memory_space<hbm>>
        %dma_wait3A_393 = tpu.memref_slice %arg15[%multiple_of3A_389] : memref<61440xf32, #tpu.memory_space<hbm>> -> memref<8192xf32, #tpu.memory_space<hbm>>
        tpu.wait_dma2 semaphore(%run_scoped3A : memref<!tpu.dma_semaphore, #tpu.memory_space<semaphore_mem>>) src(%arg27 : memref<8192xf32, #tpu.memory_space<vmem>>) dst(%dma_wait3A_393 : memref<8192xf32, #tpu.memory_space<hbm>>)
        tpu.yield
      }) : () -> ()
    } else {
    }
    %eq3A_325 = arith.constant 3 : i32
    %eq3A_326 = arith.cmpi eq, %div3A_304, %eq3A_325 : i32
    %convert_element_type3A_327 = arith.extui %eq3A_326 : i1 to i32
    %cond3A_328 = arith.constant 0 : i32
    %cond3A_329 = arith.cmpi ne, %convert_element_type3A_327, %cond3A_328 : i32
    scf.if %cond3A_329 {
      %iota3A_330 = tpu.iota {dimensions = array<i32: 0>} : vector<16xi32>
      %add3A_331 = vector.broadcast %min3A_310 : i32 to vector<16xi32>
      %add3A_332 = arith.addi %add3A_331, %iota3A_330 : vector<16xi32>
      %broadcast_in_dim3A_333 = arith.constant 0 : i32
      %broadcast_in_dim3A_334 = vector.broadcast %broadcast_in_dim3A_333 : i32 to vector<16xi32>
      %broadcast_in_dim3A_335 = arith.constant 16384 : i32
      %broadcast_in_dim3A_336 = vector.broadcast %broadcast_in_dim3A_335 : i32 to vector<16xi32>
      %scan3A_337 = arith.constant 0 : i32
      %scan3A_338 = arith.constant 15 : i32
      %scan3A_339 = arith.addi %scan3A_337, %scan3A_338 : i32
      %scan3A_340 = arith.constant 1 : i32
      %scan3A_341:2 = scf.for %scan3A_390 = %scan3A_337 to %scan3A_339 step %scan3A_340 iter_args(%scan3A_391 = %broadcast_in_dim3A_334, %scan3A_392 = %broadcast_in_dim3A_336) -> (vector<16xi32>, vector<16xi32>)  : i32 {
        %add3A_393 = arith.addi %scan3A_391, %scan3A_392 : vector<16xi32>
        %div3A_394 = arith.constant 2 : i32
        %div3A_395 = vector.broadcast %div3A_394 : i32 to vector<16xi32>
        %div3A_396 = arith.divsi %add3A_393, %div3A_395 : vector<16xi32>
        %min3A_397 = arith.constant 16383 : i32
        %min3A_398 = vector.broadcast %min3A_397 : i32 to vector<16xi32>
        %min3A_399 = arith.minsi %div3A_396, %min3A_398 : vector<16xi32>
        %gather3A_400 = tpu.vector_load_idx %arg20[%min3A_399] : memref<16384xi32, #tpu.memory_space<vmem>>[vector<16xi32>], vector<16xi32>,
        %lt3A = arith.cmpi slt, %scan3A_391, %scan3A_392 : vector<16xi32>
        %lt3A_401 = arith.cmpi slt, %gather3A_400, %add3A_332 : vector<16xi32>
        %and3A = arith.andi %lt3A, %lt3A_401 : vector<16xi1>
        %add3A_402 = arith.constant 1 : i32
        %add3A_403 = vector.broadcast %add3A_402 : i32 to vector<16xi32>
        %add3A_404 = arith.addi %div3A_396, %add3A_403 : vector<16xi32>
        %select_n3A_405 = arith.select %and3A, %add3A_404, %scan3A_391 : vector<16xi1>, vector<16xi32>
        %not3A = arith.constant dense<true> : vector<16xi1>
        %not3A_406 = arith.xori %lt3A_401, %not3A : vector<16xi1>
        %and3A_407 = arith.andi %lt3A, %not3A_406 : vector<16xi1>
        %select_n3A_408 = arith.select %and3A_407, %div3A_396, %scan3A_392 : vector<16xi1>, vector<16xi32>
        scf.yield %select_n3A_405, %select_n3A_408 : vector<16xi32>, vector<16xi32>
      }
      %scan3A_342 = arith.constant 15 : i32
      %swap3A_343 = arith.constant 0 : index
      %swap3A_344 = tpu.vector_load %arg24[%swap3A_343] {strides = array<i32>} : memref<16xi32, #tpu.memory_space<vmem>>, vector<16xi32>,
      tpu.vector_store %arg24[%swap3A_343], %scan3A_341#0 {strides = array<i32>} : memref<16xi32, #tpu.memory_space<vmem>>, vector<16xi32>,
      %iota3A_345 = tpu.iota {dimensions = array<i32: 0>} : vector<16xi32>
      %eq3A_346 = arith.constant 0 : i32
      %eq3A_347 = vector.broadcast %eq3A_346 : i32 to vector<16xi32>
      %eq3A_348 = arith.cmpi eq, %iota3A_345, %eq3A_347 : vector<16xi32>
      %jit3A = arith.constant 0 : i32
      %broadcast_in_dim3A_349 = vector.broadcast %jit3A : i32 to vector<16xi32>
      %select_n3A = arith.select %eq3A_348, %scan3A_341#0, %broadcast_in_dim3A_349 : vector<16xi1>, vector<16xi32>
      %reduce_max3A = arith.constant true
      %reduce_max3A_350 = vector.broadcast %reduce_max3A : i1 to vector<16xi1>
      %reduce_max3A_351 = arith.constant -2147483648 : i32
      %reduce_max3A_352 = vector.broadcast %reduce_max3A_351 : i32 to vector<16xi32>
      %reduce_max3A_353 = arith.xori %select_n3A, %reduce_max3A_352 : vector<16xi32>
      %reduce_max3A_354 = tpu.scan <max>, %reduce_max3A_353 masked %reduce_max3A_350 : vector<16xi32>, vector<16xi1> -> vector<16xi32>
      %reduce_max3A_355 = arith.xori %reduce_max3A_354, %reduce_max3A_352 : vector<16xi32>
      %reduce_max3A_356 = vector.extract %reduce_max3A_355[15] : i32 from vector<16xi32>
      %iota3A_357 = tpu.iota {dimensions = array<i32: 0>} : vector<16xi32>
      %eq3A_358 = arith.constant 8 : i32
      %eq3A_359 = vector.broadcast %eq3A_358 : i32 to vector<16xi32>
      %eq3A_360 = arith.cmpi eq, %iota3A_357, %eq3A_359 : vector<16xi32>
      %jit3A_361 = arith.constant 0 : i32
      %broadcast_in_dim3A_362 = vector.broadcast %jit3A_361 : i32 to vector<16xi32>
      %select_n3A_363 = arith.select %eq3A_360, %scan3A_341#0, %broadcast_in_dim3A_362 : vector<16xi1>, vector<16xi32>
      %reduce_max3A_364 = arith.constant true
      %reduce_max3A_365 = vector.broadcast %reduce_max3A_364 : i1 to vector<16xi1>
      %reduce_max3A_366 = arith.constant -2147483648 : i32
      %reduce_max3A_367 = vector.broadcast %reduce_max3A_366 : i32 to vector<16xi32>
      %reduce_max3A_368 = arith.xori %select_n3A_363, %reduce_max3A_367 : vector<16xi32>
      %reduce_max3A_369 = tpu.scan <max>, %reduce_max3A_368 masked %reduce_max3A_365 : vector<16xi32>, vector<16xi1> -> vector<16xi32>
      %reduce_max3A_370 = arith.xori %reduce_max3A_369, %reduce_max3A_367 : vector<16xi32>
      %reduce_max3A_371 = vector.extract %reduce_max3A_370[15] : i32 from vector<16xi32>
      %multiple_of3A = tpu.assume_multiple %mul3A_312, 8 : i32
      "tpu.region"() ({
        %run_scoped3A = tpu.sem_alloc : memref<!tpu.dma_semaphore, #tpu.memory_space<semaphore_mem>>
        %dma_start3A_390 = tpu.memref_slice %arg12[%multiple_of3A] : memref<61440xf32, #tpu.memory_space<hbm>> -> memref<8192xf32, #tpu.memory_space<hbm>>
        %dma_start3A_391 = tpu.memref_slice %arg12[%multiple_of3A] : memref<61440xf32, #tpu.memory_space<hbm>> -> memref<8192xf32, #tpu.memory_space<hbm>>
        tpu.enqueue_dma source(%dma_start3A_391 : memref<8192xf32, #tpu.memory_space<hbm>>) target(%arg27 : memref<8192xf32, #tpu.memory_space<vmem>>) target_semaphore(%run_scoped3A : memref<!tpu.dma_semaphore, #tpu.memory_space<semaphore_mem>>)
        %dma_wait3A_392 = tpu.memref_slice %arg12[%multiple_of3A] : memref<61440xf32, #tpu.memory_space<hbm>> -> memref<8192xf32, #tpu.memory_space<hbm>>
        %dma_wait3A_393 = tpu.memref_slice %arg12[%multiple_of3A] : memref<61440xf32, #tpu.memory_space<hbm>> -> memref<8192xf32, #tpu.memory_space<hbm>>
        tpu.wait_dma2 semaphore(%run_scoped3A : memref<!tpu.dma_semaphore, #tpu.memory_space<semaphore_mem>>) src(%dma_wait3A_393 : memref<8192xf32, #tpu.memory_space<hbm>>) dst(%arg27 : memref<8192xf32, #tpu.memory_space<vmem>>)
        tpu.yield
      }) : () -> ()
      %sub3A_372 = arith.subi %reduce_max3A_371, %reduce_max3A_356 : i32
      %max3A = arith.constant 0 : i32
      %max3A_373 = arith.maxsi %sub3A_372, %max3A : i32
      %add3A_374 = arith.constant 511 : i32
      %add3A_375 = arith.addi %max3A_373, %add3A_374 : i32
      %div3A_376 = arith.constant 512 : i32
      %div3A_377 = arith.divsi %add3A_375, %div3A_376 : i32
      %while3A = arith.constant 0 : i32
      %while3A_378 = arith.constant 0 : i32
      %while3A_379 = arith.subi %div3A_377, %while3A : i32
      %while3A_380 = arith.addi %while3A, %while3A_379 : i32
      %while3A_381 = arith.constant 1 : i32
      %while3A_382 = arith.divsi %while3A_379, %while3A_381 : i32
      %while3A_383 = arith.muli %while3A_382, %while3A_381 : i32
      %while3A_384 = arith.addi %while3A, %while3A_383 : i32
      %while3A_385 = arith.constant 1 : i32
      %while3A_386 = scf.for %while3A_390 = %while3A to %while3A_384 step %while3A_385 iter_args(%while3A_391 = %while3A_378) -> (i32)  : i32 {
        %mul3A_392 = arith.constant 512 : i32
        %mul3A_393 = arith.muli %while3A_390, %mul3A_392 : i32
        %add3A_394 = arith.addi %reduce_max3A_356, %mul3A_393 : i32
        %div3A_395 = arith.constant 8 : i32
        %div3A_396 = arith.divsi %add3A_394, %div3A_395 : i32
        %mul3A_397 = arith.constant 8 : i32
        %mul3A_398 = arith.muli %div3A_396, %mul3A_397 : i32
        %min3A_399 = arith.constant 15864 : i32
        %min3A_400 = arith.minsi %mul3A_398, %min3A_399 : i32
        %multiple_of3A_401 = tpu.assume_multiple %min3A_400, 8 : i32
        "tpu.region"() ({
          %run_scoped3A = tpu.sem_alloc : memref<!tpu.dma_semaphore, #tpu.memory_space<semaphore_mem>>
          %dma_start3A_422 = tpu.memref_slice %arg8[%multiple_of3A_401] : memref<16384xf32, #tpu.memory_space<hbm>> -> memref<520xf32, #tpu.memory_space<hbm>>
          %dma_start3A_423 = tpu.memref_slice %arg8[%multiple_of3A_401] : memref<16384xf32, #tpu.memory_space<hbm>> -> memref<520xf32, #tpu.memory_space<hbm>>
          tpu.enqueue_dma source(%dma_start3A_423 : memref<520xf32, #tpu.memory_space<hbm>>) target(%arg28 : memref<520xf32, #tpu.memory_space<vmem>>) target_semaphore(%run_scoped3A : memref<!tpu.dma_semaphore, #tpu.memory_space<semaphore_mem>>)
          %dma_wait3A_424 = tpu.memref_slice %arg8[%multiple_of3A_401] : memref<16384xf32, #tpu.memory_space<hbm>> -> memref<520xf32, #tpu.memory_space<hbm>>
          %dma_wait3A_425 = tpu.memref_slice %arg8[%multiple_of3A_401] : memref<16384xf32, #tpu.memory_space<hbm>> -> memref<520xf32, #tpu.memory_space<hbm>>
          tpu.wait_dma2 semaphore(%run_scoped3A : memref<!tpu.dma_semaphore, #tpu.memory_space<semaphore_mem>>) src(%dma_wait3A_425 : memref<520xf32, #tpu.memory_space<hbm>>) dst(%arg28 : memref<520xf32, #tpu.memory_space<vmem>>)
          tpu.yield
        }) : () -> ()
        %sub3A_402 = arith.subi %reduce_max3A_371, %add3A_394 : i32
        %min3A_403 = arith.constant 512 : i32
        %min3A_404 = arith.minsi %sub3A_402, %min3A_403 : i32
        %add3A_405 = arith.constant 15 : i32
        %add3A_406 = arith.addi %min3A_404, %add3A_405 : i32
        %div3A_407 = arith.constant 16 : i32
        %div3A_408 = arith.divsi %add3A_406, %div3A_407 : i32
        %while3A_409 = arith.constant 0 : i32
        %while3A_410 = arith.constant 0 : i32
        %while3A_411 = arith.subi %div3A_408, %while3A_409 : i32
        %while3A_412 = arith.addi %while3A_409, %while3A_411 : i32
        %while3A_413 = arith.constant 1 : i32
        %while3A_414 = arith.divsi %while3A_411, %while3A_413 : i32
        %while3A_415 = arith.muli %while3A_414, %while3A_413 : i32
        %while3A_416 = arith.addi %while3A_409, %while3A_415 : i32
        %while3A_417 = arith.constant 1 : i32
        %while3A_418 = scf.for %while3A_422 = %while3A_409 to %while3A_416 step %while3A_417 iter_args(%while3A_423 = %while3A_410) -> (i32)  : i32 {
          %mul3A_424 = arith.constant 16 : i32
          %mul3A_425 = arith.muli %while3A_422, %mul3A_424 : i32
          %add3A_426 = arith.addi %add3A_394, %mul3A_425 : i32
          %iota3A_427 = tpu.iota {dimensions = array<i32: 0>} : vector<16xi32>
          %add3A_428 = vector.broadcast %add3A_426 : i32 to vector<16xi32>
          %add3A_429 = arith.addi %add3A_428, %iota3A_427 : vector<16xi32>
          %mul3A_430 = arith.constant 16 : i32
          %mul3A_431 = arith.muli %while3A_422, %mul3A_430 : i32
          %iota3A_432 = tpu.iota {dimensions = array<i32: 0>} : vector<16xi32>
          %add3A_433 = vector.broadcast %mul3A_431 : i32 to vector<16xi32>
          %add3A_434 = arith.addi %add3A_433, %iota3A_432 : vector<16xi32>
          %lt3A = vector.broadcast %min3A_404 : i32 to vector<16xi32>
          %lt3A_435 = arith.cmpi slt, %add3A_434, %lt3A : vector<16xi32>
          %sub3A_436 = arith.constant 1 : i32
          %sub3A_437 = arith.subi %reduce_max3A_371, %sub3A_436 : i32
          %min3A_438 = vector.broadcast %sub3A_437 : i32 to vector<16xi32>
          %min3A_439 = arith.minsi %add3A_429, %min3A_438 : vector<16xi32>
          %gather3A_440 = tpu.vector_load_idx %arg20[%min3A_439] : memref<16384xi32, #tpu.memory_space<vmem>>[vector<16xi32>], vector<16xi32>,
          %sub3A_441 = vector.broadcast %min3A_310 : i32 to vector<16xi32>
          %sub3A_442 = arith.subi %gather3A_440, %sub3A_441 : vector<16xi32>
          %gather3A_443 = tpu.vector_load_idx %arg24[%sub3A_442] : memref<16xi32, #tpu.memory_space<vmem>>[vector<16xi32>], vector<16xi32>,
          %sub3A_444 = vector.broadcast %min3A_310 : i32 to vector<16xi32>
          %sub3A_445 = arith.subi %gather3A_440, %sub3A_444 : vector<16xi32>
          %add3A_446 = arith.constant 1 : i32
          %add3A_447 = vector.broadcast %add3A_446 : i32 to vector<16xi32>
          %add3A_448 = arith.addi %sub3A_445, %add3A_447 : vector<16xi32>
          %gather3A_449 = tpu.vector_load_idx %arg24[%add3A_448] : memref<16xi32, #tpu.memory_space<vmem>>[vector<16xi32>], vector<16xi32>,
          %sub3A_450 = arith.subi %min3A_439, %gather3A_443 : vector<16xi32>
          %rem3A_451 = arith.constant 1024 : i32
          %rem3A_452 = vector.broadcast %rem3A_451 : i32 to vector<16xi32>
          %rem3A_453 = arith.remsi %sub3A_450, %rem3A_452 : vector<16xi32>
          %add3A_454 = arith.constant 1024 : i32
          %add3A_455 = vector.broadcast %add3A_454 : i32 to vector<16xi32>
          %add3A_456 = arith.addi %min3A_439, %add3A_455 : vector<16xi32>
          %ge3A = arith.cmpi sge, %add3A_456, %gather3A_449 : vector<16xi32>
          %sub3A_457 = vector.broadcast %min3A_310 : i32 to vector<16xi32>
          %sub3A_458 = arith.subi %gather3A_440, %sub3A_457 : vector<16xi32>
          %mul3A_459 = arith.constant 1024 : i32
          %mul3A_460 = vector.broadcast %mul3A_459 : i32 to vector<16xi32>
          %mul3A_461 = arith.muli %sub3A_458, %mul3A_460 : vector<16xi32>
          %add3A_462 = arith.addi %mul3A_461, %rem3A_453 : vector<16xi32>
          %sub3A_463 = vector.broadcast %multiple_of3A_401 : i32 to vector<16xi32>
          %sub3A_464 = arith.subi %min3A_439, %sub3A_463 : vector<16xi32>
          %and3A = arith.andi %lt3A_435, %ge3A : vector<16xi1>
          %gather3A_465 = tpu.vector_load_idx %arg28[%sub3A_464] : memref<520xf32, #tpu.memory_space<vmem>>[vector<16xi32>], vector<16xf32>,
          tpu.vector_store_idx %arg27[%add3A_462], %gather3A_465 masked %and3A : memref<8192xf32, #tpu.memory_space<vmem>>[vector<16xi32>], vector<16xf32>, vector<16xi1>
          %while3A_466 = arith.constant 0 : i32
          scf.yield %while3A_466 : i32
        }
        %while3A_419 = arith.constant 1 : i32
        %while3A_420 = scf.for %while3A_422 = %while3A_416 to %while3A_412 step %while3A_419 iter_args(%while3A_423 = %while3A_418) -> (i32)  : i32 {
          %mul3A_424 = arith.constant 16 : i32
          %mul3A_425 = arith.muli %while3A_422, %mul3A_424 : i32
          %add3A_426 = arith.addi %add3A_394, %mul3A_425 : i32
          %iota3A_427 = tpu.iota {dimensions = array<i32: 0>} : vector<16xi32>
          %add3A_428 = vector.broadcast %add3A_426 : i32 to vector<16xi32>
          %add3A_429 = arith.addi %add3A_428, %iota3A_427 : vector<16xi32>
          %mul3A_430 = arith.constant 16 : i32
          %mul3A_431 = arith.muli %while3A_422, %mul3A_430 : i32
          %iota3A_432 = tpu.iota {dimensions = array<i32: 0>} : vector<16xi32>
          %add3A_433 = vector.broadcast %mul3A_431 : i32 to vector<16xi32>
          %add3A_434 = arith.addi %add3A_433, %iota3A_432 : vector<16xi32>
          %lt3A = vector.broadcast %min3A_404 : i32 to vector<16xi32>
          %lt3A_435 = arith.cmpi slt, %add3A_434, %lt3A : vector<16xi32>
          %sub3A_436 = arith.constant 1 : i32
          %sub3A_437 = arith.subi %reduce_max3A_371, %sub3A_436 : i32
          %min3A_438 = vector.broadcast %sub3A_437 : i32 to vector<16xi32>
          %min3A_439 = arith.minsi %add3A_429, %min3A_438 : vector<16xi32>
          %gather3A_440 = tpu.vector_load_idx %arg20[%min3A_439] : memref<16384xi32, #tpu.memory_space<vmem>>[vector<16xi32>], vector<16xi32>,
          %sub3A_441 = vector.broadcast %min3A_310 : i32 to vector<16xi32>
          %sub3A_442 = arith.subi %gather3A_440, %sub3A_441 : vector<16xi32>
          %gather3A_443 = tpu.vector_load_idx %arg24[%sub3A_442] : memref<16xi32, #tpu.memory_space<vmem>>[vector<16xi32>], vector<16xi32>,
          %sub3A_444 = vector.broadcast %min3A_310 : i32 to vector<16xi32>
          %sub3A_445 = arith.subi %gather3A_440, %sub3A_444 : vector<16xi32>
          %add3A_446 = arith.constant 1 : i32
          %add3A_447 = vector.broadcast %add3A_446 : i32 to vector<16xi32>
          %add3A_448 = arith.addi %sub3A_445, %add3A_447 : vector<16xi32>
          %gather3A_449 = tpu.vector_load_idx %arg24[%add3A_448] : memref<16xi32, #tpu.memory_space<vmem>>[vector<16xi32>], vector<16xi32>,
          %sub3A_450 = arith.subi %min3A_439, %gather3A_443 : vector<16xi32>
          %rem3A_451 = arith.constant 1024 : i32
          %rem3A_452 = vector.broadcast %rem3A_451 : i32 to vector<16xi32>
          %rem3A_453 = arith.remsi %sub3A_450, %rem3A_452 : vector<16xi32>
          %add3A_454 = arith.constant 1024 : i32
          %add3A_455 = vector.broadcast %add3A_454 : i32 to vector<16xi32>
          %add3A_456 = arith.addi %min3A_439, %add3A_455 : vector<16xi32>
          %ge3A = arith.cmpi sge, %add3A_456, %gather3A_449 : vector<16xi32>
          %sub3A_457 = vector.broadcast %min3A_310 : i32 to vector<16xi32>
          %sub3A_458 = arith.subi %gather3A_440, %sub3A_457 : vector<16xi32>
          %mul3A_459 = arith.constant 1024 : i32
          %mul3A_460 = vector.broadcast %mul3A_459 : i32 to vector<16xi32>
          %mul3A_461 = arith.muli %sub3A_458, %mul3A_460 : vector<16xi32>
          %add3A_462 = arith.addi %mul3A_461, %rem3A_453 : vector<16xi32>
          %sub3A_463 = vector.broadcast %multiple_of3A_401 : i32 to vector<16xi32>
          %sub3A_464 = arith.subi %min3A_439, %sub3A_463 : vector<16xi32>
          %and3A = arith.andi %lt3A_435, %ge3A : vector<16xi1>
          %gather3A_465 = tpu.vector_load_idx %arg28[%sub3A_464] : memref<520xf32, #tpu.memory_space<vmem>>[vector<16xi32>], vector<16xf32>,
          tpu.vector_store_idx %arg27[%add3A_462], %gather3A_465 masked %and3A : memref<8192xf32, #tpu.memory_space<vmem>>[vector<16xi32>], vector<16xf32>, vector<16xi1>
          %while3A_466 = arith.constant 0 : i32
          scf.yield %while3A_466 : i32
        }
        %while3A_421 = arith.constant 0 : i32
        scf.yield %while3A_421 : i32
      }
      %while3A_387 = arith.constant 1 : i32
      %while3A_388 = scf.for %while3A_390 = %while3A_384 to %while3A_380 step %while3A_387 iter_args(%while3A_391 = %while3A_386) -> (i32)  : i32 {
        %mul3A_392 = arith.constant 512 : i32
        %mul3A_393 = arith.muli %while3A_390, %mul3A_392 : i32
        %add3A_394 = arith.addi %reduce_max3A_356, %mul3A_393 : i32
        %div3A_395 = arith.constant 8 : i32
        %div3A_396 = arith.divsi %add3A_394, %div3A_395 : i32
        %mul3A_397 = arith.constant 8 : i32
        %mul3A_398 = arith.muli %div3A_396, %mul3A_397 : i32
        %min3A_399 = arith.constant 15864 : i32
        %min3A_400 = arith.minsi %mul3A_398, %min3A_399 : i32
        %multiple_of3A_401 = tpu.assume_multiple %min3A_400, 8 : i32
        "tpu.region"() ({
          %run_scoped3A = tpu.sem_alloc : memref<!tpu.dma_semaphore, #tpu.memory_space<semaphore_mem>>
          %dma_start3A_422 = tpu.memref_slice %arg8[%multiple_of3A_401] : memref<16384xf32, #tpu.memory_space<hbm>> -> memref<520xf32, #tpu.memory_space<hbm>>
          %dma_start3A_423 = tpu.memref_slice %arg8[%multiple_of3A_401] : memref<16384xf32, #tpu.memory_space<hbm>> -> memref<520xf32, #tpu.memory_space<hbm>>
          tpu.enqueue_dma source(%dma_start3A_423 : memref<520xf32, #tpu.memory_space<hbm>>) target(%arg28 : memref<520xf32, #tpu.memory_space<vmem>>) target_semaphore(%run_scoped3A : memref<!tpu.dma_semaphore, #tpu.memory_space<semaphore_mem>>)
          %dma_wait3A_424 = tpu.memref_slice %arg8[%multiple_of3A_401] : memref<16384xf32, #tpu.memory_space<hbm>> -> memref<520xf32, #tpu.memory_space<hbm>>
          %dma_wait3A_425 = tpu.memref_slice %arg8[%multiple_of3A_401] : memref<16384xf32, #tpu.memory_space<hbm>> -> memref<520xf32, #tpu.memory_space<hbm>>
          tpu.wait_dma2 semaphore(%run_scoped3A : memref<!tpu.dma_semaphore, #tpu.memory_space<semaphore_mem>>) src(%dma_wait3A_425 : memref<520xf32, #tpu.memory_space<hbm>>) dst(%arg28 : memref<520xf32, #tpu.memory_space<vmem>>)
          tpu.yield
        }) : () -> ()
        %sub3A_402 = arith.subi %reduce_max3A_371, %add3A_394 : i32
        %min3A_403 = arith.constant 512 : i32
        %min3A_404 = arith.minsi %sub3A_402, %min3A_403 : i32
        %add3A_405 = arith.constant 15 : i32
        %add3A_406 = arith.addi %min3A_404, %add3A_405 : i32
        %div3A_407 = arith.constant 16 : i32
        %div3A_408 = arith.divsi %add3A_406, %div3A_407 : i32
        %while3A_409 = arith.constant 0 : i32
        %while3A_410 = arith.constant 0 : i32
        %while3A_411 = arith.subi %div3A_408, %while3A_409 : i32
        %while3A_412 = arith.addi %while3A_409, %while3A_411 : i32
        %while3A_413 = arith.constant 1 : i32
        %while3A_414 = arith.divsi %while3A_411, %while3A_413 : i32
        %while3A_415 = arith.muli %while3A_414, %while3A_413 : i32
        %while3A_416 = arith.addi %while3A_409, %while3A_415 : i32
        %while3A_417 = arith.constant 1 : i32
        %while3A_418 = scf.for %while3A_422 = %while3A_409 to %while3A_416 step %while3A_417 iter_args(%while3A_423 = %while3A_410) -> (i32)  : i32 {
          %mul3A_424 = arith.constant 16 : i32
          %mul3A_425 = arith.muli %while3A_422, %mul3A_424 : i32
          %add3A_426 = arith.addi %add3A_394, %mul3A_425 : i32
          %iota3A_427 = tpu.iota {dimensions = array<i32: 0>} : vector<16xi32>
          %add3A_428 = vector.broadcast %add3A_426 : i32 to vector<16xi32>
          %add3A_429 = arith.addi %add3A_428, %iota3A_427 : vector<16xi32>
          %mul3A_430 = arith.constant 16 : i32
          %mul3A_431 = arith.muli %while3A_422, %mul3A_430 : i32
          %iota3A_432 = tpu.iota {dimensions = array<i32: 0>} : vector<16xi32>
          %add3A_433 = vector.broadcast %mul3A_431 : i32 to vector<16xi32>
          %add3A_434 = arith.addi %add3A_433, %iota3A_432 : vector<16xi32>
          %lt3A = vector.broadcast %min3A_404 : i32 to vector<16xi32>
          %lt3A_435 = arith.cmpi slt, %add3A_434, %lt3A : vector<16xi32>
          %sub3A_436 = arith.constant 1 : i32
          %sub3A_437 = arith.subi %reduce_max3A_371, %sub3A_436 : i32
          %min3A_438 = vector.broadcast %sub3A_437 : i32 to vector<16xi32>
          %min3A_439 = arith.minsi %add3A_429, %min3A_438 : vector<16xi32>
          %gather3A_440 = tpu.vector_load_idx %arg20[%min3A_439] : memref<16384xi32, #tpu.memory_space<vmem>>[vector<16xi32>], vector<16xi32>,
          %sub3A_441 = vector.broadcast %min3A_310 : i32 to vector<16xi32>
          %sub3A_442 = arith.subi %gather3A_440, %sub3A_441 : vector<16xi32>
          %gather3A_443 = tpu.vector_load_idx %arg24[%sub3A_442] : memref<16xi32, #tpu.memory_space<vmem>>[vector<16xi32>], vector<16xi32>,
          %sub3A_444 = vector.broadcast %min3A_310 : i32 to vector<16xi32>
          %sub3A_445 = arith.subi %gather3A_440, %sub3A_444 : vector<16xi32>
          %add3A_446 = arith.constant 1 : i32
          %add3A_447 = vector.broadcast %add3A_446 : i32 to vector<16xi32>
          %add3A_448 = arith.addi %sub3A_445, %add3A_447 : vector<16xi32>
          %gather3A_449 = tpu.vector_load_idx %arg24[%add3A_448] : memref<16xi32, #tpu.memory_space<vmem>>[vector<16xi32>], vector<16xi32>,
          %sub3A_450 = arith.subi %min3A_439, %gather3A_443 : vector<16xi32>
          %rem3A_451 = arith.constant 1024 : i32
          %rem3A_452 = vector.broadcast %rem3A_451 : i32 to vector<16xi32>
          %rem3A_453 = arith.remsi %sub3A_450, %rem3A_452 : vector<16xi32>
          %add3A_454 = arith.constant 1024 : i32
          %add3A_455 = vector.broadcast %add3A_454 : i32 to vector<16xi32>
          %add3A_456 = arith.addi %min3A_439, %add3A_455 : vector<16xi32>
          %ge3A = arith.cmpi sge, %add3A_456, %gather3A_449 : vector<16xi32>
          %sub3A_457 = vector.broadcast %min3A_310 : i32 to vector<16xi32>
          %sub3A_458 = arith.subi %gather3A_440, %sub3A_457 : vector<16xi32>
          %mul3A_459 = arith.constant 1024 : i32
          %mul3A_460 = vector.broadcast %mul3A_459 : i32 to vector<16xi32>
          %mul3A_461 = arith.muli %sub3A_458, %mul3A_460 : vector<16xi32>
          %add3A_462 = arith.addi %mul3A_461, %rem3A_453 : vector<16xi32>
          %sub3A_463 = vector.broadcast %multiple_of3A_401 : i32 to vector<16xi32>
          %sub3A_464 = arith.subi %min3A_439, %sub3A_463 : vector<16xi32>
          %and3A = arith.andi %lt3A_435, %ge3A : vector<16xi1>
          %gather3A_465 = tpu.vector_load_idx %arg28[%sub3A_464] : memref<520xf32, #tpu.memory_space<vmem>>[vector<16xi32>], vector<16xf32>,
          tpu.vector_store_idx %arg27[%add3A_462], %gather3A_465 masked %and3A : memref<8192xf32, #tpu.memory_space<vmem>>[vector<16xi32>], vector<16xf32>, vector<16xi1>
          %while3A_466 = arith.constant 0 : i32
          scf.yield %while3A_466 : i32
        }
        %while3A_419 = arith.constant 1 : i32
        %while3A_420 = scf.for %while3A_422 = %while3A_416 to %while3A_412 step %while3A_419 iter_args(%while3A_423 = %while3A_418) -> (i32)  : i32 {
          %mul3A_424 = arith.constant 16 : i32
          %mul3A_425 = arith.muli %while3A_422, %mul3A_424 : i32
          %add3A_426 = arith.addi %add3A_394, %mul3A_425 : i32
          %iota3A_427 = tpu.iota {dimensions = array<i32: 0>} : vector<16xi32>
          %add3A_428 = vector.broadcast %add3A_426 : i32 to vector<16xi32>
          %add3A_429 = arith.addi %add3A_428, %iota3A_427 : vector<16xi32>
          %mul3A_430 = arith.constant 16 : i32
          %mul3A_431 = arith.muli %while3A_422, %mul3A_430 : i32
          %iota3A_432 = tpu.iota {dimensions = array<i32: 0>} : vector<16xi32>
          %add3A_433 = vector.broadcast %mul3A_431 : i32 to vector<16xi32>
          %add3A_434 = arith.addi %add3A_433, %iota3A_432 : vector<16xi32>
          %lt3A = vector.broadcast %min3A_404 : i32 to vector<16xi32>
          %lt3A_435 = arith.cmpi slt, %add3A_434, %lt3A : vector<16xi32>
          %sub3A_436 = arith.constant 1 : i32
          %sub3A_437 = arith.subi %reduce_max3A_371, %sub3A_436 : i32
          %min3A_438 = vector.broadcast %sub3A_437 : i32 to vector<16xi32>
          %min3A_439 = arith.minsi %add3A_429, %min3A_438 : vector<16xi32>
          %gather3A_440 = tpu.vector_load_idx %arg20[%min3A_439] : memref<16384xi32, #tpu.memory_space<vmem>>[vector<16xi32>], vector<16xi32>,
          %sub3A_441 = vector.broadcast %min3A_310 : i32 to vector<16xi32>
          %sub3A_442 = arith.subi %gather3A_440, %sub3A_441 : vector<16xi32>
          %gather3A_443 = tpu.vector_load_idx %arg24[%sub3A_442] : memref<16xi32, #tpu.memory_space<vmem>>[vector<16xi32>], vector<16xi32>,
          %sub3A_444 = vector.broadcast %min3A_310 : i32 to vector<16xi32>
          %sub3A_445 = arith.subi %gather3A_440, %sub3A_444 : vector<16xi32>
          %add3A_446 = arith.constant 1 : i32
          %add3A_447 = vector.broadcast %add3A_446 : i32 to vector<16xi32>
          %add3A_448 = arith.addi %sub3A_445, %add3A_447 : vector<16xi32>
          %gather3A_449 = tpu.vector_load_idx %arg24[%add3A_448] : memref<16xi32, #tpu.memory_space<vmem>>[vector<16xi32>], vector<16xi32>,
          %sub3A_450 = arith.subi %min3A_439, %gather3A_443 : vector<16xi32>
          %rem3A_451 = arith.constant 1024 : i32
          %rem3A_452 = vector.broadcast %rem3A_451 : i32 to vector<16xi32>
          %rem3A_453 = arith.remsi %sub3A_450, %rem3A_452 : vector<16xi32>
          %add3A_454 = arith.constant 1024 : i32
          %add3A_455 = vector.broadcast %add3A_454 : i32 to vector<16xi32>
          %add3A_456 = arith.addi %min3A_439, %add3A_455 : vector<16xi32>
          %ge3A = arith.cmpi sge, %add3A_456, %gather3A_449 : vector<16xi32>
          %sub3A_457 = vector.broadcast %min3A_310 : i32 to vector<16xi32>
          %sub3A_458 = arith.subi %gather3A_440, %sub3A_457 : vector<16xi32>
          %mul3A_459 = arith.constant 1024 : i32
          %mul3A_460 = vector.broadcast %mul3A_459 : i32 to vector<16xi32>
          %mul3A_461 = arith.muli %sub3A_458, %mul3A_460 : vector<16xi32>
          %add3A_462 = arith.addi %mul3A_461, %rem3A_453 : vector<16xi32>
          %sub3A_463 = vector.broadcast %multiple_of3A_401 : i32 to vector<16xi32>
          %sub3A_464 = arith.subi %min3A_439, %sub3A_463 : vector<16xi32>
          %and3A = arith.andi %lt3A_435, %ge3A : vector<16xi1>
          %gather3A_465 = tpu.vector_load_idx %arg28[%sub3A_464] : memref<520xf32, #tpu.memory_space<vmem>>[vector<16xi32>], vector<16xf32>,
          tpu.vector_store_idx %arg27[%add3A_462], %gather3A_465 masked %and3A : memref<8192xf32, #tpu.memory_space<vmem>>[vector<16xi32>], vector<16xf32>, vector<16xi1>
          %while3A_466 = arith.constant 0 : i32
          scf.yield %while3A_466 : i32
        }
        %while3A_421 = arith.constant 0 : i32
        scf.yield %while3A_421 : i32
      }
      %multiple_of3A_389 = tpu.assume_multiple %mul3A_312, 8 : i32
      "tpu.region"() ({
        %run_scoped3A = tpu.sem_alloc : memref<!tpu.dma_semaphore, #tpu.memory_space<semaphore_mem>>
        %dma_start3A_390 = tpu.memref_slice %arg17[%multiple_of3A_389] : memref<61440xf32, #tpu.memory_space<hbm>> -> memref<8192xf32, #tpu.memory_space<hbm>>
        %dma_start3A_391 = tpu.memref_slice %arg17[%multiple_of3A_389] : memref<61440xf32, #tpu.memory_space<hbm>> -> memref<8192xf32, #tpu.memory_space<hbm>>
        tpu.enqueue_dma source(%arg27 : memref<8192xf32, #tpu.memory_space<vmem>>) target(%dma_start3A_391 : memref<8192xf32, #tpu.memory_space<hbm>>) target_semaphore(%run_scoped3A : memref<!tpu.dma_semaphore, #tpu.memory_space<semaphore_mem>>)
        %dma_wait3A_392 = tpu.memref_slice %arg17[%multiple_of3A_389] : memref<61440xf32, #tpu.memory_space<hbm>> -> memref<8192xf32, #tpu.memory_space<hbm>>
        %dma_wait3A_393 = tpu.memref_slice %arg17[%multiple_of3A_389] : memref<61440xf32, #tpu.memory_space<hbm>> -> memref<8192xf32, #tpu.memory_space<hbm>>
        tpu.wait_dma2 semaphore(%run_scoped3A : memref<!tpu.dma_semaphore, #tpu.memory_space<semaphore_mem>>) src(%arg27 : memref<8192xf32, #tpu.memory_space<vmem>>) dst(%dma_wait3A_393 : memref<8192xf32, #tpu.memory_space<hbm>>)
        tpu.yield
      }) : () -> ()
    } else {
    }
    return
  }
}

module attributes {stable_mosaic.version = 14 : i64} {
  func.func @body(%arg0: i32, %arg1: memref<2048x256xf32, #tpu.memory_space<vmem>>, %arg2: memref<2048x256xf32, #tpu.memory_space<vmem>>) attributes {dimension_semantics = [#tpu.dimension_semantics<arbitrary>], iteration_bounds = array<i64: 30>, scalar_prefetch = 0 : i64, scratch_operands = 0 : i64, tpu.core_type = #tpu.core_type<tc>, window_params = [{transform_indices = @transform_0, window_bounds = array<i64: 2048, 256>}, {transform_indices = @transform_1, window_bounds = array<i64: 2048, 256>}]} {
    %get3A = arith.constant 0 : index
    %get3A_0 = arith.constant 0 : index
    %get3A_1 = vector.load %arg1[%get3A, %get3A_0] : memref<2048x256xf32, #tpu.memory_space<vmem>>, vector<2048x256xf32>
    %swap3A = arith.constant 0 : index
    %swap3A_2 = arith.constant 0 : index
    %swap3A_3 = vector.load %arg2[%swap3A, %swap3A_2] : memref<2048x256xf32, #tpu.memory_space<vmem>>, vector<2048x256xf32>
    tpu.vector_store %arg2[%swap3A, %swap3A_2], %get3A_1 {strides = array<i32>} : memref<2048x256xf32, #tpu.memory_space<vmem>>, vector<2048x256xf32>,
    return
  }
  func.func @transform_0(%arg0: i32) -> (i32, i32) {
    %c0_i32 = arith.constant 0 : i32
    %c0_i32_0 = arith.constant 0 : i32
    return %arg0, %c0_i32 : i32, i32
  }
  func.func @transform_1(%arg0: i32) -> (i32, i32) {
    %c0_i32 = arith.constant 0 : i32
    %c0_i32_0 = arith.constant 0 : i32
    return %arg0, %c0_i32 : i32, i32
  }
}

module attributes {stable_mosaic.version = 14 : i64} {
  func.func @body(%arg0: i32, %arg1: memref<1024x1024xf32, #tpu.memory_space<vmem>>, %arg2: memref<1024x1024xf32, #tpu.memory_space<vmem>>) attributes {dimension_semantics = [#tpu.dimension_semantics<arbitrary>], iteration_bounds = array<i64: 60>, scalar_prefetch = 0 : i64, scratch_operands = 0 : i64, tpu.core_type = #tpu.core_type<tc>, window_params = [{transform_indices = @transform_0, window_bounds = array<i64: 1024, 1024>}, {transform_indices = @transform_1, window_bounds = array<i64: 1024, 1024>}]} {
    %get3A = arith.constant 0 : index
    %get3A_0 = arith.constant 0 : index
    %get3A_1 = vector.load %arg1[%get3A, %get3A_0] : memref<1024x1024xf32, #tpu.memory_space<vmem>>, vector<1024x1024xf32>
    %swap3A = arith.constant 0 : index
    %swap3A_2 = arith.constant 0 : index
    %swap3A_3 = vector.load %arg2[%swap3A, %swap3A_2] : memref<1024x1024xf32, #tpu.memory_space<vmem>>, vector<1024x1024xf32>
    tpu.vector_store %arg2[%swap3A, %swap3A_2], %get3A_1 {strides = array<i32>} : memref<1024x1024xf32, #tpu.memory_space<vmem>>, vector<1024x1024xf32>,
    return
  }
  func.func @transform_0(%arg0: i32) -> (i32, i32) {
    %c0_i32 = arith.constant 0 : i32
    %c0_i32_0 = arith.constant 0 : i32
    return %arg0, %c0_i32 : i32, i32
  }
  func.func @transform_1(%arg0: i32) -> (i32, i32) {
    %c0_i32 = arith.constant 0 : i32
    %c0_i32_0 = arith.constant 0 : i32
    return %arg0, %c0_i32 : i32, i32
  }
}

</mosaic_0001>

<sc_bundles>
// kernel: kernel.6.cloned.1.call-start
scs
__scs_entry_jumppad:
0x0: {  	(pc) =	sbr.rel $0x88, $3  }
0x1: {  	(tag) =	ssettag $0x0;
	lr =	simm.s32 $0x1  }
0x2: {  	[smem:$0x3F93] =	sst lr;
	_ =	strace $0xD0000000  }
0x3: {  	_ = 	snop  }
0x4: {  	_ = 	snop  }
0x5: {  	_ = 	snop  }
0x6: {  	_ = 	snop  }
0x7: {  	_ = 	snop  }
__scs_overlays_trampoline_lowered:
0x8: {  	[smem:$0x3FA2] =	sst s0  }
0x9: {  	[smem:$0x3FA3] =	sst s1  }
0xa: {  	[smem:$0x3FA4] =	sst s2  }
0xb: {  	[smem:$0x3FA5] =	sst s3  }
0xc: {  	[smem:$0x3FA6] =	sst s4  }
0xd: {  	[smem:$0x3FA7] =	sst s5  }
0xe: {  	[smem:$0x3FA8] =	sst s6  }
0xf: {  	[smem:$0x3FA9] =	sst s7  }
0x10: {  	[smem:$0x3FAA] =	sst s8  }
0x11: {  	[smem:$0x3FAB] =	sst s9;
	s0 =	simm.s32 @!p0 $0x0  }
0x12: {  	s1 =	sld [smem:$0x3F91];
	s0 =	simm.s32 @p0 $0x1  }
0x13: {  	[smem:$0x3FAC] =	sst s0;
	s0 =	simm.s32 @!p1 $0x0  }
0x14: {  	s2 =	sld [smem:$0x3F90];
	s0 =	simm.s32 @p1 $0x1  }
0x15: {  	[smem:$0x3FAD] =	sst s0;
	s0 =	simm.s32 @!p2 $0x0  }
0x16: {  	s3 =	sld [smem:$0x3FDB];
	s0 =	simm.s32 @p2 $0x1  }
0x17: {  	s4 =	simm.s32 $0x1BF5;
	[smem:$0x3FAF] =	sst s0  }
0x18: {  	s0 =	sld [smem:$0x3F92];
	_ =	swait.ge [sflag:s4], $0x0  }
0x19: {  	s7 =	sld [smem:$0x3F93]  }
0x1a: {  	s8 =	sadd.s32 $0xFFFFE003, lr  }
0x1b: {  	s9 =	sadd.s32 $0xFFFFFEF7, lr;
	s5 =	simm.s32 $0xFFFFFFFF;
	p2 =	slt.u32 s8, $0xFFFFF086  }
0x1c: {  	p1 =	slt.u32 s9, $0xF7A;
	s5 =	simm.s32 @!p2 $0x0  }
0x1d: {  	s5 =	simm.s32 @p1 $0x1;
	p0 =	seq.s32 s7, s2  }
0x1e: {  	s7 =	smul.u32 @!p0 $0xF7A, s2;
	p2 =	seq.s32 @!p0 s5, $0x0  }
0x1f: {  	s9 =	smul.u32 $0xF7A, s1;
	s8 =	simm.s32 @!p0 $0x1BF5;
	p2 =	por !p2, p0  }
0x20: {  	[sflag:s8] =	ssyncset.s32 @!p0 $0xFFFFF086;
	s6 =	sadd.s32 @!p0 s3, s7;
	s7 =	simm.s32 @!p0 $0x108  }
0x21: {  	s3 =	sadd.s32 s3, s9;
	s6 =	sadd.s32 @!p0 $0x88, s6;
	s7 =	simm.s32 @p2 $0x1082  }
0x22: {  	[simem:s7], [sflag:s8] =	dma.local @!p0 [hbm:s6], $0xF7A  }
0x23: {  	s9 =	sor.u32 $0xD0000000, s2;
	s6 =	simm.s32 $0x108;
	_ =	swait.ge @!p0 [sflag:s8], $0x0  }
0x24: {  	s3 =	sadd.s32 $0x88, s3;
	s6 =	simm.s32 @!p1 $0x1082;
	[sflag:s4] =	ssyncset.s32 $0xFFFFF086  }
0x25: {  	[simem:s6], [sflag:s4] =	dma.local [hbm:s3], $0xF7A  }
0x26: {  	[smem:$0x3F93] =	sst s1;
	(tag) =	ssettag s2;
	_ =	strace s9  }
0x27: {  	s1 =	sld [smem:$0x3FA3]  }
0x28: {  	s2 =	sld [smem:$0x3FA4]  }
0x29: {  	s4 =	sld [smem:$0x3FA6]  }
0x2a: {  	p0 =	seq.s32 s5, $0x0;
	s5 =	sld [smem:$0x3FA7]  }
0x2b: {  	s6 =	sld [smem:$0x3FA8]  }
0x2c: {  	s7 =	sld [smem:$0x3FA9]  }
0x2d: {  	s3 =	simm.s32 $0x108;
	s8 =	sld [smem:$0x3FAA]  }
0x2e: {  	s3 =	simm.s32 @!p0 $0x1082;
	s9 =	sld [smem:$0x3FAB]  }
0x2f: {  	lr =	sadd.s32 s0, s3;
	s0 =	sld [smem:$0x3FA2]  }
0x30: {  	s3 =	sld [smem:$0x3FA5]  }
0x31: {  	[smem:$0x3FAE] =	sst s10  }
0x32: {  	s10 =	sld [smem:$0x3FAC];
	_ =	sdelay $0x3  }
0x33: {  	p0 =	seq.s32 s10, $0x1;
	s10 =	sld [smem:$0x3FAE];
	_ =	sdelay $0x3  }
0x34: {  	[smem:$0x3FAE] =	sst s10  }
0x35: {  	s10 =	sld [smem:$0x3FAD];
	_ =	sdelay $0x3  }
0x36: {  	p1 =	seq.s32 s10, $0x1;
	s10 =	sld [smem:$0x3FAE];
	_ =	sdelay $0x3  }
0x37: {  	[smem:$0x3FAE] =	sst s10  }
0x38: {  	s10 =	sld [smem:$0x3FAF]  }
0x39: {  	_ = 	snop;
	(pc) =	sbr.ind lr, $3  }
0x3a: {  	_ = 	snop  }
0x3b: {  	_ = 	snop  }
0x3c: {  	p2 =	seq.s32 s10, $0x1;
	s10 =	sld [smem:$0x3FAE]  }
0x3d: {  	_ =	shalt  }
0x3e: {  	_ =	shalt  }
0x3f: {  	_ =	shalt  }
0x40: {  	_ =	shalt  }
0x41: {  	_ =	shalt  }
0x42: {  	_ =	shalt  }
0x43: {  	_ =	shalt  }
0x44: {  	_ =	shalt  }
0x45: {  	_ =	shalt  }
0x46: {  	_ =	shalt  }
0x47: {  	_ =	shalt  }
0x48: {  	_ =	shalt  }
0x49: {  	_ =	shalt  }
0x4a: {  	_ =	shalt  }
0x4b: {  	_ =	shalt  }
0x4c: {  	_ =	shalt  }
0x4d: {  	_ =	shalt  }
0x4e: {  	_ =	shalt  }
0x4f: {  	_ =	shalt  }
0x50: {  	_ =	shalt  }
0x51: {  	_ =	shalt  }
0x52: {  	_ =	shalt  }
0x53: {  	_ =	shalt  }
0x54: {  	_ =	shalt  }
0x55: {  	_ =	shalt  }
0x56: {  	_ =	shalt  }
0x57: {  	_ =	shalt  }
0x58: {  	_ =	shalt  }
0x59: {  	_ =	shalt  }
0x5a: {  	_ =	shalt  }
0x5b: {  	_ =	shalt  }
0x5c: {  	_ =	shalt  }
0x5d: {  	_ =	shalt  }
0x5e: {  	_ =	shalt  }
0x5f: {  	_ =	shalt  }
0x60: {  	_ =	shalt  }
0x61: {  	_ =	shalt  }
0x62: {  	_ =	shalt  }
0x63: {  	_ =	shalt  }
0x64: {  	_ =	shalt  }
0x65: {  	_ =	shalt  }
0x66: {  	_ =	shalt  }
0x67: {  	_ =	shalt  }
0x68: {  	_ =	shalt  }
0x69: {  	_ =	shalt  }
0x6a: {  	_ =	shalt  }
0x6b: {  	_ =	shalt  }
0x6c: {  	_ =	shalt  }
0x6d: {  	_ =	shalt  }
0x6e: {  	_ =	shalt  }
0x6f: {  	_ =	shalt  }
0x70: {  	_ =	shalt  }
0x71: {  	_ =	shalt  }
0x72: {  	_ =	shalt  }
0x73: {  	_ =	shalt  }
0x74: {  	_ =	shalt  }
0x75: {  	_ =	shalt  }
0x76: {  	_ =	shalt  }
0x77: {  	_ =	shalt  }
0x78: {  	_ =	shalt  }
0x79: {  	_ =	shalt  }
0x7a: {  	_ =	shalt  }
0x7b: {  	_ =	shalt  }
0x7c: {  	_ =	shalt  }
0x7d: {  	_ =	shalt  }
0x7e: {  	_ =	shalt  }
0x7f: {  	_ =	shalt  }
0x80: {  	_ =	shalt  }
0x81: {  	_ =	shalt  }
0x82: {  	_ =	shalt  }
0x83: {  	_ =	shalt  }
0x84: {  	_ =	shalt  }
0x85: {  	_ =	shalt  }
0x86: {  	_ =	shalt  }
0x87: {  	_ =	shalt  }
.Lfunc_end0:
.L_simem_size_0:
called_computation_lowered:
.L_overlay_start_0:
0x88: {  	s2 =	sld [smem:$0x3FD9]  }
0x89: {  	s3 =	sld [smem:$0x3FFE];
	_ =	sdelay $0x1  }
0x8a: {  	s1 =	srdreg.scid  }
0x8b: {  	s0 =	sand.u32 $0x1, s1  }
0x8c: {  	s29 =	sshll.u32 s0, $0xA;
	s2 =	sadd.s32 s3, s2  }
0x8d: {  	s2 =	sadd.s32 s2, s29  }
0x8e: {  	[smem:$0x3FBA] =	sst s2  }
0x8f: {  	_ = 	snop  }
0x90: {  	s30 =	sld [smem:$0x3FC9]  }
0x91: {  	s2 =	sld [smem:$0x3FC7]  }
0x92: {  	s5 =	sld [smem:$0x3FD0]  }
0x93: {  	s6 =	sld [smem:$0x3FC6]  }
0x94: {  	s4 =	sld [smem:$0x3FC3]  }
0x95: {  	s8 =	simm.s32 $0xB;
	s9 =	simm.s32 $0x10;
	s7 =	sld [smem:$0x3FC2]  }
0x96: {  	[smem:s9], [sflag:s8] =	dma.local [hbm:s5], $0x1  }
0x97: {  	_ =	swait.eq [sflag:s8], $0x1  }
0x98: {  	s31 =	sld [smem:$0x10]  }
0x99: {  	s17 =	sld [smem:$0x11]  }
0x9a: {  	s10 =	sld [smem:$0x12];
	[sflag:s8] =	ssyncset.done $0x0  }
0x9b: {  	s11 =	sld [smem:$0x14];
	[sflag:s8] =	ssyncadd.s32 $0xFFFFFFFF  }
0x9c: {  	s18 =	sld [smem:$0x15];
	(tm) =	ssettm $0x1  }
0x9d: {  	s12 =	sld [smem:$0x3FFB];
	_ =	sdelay $0x3  }
0x9e: {  	_ =	strace s12  }
0x9f: {  	s12 =	sld [smem:$0x3FFC];
	_ =	sdelay $0x3  }
0xa0: {  	_ =	strace s12  }
0xa1: {  	s12 =	sld [smem:$0x3FFD];
	_ =	sdelay $0x3  }
0xa2: {  	_ =	strace s12  }
0xa3: {  	_ =	strace $0x8FFFFFFF  }
0xa4: {  	s19 =	sld [smem:$0x3FDB];
	_ =	sdelay $0x1  }
0xa5: {  	s13 =	simm.s32 $_scs_section_size  }
0xa6: {  	s14 =	simm.s32 $_size__tile_overlayer_lowered;
	s15 =	simm.s32 $_tile_overlayer_lowered  }
0xa7: {  	s22 =	simm.s32 $0x1BFF;
	s21 =	sshll.u32 s15, $0x1;
	s12 =	sadd.s32 s13, s19  }
0xa8: {  	s16 =	simm.s32 $0x0;
	s20 =	sshll.u32 s14, $0x1;
	s14 =	sadd.s32 s21, s12  }
0xa9: {  	[timem:s16], [sflag:s22] =	dma.local [hbm:s14], s20  }
0xaa: {  	_ =	swait.ge [sflag:s22], s20  }
0xab: {  	s13 =	ssub.s32 $0x0, s20;
	[sflag:s22] =	ssyncset.done $0x0  }
0xac: {  	[sflag:s22] =	ssyncadd.s32 s13;
	_ =	sdelay $0x1  }
0xad: {  	s23 =	simm.s32 $0x1B8B  }
0xae: {  	_ =	swait.ge [sflag:s23], $0x1  }
0xaf: {  	[sflag:s23] =	ssyncset.done $0x0  }
0xb0: {  	s25 =	simm.s32 $0x1B8E;
	s24 =	sld [smem:$0x3FFE];
	[sflag:s23] =	ssyncadd.s32 $0xFFFFFFFF  }
0xb1: {  	s26 =	simm.s32 $execute0_lowered;
	[smem:$0x3FD2] =	sst s25  }
0xb2: {  	s14 =	sshll.u32 s26, $0x1;
	_ =	strace $0x80000046;
	[dreg:$0x1] =	wrdreg $0xFFFFFFFF  }
0xb3: {  	s28 =	simm.s32 $_size_execute0_lowered;
	s12 =	sadd.s32 s12, s14;
	[dreg:$0x0] =	wrdreg $0x0  }
0xb4: {  	s14 =	sshll.u32 s28, $0x1;
	[dreg:$0x2] =	wrdreg s12  }
0xb5: {  	[dreg:$0x3] =	wrdreg s14  }
0xb6: {  	[dreg:$0x4] =	wrdreg $0xC0  }
0xb7: {  	_ =	task [dreg:s16], $0x5FFFF  }
0xb8: {  	[dreg:$0x1] =	wrdreg $0xFFFFFFFF  }
0xb9: {  	[dreg:$0x0] =	wrdreg $0x60  }
0xba: {  	[dreg:$0x2] =	wrdreg s6  }
0xbb: {  	[dreg:$0x3] =	wrdreg s7  }
0xbc: {  	[dreg:$0x4] =	wrdreg s30  }
0xbd: {  	[dreg:$0x5] =	wrdreg s18  }
0xbe: {  	[dreg:$0x6] =	wrdreg s2  }
0xbf: {  	[dreg:$0x7] =	wrdreg s10  }
0xc0: {  	[dreg:$0x8] =	wrdreg s4  }
0xc1: {  	[dreg:$0x9] =	wrdreg s11  }
0xc2: {  	[dreg:$0xa] =	wrdreg s24  }
0xc3: {  	[dreg:$0xb] =	wrdreg s17  }
0xc4: {  	[dreg:$0xc] =	wrdreg s31  }
0xc5: {  	[dreg:$0xd] =	wrdreg $0x9  }
0xc6: {  	_ =	task.clear_ibuf [dreg:s16], $0xEFFFF;
	_ =	strace $0x90000046  }
0xc7: {  	s29 =	simm.s32 $0x9;
	_ =	strace $0x80000048  }
0xc8: {  	_ =	swait.ge [sflag:s29], $0x1  }
0xc9: {  	[sflag:s29] =	ssyncadd.s32 $0xFFFFFFFF  }
0xca: {  	_ =	strace $0x90000048  }
0xcb: {  	_ =	sfence  }
0xcc: {  	s30 =	sld [smem:$0x0];
	_ =	sdelay $0x2  }
0xcd: {  	s31 =	sshll.u32 s1, $0xD;
	s1 =	sshrl.u32 s1, $0x2  }
0xce: {  	s3 =	sand.u32 $0x4000, s31;
	s1 =	sadd.s32 s1, s30  }
0xcf: {  	s0 =	sor.u32 s3, s0;
	s1 =	sshll.u32 s1, $0x11  }
0xd0: {  	s0 =	sor.u32 s1, s0  }
0xd1: {  	s0 =	sadd.s32 $0x8F2B, s0  }
0xd2: {  	[sflag:s0] =	ssyncadd.remote.s32 $0x1  }
0xd3: {  	_ =	sfence.sel $0xFFFF  }
0xd4: {  	[dreg:$0x0] =	wrdreg $0xFFFFFFFF;
	(pc) =	sbr.abs _section_cstart, $3  }
0xd5: {  	[dreg:$0x1] =	wrdreg $0xFFFFFFFF  }
0xd6: {  	_ =	task.clear_ibuf [dreg:s16], $0x2FFFF;
	_ =	strace $0x9FFFFFFF  }
0xd7: {  	(tm) =	ssettm $0x7FFFFFFF  }
tec
execute0_lowered:
.L_overlay_start_1:
0x0: {  	(tag) =	ssettag $0x1  }
0x1: {  	s2 =	rddreg [dreg:$0x2]  }
0x2: {  	s3 =	rddreg [dreg:$0x3]  }
0x3: {  	s4 =	rddreg [dreg:$0x4]  }
0x4: {  	s5 =	rddreg [dreg:$0x5]  }
0x5: {  	s7 =	rddreg [dreg:$0x6]  }
0x6: {  	s0 =	rddreg [dreg:$0x7]  }
0x7: {  	s1 =	rddreg [dreg:$0x8];
	s6 =	srdreg.scid  }
0x8: {  	s16 =	stileid.u32;
	s8 =	rddreg [dreg:$0x9]  }
0x9: {  	s9 =	rddreg [dreg:$0xa];
	s21 =	simm.s32 $0x5;
	s22 =	simm.s32 $0x4000  }
0xa: {  	s23 =	simm.s32 $0x10200;
	s17 =	simm.s32 $0x18B80;
	s18 =	simm.s32 $0x1AB80  }
0xb: {  	s6 =	sand.u32 $0x1, s6;
	s10 =	sshll.u32 s16, $0x1;
	s25 =	sshrl.u32 s16, $0x2  }
0xc: {  	p3 =	slt.u32 s16, $0xC;
	s11 =	sor.u32 s6, s10;
	s10 =	simm.s32 $0x0  }
0xd: {  	s6 =	ssub.s32 $0x2, s6;
	s20 =	sxor.u32 $0xF, s25;
	p0 =	sgt.s32 s25, $0x1  }
0xe: {  	v1 =	vlaneseq.u32;
	p1 =	seq.s32 s25, $0x0;
	p2 =	seq.s32 s25, $0x2;
	s12 =	sshll.u32 s11, $0x3  }
0xf: {  	v3 =	vor.u32 $0x10, v1;
	v4 =	vor.u32 $0x20, v1;
	[smem:$0x7FF] =	sst s10;
	s11 =	sshll.u32 s11, $0x9;
	s12 =	sand.u32 $0x38, s12  }
0x10: {  	v7 =	vor.u32 $0x30, v1;
	s24 =	sshrl.u32 s6, $0x1;
	_ =	strace $0x80000047;
	v0 =	vmov s11;
	v2 =	vor.u32 s11, v1;
	s12 =	smin.u32 s12, $0x34  }
0x11: {  	s6 =	ssub.s32 s6, s24;
	v5 =	vor.u32 s11, v3;
	v6 =	vor.u32 s11, v4;
	v8 =	vor.u32 s11, v7;
	s11 =	simm.s32 $0x4;
	s13 =	sshll.u32 s12, $0x9  }
0x12: {  	s19 =	smax.u32 s6, $0x1;
	s14 =	sshll.u32 s12, $0x7;
	s8 =	sadd.s32 s8, s13  }
0x13: {  	s15 =	sadd.s32 s13, s1;
	s0 =	sadd.s32 s0, s13;
	[dreg:$0xc] =	wrdreg s8  }
0x14: {  	s1 =	sadd.s32 s14, s1;
	s26 =	sadd.s32 $0xEA00, s15;
	[dreg:$0x12] =	wrdreg s0  }
0x15: {  	s6 =	simm.s32 $0x3;
	s28 =	sadd.s32 $0x1800, s1;
	[dreg:$0xd] =	wrdreg s26  }
.Ltmp0:
0x16: {  	s29 =	sadd.s32 $0xCC00, s1;
	[dreg:$0xe] =	wrdreg s28;
	(pc) =	sbr.rel .LBB2_1-.Ltmp0, $4  }
0x17: {  	v9 =	vmov s12;
	v10 =	vadd.s32 s12, v1;
	s12 =	simm.s32 $0x10300;
	s30 =	sadd.s32 $0x3600, s1;
	[dreg:$0xf] =	wrdreg s29  }
0x18: {  	s13 =	simm.s32 $0x18300;
	s1 =	sadd.s32 $0x16200, s1;
	[dreg:$0x10] =	wrdreg s30  }
0x19: {  	vm0 =	vmmov $0xffff;
	vm1 =	vcmask $0x1F24;
	v12 =	vshrl.u32 v1, $0x3;
	s14 =	simm.s32 $0x10280;
	s31 =	sadd.s32 $0x5400, s15;
	[dreg:$0x11] =	wrdreg s1  }
0x1a: {  	v11 =	vand.u32 $0x7, v1;
	v13 =	vor.u32 $0x8, v1;
	v12 =	vmul.u32 $0x8, v12;
	s8 =	simm.s32 $0xB800;
	s15 =	simm.s32 $0x0;
	[dreg:$0x13] =	wrdreg s31  }
.LBB2_61:
0x1b: {  	s0 =	rddreg [dreg:$0x11]  }
0x1c: {  	[hbm4b:s0+s10] =	stream.linear.scatter [tilespmem:s17], [sflag:$0x5], $0x2000, $0x38;
	[tilespmem:$0x1AE00] =	vst v63  }
0x1d: {  	_ =	swait.ge [sflag:s21], $0x2000  }
0x1e: {  	[sflag:s21] =	ssyncset.done $0x0  }
0x1f: {  	[sflag:s21] =	ssyncadd.s32 $0xFFFFE000  }
.LBB2_62:
0x20: {  	s15 =	sadd.s32 $0x1, s15  }
0x21: {  	p4 =	sne.s32 s15, s19  }
.Ltmp1:
0x22: {  	_ = 	snop;
	(pc) =	sbr.rel @!p4 .LBB2_63-.Ltmp1, $1  }
0x23: {  	_ =	sdelay $0x3  }
.LBB2_1:
0x24: {  	s0 =	rddreg [dreg:$0x0]  }
0x25: {  	[tilespmem:s10], [sflag:$0x5] =	stream.linear.gather [hbm4b:s0+s10], $0x4000, $0x38;
	[tilespmem:$0x1AE00] =	vst v63  }
0x26: {  	_ =	swait.ge [sflag:s21], $0x4000  }
0x27: {  	[sflag:s21] =	ssyncset.done $0x0  }
0x28: {  	[sflag:s21] =	ssyncadd.s32 $0xFFFFC000  }
0x29: {  	s31 =	rddreg [dreg:$0x1]  }
0x2a: {  	[tilespmem:s22], [sflag:$0x5] =	stream.linear.gather [hbm4b:s31+s10], $0x4000, $0x38;
	[tilespmem:$0x1AE00] =	vst v63  }
0x2b: {  	_ =	swait.ge [sflag:s21], $0x4000  }
0x2c: {  	v14 =	vimm.s32 $0x0;
	v15 =	vimm.s32 $0x4000;
	[sflag:s21] =	ssyncset.done $0x0  }
0x2d: {  	v16 =	vadd.s32 v14, v15;
	s0 =	simm.s32 $0xE;
	[sflag:s21] =	ssyncadd.s32 $0xFFFFC000  }
.LBB2_2:
0x2e: {  	p4 =	sne.s32 s0, $0x1;
	v17 =	vshrl.u32 v16, $0x1F  }
0x2f: {  	v16 =	vadd.s32 v17, v16  }
0x30: {  	v16 =	vshra.s32 v16, $0x1  }
0x31: {  	vm2 =	vlt.s32 v16, $0x3FFF;
	v17 =	vadd.s32 $0x1, v16  }
0x32: {  	v18 =	vnsel vm2, $0x3FFF, v16;
	_ =	sdelay $0x4  }
0x33: {  	v18 =	vld.idx.msk [tilespmem:v18+s10+$0x0], $0xffff;
	_ =	sdelay $0x4  }
.Ltmp2:
0x34: {  	(pc) =	sbr.rel @p4 .LBB2_2-.Ltmp2, $4  }
0x35: {  	vm2 =	vlt.s32 v14, v15;
	vm3 =	vge.s32 v18, v1;
	vm4 =	vlt.s32 v18, v1  }
0x36: {  	vm4 =	vmand vm2, vm4;
	vm2 =	vmand vm2, vm3  }
0x37: {  	v14 =	vsel vm4, v17, v14;
	v15 =	vsel vm2, v16, v15  }
0x38: {  	s0 =	sadd.s32 $0xFFFFFFFF, s0;
	v16 =	vadd.s32 v14, v15  }
0x39: {  	v17 =	vshrl.u32 v16, $0x1F  }
0x3a: {  	v16 =	vadd.s32 v17, v16  }
0x3b: {  	v16 =	vshra.s32 v16, $0x1  }
0x3c: {  	vm2 =	vlt.s32 v16, $0x3FFF  }
0x3d: {  	v17 =	vnsel vm2, $0x3FFF, v16;
	_ =	sdelay $0x4  }
0x3e: {  	v17 =	vld.idx.msk [tilespmem:v17+s10+$0x0], $0xffff;
	_ =	sdelay $0x4  }
0x3f: {  	vm2 =	vlt.s32 v14, v15;
	vm3 =	vlt.s32 v17, v1  }
0x40: {  	v15 =	vadd.s32 $0x1, v16;
	vm2 =	vmand vm2, vm3  }
0x41: {  	v16 =	vsel vm2, v15, v14;
	v14 =	vimm.s32 $0x0;
	v15 =	vimm.s32 $0x4000  }
0x42: {  	s0 =	simm.s32 $0xE;
	[tilespmem:$0x10200] =	vst v16;
	v16 =	vadd.s32 v14, v15  }
.LBB2_4:
0x43: {  	p4 =	sne.s32 s0, $0x1;
	v17 =	vshrl.u32 v16, $0x1F  }
0x44: {  	v16 =	vadd.s32 v17, v16  }
0x45: {  	v16 =	vshra.s32 v16, $0x1  }
0x46: {  	vm2 =	vlt.s32 v16, $0x3FFF;
	v17 =	vadd.s32 $0x1, v16  }
0x47: {  	v18 =	vnsel vm2, $0x3FFF, v16;
	_ =	sdelay $0x4  }
0x48: {  	v18 =	vld.idx.msk [tilespmem:v18+s10+$0x0], $0xffff;
	_ =	sdelay $0x4  }
.Ltmp3:
0x49: {  	(pc) =	sbr.rel @p4 .LBB2_4-.Ltmp3, $4  }
0x4a: {  	vm2 =	vlt.s32 v14, v15;
	vm3 =	vge.s32 v18, v3;
	vm4 =	vlt.s32 v18, v3  }
0x4b: {  	vm4 =	vmand vm2, vm4;
	vm2 =	vmand vm2, vm3  }
0x4c: {  	v14 =	vsel vm4, v17, v14;
	v15 =	vsel vm2, v16, v15  }
0x4d: {  	s0 =	sadd.s32 $0xFFFFFFFF, s0;
	v16 =	vadd.s32 v14, v15  }
0x4e: {  	v17 =	vshrl.u32 v16, $0x1F  }
0x4f: {  	v16 =	vadd.s32 v17, v16  }
0x50: {  	v16 =	vshra.s32 v16, $0x1  }
0x51: {  	vm2 =	vlt.s32 v16, $0x3FFF  }
0x52: {  	v17 =	vnsel vm2, $0x3FFF, v16;
	_ =	sdelay $0x4  }
0x53: {  	v17 =	vld.idx.msk [tilespmem:v17+s10+$0x0], $0xffff;
	_ =	sdelay $0x4  }
0x54: {  	vm2 =	vlt.s32 v14, v15;
	vm3 =	vlt.s32 v17, v3  }
0x55: {  	v15 =	vadd.s32 $0x1, v16;
	vm2 =	vmand vm2, vm3  }
0x56: {  	v16 =	vsel vm2, v15, v14;
	v14 =	vimm.s32 $0x0;
	v15 =	vimm.s32 $0x4000  }
0x57: {  	s0 =	simm.s32 $0xE;
	[tilespmem:$0x10210] =	vst v16;
	v16 =	vadd.s32 v14, v15  }
.LBB2_6:
0x58: {  	p4 =	sne.s32 s0, $0x1;
	v17 =	vshrl.u32 v16, $0x1F  }
0x59: {  	v16 =	vadd.s32 v17, v16  }
0x5a: {  	v16 =	vshra.s32 v16, $0x1  }
0x5b: {  	vm2 =	vlt.s32 v16, $0x3FFF;
	v17 =	vadd.s32 $0x1, v16  }
0x5c: {  	v18 =	vnsel vm2, $0x3FFF, v16;
	_ =	sdelay $0x4  }
0x5d: {  	v18 =	vld.idx.msk [tilespmem:v18+s10+$0x0], $0xffff;
	_ =	sdelay $0x4  }
.Ltmp4:
0x5e: {  	(pc) =	sbr.rel @p4 .LBB2_6-.Ltmp4, $4  }
0x5f: {  	vm2 =	vlt.s32 v14, v15;
	vm3 =	vge.s32 v18, v4;
	vm4 =	vlt.s32 v18, v4  }
0x60: {  	vm4 =	vmand vm2, vm4;
	vm2 =	vmand vm2, vm3  }
0x61: {  	v14 =	vsel vm4, v17, v14;
	v15 =	vsel vm2, v16, v15  }
0x62: {  	s0 =	sadd.s32 $0xFFFFFFFF, s0;
	v16 =	vadd.s32 v14, v15  }
0x63: {  	v17 =	vshrl.u32 v16, $0x1F  }
0x64: {  	v16 =	vadd.s32 v17, v16  }
0x65: {  	v16 =	vshra.s32 v16, $0x1  }
0x66: {  	vm2 =	vlt.s32 v16, $0x3FFF  }
0x67: {  	v17 =	vnsel vm2, $0x3FFF, v16;
	_ =	sdelay $0x4  }
0x68: {  	v17 =	vld.idx.msk [tilespmem:v17+s10+$0x0], $0xffff;
	_ =	sdelay $0x4  }
0x69: {  	vm2 =	vlt.s32 v14, v15;
	vm3 =	vlt.s32 v17, v4  }
0x6a: {  	v15 =	vadd.s32 $0x1, v16;
	vm2 =	vmand vm2, vm3  }
0x6b: {  	v16 =	vsel vm2, v15, v14;
	v14 =	vimm.s32 $0x0;
	v15 =	vimm.s32 $0x4000  }
0x6c: {  	s0 =	simm.s32 $0xE;
	[tilespmem:$0x10220] =	vst v16;
	v16 =	vadd.s32 v14, v15  }
.LBB2_8:
0x6d: {  	p4 =	sne.s32 s0, $0x1;
	v17 =	vshrl.u32 v16, $0x1F  }
0x6e: {  	v16 =	vadd.s32 v17, v16  }
0x6f: {  	v16 =	vshra.s32 v16, $0x1  }
0x70: {  	vm2 =	vlt.s32 v16, $0x3FFF;
	v17 =	vadd.s32 $0x1, v16  }
0x71: {  	v18 =	vnsel vm2, $0x3FFF, v16;
	_ =	sdelay $0x4  }
0x72: {  	v18 =	vld.idx.msk [tilespmem:v18+s10+$0x0], $0xffff;
	_ =	sdelay $0x4  }
.Ltmp5:
0x73: {  	(pc) =	sbr.rel @p4 .LBB2_8-.Ltmp5, $4  }
0x74: {  	vm2 =	vlt.s32 v14, v15;
	vm3 =	vge.s32 v18, v7;
	vm4 =	vlt.s32 v18, v7  }
0x75: {  	vm4 =	vmand vm2, vm4;
	vm2 =	vmand vm2, vm3  }
0x76: {  	v14 =	vsel vm4, v17, v14;
	v15 =	vsel vm2, v16, v15  }
0x77: {  	s0 =	sadd.s32 $0xFFFFFFFF, s0;
	v16 =	vadd.s32 v14, v15  }
0x78: {  	v17 =	vshrl.u32 v16, $0x1F  }
0x79: {  	v16 =	vadd.s32 v17, v16  }
0x7a: {  	v16 =	vshra.s32 v16, $0x1  }
0x7b: {  	vm2 =	vlt.s32 v16, $0x3FFF  }
0x7c: {  	v44 =	vnsel vm2, $0x3FFF, v16;
	_ =	sdelay $0x4  }
0x7d: {  	v17 =	vld.idx.msk [tilespmem:v44+s10+$0x0], $0xffff;
	_ =	sdelay $0x4  }
0x7e: {  	vm2 =	vlt.s32 v14, v15;
	vm3 =	vlt.s32 v17, v7  }
0x7f: {  	v15 =	vadd.s32 $0x1, v16;
	vm2 =	vmand vm2, vm3  }
0x80: {  	v14 =	vsel vm2, v15, v14  }
0x81: {  	s16 =	simm.s32 $0x0;
	[tilespmem:$0x10230] =	vst v14  }
0x82: {  	v14 =	vld.idx.msk [tilespmem:v2+s16+$0x0], $0xffff;
	_ =	sdelay $0x7  }
0x83: {  	v15 =	vld.idx.msk [tilespmem:v14+s23+$0x0], $0xffff  }
0x84: {  	v45 =	vadd.s32 $0x1, v14;
	_ =	sdelay $0x3  }
0x85: {  	v46 =	vsub.s32 v2, v15  }
0x86: {  	v16 =	vld.idx.msk [tilespmem:v45+s23+$0x0], $0xffff;
	v18 =	vshra.s32 v46, $0x1F  }
0x87: {  	v18 =	vshrl.u32 v18, $0x16  }
0x88: {  	v18 =	vadd.s32 v18, v46  }
0x89: {  	v18 =	vshrl.u32 v18, $0xA  }
0x8a: {  	v19 =	vxor.u32 $0xFFFFFFFF, v15;
	v18 =	vshll.u32 v18, $0xA  }
0x8b: {  	v16 =	vadd.s32 v19, v16;
	v17 =	vsub.s32 v46, v18  }
0x8c: {  	v16 =	vsub.s32 v16, v17  }
0x8d: {  	v47 =	vshra.s32 v16, $0x1F  }
0x8e: {  	v18 =	vshrl.u32 v47, $0x16  }
0x8f: {  	v16 =	vadd.s32 v18, v16  }
0x90: {  	v14 =	vshll.u32 v14, $0xA;
	v16 =	vshrl.u32 v16, $0xA  }
0x91: {  	v15 =	vadd.s32 v15, v17;
	v14 =	vadd.s32 v14, v17;
	v16 =	vshll.u32 v16, $0xA  }
0x92: {  	[tilespmem:$0x10080] =	vst v14;
	v16 =	vadd.s32 v15, v16  }
0x93: {  	[tilespmem:$0x10000] =	vst v16  }
0x94: {  	v14 =	vld.idx.msk [tilespmem:v5+s16+$0x0], $0xffff;
	_ =	sdelay $0x7  }
0x95: {  	v49 =	vadd.s32 $0x1, v14;
	v48 =	vld.idx.msk [tilespmem:v14+s23+$0x0], $0xffff;
	_ =	sdelay $0x4  }
0x96: {  	v18 =	vld.idx.msk [tilespmem:v49+s23+$0x0], $0xffff;
	v50 =	vsub.s32 v5, v48  }
0x97: {  	v20 =	vshra.s32 v50, $0x1F  }
0x98: {  	v20 =	vshrl.u32 v20, $0x16  }
0x99: {  	v20 =	vadd.s32 v20, v50  }
0x9a: {  	v21 =	vxor.u32 $0xFFFFFFFF, v48;
	v20 =	vand.u32 $0xFFFFFC00, v20  }
0x9b: {  	v18 =	vadd.s32 v21, v18;
	v19 =	vsub.s32 v50, v20  }
0x9c: {  	v18 =	vsub.s32 v18, v19  }
0x9d: {  	v51 =	vshra.s32 v18, $0x1F  }
0x9e: {  	v20 =	vshrl.u32 v51, $0x16  }
0x9f: {  	v14 =	vshll.u32 v14, $0xA;
	v18 =	vadd.s32 v20, v18  }
0xa0: {  	v17 =	vadd.s32 v48, v19;
	v14 =	vadd.s32 v14, v19;
	v18 =	vand.u32 $0xFFFFFC00, v18  }
0xa1: {  	[tilespmem:$0x10090] =	vst v14;
	v17 =	vadd.s32 v18, v17  }
0xa2: {  	[tilespmem:$0x10010] =	vst v17  }
0xa3: {  	v14 =	vld.idx.msk [tilespmem:v6+s16+$0x0], $0xffff;
	_ =	sdelay $0x7  }
0xa4: {  	v52 =	vadd.s32 $0x1, v14;
	v17 =	vld.idx.msk [tilespmem:v14+s23+$0x0], $0xffff;
	_ =	sdelay $0x4  }
0xa5: {  	v18 =	vld.idx.msk [tilespmem:v52+s23+$0x0], $0xffff;
	v53 =	vsub.s32 v6, v17  }
0xa6: {  	v54 =	vshra.s32 v53, $0x1F  }
0xa7: {  	v20 =	vshrl.u32 v54, $0x16  }
0xa8: {  	v20 =	vadd.s32 v20, v53  }
0xa9: {  	v55 =	vxor.u32 $0xFFFFFFFF, v17;
	v20 =	vand.u32 $0xFFFFFC00, v20  }
0xaa: {  	v18 =	vadd.s32 v55, v18;
	v19 =	vsub.s32 v53, v20  }
0xab: {  	v18 =	vsub.s32 v18, v19  }
0xac: {  	v56 =	vshra.s32 v18, $0x1F  }
0xad: {  	v20 =	vshrl.u32 v56, $0x16  }
0xae: {  	v14 =	vshll.u32 v14, $0xA;
	v18 =	vadd.s32 v20, v18  }
0xaf: {  	v17 =	vadd.s32 v17, v19;
	v14 =	vadd.s32 v14, v19;
	v18 =	vand.u32 $0xFFFFFC00, v18  }
0xb0: {  	[tilespmem:$0x100A0] =	vst v14;
	v17 =	vadd.s32 v18, v17  }
0xb1: {  	[tilespmem:$0x10020] =	vst v17  }
0xb2: {  	v14 =	vld.idx.msk [tilespmem:v8+s16+$0x0], $0xffff;
	_ =	sdelay $0x7  }
0xb3: {  	v57 =	vadd.s32 $0x1, v14;
	v17 =	vld.idx.msk [tilespmem:v14+s23+$0x0], $0xffff;
	_ =	sdelay $0x4  }
0xb4: {  	v18 =	vld.idx.msk [tilespmem:v57+s23+$0x0], $0xffff;
	v58 =	vsub.s32 v8, v17  }
0xb5: {  	v59 =	vshra.s32 v58, $0x1F  }
0xb6: {  	v20 =	vshrl.u32 v59, $0x16  }
0xb7: {  	v15 =	vand.u32 $0x7, v15;
	v16 =	vshll.u32 v16, $0x1;
	v20 =	vadd.s32 v20, v58  }
0xb8: {  	v16 =	vand.u32 $0xFFFFFFF0, v16;
	v60 =	vxor.u32 $0xFFFFFFFF, v17;
	v20 =	vand.u32 $0xFFFFFC00, v20  }
0xb9: {  	v15 =	vor.u32 v15, v16;
	v18 =	vadd.s32 v60, v18;
	v19 =	vsub.s32 v58, v20  }
0xba: {  	v62 =	vperm.xlane v15, v11;
	v18 =	vsub.s32 v18, v19  }
0xbb: {  	v15 =	vperm.xlane v15, v13;
	v61 =	vshra.s32 v18, $0x1F  }
0xbc: {  	v63 =	vadd.s32 v12, v62;
	v16 =	vshrl.u32 v61, $0x16  }
0xbd: {  	v15 =	vadd.s32 v12, v15;
	v14 =	vshll.u32 v14, $0xA;
	v16 =	vadd.s32 v16, v18  }
0xbe: {  	v17 =	vadd.s32 v17, v19;
	v14 =	vadd.s32 v14, v19;
	v16 =	vand.u32 $0xFFFFFC00, v16  }
0xbf: {  	[tilespmem:$0x100B0] =	vst v14;
	v16 =	vadd.s32 v16, v17  }
0xc0: {  	s0 =	simm.s32 $0x8000;
	[tilespmem:$0x10030] =	vst v16  }
0xc1: {  	[tilespmem:s0], [sflag:$0x1] =	stream.indirect_vreg.gather [hbm4b:s2+s16], $0x80, v63, vm0, $0xb8;
	[tilespmem:$0x1AE00] =	vst v63  }
0xc2: {  	s25 =	simm.s32 $0x8800  }
0xc3: {  	[tilespmem:s25], [sflag:$0x1] =	stream.indirect_vreg.gather [hbm4b:s2+s16], $0x80, v15, vm0, $0xb8;
	[tilespmem:$0x1AE00] =	vst v63  }
0xc4: {  	v14 =	vld [tilespmem:$0x10010];
	_ =	sdelay $0x4  }
0xc5: {  	v15 =	vshll.u32 v14, $0x1  }
0xc6: {  	v14 =	vand.u32 $0x7, v14;
	v15 =	vand.u32 $0xFFFFFFF0, v15  }
0xc7: {  	v14 =	vor.u32 v14, v15  }
0xc8: {  	v15 =	vperm.xlane v14, v11;
	_ =	sdelay $0x1  }
0xc9: {  	v14 =	vperm.xlane v14, v13;
	v15 =	vadd.s32 v12, v15;
	_ =	sdelay $0x1  }
0xca: {  	v14 =	vadd.s32 v12, v14;
	_ =	sdelay $0x1  }
0xcb: {  	s26 =	simm.s32 $0x9000  }
0xcc: {  	[tilespmem:s26], [sflag:$0x1] =	stream.indirect_vreg.gather [hbm4b:s2+s16], $0x80, v15, vm0, $0xb8;
	[tilespmem:$0x1AE00] =	vst v63  }
0xcd: {  	s28 =	simm.s32 $0x9800  }
0xce: {  	[tilespmem:s28], [sflag:$0x1] =	stream.indirect_vreg.gather [hbm4b:s2+s16], $0x80, v14, vm0, $0xb8;
	[tilespmem:$0x1AE00] =	vst v63  }
0xcf: {  	v14 =	vld [tilespmem:$0x10020];
	_ =	sdelay $0x4  }
0xd0: {  	v15 =	vshll.u32 v14, $0x1  }
0xd1: {  	v14 =	vand.u32 $0x7, v14;
	v15 =	vand.u32 $0xFFFFFFF0, v15  }
0xd2: {  	v14 =	vor.u32 v14, v15  }
0xd3: {  	v15 =	vperm.xlane v14, v11;
	_ =	sdelay $0x1  }
0xd4: {  	v14 =	vperm.xlane v14, v13;
	v15 =	vadd.s32 v12, v15;
	_ =	sdelay $0x1  }
0xd5: {  	v14 =	vadd.s32 v12, v14;
	_ =	sdelay $0x1  }
0xd6: {  	s29 =	simm.s32 $0xA000  }
0xd7: {  	[tilespmem:s29], [sflag:$0x1] =	stream.indirect_vreg.gather [hbm4b:s2+s16], $0x80, v15, vm0, $0xb8;
	[tilespmem:$0x1AE00] =	vst v63  }
0xd8: {  	s30 =	simm.s32 $0xA800  }
0xd9: {  	[tilespmem:s30], [sflag:$0x1] =	stream.indirect_vreg.gather [hbm4b:s2+s16], $0x80, v14, vm0, $0xb8;
	[tilespmem:$0x1AE00] =	vst v63  }
0xda: {  	v14 =	vld [tilespmem:$0x10030];
	_ =	sdelay $0x4  }
0xdb: {  	v15 =	vshll.u32 v14, $0x1  }
0xdc: {  	v14 =	vand.u32 $0x7, v14;
	v15 =	vand.u32 $0xFFFFFFF0, v15  }
0xdd: {  	v14 =	vor.u32 v14, v15  }
0xde: {  	v15 =	vperm.xlane v14, v11;
	_ =	sdelay $0x1  }
0xdf: {  	v14 =	vperm.xlane v14, v13;
	v15 =	vadd.s32 v12, v15;
	_ =	sdelay $0x1  }
0xe0: {  	v14 =	vadd.s32 v12, v14  }
.Ltmp6:
0xe1: {  	_ = 	snop;
	(pc) =	sbr.rel .LBB2_10-.Ltmp6, $4  }
0xe2: {  	s31 =	simm.s32 $0xB000  }
0xe3: {  	[tilespmem:s31], [sflag:$0x1] =	stream.indirect_vreg.gather [hbm4b:s2+s16], $0x80, v15, vm0, $0xb8;
	[tilespmem:$0x1AE00] =	vst v63  }
0xe4: {  	s0 =	simm.s32 $0x70  }
0xe5: {  	[tilespmem:s8], [sflag:$0x1] =	stream.indirect_vreg.gather [hbm4b:s2+s16], $0x80, v14, vm0, $0xb8;
	[tilespmem:$0x1AE00] =	vst v63  }
.LBB2_12:
0xe6: {  	s25 =	sadd.s32 $0x3, s24  }
0xe7: {  	_ =	swait.ge [sflag:s25], $0x4000  }
0xe8: {  	[sflag:s25] =	ssyncset.done $0x0  }
0xe9: {  	[sflag:s25] =	ssyncadd.s32 $0xFFFFC000  }
.LBB2_13:
0xea: {  	s25 =	sadd.s32 $0xFFFFFFD0, s0  }
0xeb: {  	v14 =	vor.u32 s25, v1  }
0xec: {  	vm2 =	vlt.s32 v14, $0x1FF  }
0xed: {  	v14 =	vnsel vm2, $0x1FF, v14  }
0xee: {  	v14 =	vor.u32 v0, v14;
	_ =	sdelay $0x4  }
0xef: {  	v15 =	vld.idx.msk [tilespmem:v14+s10+$0x0], $0xffff;
	_ =	sdelay $0x7  }
0xf0: {  	v16 =	vld.idx.msk [tilespmem:v15+s23+$0x0], $0xffff  }
0xf1: {  	v17 =	vadd.s32 $0x1, v15;
	_ =	sdelay $0x3  }
0xf2: {  	v14 =	vsub.s32 v14, v16  }
0xf3: {  	v17 =	vld.idx.msk [tilespmem:v17+s23+$0x0], $0xffff;
	v18 =	vshra.s32 v14, $0x1F  }
0xf4: {  	v18 =	vshrl.u32 v18, $0x16  }
0xf5: {  	v18 =	vadd.s32 v18, v14  }
0xf6: {  	v18 =	vshrl.u32 v18, $0xA  }
0xf7: {  	v19 =	vxor.u32 $0xFFFFFFFF, v16;
	v18 =	vshll.u32 v18, $0xA  }
0xf8: {  	s30 =	sadd.s32 $0xFFFFFFE0, s0;
	v17 =	vadd.s32 v19, v17;
	v14 =	vsub.s32 v14, v18  }
0xf9: {  	v48 =	vor.u32 s30, v1;
	v17 =	vsub.s32 v17, v14  }
0xfa: {  	vm2 =	vlt.s32 v48, $0x1FF;
	v47 =	vshra.s32 v17, $0x1F  }
0xfb: {  	v49 =	vnsel vm2, $0x1FF, v48;
	v18 =	vshrl.u32 v47, $0x16  }
0xfc: {  	v17 =	vadd.s32 v18, v17;
	v18 =	vor.u32 v0, v49  }
0xfd: {  	v15 =	vshll.u32 v15, $0xA;
	v17 =	vshrl.u32 v17, $0xA  }
0xfe: {  	s25 =	sshll.u32 s24, $0x8;
	v16 =	vadd.s32 v16, v14;
	v14 =	vadd.s32 v15, v14;
	v17 =	vshll.u32 v17, $0xA  }
0xff: {  	[tilespmem:s25+$0x10080] =	vst v14;
	v17 =	vadd.s32 v16, v17  }
0x100: {  	[tilespmem:s25+$0x10000] =	vst v17  }
0x101: {  	v14 =	vld.idx.msk [tilespmem:v18+s10+$0x0], $0xffff;
	_ =	sdelay $0x7  }
0x102: {  	v50 =	vadd.s32 $0x1, v14;
	v15 =	vld.idx.msk [tilespmem:v14+s23+$0x0], $0xffff;
	_ =	sdelay $0x4  }
0x103: {  	v19 =	vld.idx.msk [tilespmem:v50+s23+$0x0], $0xffff;
	v18 =	vsub.s32 v18, v15  }
0x104: {  	v20 =	vshra.s32 v18, $0x1F  }
0x105: {  	v20 =	vshrl.u32 v20, $0x16  }
0x106: {  	v20 =	vadd.s32 v20, v18  }
0x107: {  	s26 =	sadd.s32 $0xFFFFFFF0, s0;
	v21 =	vxor.u32 $0xFFFFFFFF, v15;
	v20 =	vand.u32 $0xFFFFFC00, v20  }
0x108: {  	v51 =	vor.u32 s26, v1;
	v19 =	vadd.s32 v21, v19;
	v18 =	vsub.s32 v18, v20  }
0x109: {  	vm2 =	vlt.s32 v51, $0x1FF;
	v19 =	vsub.s32 v19, v18  }
0x10a: {  	v20 =	vnsel vm2, $0x1FF, v51;
	v52 =	vshra.s32 v19, $0x1F  }
0x10b: {  	v20 =	vor.u32 v0, v20;
	v21 =	vshrl.u32 v52, $0x16  }
0x10c: {  	v14 =	vshll.u32 v14, $0xA;
	v19 =	vadd.s32 v21, v19  }
0x10d: {  	v15 =	vadd.s32 v15, v18;
	v14 =	vadd.s32 v14, v18;
	v19 =	vand.u32 $0xFFFFFC00, v19  }
0x10e: {  	[tilespmem:s25+$0x10090] =	vst v14;
	v15 =	vadd.s32 v19, v15  }
0x10f: {  	[tilespmem:s25+$0x10010] =	vst v15  }
0x110: {  	v14 =	vld.idx.msk [tilespmem:v20+s10+$0x0], $0xffff;
	_ =	sdelay $0x7  }
0x111: {  	v53 =	vadd.s32 $0x1, v14;
	v15 =	vld.idx.msk [tilespmem:v14+s23+$0x0], $0xffff;
	_ =	sdelay $0x4  }
0x112: {  	v18 =	vld.idx.msk [tilespmem:v53+s23+$0x0], $0xffff;
	v54 =	vsub.s32 v20, v15  }
0x113: {  	v20 =	vshra.s32 v54, $0x1F  }
0x114: {  	v20 =	vshrl.u32 v20, $0x16  }
0x115: {  	v20 =	vadd.s32 v20, v54  }
0x116: {  	v55 =	vxor.u32 $0xFFFFFFFF, v15;
	v20 =	vand.u32 $0xFFFFFC00, v20  }
0x117: {  	v56 =	vor.u32 s0, v1;
	v18 =	vadd.s32 v55, v18;
	v19 =	vsub.s32 v54, v20  }
0x118: {  	vm2 =	vlt.s32 v56, $0x1FF;
	v18 =	vsub.s32 v18, v19  }
0x119: {  	v20 =	vnsel vm2, $0x1FF, v56;
	v57 =	vshra.s32 v18, $0x1F  }
0x11a: {  	v20 =	vor.u32 v0, v20;
	v21 =	vshrl.u32 v57, $0x16  }
0x11b: {  	v14 =	vshll.u32 v14, $0xA;
	v18 =	vadd.s32 v21, v18  }
0x11c: {  	v15 =	vadd.s32 v15, v19;
	v14 =	vadd.s32 v14, v19;
	v18 =	vand.u32 $0xFFFFFC00, v18  }
0x11d: {  	[tilespmem:s25+$0x100A0] =	vst v14;
	v15 =	vadd.s32 v18, v15  }
0x11e: {  	[tilespmem:s25+$0x10020] =	vst v15  }
0x11f: {  	v14 =	vld.idx.msk [tilespmem:v20+s10+$0x0], $0xffff;
	_ =	sdelay $0x7  }
0x120: {  	v58 =	vadd.s32 $0x1, v14;
	v15 =	vld.idx.msk [tilespmem:v14+s23+$0x0], $0xffff;
	_ =	sdelay $0x4  }
0x121: {  	v18 =	vld.idx.msk [tilespmem:v58+s23+$0x0], $0xffff;
	v59 =	vsub.s32 v20, v15  }
0x122: {  	v20 =	vshra.s32 v59, $0x1F  }
0x123: {  	v20 =	vshrl.u32 v20, $0x16  }
0x124: {  	v16 =	vand.u32 $0x7, v16;
	v17 =	vshll.u32 v17, $0x1;
	v20 =	vadd.s32 v20, v59  }
0x125: {  	v17 =	vand.u32 $0xFFFFFFF0, v17;
	v60 =	vxor.u32 $0xFFFFFFFF, v15;
	v20 =	vand.u32 $0xFFFFFC00, v20  }
0x126: {  	v16 =	vor.u32 v16, v17;
	v18 =	vadd.s32 v60, v18;
	v19 =	vsub.s32 v59, v20  }
0x127: {  	v62 =	vperm.xlane v16, v11;
	v18 =	vsub.s32 v18, v19  }
0x128: {  	v16 =	vperm.xlane v16, v13;
	v61 =	vshra.s32 v18, $0x1F  }
0x129: {  	v63 =	vadd.s32 v12, v62;
	v17 =	vshrl.u32 v61, $0x16  }
0x12a: {  	v16 =	vadd.s32 v12, v16;
	v14 =	vshll.u32 v14, $0xA;
	v17 =	vadd.s32 v17, v18  }
0x12b: {  	v15 =	vadd.s32 v15, v19;
	v14 =	vadd.s32 v14, v19;
	v17 =	vand.u32 $0xFFFFFC00, v17  }
0x12c: {  	s26 =	sshll.u32 s24, $0xE;
	[tilespmem:s25+$0x100B0] =	vst v14;
	v15 =	vadd.s32 v17, v15  }
0x12d: {  	s24 =	sadd.s32 $0x1, s24;
	s28 =	sor.u32 $0x8000, s26;
	[tilespmem:s25+$0x10030] =	vst v15  }
0x12e: {  	[tilespmem:s28], [sflag:s24] =	stream.indirect_vreg.gather [hbm4b:s2+s10], $0x80, v63, vm0, $0xb8;
	[tilespmem:$0x1AE00] =	vst v63  }
0x12f: {  	s31 =	sor.u32 $0x8800, s26  }
0x130: {  	[tilespmem:s31], [sflag:s24] =	stream.indirect_vreg.gather [hbm4b:s2+s10], $0x80, v16, vm0, $0xb8;
	[tilespmem:$0x1AE00] =	vst v63  }
0x131: {  	v14 =	vld [tilespmem:s25+$0x10010];
	_ =	sdelay $0x4  }
0x132: {  	v15 =	vshll.u32 v14, $0x1  }
0x133: {  	v14 =	vand.u32 $0x7, v14;
	v15 =	vand.u32 $0xFFFFFFF0, v15  }
0x134: {  	v14 =	vor.u32 v14, v15  }
0x135: {  	v15 =	vperm.xlane v14, v11;
	_ =	sdelay $0x1  }
0x136: {  	v14 =	vperm.xlane v14, v13;
	v15 =	vadd.s32 v12, v15;
	_ =	sdelay $0x1  }
0x137: {  	v14 =	vadd.s32 v12, v14;
	_ =	sdelay $0x1  }
0x138: {  	s29 =	sor.u32 $0x9000, s26  }
0x139: {  	[tilespmem:s29], [sflag:s24] =	stream.indirect_vreg.gather [hbm4b:s2+s10], $0x80, v15, vm0, $0xb8;
	[tilespmem:$0x1AE00] =	vst v63  }
0x13a: {  	s30 =	sor.u32 $0x9800, s26  }
0x13b: {  	[tilespmem:s30], [sflag:s24] =	stream.indirect_vreg.gather [hbm4b:s2+s10], $0x80, v14, vm0, $0xb8;
	[tilespmem:$0x1AE00] =	vst v63  }
0x13c: {  	v14 =	vld [tilespmem:s25+$0x10020];
	_ =	sdelay $0x4  }
0x13d: {  	v15 =	vshll.u32 v14, $0x1  }
0x13e: {  	v14 =	vand.u32 $0x7, v14;
	v15 =	vand.u32 $0xFFFFFFF0, v15  }
0x13f: {  	v14 =	vor.u32 v14, v15  }
0x140: {  	v15 =	vperm.xlane v14, v11;
	_ =	sdelay $0x1  }
0x141: {  	v14 =	vperm.xlane v14, v13;
	v15 =	vadd.s32 v12, v15;
	_ =	sdelay $0x1  }
0x142: {  	v14 =	vadd.s32 v12, v14;
	_ =	sdelay $0x1  }
0x143: {  	s31 =	sor.u32 $0xA000, s26  }
0x144: {  	[tilespmem:s31], [sflag:s24] =	stream.indirect_vreg.gather [hbm4b:s2+s10], $0x80, v15, vm0, $0xb8;
	[tilespmem:$0x1AE00] =	vst v63  }
0x145: {  	s29 =	sor.u32 $0xA800, s26  }
0x146: {  	[tilespmem:s29], [sflag:s24] =	stream.indirect_vreg.gather [hbm4b:s2+s10], $0x80, v14, vm0, $0xb8;
	[tilespmem:$0x1AE00] =	vst v63  }
0x147: {  	v14 =	vld [tilespmem:s25+$0x10030];
	_ =	sdelay $0x4  }
0x148: {  	v15 =	vshll.u32 v14, $0x1  }
0x149: {  	v14 =	vand.u32 $0x7, v14;
	v15 =	vand.u32 $0xFFFFFFF0, v15  }
0x14a: {  	v14 =	vor.u32 v14, v15  }
0x14b: {  	v15 =	vperm.xlane v14, v11;
	_ =	sdelay $0x1  }
0x14c: {  	v14 =	vperm.xlane v14, v13;
	v15 =	vadd.s32 v12, v15;
	_ =	sdelay $0x1  }
0x14d: {  	v14 =	vadd.s32 v12, v14;
	_ =	sdelay $0x1  }
0x14e: {  	s30 =	sor.u32 $0xB000, s26  }
0x14f: {  	[tilespmem:s30], [sflag:s24] =	stream.indirect_vreg.gather [hbm4b:s2+s10], $0x80, v15, vm0, $0xb8;
	[tilespmem:$0x1AE00] =	vst v63  }
0x150: {  	s31 =	sor.u32 $0xB800, s26  }
0x151: {  	[tilespmem:s31], [sflag:s24] =	stream.indirect_vreg.gather [hbm4b:s2+s10], $0x80, v14, vm0, $0xb8;
	[tilespmem:$0x1AE00] =	vst v63  }
.LBB2_14:
0x152: {  	s24 =	sadd.s32 $0x1, s1  }
0x153: {  	_ =	swait.ge [sflag:s24], $0x4000  }
0x154: {  	[sflag:s24] =	ssyncset.done $0x0  }
0x155: {  	[sflag:s24] =	ssyncadd.s32 $0xFFFFC000;
	s24 =	sshll.u32 s1, $0x8  }
0x156: {  	v14 =	vld [tilespmem:s24+$0x10080];
	_ =	sdelay $0x4  }
0x157: {  	v15 =	vshll.u32 v14, $0x1  }
0x158: {  	v14 =	vand.u32 $0x7, v14;
	v15 =	vand.u32 $0xFFFFFFF0, v15  }
0x159: {  	v14 =	vor.u32 v14, v15  }
0x15a: {  	v15 =	vperm.xlane v14, v11;
	_ =	sdelay $0x1  }
0x15b: {  	v14 =	vperm.xlane v14, v13;
	v15 =	vadd.s32 v12, v15;
	_ =	sdelay $0x1  }
0x15c: {  	v14 =	vadd.s32 v12, v14  }
0x15d: {  	s25 =	sshll.u32 s1, $0xE  }
0x15e: {  	s26 =	sor.u32 $0x8000, s25;
	s1 =	sadd.s32 $0x3, s1  }
0x15f: {  	[hbm4b:s9+s10] =	stream.indirect_vreg.scatter [tilespmem:s26], [sflag:s1], $0x80, v15, vm0, $0xb8;
	[tilespmem:$0x1AE00] =	vst v63  }
0x160: {  	s29 =	sor.u32 $0x8800, s25  }
0x161: {  	[hbm4b:s9+s10] =	stream.indirect_vreg.scatter [tilespmem:s29], [sflag:s1], $0x80, v14, vm0, $0xb8;
	[tilespmem:$0x1AE00] =	vst v63  }
0x162: {  	v14 =	vld [tilespmem:s24+$0x10090];
	_ =	sdelay $0x4  }
0x163: {  	v15 =	vshll.u32 v14, $0x1  }
0x164: {  	v14 =	vand.u32 $0x7, v14;
	v15 =	vand.u32 $0xFFFFFFF0, v15  }
0x165: {  	v14 =	vor.u32 v14, v15  }
0x166: {  	v15 =	vperm.xlane v14, v11;
	_ =	sdelay $0x1  }
0x167: {  	v14 =	vperm.xlane v14, v13;
	v15 =	vadd.s32 v12, v15;
	_ =	sdelay $0x1  }
0x168: {  	v14 =	vadd.s32 v12, v14;
	_ =	sdelay $0x1  }
0x169: {  	s30 =	sor.u32 $0x9000, s25  }
0x16a: {  	[hbm4b:s9+s10] =	stream.indirect_vreg.scatter [tilespmem:s30], [sflag:s1], $0x80, v15, vm0, $0xb8;
	[tilespmem:$0x1AE00] =	vst v63  }
0x16b: {  	s31 =	sor.u32 $0x9800, s25  }
0x16c: {  	[hbm4b:s9+s10] =	stream.indirect_vreg.scatter [tilespmem:s31], [sflag:s1], $0x80, v14, vm0, $0xb8;
	[tilespmem:$0x1AE00] =	vst v63  }
0x16d: {  	v14 =	vld [tilespmem:s24+$0x100A0];
	_ =	sdelay $0x4  }
0x16e: {  	v15 =	vshll.u32 v14, $0x1  }
0x16f: {  	v14 =	vand.u32 $0x7, v14;
	v15 =	vand.u32 $0xFFFFFFF0, v15  }
0x170: {  	v14 =	vor.u32 v14, v15  }
0x171: {  	v15 =	vperm.xlane v14, v11;
	_ =	sdelay $0x1  }
0x172: {  	v14 =	vperm.xlane v14, v13;
	v15 =	vadd.s32 v12, v15;
	_ =	sdelay $0x1  }
0x173: {  	v14 =	vadd.s32 v12, v14;
	_ =	sdelay $0x1  }
0x174: {  	s28 =	sor.u32 $0xA000, s25  }
0x175: {  	[hbm4b:s9+s10] =	stream.indirect_vreg.scatter [tilespmem:s28], [sflag:s1], $0x80, v15, vm0, $0xb8;
	[tilespmem:$0x1AE00] =	vst v63  }
0x176: {  	s29 =	sor.u32 $0xA800, s25  }
0x177: {  	[hbm4b:s9+s10] =	stream.indirect_vreg.scatter [tilespmem:s29], [sflag:s1], $0x80, v14, vm0, $0xb8;
	[tilespmem:$0x1AE00] =	vst v63  }
0x178: {  	v14 =	vld [tilespmem:s24+$0x100B0];
	_ =	sdelay $0x4  }
0x179: {  	v15 =	vshll.u32 v14, $0x1  }
0x17a: {  	v14 =	vand.u32 $0x7, v14;
	v15 =	vand.u32 $0xFFFFFFF0, v15  }
0x17b: {  	v14 =	vor.u32 v14, v15  }
0x17c: {  	v15 =	vperm.xlane v14, v11;
	_ =	sdelay $0x1  }
0x17d: {  	v14 =	vperm.xlane v14, v13;
	v15 =	vadd.s32 v12, v15  }
0x17e: {  	s0 =	sadd.s32 $0x40, s0  }
0x17f: {  	p4 =	sne.s32 s0, $0x270;
	v14 =	vadd.s32 v12, v14  }
.Ltmp7:
0x180: {  	_ = 	snop;
	(pc) =	sbr.rel @!p4 .LBB2_15-.Ltmp7, $4  }
0x181: {  	s30 =	sor.u32 $0xB000, s25  }
0x182: {  	[hbm4b:s9+s10] =	stream.indirect_vreg.scatter [tilespmem:s30], [sflag:s1], $0x80, v15, vm0, $0xb8;
	[tilespmem:$0x1AE00] =	vst v63  }
0x183: {  	s16 =	sadd.s32 $0x1, s16;
	s31 =	sor.u32 $0xB800, s25  }
0x184: {  	[hbm4b:s9+s10] =	stream.indirect_vreg.scatter [tilespmem:s31], [sflag:s1], $0x80, v14, vm0, $0xb8;
	[tilespmem:$0x1AE00] =	vst v63  }
.LBB2_10:
0x185: {  	p4 =	seq.s32 s16, $0x0  }
.Ltmp8:
0x186: {  	_ = 	snop;
	(pc) =	sbr.rel @p4 .LBB2_13-.Ltmp8, $3  }
0x187: {  	_ =	sdelay $0x1  }
0x188: {  	s1 =	sand.u32 $0x1, s16  }
0x189: {  	s24 =	sxor.u32 $0x1, s1  }
0x18a: {  	p4 =	seq.s32 s16, $0x7  }
.Ltmp9:
0x18b: {  	_ = 	snop;
	(pc) =	sbr.rel @p4 .LBB2_14-.Ltmp9, $4  }
.Ltmp10:
0x18c: {  	_ = 	snop;
	(pc) =	sbr.rel @!p4 .LBB2_12-.Ltmp10, $4  }
0x18d: {  	_ = 	snop  }
0x18e: {  	_ = 	snop  }
0x18f: {  	_ = 	snop  }
0x190: {  	_ = 	snop  }
.LBB2_15:
0x191: {  	_ =	swait.ge [sflag:s6], $0x4000  }
.Ltmp11:
0x192: {  	[sflag:s6] =	ssyncset.done $0x0;
	(pc) =	sbr.rel @p0 .LBB2_41-.Ltmp11, $4  }
0x193: {  	[sflag:s6] =	ssyncadd.s32 $0xFFFFC000  }
0x194: {  	_ =	swait.ge [sflag:s11], $0x4000  }
0x195: {  	[sflag:s11] =	ssyncset.done $0x0  }
0x196: {  	s0 =	simm.s32 $0xF;
	v14 =	vimm.s32 $0x0;
	v15 =	vimm.s32 $0x4000;
	[sflag:s11] =	ssyncadd.s32 $0xFFFFC000  }
.Ltmp12:
0x197: {  	(pc) =	sbr.rel @!p1 .LBB2_29-.Ltmp12, $1  }
0x198: {  	_ =	sdelay $0x3  }
0x199: {  	p4 =	sne.s32 s20, $0x1  }
.Ltmp13:
0x19a: {  	_ = 	snop;
	(pc) =	sbr.rel @!p4 .LBB2_19-.Ltmp13, $2  }
0x19b: {  	_ =	sdelay $0x2  }
0x19c: {  	v16 =	vadd.s32 v14, v15;
	s0 =	sadd.s32 $0xFFFFFFFF, s20  }
.LBB2_18:
0x19d: {  	p4 =	sne.s32 s0, $0x1;
	v17 =	vshrl.u32 v16, $0x1F  }
0x19e: {  	v16 =	vadd.s32 v17, v16  }
0x19f: {  	v16 =	vshra.s32 v16, $0x1  }
0x1a0: {  	vm2 =	vlt.s32 v16, $0x3FFF;
	v17 =	vadd.s32 $0x1, v16  }
0x1a1: {  	v18 =	vnsel vm2, $0x3FFF, v16;
	_ =	sdelay $0x4  }
0x1a2: {  	v18 =	vld.idx.msk [tilespmem:v18+s10+$0x0], $0xffff;
	_ =	sdelay $0x4  }
.Ltmp14:
0x1a3: {  	(pc) =	sbr.rel @p4 .LBB2_18-.Ltmp14, $4  }
0x1a4: {  	vm2 =	vlt.s32 v14, v15;
	vm3 =	vge.s32 v18, v10;
	vm4 =	vlt.s32 v18, v10  }
0x1a5: {  	vm4 =	vmand vm2, vm4;
	vm2 =	vmand vm2, vm3  }
0x1a6: {  	v14 =	vsel vm4, v17, v14;
	v15 =	vsel vm2, v16, v15  }
0x1a7: {  	s0 =	sadd.s32 $0xFFFFFFFF, s0;
	v16 =	vadd.s32 v14, v15  }
.LBB2_19:
0x1a8: {  	v17 =	vshrl.u32 v16, $0x1F  }
0x1a9: {  	v16 =	vadd.s32 v17, v16  }
0x1aa: {  	v16 =	vshra.s32 v16, $0x1  }
0x1ab: {  	vm2 =	vlt.s32 v16, $0x3FFF  }
0x1ac: {  	v62 =	vnsel vm2, $0x3FFF, v16;
	_ =	sdelay $0x4  }
0x1ad: {  	v17 =	vld.idx.msk [tilespmem:v62+s10+$0x0], $0xffff;
	_ =	sdelay $0x4  }
0x1ae: {  	vm2 =	vlt.s32 v14, v15;
	vm3 =	vlt.s32 v17, v10  }
0x1af: {  	v15 =	vadd.s32 $0x1, v16;
	vm2 =	vmand vm2, vm3  }
0x1b0: {  	v14 =	vsel vm2, v15, v14;
	vm2 =	vmmov $0x1  }
0x1b1: {  	v15 =	vnsel vm2, $0x0, v14  }
0x1b2: {  	v63 =	vsel vm1, $0x0, v14;
	v15 =	vxor.u32 $0x80000000, v15  }
0x1b3: {  	(xrf0) =	vmax.scan.msk.u32 $0xffff, v15;
	v15 =	vxor.u32 $0x80000000, v63  }
0x1b4: {  	(xrf0) =	vmax.scan.msk.u32 $0xffff, v15;
	_ =	sdelay $0x4  }
0x1b5: {  	v15, _, _ =	vpop (xrf0)  }
0x1b6: {  	(v2sf) =	vpush v15, $0xF;
	v15, _, _ =	vpop (xrf0)  }
0x1b7: {  	(v2sf) =	vpush v15, $0xF;
	_ =	sdelay $0xb  }
0x1b8: {  	s1 =	rddreg [dreg:$0x12];
	[tilespmem:$0x10280] =	vst v14  }
0x1b9: {  	[tilespmem:s12], [sflag:$0x5] =	stream.linear.gather [hbm4b:s1+s10], $0x8000, $0x38;
	[tilespmem:$0x1AE00] =	vst v63  }
0x1ba: {  	s0 =	spop (v2sf)  }
0x1bb: {  	s16 =	spop (v2sf)  }
0x1bc: {  	s26 =	sxor.u32 $0x80000000, s0;
	s0 =	sxor.u32 $0x80000000, s16  }
0x1bd: {  	s1 =	ssub.s32 s0, s26  }
0x1be: {  	p4 =	sgt.s32 s1, $0x0;
	s24 =	smov.u32 s1  }
0x1bf: {  	s24 =	simm.s32 @!p4 $0x0  }
0x1c0: {  	s24 =	sadd.s32 $0x1FF, s24  }
0x1c1: {  	p4 =	slt.s32 s24, $0x200  }
.Ltmp15:
0x1c2: {  	_ = 	snop;
	(pc) =	sbr.rel @p4 .LBB2_28-.Ltmp15, $4  }
0x1c3: {  	_ = 	snop  }
0x1c4: {  	_ =	swait.ge [sflag:s21], $0x8000  }
0x1c5: {  	[sflag:s21] =	ssyncset.done $0x0  }
0x1c6: {  	[sflag:s21] =	ssyncadd.s32 $0xFFFF8000  }
.Ltmp16:
0x1c7: {  	(pc) =	sbr.rel .LBB2_21-.Ltmp16, $4  }
0x1c8: {  	s25 =	sshra.s32 s24, $0x1F  }
0x1c9: {  	s25 =	sshrl.u32 s25, $0x17  }
0x1ca: {  	s16 =	sadd.s32 $0x7FFFFFFF, s16;
	s31 =	sadd.s32 s25, s24  }
0x1cb: {  	v14 =	vmov s16;
	s16 =	smov.u32 s26;
	s25 =	simm.s32 $0x0;
	s24 =	sshra.s32 s31, $0x9  }
.LBB2_41:
.Ltmp17:
0x1cc: {  	(pc) =	sbr.rel @!p2 .LBB2_52-.Ltmp17, $1  }
0x1cd: {  	_ =	sdelay $0x3  }
0x1ce: {  	v16 =	vadd.s32 v14, v15;
	s0 =	sadd.s32 $0xFFFFFFFF, s0  }
.LBB2_43:
0x1cf: {  	p4 =	sne.s32 s0, $0x1;
	v17 =	vshrl.u32 v16, $0x1F  }
0x1d0: {  	v16 =	vadd.s32 v17, v16  }
0x1d1: {  	v16 =	vshra.s32 v16, $0x1  }
0x1d2: {  	vm2 =	vlt.s32 v16, $0x3FFF;
	v17 =	vadd.s32 $0x1, v16  }
0x1d3: {  	v18 =	vnsel vm2, $0x3FFF, v16;
	_ =	sdelay $0x4  }
0x1d4: {  	v18 =	vld.idx.msk [tilespmem:v18+s10+$0x0], $0xffff;
	_ =	sdelay $0x4  }
.Ltmp18:
0x1d5: {  	(pc) =	sbr.rel @p4 .LBB2_43-.Ltmp18, $4  }
0x1d6: {  	vm2 =	vlt.s32 v14, v15;
	vm3 =	vge.s32 v18, v10;
	vm4 =	vlt.s32 v18, v10  }
0x1d7: {  	vm4 =	vmand vm2, vm4;
	vm2 =	vmand vm2, vm3  }
0x1d8: {  	v14 =	vsel vm4, v17, v14;
	v15 =	vsel vm2, v16, v15  }
0x1d9: {  	s0 =	sadd.s32 $0xFFFFFFFF, s0;
	v16 =	vadd.s32 v14, v15  }
0x1da: {  	v17 =	vshrl.u32 v16, $0x1F  }
0x1db: {  	v16 =	vadd.s32 v17, v16  }
0x1dc: {  	v16 =	vshra.s32 v16, $0x1  }
0x1dd: {  	vm2 =	vlt.s32 v16, $0x3FFF  }
0x1de: {  	v62 =	vnsel vm2, $0x3FFF, v16;
	_ =	sdelay $0x4  }
0x1df: {  	v17 =	vld.idx.msk [tilespmem:v62+s10+$0x0], $0xffff;
	_ =	sdelay $0x4  }
0x1e0: {  	vm2 =	vlt.s32 v14, v15;
	vm3 =	vlt.s32 v17, v10  }
0x1e1: {  	v15 =	vadd.s32 $0x1, v16;
	vm2 =	vmand vm2, vm3  }
0x1e2: {  	v14 =	vsel vm2, v15, v14;
	vm2 =	vmmov $0x1  }
0x1e3: {  	v15 =	vnsel vm2, $0x0, v14  }
0x1e4: {  	v63 =	vsel vm1, $0x0, v14;
	v15 =	vxor.u32 $0x80000000, v15  }
0x1e5: {  	(xrf0) =	vmax.scan.msk.u32 $0xffff, v15;
	v15 =	vxor.u32 $0x80000000, v63  }
0x1e6: {  	(xrf0) =	vmax.scan.msk.u32 $0xffff, v15;
	_ =	sdelay $0x4  }
0x1e7: {  	v15, _, _ =	vpop (xrf0)  }
0x1e8: {  	(v2sf) =	vpush v15, $0xF;
	v15, _, _ =	vpop (xrf0)  }
0x1e9: {  	(v2sf) =	vpush v15, $0xF;
	_ =	sdelay $0xb  }
0x1ea: {  	s16 =	rddreg [dreg:$0xe];
	[tilespmem:$0x10280] =	vst v14  }
0x1eb: {  	[tilespmem:s17], [sflag:$0x5] =	stream.linear.gather [hbm4b:s16+s10], $0x2000, $0x38;
	[tilespmem:$0x1AE00] =	vst v63  }
0x1ec: {  	s0 =	spop (v2sf)  }
0x1ed: {  	s24 =	spop (v2sf)  }
0x1ee: {  	s0 =	sxor.u32 $0x80000000, s0;
	s1 =	sxor.u32 $0x80000000, s24  }
0x1ef: {  	s16 =	ssub.s32 s1, s0  }
0x1f0: {  	p4 =	sgt.s32 s16, $0x0;
	s25 =	smov.u32 s16  }
0x1f1: {  	s25 =	simm.s32 @!p4 $0x0  }
0x1f2: {  	s25 =	sadd.s32 $0x1FF, s25  }
0x1f3: {  	p4 =	slt.s32 s25, $0x200  }
.Ltmp19:
0x1f4: {  	_ = 	snop;
	(pc) =	sbr.rel @p4 .LBB2_51-.Ltmp19, $4  }
0x1f5: {  	_ = 	snop  }
0x1f6: {  	_ =	swait.ge [sflag:s21], $0x2000  }
0x1f7: {  	[sflag:s21] =	ssyncset.done $0x0  }
0x1f8: {  	[sflag:s21] =	ssyncadd.s32 $0xFFFFE000  }
.Ltmp20:
0x1f9: {  	(pc) =	sbr.rel .LBB2_46-.Ltmp20, $4  }
0x1fa: {  	s26 =	sshra.s32 s25, $0x1F  }
0x1fb: {  	s26 =	sshrl.u32 s26, $0x17  }
0x1fc: {  	s31 =	sadd.s32 $0x7FFFFFFF, s24;
	s30 =	sadd.s32 s26, s25  }
0x1fd: {  	v14 =	vmov s31;
	s25 =	simm.s32 $0x0;
	s26 =	smov.u32 s0;
	s24 =	sshra.s32 s30, $0x9  }
.LBB2_49:
0x1fe: {  	_ = 	snop  }
0x1ff: {  	v17 =	vshrl.u32 v23, $0xA;
	v16 =	vadd.s32 $0x400, v16  }
0x200: {  	vm2 =	vlt.s32 v22, v15;
	v15 =	vshll.u32 v17, $0xA;
	vm3 =	vge.s32 v16, v21  }
0x201: {  	v62 =	vshll.u32 v18, $0xA;
	v15 =	vsub.s32 v19, v15;
	vm2 =	vmand vm2, vm3  }
0x202: {  	v63 =	vld.idx.msk [tilespmem:v20+s18+$0x0], $0xffff;
	v15 =	vadd.s32 v62, v15;
	_ =	sdelay $0x4  }
0x203: {  	[tilespmem:v15+s17+$0x0] =	vst.idx.msk vm2, v63  }
.LBB2_50:
0x204: {  	s25 =	sadd.s32 $0x1, s25  }
0x205: {  	p4 =	sne.s32 s25, s24  }
.Ltmp21:
0x206: {  	_ = 	snop;
	(pc) =	sbr.rel @!p4 .LBB2_51-.Ltmp21, $2  }
0x207: {  	_ =	sdelay $0x2  }
0x208: {  	s16 =	sadd.s32 $0xFFFFFE00, s16;
	s26 =	sadd.s32 $0x200, s26  }
.LBB2_46:
0x209: {  	s28 =	sshll.u32 s25, $0x9  }
0x20a: {  	s28 =	sadd.s32 s0, s28  }
0x20b: {  	s29 =	sshra.s32 s28, $0x1F  }
0x20c: {  	s29 =	sshrl.u32 s29, $0x1D  }
0x20d: {  	s29 =	sadd.s32 s29, s28  }
0x20e: {  	s29 =	sand.u32 $0xFFFFFFF8, s29  }
0x20f: {  	p4 =	slt.s32 s29, $0x3DF8  }
0x210: {  	s28 =	ssub.s32 s1, s28;
	s29 =	simm.s32 @!p4 $0x3DF8  }
0x211: {  	p4 =	slt.s32 s28, $0x1;
	s30 =	sshrl.u32 s29, $0x3  }
.Ltmp22:
0x212: {  	s30 =	sadd.s32 s4, s30;
	(pc) =	sbr.rel @p4 .LBB2_50-.Ltmp22, $4  }
0x213: {  	[tilespmem:s18], [sflag:$0x5] =	stream.linear.gather [hbm4b:s30+s10], $0x208, $0x38;
	[tilespmem:$0x1AE00] =	vst v63  }
0x214: {  	_ =	swait.ge [sflag:s21], $0x208  }
0x215: {  	[sflag:s21] =	ssyncset.done $0x0  }
0x216: {  	[sflag:s21] =	ssyncadd.s32 $0xFFFFFDF8  }
0x217: {  	s30 =	sadd.s32 $0x0, s26  }
0x218: {  	v15 =	vadd.s32 s30, v1  }
0x219: {  	vm2 =	vlt.s32 v15, v14  }
0x21a: {  	v16 =	vsel vm2, v15, v14;
	_ =	sdelay $0x4  }
0x21b: {  	v15 =	vld.idx.msk [tilespmem:v16+s10+$0x0], $0xffff;
	_ =	sdelay $0x4  }
0x21c: {  	v18 =	vsub.s32 v15, v9;
	_ =	sdelay $0x2  }
0x21d: {  	s31 =	smin.u32 s16, $0x200  }
0x21e: {  	s30 =	sadd.s32 $0xF, s31  }
0x21f: {  	s30 =	sshrl.u32 s30, $0x4;
	v20 =	vadd.s32 $0x1, v18;
	v15 =	vld.idx.msk [tilespmem:v18+s14+$0x0], $0xffff  }
0x220: {  	s30 =	ssub.s32 $0x0, s30  }
0x221: {  	s31 =	smin.u32 s28, $0x200;
	s28 =	sadd.s32 $0x1, s30  }
0x222: {  	v21 =	vmul.u32 $0xFFFFFFFF, v1;
	p4 =	seq.s32 s28, $0x0  }
.Ltmp23:
0x223: {  	_ = 	snop;
	(pc) =	sbr.rel @p4 .LBB2_49-.Ltmp23, $4  }
0x224: {  	v17 =	vmov s29;
	v19 =	vsub.s32 v16, v15;
	v15 =	vadd.s32 s31, v21;
	v21 =	vld.idx.msk [tilespmem:v20+s14+$0x0], $0xffff  }
0x225: {  	v20 =	vsub.s32 v16, v17;
	v22 =	vshra.s32 v19, $0x1F  }
0x226: {  	s29 =	simm.s32 $0x0;
	v23 =	vshrl.u32 v22, $0x16  }
0x227: {  	v22 =	vmov s29;
	s29 =	simm.s32 $0x10;
	v23 =	vadd.s32 v23, v19  }
.LBB2_48:
0x228: {  	s30 =	sadd.s32 s29, s26;
	vm2 =	vlt.s32 v22, v15;
	v22 =	vshrl.u32 v23, $0xA;
	v16 =	vadd.s32 $0x400, v16  }
0x229: {  	s28 =	sadd.s32 $0x1, s28;
	v23 =	vadd.s32 s30, v1;
	v22 =	vshll.u32 v22, $0xA;
	vm3 =	vge.s32 v16, v21  }
0x22a: {  	v18 =	vshll.u32 v18, $0xA;
	p4 =	seq.s32 s28, $0x0;
	v16 =	vsub.s32 v19, v22;
	vm2 =	vmand vm2, vm3;
	v19 =	vld.idx.msk [tilespmem:v20+s18+$0x0], $0xffff  }
0x22b: {  	vm3 =	vlt.s32 v23, v14;
	v18 =	vadd.s32 v18, v16  }
0x22c: {  	v16 =	vsel vm3, v23, v14;
	_ =	sdelay $0x3  }
0x22d: {  	[tilespmem:v18+s17+$0x0] =	vst.idx.msk vm2, v19  }
0x22e: {  	v18 =	vld.idx.msk [tilespmem:v16+s10+$0x0], $0xffff;
	_ =	sdelay $0x5  }
0x22f: {  	v18 =	vsub.s32 v18, v9;
	_ =	sdelay $0x4  }
0x230: {  	v20 =	vadd.s32 $0x1, v18;
	v19 =	vld.idx.msk [tilespmem:v18+s14+$0x0], $0xffff;
	_ =	sdelay $0x4  }
.Ltmp24:
0x231: {  	v21 =	vld.idx.msk [tilespmem:v20+s14+$0x0], $0xffff;
	(pc) =	sbr.rel @!p4 .LBB2_48-.Ltmp24, $4  }
0x232: {  	v19 =	vsub.s32 v16, v19  }
0x233: {  	v20 =	vsub.s32 v16, v17;
	v22 =	vshra.s32 v19, $0x1F  }
0x234: {  	v23 =	vshrl.u32 v22, $0x16  }
0x235: {  	v22 =	vmov s29;
	s29 =	sadd.s32 $0x10, s29;
	v23 =	vadd.s32 v23, v19  }
.Ltmp25:
0x236: {  	_ = 	snop;
	(pc) =	sbr.rel .LBB2_49-.Ltmp25, $1  }
0x237: {  	_ =	sdelay $0x3  }
.LBB2_29:
0x238: {  	v16 =	vadd.s32 v14, v15;
	s0 =	sadd.s32 $0xFFFFFFFF, s0  }
.LBB2_30:
0x239: {  	p4 =	sne.s32 s0, $0x1;
	v17 =	vshrl.u32 v16, $0x1F  }
0x23a: {  	v16 =	vadd.s32 v17, v16  }
0x23b: {  	v16 =	vshra.s32 v16, $0x1  }
0x23c: {  	vm2 =	vlt.s32 v16, $0x3FFF;
	v17 =	vadd.s32 $0x1, v16  }
0x23d: {  	v18 =	vnsel vm2, $0x3FFF, v16;
	_ =	sdelay $0x4  }
0x23e: {  	v18 =	vld.idx.msk [tilespmem:v18+s22+$0x0], $0xffff;
	_ =	sdelay $0x4  }
.Ltmp26:
0x23f: {  	(pc) =	sbr.rel @p4 .LBB2_30-.Ltmp26, $4  }
0x240: {  	vm2 =	vlt.s32 v14, v15;
	vm3 =	vge.s32 v18, v10;
	vm4 =	vlt.s32 v18, v10  }
0x241: {  	vm4 =	vmand vm2, vm4;
	vm2 =	vmand vm2, vm3  }
0x242: {  	v14 =	vsel vm4, v17, v14;
	v15 =	vsel vm2, v16, v15  }
0x243: {  	s0 =	sadd.s32 $0xFFFFFFFF, s0;
	v16 =	vadd.s32 v14, v15  }
0x244: {  	v17 =	vshrl.u32 v16, $0x1F  }
0x245: {  	v16 =	vadd.s32 v17, v16  }
0x246: {  	v16 =	vshra.s32 v16, $0x1  }
0x247: {  	vm2 =	vlt.s32 v16, $0x3FFF  }
0x248: {  	v62 =	vnsel vm2, $0x3FFF, v16;
	_ =	sdelay $0x4  }
0x249: {  	v17 =	vld.idx.msk [tilespmem:v62+s22+$0x0], $0xffff;
	_ =	sdelay $0x4  }
0x24a: {  	vm2 =	vlt.s32 v14, v15;
	vm3 =	vlt.s32 v17, v10  }
0x24b: {  	v15 =	vadd.s32 $0x1, v16;
	vm2 =	vmand vm2, vm3  }
0x24c: {  	v14 =	vsel vm2, v15, v14;
	vm2 =	vmmov $0x1  }
0x24d: {  	v15 =	vnsel vm2, $0x0, v14  }
0x24e: {  	v63 =	vsel vm1, $0x0, v14;
	v15 =	vxor.u32 $0x80000000, v15  }
0x24f: {  	(xrf0) =	vmax.scan.msk.u32 $0xffff, v15;
	v15 =	vxor.u32 $0x80000000, v63  }
0x250: {  	(xrf0) =	vmax.scan.msk.u32 $0xffff, v15;
	_ =	sdelay $0x4  }
0x251: {  	v15, _, _ =	vpop (xrf0)  }
0x252: {  	(v2sf) =	vpush v15, $0xF;
	v15, _, _ =	vpop (xrf0)  }
0x253: {  	(v2sf) =	vpush v15, $0xF;
	_ =	sdelay $0xb  }
0x254: {  	s1 =	rddreg [dreg:$0xc];
	[tilespmem:$0x10280] =	vst v14  }
0x255: {  	[tilespmem:s12], [sflag:$0x5] =	stream.linear.gather [hbm4b:s1+s10], $0x8000, $0x38;
	[tilespmem:$0x1AE00] =	vst v63  }
0x256: {  	s0 =	spop (v2sf)  }
0x257: {  	s24 =	spop (v2sf)  }
0x258: {  	s16 =	sxor.u32 $0x80000000, s0;
	s0 =	sxor.u32 $0x80000000, s24  }
0x259: {  	s1 =	ssub.s32 s0, s16  }
0x25a: {  	p4 =	sgt.s32 s1, $0x0;
	s25 =	smov.u32 s1  }
0x25b: {  	s25 =	simm.s32 @!p4 $0x0  }
0x25c: {  	s25 =	sadd.s32 $0x1FF, s25  }
0x25d: {  	p4 =	slt.s32 s25, $0x200  }
.Ltmp27:
0x25e: {  	_ = 	snop;
	(pc) =	sbr.rel @p4 .LBB2_40-.Ltmp27, $4  }
0x25f: {  	_ = 	snop  }
0x260: {  	_ =	swait.ge [sflag:s21], $0x8000  }
0x261: {  	[sflag:s21] =	ssyncset.done $0x0  }
0x262: {  	[sflag:s21] =	ssyncadd.s32 $0xFFFF8000  }
.Ltmp28:
0x263: {  	(pc) =	sbr.rel .LBB2_33-.Ltmp28, $4  }
0x264: {  	s26 =	sshra.s32 s25, $0x1F  }
0x265: {  	s26 =	sshrl.u32 s26, $0x17  }
0x266: {  	s31 =	sadd.s32 $0x7FFFFFFF, s24;
	s30 =	sadd.s32 s26, s25  }
0x267: {  	v14 =	vmov s31;
	s25 =	simm.s32 $0x0;
	s26 =	smov.u32 s16;
	s24 =	sshra.s32 s30, $0x9  }
.LBB2_51:
.Ltmp29:
0x268: {  	s0 =	rddreg [dreg:$0xf];
	(pc) =	sbr.rel @p3 .LBB2_62-.Ltmp29, $4  }
0x269: {  	[hbm4b:s0+s10] =	stream.linear.scatter [tilespmem:s17], [sflag:$0x5], $0x2000, $0x38;
	[tilespmem:$0x1AE00] =	vst v63  }
0x26a: {  	_ =	swait.ge [sflag:s21], $0x2000  }
0x26b: {  	[sflag:s21] =	ssyncset.done $0x0  }
0x26c: {  	[sflag:s21] =	ssyncadd.s32 $0xFFFFE000  }
.LBB2_52:
0x26d: {  	v14 =	vimm.s32 $0x0;
	v15 =	vimm.s32 $0x4000  }
0x26e: {  	s0 =	simm.s32 $0xE;
	v16 =	vadd.s32 v14, v15  }
.LBB2_53:
0x26f: {  	p4 =	sne.s32 s0, $0x1;
	v17 =	vshrl.u32 v16, $0x1F  }
0x270: {  	v16 =	vadd.s32 v17, v16  }
0x271: {  	v16 =	vshra.s32 v16, $0x1  }
0x272: {  	vm2 =	vlt.s32 v16, $0x3FFF;
	v17 =	vadd.s32 $0x1, v16  }
0x273: {  	v18 =	vnsel vm2, $0x3FFF, v16;
	_ =	sdelay $0x4  }
0x274: {  	v18 =	vld.idx.msk [tilespmem:v18+s22+$0x0], $0xffff;
	_ =	sdelay $0x4  }
.Ltmp30:
0x275: {  	(pc) =	sbr.rel @p4 .LBB2_53-.Ltmp30, $4  }
0x276: {  	vm2 =	vlt.s32 v14, v15;
	vm3 =	vge.s32 v18, v10;
	vm4 =	vlt.s32 v18, v10  }
0x277: {  	vm4 =	vmand vm2, vm4;
	vm2 =	vmand vm2, vm3  }
0x278: {  	v14 =	vsel vm4, v17, v14;
	v15 =	vsel vm2, v16, v15  }
0x279: {  	s0 =	sadd.s32 $0xFFFFFFFF, s0;
	v16 =	vadd.s32 v14, v15  }
0x27a: {  	v17 =	vshrl.u32 v16, $0x1F  }
0x27b: {  	v16 =	vadd.s32 v17, v16  }
0x27c: {  	v16 =	vshra.s32 v16, $0x1  }
0x27d: {  	vm2 =	vlt.s32 v16, $0x3FFF  }
0x27e: {  	v62 =	vnsel vm2, $0x3FFF, v16;
	_ =	sdelay $0x4  }
0x27f: {  	v17 =	vld.idx.msk [tilespmem:v62+s22+$0x0], $0xffff;
	_ =	sdelay $0x4  }
0x280: {  	vm2 =	vlt.s32 v14, v15;
	vm3 =	vlt.s32 v17, v10  }
0x281: {  	v15 =	vadd.s32 $0x1, v16;
	vm2 =	vmand vm2, vm3  }
0x282: {  	v14 =	vsel vm2, v15, v14;
	vm2 =	vmmov $0x1  }
0x283: {  	v15 =	vnsel vm2, $0x0, v14  }
0x284: {  	v63 =	vsel vm1, $0x0, v14;
	v15 =	vxor.u32 $0x80000000, v15  }
0x285: {  	(xrf0) =	vmax.scan.msk.u32 $0xffff, v15;
	v15 =	vxor.u32 $0x80000000, v63  }
0x286: {  	(xrf0) =	vmax.scan.msk.u32 $0xffff, v15;
	_ =	sdelay $0x4  }
0x287: {  	v15, _, _ =	vpop (xrf0)  }
0x288: {  	(v2sf) =	vpush v15, $0xF;
	v15, _, _ =	vpop (xrf0)  }
0x289: {  	(v2sf) =	vpush v15, $0xF;
	_ =	sdelay $0xb  }
0x28a: {  	s16 =	rddreg [dreg:$0x10];
	[tilespmem:$0x10280] =	vst v14  }
0x28b: {  	[tilespmem:s17], [sflag:$0x5] =	stream.linear.gather [hbm4b:s16+s10], $0x2000, $0x38;
	[tilespmem:$0x1AE00] =	vst v63  }
0x28c: {  	s0 =	spop (v2sf)  }
0x28d: {  	s24 =	spop (v2sf)  }
0x28e: {  	s0 =	sxor.u32 $0x80000000, s0;
	s1 =	sxor.u32 $0x80000000, s24  }
0x28f: {  	s16 =	ssub.s32 s1, s0  }
0x290: {  	p4 =	sgt.s32 s16, $0x0;
	s25 =	smov.u32 s16  }
0x291: {  	s25 =	simm.s32 @!p4 $0x0  }
0x292: {  	s25 =	sadd.s32 $0x1FF, s25  }
0x293: {  	p4 =	slt.s32 s25, $0x200  }
.Ltmp31:
0x294: {  	_ = 	snop;
	(pc) =	sbr.rel @p4 .LBB2_61-.Ltmp31, $4  }
0x295: {  	_ = 	snop  }
0x296: {  	_ =	swait.ge [sflag:s21], $0x2000  }
0x297: {  	[sflag:s21] =	ssyncset.done $0x0  }
0x298: {  	[sflag:s21] =	ssyncadd.s32 $0xFFFFE000  }
.Ltmp32:
0x299: {  	(pc) =	sbr.rel .LBB2_56-.Ltmp32, $4  }
0x29a: {  	s26 =	sshra.s32 s25, $0x1F  }
0x29b: {  	s26 =	sshrl.u32 s26, $0x17  }
0x29c: {  	s31 =	sadd.s32 $0x7FFFFFFF, s24;
	s30 =	sadd.s32 s26, s25  }
0x29d: {  	v14 =	vmov s31;
	s25 =	simm.s32 $0x0;
	s26 =	smov.u32 s0;
	s24 =	sshra.s32 s30, $0x9  }
.LBB2_59:
0x29e: {  	_ = 	snop  }
0x29f: {  	v17 =	vshrl.u32 v23, $0xA;
	v16 =	vadd.s32 $0x400, v16  }
0x2a0: {  	vm2 =	vlt.s32 v22, v15;
	v15 =	vshll.u32 v17, $0xA;
	vm3 =	vge.s32 v16, v21  }
0x2a1: {  	v62 =	vshll.u32 v18, $0xA;
	v15 =	vsub.s32 v19, v15;
	vm2 =	vmand vm2, vm3  }
0x2a2: {  	v63 =	vld.idx.msk [tilespmem:v20+s18+$0x0], $0xffff;
	v15 =	vadd.s32 v62, v15;
	_ =	sdelay $0x4  }
0x2a3: {  	[tilespmem:v15+s17+$0x0] =	vst.idx.msk vm2, v63  }
.LBB2_60:
0x2a4: {  	s25 =	sadd.s32 $0x1, s25  }
0x2a5: {  	p4 =	sne.s32 s25, s24  }
.Ltmp33:
0x2a6: {  	_ = 	snop;
	(pc) =	sbr.rel @!p4 .LBB2_61-.Ltmp33, $2  }
0x2a7: {  	_ =	sdelay $0x2  }
0x2a8: {  	s16 =	sadd.s32 $0xFFFFFE00, s16;
	s26 =	sadd.s32 $0x200, s26  }
.LBB2_56:
0x2a9: {  	s28 =	sshll.u32 s25, $0x9  }
0x2aa: {  	s28 =	sadd.s32 s0, s28  }
0x2ab: {  	s29 =	sshra.s32 s28, $0x1F  }
0x2ac: {  	s29 =	sshrl.u32 s29, $0x1D  }
0x2ad: {  	s29 =	sadd.s32 s29, s28  }
0x2ae: {  	s29 =	sand.u32 $0xFFFFFFF8, s29  }
0x2af: {  	p4 =	slt.s32 s29, $0x3DF8  }
0x2b0: {  	s28 =	ssub.s32 s1, s28;
	s29 =	simm.s32 @!p4 $0x3DF8  }
0x2b1: {  	p4 =	slt.s32 s28, $0x1;
	s30 =	sshrl.u32 s29, $0x3  }
.Ltmp34:
0x2b2: {  	s30 =	sadd.s32 s7, s30;
	(pc) =	sbr.rel @p4 .LBB2_60-.Ltmp34, $4  }
0x2b3: {  	[tilespmem:s18], [sflag:$0x5] =	stream.linear.gather [hbm4b:s30+s10], $0x208, $0x38;
	[tilespmem:$0x1AE00] =	vst v63  }
0x2b4: {  	_ =	swait.ge [sflag:s21], $0x208  }
0x2b5: {  	[sflag:s21] =	ssyncset.done $0x0  }
0x2b6: {  	[sflag:s21] =	ssyncadd.s32 $0xFFFFFDF8  }
0x2b7: {  	s30 =	sadd.s32 $0x0, s26  }
0x2b8: {  	v15 =	vadd.s32 s30, v1  }
0x2b9: {  	vm2 =	vlt.s32 v15, v14  }
0x2ba: {  	v16 =	vsel vm2, v15, v14;
	_ =	sdelay $0x4  }
0x2bb: {  	v15 =	vld.idx.msk [tilespmem:v16+s22+$0x0], $0xffff;
	_ =	sdelay $0x4  }
0x2bc: {  	v18 =	vsub.s32 v15, v9;
	_ =	sdelay $0x2  }
0x2bd: {  	s31 =	smin.u32 s16, $0x200  }
0x2be: {  	s30 =	sadd.s32 $0xF, s31  }
0x2bf: {  	s30 =	sshrl.u32 s30, $0x4;
	v20 =	vadd.s32 $0x1, v18;
	v15 =	vld.idx.msk [tilespmem:v18+s14+$0x0], $0xffff  }
0x2c0: {  	s30 =	ssub.s32 $0x0, s30  }
0x2c1: {  	s31 =	smin.u32 s28, $0x200;
	s28 =	sadd.s32 $0x1, s30  }
0x2c2: {  	v21 =	vmul.u32 $0xFFFFFFFF, v1;
	p4 =	seq.s32 s28, $0x0  }
.Ltmp35:
0x2c3: {  	_ = 	snop;
	(pc) =	sbr.rel @p4 .LBB2_59-.Ltmp35, $4  }
0x2c4: {  	v17 =	vmov s29;
	v19 =	vsub.s32 v16, v15;
	v15 =	vadd.s32 s31, v21;
	v21 =	vld.idx.msk [tilespmem:v20+s14+$0x0], $0xffff  }
0x2c5: {  	v20 =	vsub.s32 v16, v17;
	v22 =	vshra.s32 v19, $0x1F  }
0x2c6: {  	s29 =	simm.s32 $0x0;
	v23 =	vshrl.u32 v22, $0x16  }
0x2c7: {  	v22 =	vmov s29;
	s29 =	simm.s32 $0x10;
	v23 =	vadd.s32 v23, v19  }
.LBB2_58:
0x2c8: {  	s30 =	sadd.s32 s29, s26;
	vm2 =	vlt.s32 v22, v15;
	v22 =	vshrl.u32 v23, $0xA;
	v16 =	vadd.s32 $0x400, v16  }
0x2c9: {  	s28 =	sadd.s32 $0x1, s28;
	v23 =	vadd.s32 s30, v1;
	v22 =	vshll.u32 v22, $0xA;
	vm3 =	vge.s32 v16, v21  }
0x2ca: {  	v18 =	vshll.u32 v18, $0xA;
	p4 =	seq.s32 s28, $0x0;
	v16 =	vsub.s32 v19, v22;
	vm2 =	vmand vm2, vm3;
	v19 =	vld.idx.msk [tilespmem:v20+s18+$0x0], $0xffff  }
0x2cb: {  	vm3 =	vlt.s32 v23, v14;
	v18 =	vadd.s32 v18, v16  }
0x2cc: {  	v16 =	vsel vm3, v23, v14;
	_ =	sdelay $0x3  }
0x2cd: {  	[tilespmem:v18+s17+$0x0] =	vst.idx.msk vm2, v19  }
0x2ce: {  	v18 =	vld.idx.msk [tilespmem:v16+s22+$0x0], $0xffff;
	_ =	sdelay $0x5  }
0x2cf: {  	v18 =	vsub.s32 v18, v9;
	_ =	sdelay $0x4  }
0x2d0: {  	v20 =	vadd.s32 $0x1, v18;
	v19 =	vld.idx.msk [tilespmem:v18+s14+$0x0], $0xffff;
	_ =	sdelay $0x4  }
.Ltmp36:
0x2d1: {  	v21 =	vld.idx.msk [tilespmem:v20+s14+$0x0], $0xffff;
	(pc) =	sbr.rel @!p4 .LBB2_58-.Ltmp36, $4  }
0x2d2: {  	v19 =	vsub.s32 v16, v19  }
0x2d3: {  	v20 =	vsub.s32 v16, v17;
	v22 =	vshra.s32 v19, $0x1F  }
0x2d4: {  	v23 =	vshrl.u32 v22, $0x16  }
0x2d5: {  	v22 =	vmov s29;
	s29 =	sadd.s32 $0x10, s29;
	v23 =	vadd.s32 v23, v19  }
.Ltmp37:
0x2d6: {  	_ = 	snop;
	(pc) =	sbr.rel .LBB2_59-.Ltmp37, $1  }
0x2d7: {  	_ =	sdelay $0x3  }
.LBB2_23:
0x2d8: {  	_ = 	snop  }
.LBB2_26:
0x2d9: {  	_ =	sdelay $0x4  }
0x2da: {  	[tilespmem:v20+s12+$0x0] =	vst.idx.msk @p4 vm2, v19  }
0x2db: {  	v17 =	vld.idx.msk [tilespmem:v18+s10+$0x0], $0xffff;
	_ =	sdelay $0x4  }
0x2dc: {  	v17 =	vsub.s32 v17, v9;
	_ =	sdelay $0x4  }
0x2dd: {  	v19 =	vld.idx.msk [tilespmem:v17+s14+$0x0], $0xffff;
	_ =	sdelay $0x2  }
0x2de: {  	v55 =	vadd.s32 $0x1, v17;
	_ =	sdelay $0x1  }
0x2df: {  	v19 =	vsub.s32 v18, v19  }
0x2e0: {  	v21 =	vshra.s32 v19, $0x1F  }
0x2e1: {  	v21 =	vshrl.u32 v21, $0x16  }
0x2e2: {  	v20 =	vld.idx.msk [tilespmem:v55+s14+$0x0], $0xffff;
	v21 =	vadd.s32 v21, v19  }
0x2e3: {  	v21 =	vshrl.u32 v21, $0xA  }
0x2e4: {  	v21 =	vshll.u32 v21, $0xA  }
0x2e5: {  	v22 =	vmov s28;
	v19 =	vsub.s32 v19, v21  }
0x2e6: {  	v56 =	vadd.s32 $0x400, v18;
	v17 =	vshll.u32 v17, $0xC;
	v19 =	vshll.u32 v19, $0x2  }
0x2e7: {  	vm2 =	vlt.s32 v22, v15;
	vm3 =	vge.s32 v56, v20;
	v15 =	vadd.s32 v17, v19  }
0x2e8: {  	vm2 =	vmand vm2, vm3;
	v57 =	vand.u32 $0x7C, v19;
	v15 =	vand.u32 $0xFFFFFF80, v15  }
0x2e9: {  	v58 =	vld.idx.msk [tilespmem:v16+s13+$0x0], $0xffff;
	v15 =	vor.u32 v57, v15  }
0x2ea: {  	v59 =	vor.u32 $0x1, v16;
	_ =	sdelay $0x3  }
0x2eb: {  	[tilespmem:v15+s12+$0x0] =	vst.idx.msk vm2, v58  }
0x2ec: {  	v60 =	vor.u32 $0x1, v15;
	v17 =	vld.idx.msk [tilespmem:v59+s13+$0x0], $0xffff  }
0x2ed: {  	v61 =	vor.u32 $0x2, v16;
	_ =	sdelay $0x3  }
0x2ee: {  	[tilespmem:v60+s12+$0x0] =	vst.idx.msk vm2, v17  }
0x2ef: {  	v62 =	vor.u32 $0x2, v15;
	v17 =	vld.idx.msk [tilespmem:v61+s13+$0x0], $0xffff  }
0x2f0: {  	v63 =	vor.u32 $0x3, v16;
	_ =	sdelay $0x3  }
0x2f1: {  	[tilespmem:v62+s12+$0x0] =	vst.idx.msk vm2, v17  }
0x2f2: {  	v15 =	vor.u32 $0x3, v15;
	v16 =	vld.idx.msk [tilespmem:v63+s13+$0x0], $0xffff;
	_ =	sdelay $0x4  }
0x2f3: {  	[tilespmem:v15+s12+$0x0] =	vst.idx.msk vm2, v16  }
.LBB2_27:
0x2f4: {  	s25 =	sadd.s32 $0x1, s25  }
0x2f5: {  	p4 =	sne.s32 s25, s24  }
.Ltmp38:
0x2f6: {  	_ = 	snop;
	(pc) =	sbr.rel @!p4 .LBB2_28-.Ltmp38, $2  }
0x2f7: {  	_ =	sdelay $0x2  }
0x2f8: {  	s1 =	sadd.s32 $0xFFFFFE00, s1;
	s16 =	sadd.s32 $0x200, s16  }
.LBB2_21:
0x2f9: {  	s28 =	sshll.u32 s25, $0x9  }
0x2fa: {  	s29 =	sadd.s32 s26, s28  }
0x2fb: {  	s28 =	sshra.s32 s29, $0x1F  }
0x2fc: {  	s28 =	sshrl.u32 s28, $0x1D  }
0x2fd: {  	s28 =	sadd.s32 s28, s29  }
0x2fe: {  	s28 =	sand.u32 $0xFFFFFFF8, s28  }
0x2ff: {  	p4 =	slt.s32 s28, $0x3DF8  }
0x300: {  	s28 =	simm.s32 @!p4 $0x3DF8  }
0x301: {  	s30 =	sshrl.u32 s28, $0x1  }
0x302: {  	s30 =	sand.u32 $0x1FFFFFFC, s30  }
0x303: {  	s30 =	sadd.s32 s3, s30  }
0x304: {  	[tilespmem:s13], [sflag:$0x5] =	stream.linear.gather [hbm4b:s30+s10], $0x820, $0x38;
	[tilespmem:$0x1AE00] =	vst v63  }
0x305: {  	s30 =	ssub.s32 s0, s29  }
0x306: {  	p4 =	slt.s32 s30, $0x1  }
.Ltmp39:
0x307: {  	_ = 	snop;
	(pc) =	sbr.rel @p4 .LBB2_27-.Ltmp39, $4  }
0x308: {  	_ = 	snop  }
0x309: {  	_ =	swait.ge [sflag:s21], $0x820  }
0x30a: {  	[sflag:s21] =	ssyncset.done $0x0  }
0x30b: {  	[sflag:s21] =	ssyncadd.s32 $0xFFFFF7E0  }
0x30c: {  	s29 =	smin.u32 s1, $0x200  }
0x30d: {  	s29 =	sadd.s32 $0xF, s29  }
0x30e: {  	s29 =	sshrl.u32 s29, $0x4  }
0x30f: {  	s29 =	ssub.s32 $0x0, s29  }
0x310: {  	s29 =	sadd.s32 $0x1, s29  }
0x311: {  	s31 =	sadd.s32 $0x0, s16;
	p5 =	seq.s32 s29, $0x0  }
.Ltmp40:
0x312: {  	v15 =	vadd.s32 s31, v1;
	(pc) =	sbr.rel @p5 .LBB2_23-.Ltmp40, $4  }
0x313: {  	vm2 =	vlt.s32 v15, v14  }
0x314: {  	v17 =	vmov s28;
	v16 =	vmul.u32 $0xFFFFFFFF, v1;
	v18 =	vsel vm2, v15, v14  }
0x315: {  	s28 =	smin.u32 s30, $0x200;
	v19 =	vsub.s32 v18, v17  }
0x316: {  	p4 =	por $0x0, $0x0;
	v15 =	vadd.s32 s28, v16;
	s28 =	simm.s32 $0x0;
	v16 =	vshll.u32 v19, $0x2  }
0x317: {  	_ =	sdelay $0x3  }
0x318: {  	v19 =	vld.idx.msk [tilespmem:v18+s10+$0x0], $0xffff;
	_ =	sdelay $0x4  }
0x319: {  	v19 =	vsub.s32 v19, v9;
	_ =	sdelay $0x4  }
0x31a: {  	v20 =	vld.idx.msk [tilespmem:v19+s14+$0x0], $0xffff;
	_ =	sdelay $0x2  }
0x31b: {  	v21 =	vadd.s32 $0x1, v19;
	_ =	sdelay $0x1  }
0x31c: {  	v20 =	vsub.s32 v18, v20  }
0x31d: {  	v22 =	vshra.s32 v20, $0x1F  }
0x31e: {  	v22 =	vshrl.u32 v22, $0x16  }
0x31f: {  	v21 =	vld.idx.msk [tilespmem:v21+s14+$0x0], $0xffff;
	v22 =	vadd.s32 v22, v20  }
0x320: {  	v22 =	vshrl.u32 v22, $0xA  }
0x321: {  	v22 =	vshll.u32 v22, $0xA  }
0x322: {  	v23 =	vmov s28;
	v20 =	vsub.s32 v20, v22  }
0x323: {  	v19 =	vshll.u32 v19, $0xC;
	v18 =	vadd.s32 $0x400, v18;
	v20 =	vshll.u32 v20, $0x2  }
0x324: {  	vm2 =	vlt.s32 v23, v15;
	vm3 =	vge.s32 v18, v21;
	v18 =	vadd.s32 v19, v20  }
0x325: {  	vm2 =	vmand vm2, vm3;
	v19 =	vand.u32 $0x7C, v20;
	v18 =	vand.u32 $0xFFFFFF80, v18  }
0x326: {  	v20 =	vld.idx.msk [tilespmem:v16+s13+$0x0], $0xffff;
	v21 =	vor.u32 v19, v18  }
0x327: {  	v18 =	vor.u32 $0x1, v16;
	_ =	sdelay $0x3  }
0x328: {  	[tilespmem:v21+s12+$0x0] =	vst.idx.msk vm2, v20  }
0x329: {  	v19 =	vor.u32 $0x1, v21;
	v18 =	vld.idx.msk [tilespmem:v18+s13+$0x0], $0xffff  }
0x32a: {  	v20 =	vor.u32 $0x2, v16;
	_ =	sdelay $0x3  }
0x32b: {  	[tilespmem:v19+s12+$0x0] =	vst.idx.msk vm2, v18  }
0x32c: {  	v19 =	vld.idx.msk [tilespmem:v20+s13+$0x0], $0xffff;
	v20 =	vor.u32 $0x2, v21  }
0x32d: {  	v16 =	vor.u32 $0x3, v16;
	_ =	sdelay $0x2  }
0x32e: {  	s28 =	sadd.s32 $0x10, s16;
	s29 =	sadd.s32 $0x1, s29  }
0x32f: {  	p5 =	seq.s32 s29, $0x0;
	v18 =	vadd.s32 s28, v1;
	[tilespmem:v20+s12+$0x0] =	vst.idx.msk vm2, v19  }
.Ltmp41:
0x330: {  	vm3 =	vlt.s32 v18, v14;
	v20 =	vor.u32 $0x3, v21;
	v19 =	vld.idx.msk [tilespmem:v16+s13+$0x0], $0xffff;
	(pc) =	sbr.rel @p5 .LBB2_26-.Ltmp41, $3  }
0x331: {  	v18 =	vsel vm3, v18, v14;
	_ =	sdelay $0x1  }
0x332: {  	v22 =	vsub.s32 v18, v17  }
0x333: {  	p4 =	por $0x1, $0x1;
	s28 =	simm.s32 $0x10;
	v16 =	vshll.u32 v22, $0x2  }
.LBB2_25:
0x334: {  	s29 =	sadd.s32 $0x1, s29;
	[tilespmem:v20+s12+$0x0] =	vst.idx.msk vm2, v19  }
0x335: {  	p5 =	seq.s32 s29, $0x0;
	v19 =	vld.idx.msk [tilespmem:v18+s10+$0x0], $0xffff;
	_ =	sdelay $0x5  }
0x336: {  	v19 =	vsub.s32 v19, v9  }
0x337: {  	v20 =	vadd.s32 $0x1, v19;
	_ =	sdelay $0x3  }
0x338: {  	v21 =	vld.idx.msk [tilespmem:v19+s14+$0x0], $0xffff;
	_ =	sdelay $0x5  }
0x339: {  	v21 =	vsub.s32 v18, v21  }
0x33a: {  	v22 =	vshra.s32 v21, $0x1F  }
0x33b: {  	v22 =	vshrl.u32 v22, $0x16;
	v20 =	vld.idx.msk [tilespmem:v20+s14+$0x0], $0xffff  }
0x33c: {  	v22 =	vadd.s32 v22, v21  }
0x33d: {  	v22 =	vshrl.u32 v22, $0xA  }
0x33e: {  	v22 =	vshll.u32 v22, $0xA  }
0x33f: {  	v23 =	vmov s28;
	v21 =	vsub.s32 v21, v22  }
0x340: {  	v19 =	vshll.u32 v19, $0xC;
	v18 =	vadd.s32 $0x400, v18;
	v21 =	vshll.u32 v21, $0x2  }
0x341: {  	vm2 =	vlt.s32 v23, v15;
	vm3 =	vge.s32 v18, v20;
	v18 =	vadd.s32 v19, v21  }
0x342: {  	v20 =	vand.u32 $0x7C, v21;
	vm2 =	vmand vm2, vm3;
	v18 =	vand.u32 $0xFFFFFF80, v18;
	v19 =	vld.idx.msk [tilespmem:v16+s13+$0x0], $0xffff  }
0x343: {  	v18 =	vor.u32 v20, v18  }
0x344: {  	v20 =	vor.u32 $0x1, v16;
	_ =	sdelay $0x3  }
0x345: {  	[tilespmem:v18+s12+$0x0] =	vst.idx.msk vm2, v19  }
0x346: {  	v19 =	vld.idx.msk [tilespmem:v20+s13+$0x0], $0xffff  }
0x347: {  	v20 =	vor.u32 $0x1, v18  }
0x348: {  	v21 =	vor.u32 $0x2, v16;
	_ =	sdelay $0x3  }
0x349: {  	[tilespmem:v20+s12+$0x0] =	vst.idx.msk vm2, v19  }
0x34a: {  	v19 =	vld.idx.msk [tilespmem:v21+s13+$0x0], $0xffff  }
0x34b: {  	v20 =	vor.u32 $0x2, v18  }
0x34c: {  	v16 =	vor.u32 $0x3, v16;
	_ =	sdelay $0x2  }
0x34d: {  	s28 =	sadd.s32 $0x10, s28  }
0x34e: {  	s30 =	sadd.s32 s28, s16;
	[tilespmem:v20+s12+$0x0] =	vst.idx.msk vm2, v19  }
.Ltmp42:
0x34f: {  	v21 =	vadd.s32 s30, v1;
	v19 =	vld.idx.msk [tilespmem:v16+s13+$0x0], $0xffff;
	(pc) =	sbr.rel @!p5 .LBB2_25-.Ltmp42, $4  }
0x350: {  	vm3 =	vlt.s32 v21, v14;
	v20 =	vor.u32 $0x3, v18  }
0x351: {  	v18 =	vsel vm3, v21, v14  }
0x352: {  	v16 =	vsub.s32 v18, v17  }
0x353: {  	v16 =	vshll.u32 v16, $0x2  }
.Ltmp43:
0x354: {  	_ = 	snop;
	(pc) =	sbr.rel .LBB2_26-.Ltmp43, $1  }
0x355: {  	_ =	sdelay $0x3  }
.LBB2_28:
.Ltmp44:
0x356: {  	s0 =	rddreg [dreg:$0x13];
	(pc) =	sbr.rel .LBB2_62-.Ltmp44, $4  }
0x357: {  	[hbm4b:s0+s10] =	stream.linear.scatter [tilespmem:s12], [sflag:$0x5], $0x8000, $0x38;
	[tilespmem:$0x1AE00] =	vst v63  }
0x358: {  	_ =	swait.ge [sflag:s21], $0x8000  }
0x359: {  	[sflag:s21] =	ssyncset.done $0x0  }
0x35a: {  	[sflag:s21] =	ssyncadd.s32 $0xFFFF8000  }
.LBB2_35:
0x35b: {  	_ = 	snop  }
.LBB2_38:
0x35c: {  	_ =	sdelay $0x4  }
0x35d: {  	[tilespmem:v20+s12+$0x0] =	vst.idx.msk @p4 vm2, v19  }
0x35e: {  	v17 =	vld.idx.msk [tilespmem:v18+s22+$0x0], $0xffff;
	_ =	sdelay $0x4  }
0x35f: {  	v17 =	vsub.s32 v17, v9;
	_ =	sdelay $0x4  }
0x360: {  	v19 =	vld.idx.msk [tilespmem:v17+s14+$0x0], $0xffff;
	_ =	sdelay $0x2  }
0x361: {  	v55 =	vadd.s32 $0x1, v17;
	_ =	sdelay $0x1  }
0x362: {  	v19 =	vsub.s32 v18, v19  }
0x363: {  	v21 =	vshra.s32 v19, $0x1F  }
0x364: {  	v21 =	vshrl.u32 v21, $0x16  }
0x365: {  	v20 =	vld.idx.msk [tilespmem:v55+s14+$0x0], $0xffff;
	v21 =	vadd.s32 v21, v19  }
0x366: {  	v21 =	vshrl.u32 v21, $0xA  }
0x367: {  	v21 =	vshll.u32 v21, $0xA  }
0x368: {  	v22 =	vmov s28;
	v19 =	vsub.s32 v19, v21  }
0x369: {  	v56 =	vadd.s32 $0x400, v18;
	v17 =	vshll.u32 v17, $0xC;
	v19 =	vshll.u32 v19, $0x2  }
0x36a: {  	vm2 =	vlt.s32 v22, v15;
	vm3 =	vge.s32 v56, v20;
	v15 =	vadd.s32 v17, v19  }
0x36b: {  	vm2 =	vmand vm2, vm3;
	v57 =	vand.u32 $0x7C, v19;
	v15 =	vand.u32 $0xFFFFFF80, v15  }
0x36c: {  	v58 =	vld.idx.msk [tilespmem:v16+s13+$0x0], $0xffff;
	v15 =	vor.u32 v57, v15  }
0x36d: {  	v59 =	vor.u32 $0x1, v16;
	_ =	sdelay $0x3  }
0x36e: {  	[tilespmem:v15+s12+$0x0] =	vst.idx.msk vm2, v58  }
0x36f: {  	v60 =	vor.u32 $0x1, v15;
	v17 =	vld.idx.msk [tilespmem:v59+s13+$0x0], $0xffff  }
0x370: {  	v61 =	vor.u32 $0x2, v16;
	_ =	sdelay $0x3  }
0x371: {  	[tilespmem:v60+s12+$0x0] =	vst.idx.msk vm2, v17  }
0x372: {  	v62 =	vor.u32 $0x2, v15;
	v17 =	vld.idx.msk [tilespmem:v61+s13+$0x0], $0xffff  }
0x373: {  	v63 =	vor.u32 $0x3, v16;
	_ =	sdelay $0x3  }
0x374: {  	[tilespmem:v62+s12+$0x0] =	vst.idx.msk vm2, v17  }
0x375: {  	v15 =	vor.u32 $0x3, v15;
	v16 =	vld.idx.msk [tilespmem:v63+s13+$0x0], $0xffff;
	_ =	sdelay $0x4  }
0x376: {  	[tilespmem:v15+s12+$0x0] =	vst.idx.msk vm2, v16  }
.LBB2_39:
0x377: {  	s25 =	sadd.s32 $0x1, s25  }
0x378: {  	p4 =	sne.s32 s25, s24  }
.Ltmp45:
0x379: {  	_ = 	snop;
	(pc) =	sbr.rel @!p4 .LBB2_40-.Ltmp45, $2  }
0x37a: {  	_ =	sdelay $0x2  }
0x37b: {  	s1 =	sadd.s32 $0xFFFFFE00, s1;
	s26 =	sadd.s32 $0x200, s26  }
.LBB2_33:
0x37c: {  	s28 =	sshll.u32 s25, $0x9  }
0x37d: {  	s29 =	sadd.s32 s16, s28  }
0x37e: {  	s28 =	sshra.s32 s29, $0x1F  }
0x37f: {  	s28 =	sshrl.u32 s28, $0x1D  }
0x380: {  	s28 =	sadd.s32 s28, s29  }
0x381: {  	s28 =	sand.u32 $0xFFFFFFF8, s28  }
0x382: {  	p4 =	slt.s32 s28, $0x3DF8  }
0x383: {  	s28 =	simm.s32 @!p4 $0x3DF8  }
0x384: {  	s30 =	sshrl.u32 s28, $0x1  }
0x385: {  	s30 =	sand.u32 $0x1FFFFFFC, s30  }
0x386: {  	s30 =	sadd.s32 s5, s30  }
0x387: {  	[tilespmem:s13], [sflag:$0x5] =	stream.linear.gather [hbm4b:s30+s10], $0x820, $0x38;
	[tilespmem:$0x1AE00] =	vst v63  }
0x388: {  	s30 =	ssub.s32 s0, s29  }
0x389: {  	p4 =	slt.s32 s30, $0x1  }
.Ltmp46:
0x38a: {  	_ = 	snop;
	(pc) =	sbr.rel @p4 .LBB2_39-.Ltmp46, $4  }
0x38b: {  	_ = 	snop  }
0x38c: {  	_ =	swait.ge [sflag:s21], $0x820  }
0x38d: {  	[sflag:s21] =	ssyncset.done $0x0  }
0x38e: {  	[sflag:s21] =	ssyncadd.s32 $0xFFFFF7E0  }
0x38f: {  	s29 =	smin.u32 s1, $0x200  }
0x390: {  	s29 =	sadd.s32 $0xF, s29  }
0x391: {  	s29 =	sshrl.u32 s29, $0x4  }
0x392: {  	s29 =	ssub.s32 $0x0, s29  }
0x393: {  	s29 =	sadd.s32 $0x1, s29  }
0x394: {  	s31 =	sadd.s32 $0x0, s26;
	p5 =	seq.s32 s29, $0x0  }
.Ltmp47:
0x395: {  	v15 =	vadd.s32 s31, v1;
	(pc) =	sbr.rel @p5 .LBB2_35-.Ltmp47, $4  }
0x396: {  	vm2 =	vlt.s32 v15, v14  }
0x397: {  	v17 =	vmov s28;
	v16 =	vmul.u32 $0xFFFFFFFF, v1;
	v18 =	vsel vm2, v15, v14  }
0x398: {  	s28 =	smin.u32 s30, $0x200;
	v19 =	vsub.s32 v18, v17  }
0x399: {  	p4 =	por $0x0, $0x0;
	v15 =	vadd.s32 s28, v16;
	s28 =	simm.s32 $0x0;
	v16 =	vshll.u32 v19, $0x2  }
0x39a: {  	_ =	sdelay $0x3  }
0x39b: {  	v19 =	vld.idx.msk [tilespmem:v18+s22+$0x0], $0xffff;
	_ =	sdelay $0x4  }
0x39c: {  	v19 =	vsub.s32 v19, v9;
	_ =	sdelay $0x4  }
0x39d: {  	v20 =	vld.idx.msk [tilespmem:v19+s14+$0x0], $0xffff;
	_ =	sdelay $0x2  }
0x39e: {  	v21 =	vadd.s32 $0x1, v19;
	_ =	sdelay $0x1  }
0x39f: {  	v20 =	vsub.s32 v18, v20  }
0x3a0: {  	v22 =	vshra.s32 v20, $0x1F  }
0x3a1: {  	v22 =	vshrl.u32 v22, $0x16  }
0x3a2: {  	v21 =	vld.idx.msk [tilespmem:v21+s14+$0x0], $0xffff;
	v22 =	vadd.s32 v22, v20  }
0x3a3: {  	v22 =	vshrl.u32 v22, $0xA  }
0x3a4: {  	v22 =	vshll.u32 v22, $0xA  }
0x3a5: {  	v23 =	vmov s28;
	v20 =	vsub.s32 v20, v22  }
0x3a6: {  	v19 =	vshll.u32 v19, $0xC;
	v18 =	vadd.s32 $0x400, v18;
	v20 =	vshll.u32 v20, $0x2  }
0x3a7: {  	vm2 =	vlt.s32 v23, v15;
	vm3 =	vge.s32 v18, v21;
	v18 =	vadd.s32 v19, v20  }
0x3a8: {  	vm2 =	vmand vm2, vm3;
	v19 =	vand.u32 $0x7C, v20;
	v18 =	vand.u32 $0xFFFFFF80, v18  }
0x3a9: {  	v20 =	vld.idx.msk [tilespmem:v16+s13+$0x0], $0xffff;
	v21 =	vor.u32 v19, v18  }
0x3aa: {  	v18 =	vor.u32 $0x1, v16;
	_ =	sdelay $0x3  }
0x3ab: {  	[tilespmem:v21+s12+$0x0] =	vst.idx.msk vm2, v20  }
0x3ac: {  	v19 =	vor.u32 $0x1, v21;
	v18 =	vld.idx.msk [tilespmem:v18+s13+$0x0], $0xffff  }
0x3ad: {  	v20 =	vor.u32 $0x2, v16;
	_ =	sdelay $0x3  }
0x3ae: {  	[tilespmem:v19+s12+$0x0] =	vst.idx.msk vm2, v18  }
0x3af: {  	v19 =	vld.idx.msk [tilespmem:v20+s13+$0x0], $0xffff;
	v20 =	vor.u32 $0x2, v21  }
0x3b0: {  	v16 =	vor.u32 $0x3, v16;
	_ =	sdelay $0x2  }
0x3b1: {  	s28 =	sadd.s32 $0x10, s26;
	s29 =	sadd.s32 $0x1, s29  }
0x3b2: {  	p5 =	seq.s32 s29, $0x0;
	v18 =	vadd.s32 s28, v1;
	[tilespmem:v20+s12+$0x0] =	vst.idx.msk vm2, v19  }
.Ltmp48:
0x3b3: {  	vm3 =	vlt.s32 v18, v14;
	v20 =	vor.u32 $0x3, v21;
	v19 =	vld.idx.msk [tilespmem:v16+s13+$0x0], $0xffff;
	(pc) =	sbr.rel @p5 .LBB2_38-.Ltmp48, $3  }
0x3b4: {  	v18 =	vsel vm3, v18, v14;
	_ =	sdelay $0x1  }
0x3b5: {  	v22 =	vsub.s32 v18, v17  }
0x3b6: {  	p4 =	por $0x1, $0x1;
	s28 =	simm.s32 $0x10;
	v16 =	vshll.u32 v22, $0x2  }
.LBB2_37:
0x3b7: {  	s29 =	sadd.s32 $0x1, s29;
	[tilespmem:v20+s12+$0x0] =	vst.idx.msk vm2, v19  }
0x3b8: {  	p5 =	seq.s32 s29, $0x0;
	v19 =	vld.idx.msk [tilespmem:v18+s22+$0x0], $0xffff;
	_ =	sdelay $0x5  }
0x3b9: {  	v19 =	vsub.s32 v19, v9  }
0x3ba: {  	v20 =	vadd.s32 $0x1, v19;
	_ =	sdelay $0x3  }
0x3bb: {  	v21 =	vld.idx.msk [tilespmem:v19+s14+$0x0], $0xffff;
	_ =	sdelay $0x5  }
0x3bc: {  	v21 =	vsub.s32 v18, v21  }
0x3bd: {  	v22 =	vshra.s32 v21, $0x1F  }
0x3be: {  	v22 =	vshrl.u32 v22, $0x16;
	v20 =	vld.idx.msk [tilespmem:v20+s14+$0x0], $0xffff  }
0x3bf: {  	v22 =	vadd.s32 v22, v21  }
0x3c0: {  	v22 =	vshrl.u32 v22, $0xA  }
0x3c1: {  	v22 =	vshll.u32 v22, $0xA  }
0x3c2: {  	v23 =	vmov s28;
	v21 =	vsub.s32 v21, v22  }
0x3c3: {  	v19 =	vshll.u32 v19, $0xC;
	v18 =	vadd.s32 $0x400, v18;
	v21 =	vshll.u32 v21, $0x2  }
0x3c4: {  	vm2 =	vlt.s32 v23, v15;
	vm3 =	vge.s32 v18, v20;
	v18 =	vadd.s32 v19, v21  }
0x3c5: {  	v20 =	vand.u32 $0x7C, v21;
	vm2 =	vmand vm2, vm3;
	v18 =	vand.u32 $0xFFFFFF80, v18;
	v19 =	vld.idx.msk [tilespmem:v16+s13+$0x0], $0xffff  }
0x3c6: {  	v18 =	vor.u32 v20, v18  }
0x3c7: {  	v20 =	vor.u32 $0x1, v16;
	_ =	sdelay $0x3  }
0x3c8: {  	[tilespmem:v18+s12+$0x0] =	vst.idx.msk vm2, v19  }
0x3c9: {  	v19 =	vld.idx.msk [tilespmem:v20+s13+$0x0], $0xffff  }
0x3ca: {  	v20 =	vor.u32 $0x1, v18  }
0x3cb: {  	v21 =	vor.u32 $0x2, v16;
	_ =	sdelay $0x3  }
0x3cc: {  	[tilespmem:v20+s12+$0x0] =	vst.idx.msk vm2, v19  }
0x3cd: {  	v19 =	vld.idx.msk [tilespmem:v21+s13+$0x0], $0xffff  }
0x3ce: {  	v20 =	vor.u32 $0x2, v18  }
0x3cf: {  	v16 =	vor.u32 $0x3, v16;
	_ =	sdelay $0x2  }
0x3d0: {  	s28 =	sadd.s32 $0x10, s28  }
0x3d1: {  	s30 =	sadd.s32 s28, s26;
	[tilespmem:v20+s12+$0x0] =	vst.idx.msk vm2, v19  }
.Ltmp49:
0x3d2: {  	v21 =	vadd.s32 s30, v1;
	v19 =	vld.idx.msk [tilespmem:v16+s13+$0x0], $0xffff;
	(pc) =	sbr.rel @!p5 .LBB2_37-.Ltmp49, $4  }
0x3d3: {  	vm3 =	vlt.s32 v21, v14;
	v20 =	vor.u32 $0x3, v18  }
0x3d4: {  	v18 =	vsel vm3, v21, v14  }
0x3d5: {  	v16 =	vsub.s32 v18, v17  }
0x3d6: {  	v16 =	vshll.u32 v16, $0x2  }
.Ltmp50:
0x3d7: {  	_ = 	snop;
	(pc) =	sbr.rel .LBB2_38-.Ltmp50, $1  }
0x3d8: {  	_ =	sdelay $0x3  }
.LBB2_40:
.Ltmp51:
0x3d9: {  	s0 =	rddreg [dreg:$0xd];
	(pc) =	sbr.rel .LBB2_62-.Ltmp51, $4  }
0x3da: {  	[hbm4b:s0+s10] =	stream.linear.scatter [tilespmem:s12], [sflag:$0x5], $0x8000, $0x38;
	[tilespmem:$0x1AE00] =	vst v63  }
0x3db: {  	_ =	swait.ge [sflag:s21], $0x8000  }
0x3dc: {  	[sflag:s21] =	ssyncset.done $0x0  }
0x3dd: {  	[sflag:s21] =	ssyncadd.s32 $0xFFFF8000  }
.LBB2_63:
0x3de: {  	_ =	sfence.sel $0x180000  }
0x3df: {  	[bflag:$0x0] =	sbarrier.arrive $0xFFFF  }
0x3e0: {  	_ =	strace $0x90000047  }
0x3e1: {  	s0 =	stileid.u32;
	[bflag:$0x2] =	sbarrier.arrive $0xFFFF  }
0x3e2: {  	p0 =	sne.s32 s0, $0x0;
	s0 =	rddreg [dreg:$0xb]  }
0x3e3: {  	s0 =	sadd.s32 @!p0 $0x100000, s0  }
0x3e4: {  	[sflag:s0] =	ssyncadd.tile.s32 @!p0 $0x1;
	_ =	shalt  }
.Lfunc_end2:
_tile_overlayer_lowered:
.L_overlay_start_2:
0x3e5: {  	(tag) =	ssettag $0x2  }
0x3e6: {  	s0 =	rddreg [dreg:$0x0];
	s2 =	stileid.u32  }
0x3e7: {  	s1 =	rddreg [dreg:$0x1];
	p0 =	sne.s32 s2, $0x0  }
0x3e8: {  	s3 =	rddreg [dreg:$0x2];
	[bflag:$0x3] =	sbarrier.arrive $0xFFFF;
	s2 =	simm.s32 @!p0 $0x1C05  }
0x3e9: {  	[timem:s3], [sflag:s2] =	dma.local @!p0 [hbm:s0], s1  }
0x3ea: {  	s0 =	simm.s32 @!p0 $0x5  }
0x3eb: {  	_ =	swait.ge @!p0 [sflag:s0], s1  }
0x3ec: {  	s1 =	ssub.s32 @!p0 $0x0, s1;
	[sflag:s0] =	ssyncset.done @!p0 $0x0  }
0x3ed: {  	[sflag:s0] =	ssyncadd.s32 @!p0 s1  }
0x3ee: {  	[bflag:$0x3] =	sbarrier.arrive $0xFFFF  }
0x3ef: {  	_ =	shalt  }

// kernel: kernel.9.cloned.1.call-start
scs
__scs_entry_jumppad:
0x0: {  	(pc) =	sbr.rel $0x88, $3  }
0x1: {  	(tag) =	ssettag $0x0;
	lr =	simm.s32 $0x1  }
0x2: {  	[smem:$0x3F93] =	sst lr;
	_ =	strace $0xD0000000  }
0x3: {  	_ = 	snop  }
0x4: {  	_ = 	snop  }
0x5: {  	_ = 	snop  }
0x6: {  	_ = 	snop  }
0x7: {  	_ = 	snop  }
__scs_overlays_trampoline_lowered:
0x8: {  	[smem:$0x3FA2] =	sst s0  }
0x9: {  	[smem:$0x3FA3] =	sst s1  }
0xa: {  	[smem:$0x3FA4] =	sst s2  }
0xb: {  	[smem:$0x3FA5] =	sst s3  }
0xc: {  	[smem:$0x3FA6] =	sst s4  }
0xd: {  	[smem:$0x3FA7] =	sst s5  }
0xe: {  	[smem:$0x3FA8] =	sst s6  }
0xf: {  	[smem:$0x3FA9] =	sst s7  }
0x10: {  	[smem:$0x3FAA] =	sst s8  }
0x11: {  	[smem:$0x3FAB] =	sst s9;
	s0 =	simm.s32 @!p0 $0x0  }
0x12: {  	s1 =	sld [smem:$0x3F91];
	s0 =	simm.s32 @p0 $0x1  }
0x13: {  	[smem:$0x3FAC] =	sst s0;
	s0 =	simm.s32 @!p1 $0x0  }
0x14: {  	s2 =	sld [smem:$0x3F90];
	s0 =	simm.s32 @p1 $0x1  }
0x15: {  	[smem:$0x3FAD] =	sst s0;
	s0 =	simm.s32 @!p2 $0x0  }
0x16: {  	s3 =	sld [smem:$0x3FDB];
	s0 =	simm.s32 @p2 $0x1  }
0x17: {  	s4 =	simm.s32 $0x1BF5;
	[smem:$0x3FAF] =	sst s0  }
0x18: {  	s0 =	sld [smem:$0x3F92];
	_ =	swait.ge [sflag:s4], $0x0  }
0x19: {  	s7 =	sld [smem:$0x3F93]  }
0x1a: {  	s8 =	sadd.s32 $0xFFFFE003, lr  }
0x1b: {  	s9 =	sadd.s32 $0xFFFFFEF7, lr;
	s5 =	simm.s32 $0xFFFFFFFF;
	p2 =	slt.u32 s8, $0xFFFFF086  }
0x1c: {  	p1 =	slt.u32 s9, $0xF7A;
	s5 =	simm.s32 @!p2 $0x0  }
0x1d: {  	s5 =	simm.s32 @p1 $0x1;
	p0 =	seq.s32 s7, s2  }
0x1e: {  	s7 =	smul.u32 @!p0 $0xF7A, s2;
	p2 =	seq.s32 @!p0 s5, $0x0  }
0x1f: {  	s9 =	smul.u32 $0xF7A, s1;
	s8 =	simm.s32 @!p0 $0x1BF5;
	p2 =	por !p2, p0  }
0x20: {  	[sflag:s8] =	ssyncset.s32 @!p0 $0xFFFFF086;
	s6 =	sadd.s32 @!p0 s3, s7;
	s7 =	simm.s32 @!p0 $0x108  }
0x21: {  	s3 =	sadd.s32 s3, s9;
	s6 =	sadd.s32 @!p0 $0x88, s6;
	s7 =	simm.s32 @p2 $0x1082  }
0x22: {  	[simem:s7], [sflag:s8] =	dma.local @!p0 [hbm:s6], $0xF7A  }
0x23: {  	s9 =	sor.u32 $0xD0000000, s2;
	s6 =	simm.s32 $0x108;
	_ =	swait.ge @!p0 [sflag:s8], $0x0  }
0x24: {  	s3 =	sadd.s32 $0x88, s3;
	s6 =	simm.s32 @!p1 $0x1082;
	[sflag:s4] =	ssyncset.s32 $0xFFFFF086  }
0x25: {  	[simem:s6], [sflag:s4] =	dma.local [hbm:s3], $0xF7A  }
0x26: {  	[smem:$0x3F93] =	sst s1;
	(tag) =	ssettag s2;
	_ =	strace s9  }
0x27: {  	s1 =	sld [smem:$0x3FA3]  }
0x28: {  	s2 =	sld [smem:$0x3FA4]  }
0x29: {  	s4 =	sld [smem:$0x3FA6]  }
0x2a: {  	p0 =	seq.s32 s5, $0x0;
	s5 =	sld [smem:$0x3FA7]  }
0x2b: {  	s6 =	sld [smem:$0x3FA8]  }
0x2c: {  	s7 =	sld [smem:$0x3FA9]  }
0x2d: {  	s3 =	simm.s32 $0x108;
	s8 =	sld [smem:$0x3FAA]  }
0x2e: {  	s3 =	simm.s32 @!p0 $0x1082;
	s9 =	sld [smem:$0x3FAB]  }
0x2f: {  	lr =	sadd.s32 s0, s3;
	s0 =	sld [smem:$0x3FA2]  }
0x30: {  	s3 =	sld [smem:$0x3FA5]  }
0x31: {  	[smem:$0x3FAE] =	sst s10  }
0x32: {  	s10 =	sld [smem:$0x3FAC];
	_ =	sdelay $0x3  }
0x33: {  	p0 =	seq.s32 s10, $0x1;
	s10 =	sld [smem:$0x3FAE];
	_ =	sdelay $0x3  }
0x34: {  	[smem:$0x3FAE] =	sst s10  }
0x35: {  	s10 =	sld [smem:$0x3FAD];
	_ =	sdelay $0x3  }
0x36: {  	p1 =	seq.s32 s10, $0x1;
	s10 =	sld [smem:$0x3FAE];
	_ =	sdelay $0x3  }
0x37: {  	[smem:$0x3FAE] =	sst s10  }
0x38: {  	s10 =	sld [smem:$0x3FAF]  }
0x39: {  	_ = 	snop;
	(pc) =	sbr.ind lr, $3  }
0x3a: {  	_ = 	snop  }
0x3b: {  	_ = 	snop  }
0x3c: {  	p2 =	seq.s32 s10, $0x1;
	s10 =	sld [smem:$0x3FAE]  }
0x3d: {  	_ =	shalt  }
0x3e: {  	_ =	shalt  }
0x3f: {  	_ =	shalt  }
0x40: {  	_ =	shalt  }
0x41: {  	_ =	shalt  }
0x42: {  	_ =	shalt  }
0x43: {  	_ =	shalt  }
0x44: {  	_ =	shalt  }
0x45: {  	_ =	shalt  }
0x46: {  	_ =	shalt  }
0x47: {  	_ =	shalt  }
0x48: {  	_ =	shalt  }
0x49: {  	_ =	shalt  }
0x4a: {  	_ =	shalt  }
0x4b: {  	_ =	shalt  }
0x4c: {  	_ =	shalt  }
0x4d: {  	_ =	shalt  }
0x4e: {  	_ =	shalt  }
0x4f: {  	_ =	shalt  }
0x50: {  	_ =	shalt  }
0x51: {  	_ =	shalt  }
0x52: {  	_ =	shalt  }
0x53: {  	_ =	shalt  }
0x54: {  	_ =	shalt  }
0x55: {  	_ =	shalt  }
0x56: {  	_ =	shalt  }
0x57: {  	_ =	shalt  }
0x58: {  	_ =	shalt  }
0x59: {  	_ =	shalt  }
0x5a: {  	_ =	shalt  }
0x5b: {  	_ =	shalt  }
0x5c: {  	_ =	shalt  }
0x5d: {  	_ =	shalt  }
0x5e: {  	_ =	shalt  }
0x5f: {  	_ =	shalt  }
0x60: {  	_ =	shalt  }
0x61: {  	_ =	shalt  }
0x62: {  	_ =	shalt  }
0x63: {  	_ =	shalt  }
0x64: {  	_ =	shalt  }
0x65: {  	_ =	shalt  }
0x66: {  	_ =	shalt  }
0x67: {  	_ =	shalt  }
0x68: {  	_ =	shalt  }
0x69: {  	_ =	shalt  }
0x6a: {  	_ =	shalt  }
0x6b: {  	_ =	shalt  }
0x6c: {  	_ =	shalt  }
0x6d: {  	_ =	shalt  }
0x6e: {  	_ =	shalt  }
0x6f: {  	_ =	shalt  }
0x70: {  	_ =	shalt  }
0x71: {  	_ =	shalt  }
0x72: {  	_ =	shalt  }
0x73: {  	_ =	shalt  }
0x74: {  	_ =	shalt  }
0x75: {  	_ =	shalt  }
0x76: {  	_ =	shalt  }
0x77: {  	_ =	shalt  }
0x78: {  	_ =	shalt  }
0x79: {  	_ =	shalt  }
0x7a: {  	_ =	shalt  }
0x7b: {  	_ =	shalt  }
0x7c: {  	_ =	shalt  }
0x7d: {  	_ =	shalt  }
0x7e: {  	_ =	shalt  }
0x7f: {  	_ =	shalt  }
0x80: {  	_ =	shalt  }
0x81: {  	_ =	shalt  }
0x82: {  	_ =	shalt  }
0x83: {  	_ =	shalt  }
0x84: {  	_ =	shalt  }
0x85: {  	_ =	shalt  }
0x86: {  	_ =	shalt  }
0x87: {  	_ =	shalt  }
.Lfunc_end0:
.L_simem_size_0:
called_computation.1_lowered:
.L_overlay_start_0:
0x88: {  	s2 =	sld [smem:$0x3FD9]  }
0x89: {  	s3 =	sld [smem:$0x3FFE];
	_ =	sdelay $0x1  }
0x8a: {  	s1 =	srdreg.scid  }
0x8b: {  	s0 =	sand.u32 $0x1, s1  }
0x8c: {  	s16 =	sshll.u32 s0, $0xA;
	s2 =	sadd.s32 s3, s2  }
0x8d: {  	s2 =	sadd.s32 s2, s16  }
0x8e: {  	[smem:$0x3FBA] =	sst s2  }
0x8f: {  	_ = 	snop  }
0x90: {  	s4 =	sld [smem:$0x3FD0];
	_ =	sdelay $0x1  }
0x91: {  	s2 =	sld [smem:$0x3FC5]  }
0x92: {  	s5 =	simm.s32 $0xB;
	s6 =	simm.s32 $0x10;
	s17 =	sld [smem:$0x3FC2]  }
0x93: {  	[smem:s6], [sflag:s5] =	dma.local [hbm:s4], $0x1  }
0x94: {  	_ =	swait.eq [sflag:s5], $0x1  }
0x95: {  	[sflag:s5] =	ssyncset.done $0x0  }
0x96: {  	[sflag:s5] =	ssyncadd.s32 $0xFFFFFFFF  }
0x97: {  	s18 =	sld [smem:$0x13];
	(tm) =	ssettm $0x1  }
0x98: {  	s19 =	sld [smem:$0x3FFB];
	_ =	sdelay $0x3  }
0x99: {  	_ =	strace s19  }
0x9a: {  	s4 =	sld [smem:$0x3FFC];
	_ =	sdelay $0x3  }
0x9b: {  	_ =	strace s4  }
0x9c: {  	s4 =	sld [smem:$0x3FFD];
	_ =	sdelay $0x3  }
0x9d: {  	_ =	strace s4  }
0x9e: {  	_ =	strace $0x8FFFFFFF  }
0x9f: {  	s20 =	sld [smem:$0x3FDB];
	_ =	sdelay $0x1  }
0xa0: {  	s21 =	simm.s32 $_scs_section_size  }
0xa1: {  	s7 =	simm.s32 $_size__tile_overlayer_lowered;
	s8 =	simm.s32 $_tile_overlayer_lowered  }
0xa2: {  	s9 =	simm.s32 $0x1BFF;
	s22 =	sshll.u32 s8, $0x1;
	s6 =	sadd.s32 s21, s20  }
0xa3: {  	s23 =	simm.s32 $0x0;
	s7 =	sshll.u32 s7, $0x1;
	s8 =	sadd.s32 s22, s6  }
0xa4: {  	[timem:s23], [sflag:s9] =	dma.local [hbm:s8], s7  }
0xa5: {  	_ =	swait.ge [sflag:s9], s7  }
0xa6: {  	s7 =	ssub.s32 $0x0, s7;
	[sflag:s9] =	ssyncset.done $0x0  }
0xa7: {  	[sflag:s9] =	ssyncadd.s32 s7;
	_ =	sdelay $0x1  }
0xa8: {  	s24 =	simm.s32 $0x1B8B  }
0xa9: {  	_ =	swait.ge [sflag:s24], $0x1  }
0xaa: {  	[sflag:s24] =	ssyncset.done $0x0  }
0xab: {  	[sflag:s24] =	ssyncadd.s32 $0xFFFFFFFF  }
0xac: {  	s7 =	sld [smem:$0x0]  }
0xad: {  	s8 =	sand.u32 $0xFFFFFFFE, s1  }
0xae: {  	p0 =	sne.s32 s1, s8  }
0xaf: {  	s8 =	sshll.u32 @p0 s8, $0xE  }
0xb0: {  	s8 =	sadd.s32 @p0 $0x11B8D, s8;
	s9 =	sshll.u32 @p0 s7, $0x11  }
0xb1: {  	s8 =	sor.u32 @p0 s9, s8  }
0xb2: {  	[sflag:s8] =	ssyncadd.remote.s32 @p0 $0x1;
	_ =	sdelay $0x1  }
0xb3: {  	s8 =	simm.s32 @p0 $0x1B8D  }
0xb4: {  	_ =	swait.eq @p0 [sflag:s8], $0x1  }
0xb5: {  	[sflag:s8] =	ssyncadd.s32 @p0 $0xFFFFFFFF  }
0xb6: {  	s9 =	sshll.u32 @!p0 s1, $0xE  }
0xb7: {  	s9 =	sor.u32 @!p0 $0x4000, s9;
	s8 =	simm.s32 @!p0 $0x1B8D  }
0xb8: {  	s7 =	sshll.u32 @!p0 s7, $0x11;
	s9 =	sadd.s32 @!p0 $0x11B8D, s9;
	_ =	swait.eq @!p0 [sflag:s8], $0x1  }
0xb9: {  	s7 =	sor.u32 @!p0 s7, s9;
	[sflag:s8] =	ssyncadd.s32 @!p0 $0xFFFFFFFF  }
0xba: {  	s25 =	simm.s32 $0x1B8E;
	[sflag:s7] =	ssyncadd.remote.s32 @!p0 $0x1  }
0xbb: {  	s26 =	simm.s32 $execute0_lowered;
	[smem:$0x3FD2] =	sst s25  }
0xbc: {  	s7 =	sshll.u32 s26, $0x1;
	_ =	strace $0x80000049;
	[dreg:$0x1] =	wrdreg $0xFFFFFFFF  }
0xbd: {  	s28 =	simm.s32 $_size_execute0_lowered;
	s6 =	sadd.s32 s6, s7;
	[dreg:$0x0] =	wrdreg $0x0  }
0xbe: {  	s7 =	sshll.u32 s28, $0x1;
	[dreg:$0x2] =	wrdreg s6  }
0xbf: {  	[dreg:$0x3] =	wrdreg s7  }
0xc0: {  	[dreg:$0x4] =	wrdreg $0xC0  }
0xc1: {  	_ =	task [dreg:s23], $0x5FFFF  }
0xc2: {  	[dreg:$0x1] =	wrdreg $0xFFFFFFFF  }
0xc3: {  	[dreg:$0x0] =	wrdreg $0x60  }
0xc4: {  	[dreg:$0x2] =	wrdreg s2  }
0xc5: {  	[dreg:$0x3] =	wrdreg s17  }
0xc6: {  	[dreg:$0x4] =	wrdreg s18  }
0xc7: {  	[dreg:$0x5] =	wrdreg $0xA  }
0xc8: {  	_ =	task.clear_ibuf [dreg:s23], $0x6FFFF;
	_ =	strace $0x90000049  }
0xc9: {  	s29 =	simm.s32 $0xA;
	_ =	strace $0x8000004B  }
0xca: {  	_ =	swait.ge [sflag:s29], $0x1  }
0xcb: {  	[sflag:s29] =	ssyncadd.s32 $0xFFFFFFFF  }
0xcc: {  	_ =	strace $0x9000004B  }
0xcd: {  	_ =	sfence  }
0xce: {  	s30 =	sld [smem:$0x0];
	_ =	sdelay $0x2  }
0xcf: {  	s31 =	sshll.u32 s1, $0xD;
	s1 =	sshrl.u32 s1, $0x2  }
0xd0: {  	s3 =	sand.u32 $0x4000, s31;
	s1 =	sadd.s32 s1, s30  }
0xd1: {  	s0 =	sor.u32 s3, s0;
	s1 =	sshll.u32 s1, $0x11  }
0xd2: {  	s0 =	sor.u32 s1, s0  }
0xd3: {  	s0 =	sadd.s32 $0x8F2B, s0  }
0xd4: {  	[sflag:s0] =	ssyncadd.remote.s32 $0x1  }
0xd5: {  	_ =	sfence.sel $0xFFFF  }
0xd6: {  	[dreg:$0x0] =	wrdreg $0xFFFFFFFF;
	(pc) =	sbr.abs _section_cstart, $3  }
0xd7: {  	[dreg:$0x1] =	wrdreg $0xFFFFFFFF  }
0xd8: {  	_ =	task.clear_ibuf [dreg:s23], $0x2FFFF;
	_ =	strace $0x9FFFFFFF  }
0xd9: {  	(tm) =	ssettm $0x7FFFFFFF  }
tec
execute0_lowered:
.L_overlay_start_1:
0x0: {  	(tag) =	ssettag $0x1  }
0x1: {  	s1 =	rddreg [dreg:$0x0]  }
0x2: {  	s3 =	rddreg [dreg:$0x2]  }
0x3: {  	s0 =	srdreg.scid;
	_ =	strace $0x8000004A;
	s5 =	stileid.u32  }
0x4: {  	s12 =	simm.s32 $0x0;
	s13 =	simm.s32 $0x5;
	s14 =	simm.s32 $0x4000  }
0x5: {  	s31 =	simm.s32 $0xB880;
	s16 =	simm.s32 $0xE080;
	s17 =	simm.s32 $0xE880  }
0x6: {  	s18 =	simm.s32 $0xF080;
	s19 =	simm.s32 $0xF880;
	s20 =	simm.s32 $0x4  }
0x7: {  	s21 =	simm.s32 $0x3;
	s22 =	simm.s32 $0x0;
	s0 =	sand.u32 $0x1, s0  }
0x8: {  	s5 =	sshll.u32 s5, $0xA;
	s6 =	sadd.s32 $0x200, s1;
	s7 =	sadd.s32 $0x300, s1  }
.Ltmp0:
0x9: {  	v0 =	vlaneseq.u32;
	s8 =	sadd.s32 $0x100, s3;
	s9 =	sadd.s32 $0x200, s3;
	(pc) =	sbr.rel .LBB2_1-.Ltmp0, $4  }
0xa: {  	vm0 =	vmmov $0xffff;
	s10 =	sadd.s32 $0x300, s3;
	v2 =	vor.u32 $0x10, v0;
	v3 =	vor.u32 $0x20, v0;
	s2 =	ssub.s32 $0x2, s0;
	s0 =	sshll.u32 s0, $0x9  }
0xb: {  	v7 =	vor.u32 $0x30, v0;
	v9 =	vshrl.u32 v0, $0x3;
	v8 =	vand.u32 $0x7, v0;
	s4 =	sshrl.u32 s2, $0x1;
	s15 =	sor.u32 s0, s5;
	s5 =	sadd.s32 $0x100, s1  }
0xc: {  	v10 =	vor.u32 $0x8, v0;
	v9 =	vmul.u32 $0x8, v9;
	s0 =	simm.s32 $0xC080;
	s2 =	ssub.s32 s2, s4;
	v1 =	vmov s15;
	s4 =	simm.s32 $0xC880  }
0xd: {  	v4 =	vor.u32 s15, v0;
	v5 =	vor.u32 s15, v2;
	v6 =	vor.u32 s15, v3;
	s15 =	simm.s32 $0xD880;
	s11 =	smax.u32 s2, $0x1;
	s2 =	simm.s32 $0xD080  }
.LBB2_15:
0xe: {  	s22 =	sadd.s32 $0x1, s22  }
0xf: {  	_ =	swait.ge [sflag:s20], $0xC000;
	p0 =	sne.s32 s22, s11  }
.Ltmp1:
0x10: {  	[sflag:s20] =	ssyncset.done $0x0;
	(pc) =	sbr.rel @!p0 .LBB2_16-.Ltmp1, $4  }
0x11: {  	[sflag:s20] =	ssyncadd.s32 $0xFFFF4000  }
0x12: {  	_ =	swait.ge [sflag:s21], $0xC000  }
0x13: {  	[sflag:s21] =	ssyncset.done $0x0  }
0x14: {  	[sflag:s21] =	ssyncadd.s32 $0xFFFF4000  }
.LBB2_1:
0x15: {  	s23 =	rddreg [dreg:$0x1]  }
0x16: {  	[tilespmem:s12], [sflag:$0x5] =	stream.linear.gather [hbm4b:s23+s12], $0x4000, $0x38;
	[tilespmem:$0x1C280] =	vst v63  }
0x17: {  	_ =	swait.ge [sflag:s13], $0x4000  }
0x18: {  	v11 =	vimm.s32 $0x0;
	v12 =	vimm.s32 $0x4000;
	[sflag:s13] =	ssyncset.done $0x0  }
0x19: {  	v13 =	vadd.s32 v11, v12;
	s23 =	simm.s32 $0xE;
	[sflag:s13] =	ssyncadd.s32 $0xFFFFC000  }
.LBB2_2:
0x1a: {  	p0 =	sne.s32 s23, $0x1;
	v14 =	vshrl.u32 v13, $0x1F  }
0x1b: {  	v13 =	vadd.s32 v14, v13  }
0x1c: {  	v13 =	vshra.s32 v13, $0x1  }
0x1d: {  	vm1 =	vlt.s32 v13, $0x3FFF;
	v14 =	vadd.s32 $0x1, v13  }
0x1e: {  	v15 =	vnsel vm1, $0x3FFF, v13;
	_ =	sdelay $0x4  }
0x1f: {  	v15 =	vld.idx.msk [tilespmem:v15+s12+$0x0], $0xffff;
	_ =	sdelay $0x4  }
.Ltmp2:
0x20: {  	(pc) =	sbr.rel @p0 .LBB2_2-.Ltmp2, $4  }
0x21: {  	vm1 =	vlt.s32 v11, v12;
	vm2 =	vge.s32 v15, v0;
	vm3 =	vlt.s32 v15, v0  }
0x22: {  	vm3 =	vmand vm1, vm3;
	vm1 =	vmand vm1, vm2  }
0x23: {  	v11 =	vsel vm3, v14, v11;
	v12 =	vsel vm1, v13, v12  }
0x24: {  	s23 =	sadd.s32 $0xFFFFFFFF, s23;
	v13 =	vadd.s32 v11, v12  }
0x25: {  	v14 =	vshrl.u32 v13, $0x1F  }
0x26: {  	v13 =	vadd.s32 v14, v13  }
0x27: {  	v13 =	vshra.s32 v13, $0x1  }
0x28: {  	vm1 =	vlt.s32 v13, $0x3FFF  }
0x29: {  	v14 =	vnsel vm1, $0x3FFF, v13;
	_ =	sdelay $0x4  }
0x2a: {  	v14 =	vld.idx.msk [tilespmem:v14+s12+$0x0], $0xffff;
	_ =	sdelay $0x4  }
0x2b: {  	vm1 =	vlt.s32 v11, v12;
	vm2 =	vlt.s32 v14, v0  }
0x2c: {  	v12 =	vadd.s32 $0x1, v13;
	vm1 =	vmand vm1, vm2  }
0x2d: {  	v13 =	vsel vm1, v12, v11;
	v11 =	vimm.s32 $0x0;
	v12 =	vimm.s32 $0x4000  }
0x2e: {  	s23 =	simm.s32 $0xE;
	[tilespmem:$0x4000] =	vst v13;
	v13 =	vadd.s32 v11, v12  }
.LBB2_4:
0x2f: {  	p0 =	sne.s32 s23, $0x1;
	v14 =	vshrl.u32 v13, $0x1F  }
0x30: {  	v13 =	vadd.s32 v14, v13  }
0x31: {  	v13 =	vshra.s32 v13, $0x1  }
0x32: {  	vm1 =	vlt.s32 v13, $0x3FFF;
	v14 =	vadd.s32 $0x1, v13  }
0x33: {  	v15 =	vnsel vm1, $0x3FFF, v13;
	_ =	sdelay $0x4  }
0x34: {  	v15 =	vld.idx.msk [tilespmem:v15+s12+$0x0], $0xffff;
	_ =	sdelay $0x4  }
.Ltmp3:
0x35: {  	(pc) =	sbr.rel @p0 .LBB2_4-.Ltmp3, $4  }
0x36: {  	vm1 =	vlt.s32 v11, v12;
	vm2 =	vge.s32 v15, v2;
	vm3 =	vlt.s32 v15, v2  }
0x37: {  	vm3 =	vmand vm1, vm3;
	vm1 =	vmand vm1, vm2  }
0x38: {  	v11 =	vsel vm3, v14, v11;
	v12 =	vsel vm1, v13, v12  }
0x39: {  	s23 =	sadd.s32 $0xFFFFFFFF, s23;
	v13 =	vadd.s32 v11, v12  }
0x3a: {  	v14 =	vshrl.u32 v13, $0x1F  }
0x3b: {  	v13 =	vadd.s32 v14, v13  }
0x3c: {  	v13 =	vshra.s32 v13, $0x1  }
0x3d: {  	vm1 =	vlt.s32 v13, $0x3FFF  }
0x3e: {  	v14 =	vnsel vm1, $0x3FFF, v13;
	_ =	sdelay $0x4  }
0x3f: {  	v14 =	vld.idx.msk [tilespmem:v14+s12+$0x0], $0xffff;
	_ =	sdelay $0x4  }
0x40: {  	vm1 =	vlt.s32 v11, v12;
	vm2 =	vlt.s32 v14, v2  }
0x41: {  	v12 =	vadd.s32 $0x1, v13;
	vm1 =	vmand vm1, vm2  }
0x42: {  	v13 =	vsel vm1, v12, v11;
	v11 =	vimm.s32 $0x0;
	v12 =	vimm.s32 $0x4000  }
0x43: {  	s23 =	simm.s32 $0xE;
	[tilespmem:$0x4010] =	vst v13;
	v13 =	vadd.s32 v11, v12  }
.LBB2_6:
0x44: {  	p0 =	sne.s32 s23, $0x1;
	v14 =	vshrl.u32 v13, $0x1F  }
0x45: {  	v13 =	vadd.s32 v14, v13  }
0x46: {  	v13 =	vshra.s32 v13, $0x1  }
0x47: {  	vm1 =	vlt.s32 v13, $0x3FFF;
	v14 =	vadd.s32 $0x1, v13  }
0x48: {  	v15 =	vnsel vm1, $0x3FFF, v13;
	_ =	sdelay $0x4  }
0x49: {  	v15 =	vld.idx.msk [tilespmem:v15+s12+$0x0], $0xffff;
	_ =	sdelay $0x4  }
.Ltmp4:
0x4a: {  	(pc) =	sbr.rel @p0 .LBB2_6-.Ltmp4, $4  }
0x4b: {  	vm1 =	vlt.s32 v11, v12;
	vm2 =	vge.s32 v15, v3;
	vm3 =	vlt.s32 v15, v3  }
0x4c: {  	vm3 =	vmand vm1, vm3;
	vm1 =	vmand vm1, vm2  }
0x4d: {  	v11 =	vsel vm3, v14, v11;
	v12 =	vsel vm1, v13, v12  }
0x4e: {  	s23 =	sadd.s32 $0xFFFFFFFF, s23;
	v13 =	vadd.s32 v11, v12  }
0x4f: {  	v14 =	vshrl.u32 v13, $0x1F  }
0x50: {  	v13 =	vadd.s32 v14, v13  }
0x51: {  	v13 =	vshra.s32 v13, $0x1  }
0x52: {  	vm1 =	vlt.s32 v13, $0x3FFF  }
0x53: {  	v14 =	vnsel vm1, $0x3FFF, v13;
	_ =	sdelay $0x4  }
0x54: {  	v14 =	vld.idx.msk [tilespmem:v14+s12+$0x0], $0xffff;
	_ =	sdelay $0x4  }
0x55: {  	vm1 =	vlt.s32 v11, v12;
	vm2 =	vlt.s32 v14, v3  }
0x56: {  	v12 =	vadd.s32 $0x1, v13;
	vm1 =	vmand vm1, vm2  }
0x57: {  	v13 =	vsel vm1, v12, v11;
	v11 =	vimm.s32 $0x0;
	v12 =	vimm.s32 $0x4000  }
0x58: {  	s23 =	simm.s32 $0xE;
	[tilespmem:$0x4020] =	vst v13;
	v13 =	vadd.s32 v11, v12  }
.LBB2_8:
0x59: {  	p0 =	sne.s32 s23, $0x1;
	v14 =	vshrl.u32 v13, $0x1F  }
0x5a: {  	v13 =	vadd.s32 v14, v13  }
0x5b: {  	v13 =	vshra.s32 v13, $0x1  }
0x5c: {  	vm1 =	vlt.s32 v13, $0x3FFF;
	v14 =	vadd.s32 $0x1, v13  }
0x5d: {  	v15 =	vnsel vm1, $0x3FFF, v13;
	_ =	sdelay $0x4  }
0x5e: {  	v15 =	vld.idx.msk [tilespmem:v15+s12+$0x0], $0xffff;
	_ =	sdelay $0x4  }
.Ltmp5:
0x5f: {  	(pc) =	sbr.rel @p0 .LBB2_8-.Ltmp5, $4  }
0x60: {  	vm1 =	vlt.s32 v11, v12;
	vm2 =	vge.s32 v15, v7;
	vm3 =	vlt.s32 v15, v7  }
0x61: {  	vm3 =	vmand vm1, vm3;
	vm1 =	vmand vm1, vm2  }
0x62: {  	v11 =	vsel vm3, v14, v11;
	v12 =	vsel vm1, v13, v12  }
0x63: {  	s23 =	sadd.s32 $0xFFFFFFFF, s23;
	v13 =	vadd.s32 v11, v12  }
0x64: {  	v14 =	vshrl.u32 v13, $0x1F  }
0x65: {  	v13 =	vadd.s32 v14, v13  }
0x66: {  	v13 =	vshra.s32 v13, $0x1  }
0x67: {  	vm1 =	vlt.s32 v13, $0x3FFF  }
0x68: {  	v45 =	vnsel vm1, $0x3FFF, v13;
	_ =	sdelay $0x4  }
0x69: {  	v14 =	vld.idx.msk [tilespmem:v45+s12+$0x0], $0xffff;
	_ =	sdelay $0x4  }
0x6a: {  	vm1 =	vlt.s32 v11, v12;
	vm2 =	vlt.s32 v14, v7  }
0x6b: {  	v46 =	vadd.s32 $0x1, v13;
	vm1 =	vmand vm1, vm2  }
0x6c: {  	v11 =	vsel vm1, v46, v11  }
0x6d: {  	s23 =	simm.s32 $0x0;
	[tilespmem:$0x4030] =	vst v11  }
0x6e: {  	v11 =	vld.idx.msk [tilespmem:v4+s23+$0x0], $0xffff;
	_ =	sdelay $0x7  }
0x6f: {  	v47 =	vld.idx.msk [tilespmem:v11+s14+$0x0], $0xffff  }
0x70: {  	v48 =	vadd.s32 $0x1, v11;
	_ =	sdelay $0x3  }
0x71: {  	v49 =	vsub.s32 v4, v47  }
0x72: {  	v13 =	vld.idx.msk [tilespmem:v48+s14+$0x0], $0xffff;
	v15 =	vshra.s32 v49, $0x1F  }
0x73: {  	v15 =	vshrl.u32 v15, $0x16  }
0x74: {  	v15 =	vadd.s32 v15, v49  }
0x75: {  	v15 =	vshrl.u32 v15, $0xA  }
0x76: {  	v16 =	vxor.u32 $0xFFFFFFFF, v47;
	v15 =	vshll.u32 v15, $0xA  }
0x77: {  	v13 =	vadd.s32 v16, v13;
	v14 =	vsub.s32 v49, v15  }
0x78: {  	v13 =	vsub.s32 v13, v14  }
0x79: {  	v50 =	vshra.s32 v13, $0x1F  }
0x7a: {  	v15 =	vshrl.u32 v50, $0x16  }
0x7b: {  	v13 =	vadd.s32 v15, v13  }
0x7c: {  	v11 =	vshll.u32 v11, $0xA;
	v13 =	vshrl.u32 v13, $0xA  }
0x7d: {  	v12 =	vadd.s32 v47, v14;
	v11 =	vadd.s32 v11, v14;
	v13 =	vshll.u32 v13, $0xA  }
0x7e: {  	[tilespmem:$0x1C100] =	vst v11;
	v13 =	vadd.s32 v12, v13  }
0x7f: {  	[tilespmem:$0x1C080] =	vst v13  }
0x80: {  	v11 =	vld.idx.msk [tilespmem:v5+s23+$0x0], $0xffff;
	_ =	sdelay $0x7  }
0x81: {  	v52 =	vadd.s32 $0x1, v11;
	v51 =	vld.idx.msk [tilespmem:v11+s14+$0x0], $0xffff;
	_ =	sdelay $0x4  }
0x82: {  	v15 =	vld.idx.msk [tilespmem:v52+s14+$0x0], $0xffff;
	v53 =	vsub.s32 v5, v51  }
0x83: {  	v17 =	vshra.s32 v53, $0x1F  }
0x84: {  	v17 =	vshrl.u32 v17, $0x16  }
0x85: {  	v17 =	vadd.s32 v17, v53  }
0x86: {  	v18 =	vxor.u32 $0xFFFFFFFF, v51;
	v17 =	vand.u32 $0xFFFFFC00, v17  }
0x87: {  	v15 =	vadd.s32 v18, v15;
	v16 =	vsub.s32 v53, v17  }
0x88: {  	v15 =	vsub.s32 v15, v16  }
0x89: {  	v54 =	vshra.s32 v15, $0x1F  }
0x8a: {  	v17 =	vshrl.u32 v54, $0x16  }
0x8b: {  	v11 =	vshll.u32 v11, $0xA;
	v15 =	vadd.s32 v17, v15  }
0x8c: {  	v14 =	vadd.s32 v51, v16;
	v11 =	vadd.s32 v11, v16;
	v15 =	vand.u32 $0xFFFFFC00, v15  }
0x8d: {  	[tilespmem:$0x1C110] =	vst v11;
	v14 =	vadd.s32 v15, v14  }
0x8e: {  	[tilespmem:$0x1C090] =	vst v14  }
0x8f: {  	v11 =	vld.idx.msk [tilespmem:v6+s23+$0x0], $0xffff;
	_ =	sdelay $0x7  }
0x90: {  	v55 =	vadd.s32 $0x1, v11;
	v14 =	vld.idx.msk [tilespmem:v11+s14+$0x0], $0xffff;
	_ =	sdelay $0x4  }
0x91: {  	v15 =	vld.idx.msk [tilespmem:v55+s14+$0x0], $0xffff;
	v56 =	vsub.s32 v6, v14  }
0x92: {  	v57 =	vshra.s32 v56, $0x1F  }
0x93: {  	v17 =	vshrl.u32 v57, $0x16  }
0x94: {  	v12 =	vand.u32 $0x7, v12;
	v13 =	vshll.u32 v13, $0x3;
	v17 =	vadd.s32 v17, v56  }
0x95: {  	v13 =	vand.u32 $0xFFFFFFC0, v13;
	v58 =	vxor.u32 $0xFFFFFFFF, v14;
	v17 =	vand.u32 $0xFFFFFC00, v17  }
0x96: {  	v12 =	vor.u32 v12, v13;
	v15 =	vadd.s32 v58, v15;
	v16 =	vsub.s32 v56, v17  }
0x97: {  	v60 =	vperm.xlane v12, v8;
	v15 =	vsub.s32 v15, v16  }
0x98: {  	v59 =	vshra.s32 v15, $0x1F  }
0x99: {  	v61 =	vadd.s32 v9, v60;
	v13 =	vshrl.u32 v59, $0x16  }
0x9a: {  	v11 =	vshll.u32 v11, $0xA;
	v13 =	vadd.s32 v13, v15  }
0x9b: {  	v14 =	vadd.s32 v14, v16;
	v11 =	vadd.s32 v11, v16;
	v13 =	vand.u32 $0xFFFFFC00, v13  }
0x9c: {  	[tilespmem:$0x1C120] =	vst v11;
	v13 =	vadd.s32 v13, v14  }
0x9d: {  	s24 =	simm.s32 $0x4080;
	[tilespmem:$0x1C0A0] =	vst v13  }
0x9e: {  	[tilespmem:s24], [sflag:$0x1] =	stream.indirect_vreg.gather [hbm4b:s1+s23], $0x80, v61, vm0, $0xb8;
	[tilespmem:$0x1C280] =	vst v63  }
0x9f: {  	s26 =	simm.s32 $0x4880;
	v11 =	vperm.xlane v12, v10  }
0xa0: {  	[tilespmem:s26], [sflag:$0x1] =	stream.indirect_vreg.gather [hbm4b:s5+s23], $0x80, v61, vm0, $0xb8;
	[tilespmem:$0x1C280] =	vst v63  }
0xa1: {  	s28 =	simm.s32 $0x5080;
	v11 =	vadd.s32 v9, v11  }
0xa2: {  	[tilespmem:s28], [sflag:$0x1] =	stream.indirect_vreg.gather [hbm4b:s6+s23], $0x80, v61, vm0, $0xb8;
	[tilespmem:$0x1C280] =	vst v63  }
0xa3: {  	s29 =	simm.s32 $0x5880  }
0xa4: {  	[tilespmem:s29], [sflag:$0x1] =	stream.indirect_vreg.gather [hbm4b:s7+s23], $0x80, v61, vm0, $0xb8;
	[tilespmem:$0x1C280] =	vst v63  }
0xa5: {  	s30 =	simm.s32 $0x6080  }
0xa6: {  	[tilespmem:s30], [sflag:$0x1] =	stream.indirect_vreg.gather [hbm4b:s1+s23], $0x80, v11, vm0, $0xb8;
	[tilespmem:$0x1C280] =	vst v63  }
0xa7: {  	s25 =	simm.s32 $0x6880  }
0xa8: {  	[tilespmem:s25], [sflag:$0x1] =	stream.indirect_vreg.gather [hbm4b:s5+s23], $0x80, v11, vm0, $0xb8;
	[tilespmem:$0x1C280] =	vst v63  }
0xa9: {  	s26 =	simm.s32 $0x7080  }
0xaa: {  	[tilespmem:s26], [sflag:$0x1] =	stream.indirect_vreg.gather [hbm4b:s6+s23], $0x80, v11, vm0, $0xb8;
	[tilespmem:$0x1C280] =	vst v63  }
0xab: {  	s28 =	simm.s32 $0x7880  }
0xac: {  	[tilespmem:s28], [sflag:$0x1] =	stream.indirect_vreg.gather [hbm4b:s7+s23], $0x80, v11, vm0, $0xb8;
	[tilespmem:$0x1C280] =	vst v63  }
0xad: {  	v11 =	vld [tilespmem:$0x1C090];
	_ =	sdelay $0x4  }
0xae: {  	v62 =	vshll.u32 v11, $0x3  }
0xaf: {  	v11 =	vand.u32 $0x7, v11;
	v12 =	vand.u32 $0xFFFFFFC0, v62  }
0xb0: {  	v11 =	vor.u32 v11, v12  }
0xb1: {  	v12 =	vperm.xlane v11, v8;
	_ =	sdelay $0x1  }
0xb2: {  	v12 =	vadd.s32 v9, v12;
	_ =	sdelay $0x3  }
0xb3: {  	s29 =	simm.s32 $0x8080  }
0xb4: {  	[tilespmem:s29], [sflag:$0x1] =	stream.indirect_vreg.gather [hbm4b:s1+s23], $0x80, v12, vm0, $0xb8;
	[tilespmem:$0x1C280] =	vst v63  }
0xb5: {  	s30 =	simm.s32 $0x8880;
	v11 =	vperm.xlane v11, v10  }
0xb6: {  	[tilespmem:s30], [sflag:$0x1] =	stream.indirect_vreg.gather [hbm4b:s5+s23], $0x80, v12, vm0, $0xb8;
	[tilespmem:$0x1C280] =	vst v63  }
0xb7: {  	s25 =	simm.s32 $0x9080;
	v11 =	vadd.s32 v9, v11  }
0xb8: {  	[tilespmem:s25], [sflag:$0x1] =	stream.indirect_vreg.gather [hbm4b:s6+s23], $0x80, v12, vm0, $0xb8;
	[tilespmem:$0x1C280] =	vst v63  }
0xb9: {  	s26 =	simm.s32 $0x9880  }
0xba: {  	[tilespmem:s26], [sflag:$0x1] =	stream.indirect_vreg.gather [hbm4b:s7+s23], $0x80, v12, vm0, $0xb8;
	[tilespmem:$0x1C280] =	vst v63  }
0xbb: {  	s28 =	simm.s32 $0xA080  }
0xbc: {  	[tilespmem:s28], [sflag:$0x1] =	stream.indirect_vreg.gather [hbm4b:s1+s23], $0x80, v11, vm0, $0xb8;
	[tilespmem:$0x1C280] =	vst v63  }
0xbd: {  	s29 =	simm.s32 $0xA880  }
0xbe: {  	[tilespmem:s29], [sflag:$0x1] =	stream.indirect_vreg.gather [hbm4b:s5+s23], $0x80, v11, vm0, $0xb8;
	[tilespmem:$0x1C280] =	vst v63  }
0xbf: {  	s30 =	simm.s32 $0xB080  }
0xc0: {  	[tilespmem:s30], [sflag:$0x1] =	stream.indirect_vreg.gather [hbm4b:s6+s23], $0x80, v11, vm0, $0xb8;
	[tilespmem:$0x1C280] =	vst v63  }
0xc1: {  	_ = 	snop  }
0xc2: {  	[tilespmem:s31], [sflag:$0x1] =	stream.indirect_vreg.gather [hbm4b:s7+s23], $0x80, v11, vm0, $0xb8;
	[tilespmem:$0x1C280] =	vst v63  }
0xc3: {  	v11 =	vld [tilespmem:$0x1C0A0];
	_ =	sdelay $0x4  }
0xc4: {  	v63 =	vshll.u32 v11, $0x3  }
0xc5: {  	v11 =	vand.u32 $0x7, v11;
	v12 =	vand.u32 $0xFFFFFFC0, v63  }
0xc6: {  	v11 =	vor.u32 v11, v12  }
0xc7: {  	v12 =	vperm.xlane v11, v8;
	_ =	sdelay $0x1  }
0xc8: {  	v12 =	vadd.s32 v9, v12;
	_ =	sdelay $0x4  }
0xc9: {  	[tilespmem:s0], [sflag:$0x1] =	stream.indirect_vreg.gather [hbm4b:s1+s23], $0x80, v12, vm0, $0xb8;
	[tilespmem:$0x1C280] =	vst v63  }
0xca: {  	v11 =	vperm.xlane v11, v10  }
0xcb: {  	[tilespmem:s4], [sflag:$0x1] =	stream.indirect_vreg.gather [hbm4b:s5+s23], $0x80, v12, vm0, $0xb8;
	[tilespmem:$0x1C280] =	vst v63  }
0xcc: {  	v11 =	vadd.s32 v9, v11  }
0xcd: {  	[tilespmem:s2], [sflag:$0x1] =	stream.indirect_vreg.gather [hbm4b:s6+s23], $0x80, v12, vm0, $0xb8;
	[tilespmem:$0x1C280] =	vst v63  }
0xce: {  	_ = 	snop  }
0xcf: {  	[tilespmem:s15], [sflag:$0x1] =	stream.indirect_vreg.gather [hbm4b:s7+s23], $0x80, v12, vm0, $0xb8;
	[tilespmem:$0x1C280] =	vst v63  }
0xd0: {  	_ = 	snop  }
0xd1: {  	[tilespmem:s16], [sflag:$0x1] =	stream.indirect_vreg.gather [hbm4b:s1+s23], $0x80, v11, vm0, $0xb8;
	[tilespmem:$0x1C280] =	vst v63  }
0xd2: {  	_ = 	snop  }
0xd3: {  	[tilespmem:s17], [sflag:$0x1] =	stream.indirect_vreg.gather [hbm4b:s5+s23], $0x80, v11, vm0, $0xb8;
	[tilespmem:$0x1C280] =	vst v63  }
.Ltmp6:
0xd4: {  	_ = 	snop;
	(pc) =	sbr.rel .LBB2_10-.Ltmp6, $4  }
0xd5: {  	_ = 	snop  }
0xd6: {  	[tilespmem:s18], [sflag:$0x1] =	stream.indirect_vreg.gather [hbm4b:s6+s23], $0x80, v11, vm0, $0xb8;
	[tilespmem:$0x1C280] =	vst v63  }
0xd7: {  	s24 =	simm.s32 $0x50  }
0xd8: {  	[tilespmem:s19], [sflag:$0x1] =	stream.indirect_vreg.gather [hbm4b:s7+s23], $0x80, v11, vm0, $0xb8;
	[tilespmem:$0x1C280] =	vst v63  }
.LBB2_13:
0xd9: {  	s28 =	sadd.s32 $0xFFFFFFE0, s24  }
0xda: {  	v11 =	vor.u32 s28, v0  }
0xdb: {  	vm1 =	vlt.s32 v11, $0x1FF  }
0xdc: {  	v11 =	vnsel vm1, $0x1FF, v11  }
0xdd: {  	v11 =	vor.u32 v1, v11;
	_ =	sdelay $0x4  }
0xde: {  	v12 =	vld.idx.msk [tilespmem:v11+s12+$0x0], $0xffff;
	_ =	sdelay $0x7  }
0xdf: {  	v13 =	vld.idx.msk [tilespmem:v12+s14+$0x0], $0xffff  }
0xe0: {  	v14 =	vadd.s32 $0x1, v12;
	_ =	sdelay $0x3  }
0xe1: {  	v11 =	vsub.s32 v11, v13  }
0xe2: {  	v14 =	vld.idx.msk [tilespmem:v14+s14+$0x0], $0xffff;
	v15 =	vshra.s32 v11, $0x1F  }
0xe3: {  	v15 =	vshrl.u32 v15, $0x16  }
0xe4: {  	v15 =	vadd.s32 v15, v11  }
0xe5: {  	v15 =	vshrl.u32 v15, $0xA  }
0xe6: {  	v16 =	vxor.u32 $0xFFFFFFFF, v13;
	v15 =	vshll.u32 v15, $0xA  }
0xe7: {  	s29 =	sadd.s32 $0xFFFFFFF0, s24;
	v14 =	vadd.s32 v16, v14;
	v11 =	vsub.s32 v11, v15  }
0xe8: {  	v50 =	vor.u32 s29, v0;
	v14 =	vsub.s32 v14, v11  }
0xe9: {  	vm1 =	vlt.s32 v50, $0x1FF;
	v49 =	vshra.s32 v14, $0x1F  }
0xea: {  	v51 =	vnsel vm1, $0x1FF, v50;
	v15 =	vshrl.u32 v49, $0x16  }
0xeb: {  	v14 =	vadd.s32 v15, v14;
	v15 =	vor.u32 v1, v51  }
0xec: {  	v12 =	vshll.u32 v12, $0xA;
	v14 =	vshrl.u32 v14, $0xA  }
0xed: {  	s28 =	sshll.u32 s26, $0x8;
	v13 =	vadd.s32 v13, v11;
	v11 =	vadd.s32 v12, v11;
	v14 =	vshll.u32 v14, $0xA  }
0xee: {  	[tilespmem:s28+$0x1C100] =	vst v11;
	v14 =	vadd.s32 v13, v14  }
0xef: {  	[tilespmem:s28+$0x1C080] =	vst v14  }
0xf0: {  	v11 =	vld.idx.msk [tilespmem:v15+s12+$0x0], $0xffff;
	_ =	sdelay $0x7  }
0xf1: {  	v53 =	vadd.s32 $0x1, v11;
	v52 =	vld.idx.msk [tilespmem:v11+s14+$0x0], $0xffff;
	_ =	sdelay $0x4  }
0xf2: {  	v16 =	vld.idx.msk [tilespmem:v53+s14+$0x0], $0xffff;
	v15 =	vsub.s32 v15, v52  }
0xf3: {  	v17 =	vshra.s32 v15, $0x1F  }
0xf4: {  	v17 =	vshrl.u32 v17, $0x16  }
0xf5: {  	v17 =	vadd.s32 v17, v15  }
0xf6: {  	v18 =	vxor.u32 $0xFFFFFFFF, v52;
	v17 =	vand.u32 $0xFFFFFC00, v17  }
0xf7: {  	v54 =	vor.u32 s24, v0;
	v16 =	vadd.s32 v18, v16;
	v15 =	vsub.s32 v15, v17  }
0xf8: {  	vm1 =	vlt.s32 v54, $0x1FF;
	v16 =	vsub.s32 v16, v15  }
0xf9: {  	v17 =	vnsel vm1, $0x1FF, v54;
	v55 =	vshra.s32 v16, $0x1F  }
0xfa: {  	v17 =	vor.u32 v1, v17;
	v18 =	vshrl.u32 v55, $0x16  }
0xfb: {  	v11 =	vshll.u32 v11, $0xA;
	v16 =	vadd.s32 v18, v16  }
0xfc: {  	v12 =	vadd.s32 v52, v15;
	v11 =	vadd.s32 v11, v15;
	v16 =	vand.u32 $0xFFFFFC00, v16  }
0xfd: {  	[tilespmem:s28+$0x1C110] =	vst v11;
	v12 =	vadd.s32 v16, v12  }
0xfe: {  	[tilespmem:s28+$0x1C090] =	vst v12  }
0xff: {  	v11 =	vld.idx.msk [tilespmem:v17+s12+$0x0], $0xffff;
	_ =	sdelay $0x7  }
0x100: {  	v56 =	vadd.s32 $0x1, v11;
	v12 =	vld.idx.msk [tilespmem:v11+s14+$0x0], $0xffff;
	_ =	sdelay $0x4  }
0x101: {  	v15 =	vld.idx.msk [tilespmem:v56+s14+$0x0], $0xffff;
	v57 =	vsub.s32 v17, v12  }
0x102: {  	v17 =	vshra.s32 v57, $0x1F  }
0x103: {  	v17 =	vshrl.u32 v17, $0x16  }
0x104: {  	v13 =	vand.u32 $0x7, v13;
	v14 =	vshll.u32 v14, $0x3;
	v17 =	vadd.s32 v17, v57  }
0x105: {  	v14 =	vand.u32 $0xFFFFFFC0, v14;
	v58 =	vxor.u32 $0xFFFFFFFF, v12;
	v17 =	vand.u32 $0xFFFFFC00, v17  }
0x106: {  	v13 =	vor.u32 v13, v14;
	v15 =	vadd.s32 v58, v15;
	v16 =	vsub.s32 v57, v17  }
0x107: {  	v60 =	vperm.xlane v13, v8;
	v15 =	vsub.s32 v15, v16  }
0x108: {  	v59 =	vshra.s32 v15, $0x1F  }
0x109: {  	v61 =	vadd.s32 v9, v60;
	v14 =	vshrl.u32 v59, $0x16  }
0x10a: {  	s29 =	smul.u32 $0x30000, s26;
	v11 =	vshll.u32 v11, $0xA;
	v14 =	vadd.s32 v14, v15  }
0x10b: {  	v12 =	vadd.s32 v12, v16;
	v11 =	vadd.s32 v11, v16;
	v14 =	vand.u32 $0xFFFFFC00, v14  }
0x10c: {  	s29 =	sshrl.u32 s29, $0x2;
	[tilespmem:s28+$0x1C120] =	vst v11;
	v12 =	vadd.s32 v14, v12  }
0x10d: {  	s26 =	sadd.s32 $0x1, s26;
	s30 =	sadd.s32 $0x4080, s29;
	[tilespmem:s28+$0x1C0A0] =	vst v12  }
0x10e: {  	[tilespmem:s30], [sflag:s26] =	stream.indirect_vreg.gather [hbm4b:s1+s12], $0x80, v61, vm0, $0xb8;
	[tilespmem:$0x1C280] =	vst v63  }
0x10f: {  	v11 =	vperm.xlane v13, v10;
	s30 =	sadd.s32 $0x4880, s29  }
0x110: {  	[tilespmem:s30], [sflag:s26] =	stream.indirect_vreg.gather [hbm4b:s5+s12], $0x80, v61, vm0, $0xb8;
	[tilespmem:$0x1C280] =	vst v63  }
0x111: {  	v11 =	vadd.s32 v9, v11;
	s30 =	sadd.s32 $0x5080, s29  }
0x112: {  	[tilespmem:s30], [sflag:s26] =	stream.indirect_vreg.gather [hbm4b:s6+s12], $0x80, v61, vm0, $0xb8;
	[tilespmem:$0x1C280] =	vst v63  }
0x113: {  	s30 =	sadd.s32 $0x5880, s29  }
0x114: {  	[tilespmem:s30], [sflag:s26] =	stream.indirect_vreg.gather [hbm4b:s7+s12], $0x80, v61, vm0, $0xb8;
	[tilespmem:$0x1C280] =	vst v63  }
0x115: {  	s30 =	sadd.s32 $0x6080, s29  }
0x116: {  	[tilespmem:s30], [sflag:s26] =	stream.indirect_vreg.gather [hbm4b:s1+s12], $0x80, v11, vm0, $0xb8;
	[tilespmem:$0x1C280] =	vst v63  }
0x117: {  	s30 =	sadd.s32 $0x6880, s29  }
0x118: {  	[tilespmem:s30], [sflag:s26] =	stream.indirect_vreg.gather [hbm4b:s5+s12], $0x80, v11, vm0, $0xb8;
	[tilespmem:$0x1C280] =	vst v63  }
0x119: {  	s30 =	sadd.s32 $0x7080, s29  }
0x11a: {  	[tilespmem:s30], [sflag:s26] =	stream.indirect_vreg.gather [hbm4b:s6+s12], $0x80, v11, vm0, $0xb8;
	[tilespmem:$0x1C280] =	vst v63  }
0x11b: {  	s30 =	sadd.s32 $0x7880, s29  }
0x11c: {  	[tilespmem:s30], [sflag:s26] =	stream.indirect_vreg.gather [hbm4b:s7+s12], $0x80, v11, vm0, $0xb8;
	[tilespmem:$0x1C280] =	vst v63  }
0x11d: {  	v11 =	vld [tilespmem:s28+$0x1C090];
	_ =	sdelay $0x4  }
0x11e: {  	v62 =	vshll.u32 v11, $0x3  }
0x11f: {  	v11 =	vand.u32 $0x7, v11;
	v12 =	vand.u32 $0xFFFFFFC0, v62  }
0x120: {  	v11 =	vor.u32 v11, v12  }
0x121: {  	v12 =	vperm.xlane v11, v8;
	_ =	sdelay $0x1  }
0x122: {  	v12 =	vadd.s32 v9, v12;
	_ =	sdelay $0x3  }
0x123: {  	s30 =	sadd.s32 $0x8080, s29  }
0x124: {  	[tilespmem:s30], [sflag:s26] =	stream.indirect_vreg.gather [hbm4b:s1+s12], $0x80, v12, vm0, $0xb8;
	[tilespmem:$0x1C280] =	vst v63  }
0x125: {  	v11 =	vperm.xlane v11, v10;
	s30 =	sadd.s32 $0x8880, s29  }
0x126: {  	[tilespmem:s30], [sflag:s26] =	stream.indirect_vreg.gather [hbm4b:s5+s12], $0x80, v12, vm0, $0xb8;
	[tilespmem:$0x1C280] =	vst v63  }
0x127: {  	v11 =	vadd.s32 v9, v11;
	s30 =	sadd.s32 $0x9080, s29  }
0x128: {  	[tilespmem:s30], [sflag:s26] =	stream.indirect_vreg.gather [hbm4b:s6+s12], $0x80, v12, vm0, $0xb8;
	[tilespmem:$0x1C280] =	vst v63  }
0x129: {  	s30 =	sadd.s32 $0x9880, s29  }
0x12a: {  	[tilespmem:s30], [sflag:s26] =	stream.indirect_vreg.gather [hbm4b:s7+s12], $0x80, v12, vm0, $0xb8;
	[tilespmem:$0x1C280] =	vst v63  }
0x12b: {  	s30 =	sadd.s32 $0xA080, s29  }
0x12c: {  	[tilespmem:s30], [sflag:s26] =	stream.indirect_vreg.gather [hbm4b:s1+s12], $0x80, v11, vm0, $0xb8;
	[tilespmem:$0x1C280] =	vst v63  }
0x12d: {  	s30 =	sadd.s32 $0xA880, s29  }
0x12e: {  	[tilespmem:s30], [sflag:s26] =	stream.indirect_vreg.gather [hbm4b:s5+s12], $0x80, v11, vm0, $0xb8;
	[tilespmem:$0x1C280] =	vst v63  }
0x12f: {  	s30 =	sadd.s32 $0xB080, s29  }
0x130: {  	[tilespmem:s30], [sflag:s26] =	stream.indirect_vreg.gather [hbm4b:s6+s12], $0x80, v11, vm0, $0xb8;
	[tilespmem:$0x1C280] =	vst v63  }
0x131: {  	s30 =	sadd.s32 $0xB880, s29  }
0x132: {  	[tilespmem:s30], [sflag:s26] =	stream.indirect_vreg.gather [hbm4b:s7+s12], $0x80, v11, vm0, $0xb8;
	[tilespmem:$0x1C280] =	vst v63  }
0x133: {  	v11 =	vld [tilespmem:s28+$0x1C0A0];
	_ =	sdelay $0x4  }
0x134: {  	v63 =	vshll.u32 v11, $0x3  }
0x135: {  	v11 =	vand.u32 $0x7, v11;
	v12 =	vand.u32 $0xFFFFFFC0, v63  }
0x136: {  	v11 =	vor.u32 v11, v12  }
0x137: {  	v12 =	vperm.xlane v11, v8;
	_ =	sdelay $0x1  }
0x138: {  	v12 =	vadd.s32 v9, v12;
	_ =	sdelay $0x3  }
0x139: {  	s30 =	sadd.s32 $0xC080, s29  }
0x13a: {  	[tilespmem:s30], [sflag:s26] =	stream.indirect_vreg.gather [hbm4b:s1+s12], $0x80, v12, vm0, $0xb8;
	[tilespmem:$0x1C280] =	vst v63  }
0x13b: {  	v11 =	vperm.xlane v11, v10;
	s30 =	sadd.s32 $0xC880, s29  }
0x13c: {  	[tilespmem:s30], [sflag:s26] =	stream.indirect_vreg.gather [hbm4b:s5+s12], $0x80, v12, vm0, $0xb8;
	[tilespmem:$0x1C280] =	vst v63  }
0x13d: {  	v11 =	vadd.s32 v9, v11;
	s30 =	sadd.s32 $0xD080, s29  }
0x13e: {  	[tilespmem:s30], [sflag:s26] =	stream.indirect_vreg.gather [hbm4b:s6+s12], $0x80, v12, vm0, $0xb8;
	[tilespmem:$0x1C280] =	vst v63  }
0x13f: {  	s30 =	sadd.s32 $0xD880, s29  }
0x140: {  	[tilespmem:s30], [sflag:s26] =	stream.indirect_vreg.gather [hbm4b:s7+s12], $0x80, v12, vm0, $0xb8;
	[tilespmem:$0x1C280] =	vst v63  }
0x141: {  	s30 =	sadd.s32 $0xE080, s29  }
0x142: {  	[tilespmem:s30], [sflag:s26] =	stream.indirect_vreg.gather [hbm4b:s1+s12], $0x80, v11, vm0, $0xb8;
	[tilespmem:$0x1C280] =	vst v63  }
0x143: {  	s30 =	sadd.s32 $0xE880, s29  }
0x144: {  	[tilespmem:s30], [sflag:s26] =	stream.indirect_vreg.gather [hbm4b:s5+s12], $0x80, v11, vm0, $0xb8;
	[tilespmem:$0x1C280] =	vst v63  }
0x145: {  	s30 =	sadd.s32 $0xF080, s29  }
0x146: {  	[tilespmem:s30], [sflag:s26] =	stream.indirect_vreg.gather [hbm4b:s6+s12], $0x80, v11, vm0, $0xb8;
	[tilespmem:$0x1C280] =	vst v63  }
0x147: {  	s30 =	sadd.s32 $0xF880, s29  }
0x148: {  	[tilespmem:s30], [sflag:s26] =	stream.indirect_vreg.gather [hbm4b:s7+s12], $0x80, v11, vm0, $0xb8;
	[tilespmem:$0x1C280] =	vst v63  }
.LBB2_14:
0x149: {  	s26 =	sadd.s32 $0x1, s25  }
0x14a: {  	_ =	swait.ge [sflag:s26], $0xC000  }
0x14b: {  	[sflag:s26] =	ssyncset.done $0x0  }
0x14c: {  	s28 =	sshll.u32 s25, $0x8;
	[sflag:s26] =	ssyncadd.s32 $0xFFFF4000  }
0x14d: {  	v11 =	vld [tilespmem:s28+$0x1C100];
	_ =	sdelay $0x4  }
0x14e: {  	v12 =	vshll.u32 v11, $0x3  }
0x14f: {  	v11 =	vand.u32 $0x7, v11;
	v12 =	vand.u32 $0xFFFFFFC0, v12  }
0x150: {  	v11 =	vor.u32 v11, v12  }
0x151: {  	v12 =	vperm.xlane v11, v8;
	_ =	sdelay $0x1  }
0x152: {  	v12 =	vadd.s32 v9, v12  }
0x153: {  	s29 =	smul.u32 $0x30000, s25;
	_ =	sdelay $0x1  }
0x154: {  	s26 =	sshrl.u32 s29, $0x2  }
0x155: {  	s25 =	sadd.s32 $0x3, s25;
	s29 =	sadd.s32 $0x4080, s26  }
0x156: {  	[hbm4b:s3+s12] =	stream.indirect_vreg.scatter [tilespmem:s29], [sflag:s25], $0x80, v12, vm0, $0xb8;
	[tilespmem:$0x1C280] =	vst v63  }
0x157: {  	s30 =	sadd.s32 $0x4880, s26;
	v11 =	vperm.xlane v11, v10  }
0x158: {  	[hbm4b:s8+s12] =	stream.indirect_vreg.scatter [tilespmem:s30], [sflag:s25], $0x80, v12, vm0, $0xb8;
	[tilespmem:$0x1C280] =	vst v63  }
0x159: {  	v11 =	vadd.s32 v9, v11;
	s30 =	sadd.s32 $0x5080, s26  }
0x15a: {  	[hbm4b:s9+s12] =	stream.indirect_vreg.scatter [tilespmem:s30], [sflag:s25], $0x80, v12, vm0, $0xb8;
	[tilespmem:$0x1C280] =	vst v63  }
0x15b: {  	s30 =	sadd.s32 $0x5880, s26  }
0x15c: {  	[hbm4b:s10+s12] =	stream.indirect_vreg.scatter [tilespmem:s30], [sflag:s25], $0x80, v12, vm0, $0xb8;
	[tilespmem:$0x1C280] =	vst v63  }
0x15d: {  	s30 =	sadd.s32 $0x6080, s26  }
0x15e: {  	[hbm4b:s3+s12] =	stream.indirect_vreg.scatter [tilespmem:s30], [sflag:s25], $0x80, v11, vm0, $0xb8;
	[tilespmem:$0x1C280] =	vst v63  }
0x15f: {  	s30 =	sadd.s32 $0x6880, s26  }
0x160: {  	[hbm4b:s8+s12] =	stream.indirect_vreg.scatter [tilespmem:s30], [sflag:s25], $0x80, v11, vm0, $0xb8;
	[tilespmem:$0x1C280] =	vst v63  }
0x161: {  	s30 =	sadd.s32 $0x7080, s26  }
0x162: {  	[hbm4b:s9+s12] =	stream.indirect_vreg.scatter [tilespmem:s30], [sflag:s25], $0x80, v11, vm0, $0xb8;
	[tilespmem:$0x1C280] =	vst v63  }
0x163: {  	s30 =	sadd.s32 $0x7880, s26  }
0x164: {  	[hbm4b:s10+s12] =	stream.indirect_vreg.scatter [tilespmem:s30], [sflag:s25], $0x80, v11, vm0, $0xb8;
	[tilespmem:$0x1C280] =	vst v63  }
0x165: {  	v11 =	vld [tilespmem:s28+$0x1C110];
	_ =	sdelay $0x4  }
0x166: {  	v62 =	vshll.u32 v11, $0x3  }
0x167: {  	v11 =	vand.u32 $0x7, v11;
	v12 =	vand.u32 $0xFFFFFFC0, v62  }
0x168: {  	v11 =	vor.u32 v11, v12  }
0x169: {  	v12 =	vperm.xlane v11, v8;
	_ =	sdelay $0x1  }
0x16a: {  	v12 =	vadd.s32 v9, v12;
	_ =	sdelay $0x3  }
0x16b: {  	s30 =	sadd.s32 $0x8080, s26  }
0x16c: {  	[hbm4b:s3+s12] =	stream.indirect_vreg.scatter [tilespmem:s30], [sflag:s25], $0x80, v12, vm0, $0xb8;
	[tilespmem:$0x1C280] =	vst v63  }
0x16d: {  	v11 =	vperm.xlane v11, v10;
	s30 =	sadd.s32 $0x8880, s26  }
0x16e: {  	[hbm4b:s8+s12] =	stream.indirect_vreg.scatter [tilespmem:s30], [sflag:s25], $0x80, v12, vm0, $0xb8;
	[tilespmem:$0x1C280] =	vst v63  }
0x16f: {  	v11 =	vadd.s32 v9, v11;
	s30 =	sadd.s32 $0x9080, s26  }
0x170: {  	[hbm4b:s9+s12] =	stream.indirect_vreg.scatter [tilespmem:s30], [sflag:s25], $0x80, v12, vm0, $0xb8;
	[tilespmem:$0x1C280] =	vst v63  }
0x171: {  	s30 =	sadd.s32 $0x9880, s26  }
0x172: {  	[hbm4b:s10+s12] =	stream.indirect_vreg.scatter [tilespmem:s30], [sflag:s25], $0x80, v12, vm0, $0xb8;
	[tilespmem:$0x1C280] =	vst v63  }
0x173: {  	s30 =	sadd.s32 $0xA080, s26  }
0x174: {  	[hbm4b:s3+s12] =	stream.indirect_vreg.scatter [tilespmem:s30], [sflag:s25], $0x80, v11, vm0, $0xb8;
	[tilespmem:$0x1C280] =	vst v63  }
0x175: {  	s30 =	sadd.s32 $0xA880, s26  }
0x176: {  	[hbm4b:s8+s12] =	stream.indirect_vreg.scatter [tilespmem:s30], [sflag:s25], $0x80, v11, vm0, $0xb8;
	[tilespmem:$0x1C280] =	vst v63  }
0x177: {  	s30 =	sadd.s32 $0xB080, s26  }
0x178: {  	[hbm4b:s9+s12] =	stream.indirect_vreg.scatter [tilespmem:s30], [sflag:s25], $0x80, v11, vm0, $0xb8;
	[tilespmem:$0x1C280] =	vst v63  }
0x179: {  	s30 =	sadd.s32 $0xB880, s26  }
0x17a: {  	[hbm4b:s10+s12] =	stream.indirect_vreg.scatter [tilespmem:s30], [sflag:s25], $0x80, v11, vm0, $0xb8;
	[tilespmem:$0x1C280] =	vst v63  }
0x17b: {  	v11 =	vld [tilespmem:s28+$0x1C120];
	_ =	sdelay $0x4  }
0x17c: {  	v63 =	vshll.u32 v11, $0x3  }
0x17d: {  	v11 =	vand.u32 $0x7, v11;
	v12 =	vand.u32 $0xFFFFFFC0, v63  }
0x17e: {  	v11 =	vor.u32 v11, v12  }
0x17f: {  	v12 =	vperm.xlane v11, v8;
	_ =	sdelay $0x1  }
0x180: {  	v12 =	vadd.s32 v9, v12;
	_ =	sdelay $0x3  }
0x181: {  	s30 =	sadd.s32 $0xC080, s26  }
0x182: {  	[hbm4b:s3+s12] =	stream.indirect_vreg.scatter [tilespmem:s30], [sflag:s25], $0x80, v12, vm0, $0xb8;
	[tilespmem:$0x1C280] =	vst v63  }
0x183: {  	s29 =	sadd.s32 $0xC880, s26;
	v11 =	vperm.xlane v11, v10  }
0x184: {  	[hbm4b:s8+s12] =	stream.indirect_vreg.scatter [tilespmem:s29], [sflag:s25], $0x80, v12, vm0, $0xb8;
	[tilespmem:$0x1C280] =	vst v63  }
0x185: {  	v11 =	vadd.s32 v9, v11;
	s30 =	sadd.s32 $0xD080, s26  }
0x186: {  	[hbm4b:s9+s12] =	stream.indirect_vreg.scatter [tilespmem:s30], [sflag:s25], $0x80, v12, vm0, $0xb8;
	[tilespmem:$0x1C280] =	vst v63  }
0x187: {  	s29 =	sadd.s32 $0xD880, s26  }
0x188: {  	[hbm4b:s10+s12] =	stream.indirect_vreg.scatter [tilespmem:s29], [sflag:s25], $0x80, v12, vm0, $0xb8;
	[tilespmem:$0x1C280] =	vst v63  }
0x189: {  	s24 =	sadd.s32 $0x30, s24;
	s30 =	sadd.s32 $0xE080, s26  }
0x18a: {  	[hbm4b:s3+s12] =	stream.indirect_vreg.scatter [tilespmem:s30], [sflag:s25], $0x80, v11, vm0, $0xb8;
	[tilespmem:$0x1C280] =	vst v63  }
0x18b: {  	p0 =	sne.s32 s24, $0x260;
	s29 =	sadd.s32 $0xE880, s26  }
0x18c: {  	[hbm4b:s8+s12] =	stream.indirect_vreg.scatter [tilespmem:s29], [sflag:s25], $0x80, v11, vm0, $0xb8;
	[tilespmem:$0x1C280] =	vst v63  }
.Ltmp7:
0x18d: {  	_ = 	snop;
	(pc) =	sbr.rel @!p0 .LBB2_15-.Ltmp7, $4  }
0x18e: {  	s30 =	sadd.s32 $0xF080, s26  }
0x18f: {  	[hbm4b:s9+s12] =	stream.indirect_vreg.scatter [tilespmem:s30], [sflag:s25], $0x80, v11, vm0, $0xb8;
	[tilespmem:$0x1C280] =	vst v63  }
0x190: {  	s23 =	sadd.s32 $0x1, s23;
	s26 =	sadd.s32 $0xF880, s26  }
0x191: {  	[hbm4b:s10+s12] =	stream.indirect_vreg.scatter [tilespmem:s26], [sflag:s25], $0x80, v11, vm0, $0xb8;
	[tilespmem:$0x1C280] =	vst v63  }
.LBB2_10:
0x192: {  	p0 =	seq.s32 s23, $0x0  }
.Ltmp8:
0x193: {  	_ = 	snop;
	(pc) =	sbr.rel @p0 .LBB2_13-.Ltmp8, $3  }
0x194: {  	_ =	sdelay $0x1  }
0x195: {  	s25 =	sand.u32 $0x1, s23  }
0x196: {  	s26 =	sxor.u32 $0x1, s25  }
0x197: {  	p0 =	seq.s32 s23, $0xA  }
.Ltmp9:
0x198: {  	_ = 	snop;
	(pc) =	sbr.rel @p0 .LBB2_14-.Ltmp9, $1  }
0x199: {  	_ =	sdelay $0x3  }
.Ltmp10:
0x19a: {  	(pc) =	sbr.rel .LBB2_13-.Ltmp10, $4  }
0x19b: {  	s28 =	sadd.s32 $0x3, s26  }
0x19c: {  	_ =	swait.ge [sflag:s28], $0xC000  }
0x19d: {  	[sflag:s28] =	ssyncset.done $0x0  }
0x19e: {  	[sflag:s28] =	ssyncadd.s32 $0xFFFF4000  }
.LBB2_16:
0x19f: {  	_ =	sfence.sel $0x180000  }
0x1a0: {  	[bflag:$0x0] =	sbarrier.arrive $0xFFFF  }
0x1a1: {  	_ =	strace $0x9000004A  }
0x1a2: {  	s0 =	stileid.u32;
	[bflag:$0x2] =	sbarrier.arrive $0xFFFF  }
0x1a3: {  	p0 =	sne.s32 s0, $0x0;
	s0 =	rddreg [dreg:$0x3]  }
0x1a4: {  	s0 =	sadd.s32 @!p0 $0x100000, s0  }
0x1a5: {  	[sflag:s0] =	ssyncadd.tile.s32 @!p0 $0x1;
	_ =	shalt  }
.Lfunc_end2:
_tile_overlayer_lowered:
.L_overlay_start_2:
0x1a6: {  	(tag) =	ssettag $0x2  }
0x1a7: {  	s0 =	rddreg [dreg:$0x0];
	s2 =	stileid.u32  }
0x1a8: {  	s1 =	rddreg [dreg:$0x1];
	p0 =	sne.s32 s2, $0x0  }
0x1a9: {  	s3 =	rddreg [dreg:$0x2];
	[bflag:$0x3] =	sbarrier.arrive $0xFFFF;
	s2 =	simm.s32 @!p0 $0x1C05  }
0x1aa: {  	[timem:s3], [sflag:s2] =	dma.local @!p0 [hbm:s0], s1  }
0x1ab: {  	s0 =	simm.s32 @!p0 $0x5  }
0x1ac: {  	_ =	swait.ge @!p0 [sflag:s0], s1  }
0x1ad: {  	s1 =	ssub.s32 @!p0 $0x0, s1;
	[sflag:s0] =	ssyncset.done @!p0 $0x0  }
0x1ae: {  	[sflag:s0] =	ssyncadd.s32 @!p0 s1  }
0x1af: {  	[bflag:$0x3] =	sbarrier.arrive $0xFFFF  }
0x1b0: {  	_ =	shalt  }

</sc_bundles>
